<compile_context>
chip_gen: v7x
topology: tpu7x:2x2x1
jax: 0.10.2.dev20260603
libtpu: 0.0.44.dev20260713+nightly
codegen_flags: <defaults>
</compile_context>

<pallas_src>
import jax
import jax.numpy as jnp
from jax import lax
from jax.experimental import pallas as pl
from jax.experimental.pallas import tpu as pltpu
from jax.experimental.pallas import tpu_sc as plsc

DIM = 1024
BATCH = 4
SEQLEN = 2048
N = BATCH * SEQLEN

NC = 2
NS = 16
LANES = 16
NW = NC * NS
SPW = SEQLEN // NW
CHUNK = 8
NQ = SPW // CHUNK
SLICES = DIM // LANES


def _body(ids_hbm, word_hbm, pos_hbm, out_hbm, idx_v,
          p0, p1, b00, b01, b02, b03, b10, b11, b12, b13,
          g0, g1, s0, s1):
    wid = lax.axis_index("s") * NC + lax.axis_index("c")
    seq0 = wid * SPW

    for b in range(BATCH):
        pltpu.sync_copy(ids_hbm.at[pl.ds(b * SEQLEN + seq0, SPW)],
                        idx_v.at[pl.ds(b * SPW, SPW)])

    bufsets = ((b00, b01, b02, b03), (b10, b11, b12, b13))
    posbufs = (p0, p1)
    gsems = (g0, g1)
    ssems = (s0, s1)

    def start_set(q, p):
        for b in range(BATCH):
            pltpu.async_copy(
                word_hbm.at[idx_v.at[pl.ds(b * SPW + q * CHUNK, CHUNK)]],
                bufsets[p][b], gsems[p])
        pltpu.async_copy(
            pos_hbm.at[pl.ds(seq0 + q * CHUNK, CHUNK)], posbufs[p], gsems[p])

    def drain_gathers(p):
        for b in range(BATCH):
            pltpu.make_async_copy(
                out_hbm.at[pl.ds(0, CHUNK)], bufsets[p][b], gsems[p]).wait()
        pltpu.make_async_copy(
            out_hbm.at[pl.ds(0, CHUNK)], posbufs[p], gsems[p]).wait()

    def start_stores(q, p):
        for b in range(BATCH):
            pltpu.async_copy(
                bufsets[p][b],
                out_hbm.at[pl.ds(b * SEQLEN + seq0 + q * CHUNK, CHUNK)],
                ssems[p])

    def drain_stores(p):
        for b in range(BATCH):
            pltpu.make_async_copy(
                bufsets[p][b], out_hbm.at[pl.ds(0, CHUNK)], ssems[p]).wait()

    start_set(0, 0)

    @pl.loop(0, NQ, step=2)
    def quad_pair(q):
        for t in range(2):
            qq = q + t

            @pl.when(qq >= 1)
            def _(t=t):
                drain_stores(1 - t)

            @pl.when(qq + 1 < NQ)
            def _(qq=qq, t=t):
                start_set(qq + 1, 1 - t)

            drain_gathers(t)

            def add_row(r, carry, t=t):
                pbuf = posbufs[t]
                bufs = bufsets[t]
                for c in range(SLICES):
                    sl = pl.ds(c * LANES, LANES)
                    pv = pbuf[r, sl]
                    for b in range(BATCH):
                        plsc.addupdate(bufs[b].at[r, sl], pv)
                return carry

            lax.fori_loop(0, CHUNK, add_row, 0, unroll=False)
            start_stores(qq, t)

    drain_stores((NQ - 1) % 2)


@jax.jit
def _embed(flat_ids, word_embeddings, position_embeddings):
    mesh = plsc.VectorSubcoreMesh(core_axis_name="c", subcore_axis_name="s")
    buf = pltpu.VMEM((CHUNK, DIM), jnp.float32)
    return pl.kernel(
        _body,
        out_type=jax.ShapeDtypeStruct((N, DIM), jnp.float32),
        mesh=mesh,
        scratch_types=[
            pltpu.VMEM((BATCH * SPW,), jnp.int32),
            buf, buf,
            buf, buf, buf, buf, buf, buf, buf, buf,
            pltpu.SemaphoreType.DMA, pltpu.SemaphoreType.DMA,
            pltpu.SemaphoreType.DMA, pltpu.SemaphoreType.DMA,
        ],
    )(flat_ids, word_embeddings, position_embeddings)


def kernel(input_ids, word_embeddings, position_embeddings):
    flat_ids = input_ids.reshape(-1).astype(jnp.int32)
    out = _embed(flat_ids, word_embeddings, position_embeddings)
    return out.reshape(BATCH, SEQLEN, DIM)

# --- scband reference (transcript-rebuilt; emitter-appended) ---
"""Pipeline reference for scband-gpt2-embeddings-28896539968141 (READ-ONLY COPY).

The authoritative reference and input builder live on the scoring server;
editing this copy changes nothing except your own understanding.
"""

import jax, jax.numpy as jnp
import numpy as np

VOCAB = 100000
DIM = 1024
MAX_POS = 2048
BATCH = 4
SEQLEN = 2048


def setup_inputs(seed: int = 0) -> dict:
    key = jax.random.key(seed)
    k1, k2, k3 = jax.random.split(key, 3)
    input_ids = jax.random.randint(k1, (BATCH, SEQLEN), 0, VOCAB, dtype=jnp.int64 if jax.config.jax_enable_x64 else jnp.int32)
    word_embeddings = jax.random.normal(k2, (VOCAB, DIM), dtype=jnp.float32) * 0.02
    position_embeddings = jax.random.normal(k3, (MAX_POS, DIM), dtype=jnp.float32) * 0.02
    return {
        "input_ids": input_ids,
        "word_embeddings": word_embeddings,
        "position_embeddings": position_embeddings,
    }


def reference(input_ids, word_embeddings, position_embeddings):
    # word embedding lookup: (batch, seqlen) -> (batch, seqlen, dim)
    embeddings = jnp.take(word_embeddings, input_ids, axis=0)
    # default position_ids = arange(seqlen), broadcast over batch
    seqlen = input_ids.shape[-1]
    position_ids = jnp.arange(seqlen, dtype=input_ids.dtype)
    pos_emb = jnp.take(position_embeddings, position_ids, axis=0)  # (seqlen, dim)
    embeddings = embeddings + pos_emb[None, :, :]
    return embeddings

if __name__ == "__main__":
    import jax
    _d = setup_inputs()
    print(jax.jit(kernel)(*tuple(_d.values())))

</pallas_src>

<mosaic_0001>
#map = affine_map<(d0, d1) -> (0)>
#map1 = affine_map<(d0, d1) -> (0, 0)>
module attributes {stable_mosaic.version = 14 : i64} {
  func.func @_body(%arg0: i32, %arg1: i32, %arg2: memref<8192xi32, #tpu.memory_space<hbm>>, %arg3: memref<100000x1024xf32, #tpu.memory_space<hbm>>, %arg4: memref<2048x1024xf32, #tpu.memory_space<hbm>>, %arg5: memref<8192x1024xf32, #tpu.memory_space<hbm>>, %arg6: memref<256xi32, #tpu.memory_space<vmem>>, %arg7: memref<8x1024xf32, #tpu.memory_space<vmem>>, %arg8: memref<8x1024xf32, #tpu.memory_space<vmem>>, %arg9: memref<8x1024xf32, #tpu.memory_space<vmem>>, %arg10: memref<8x1024xf32, #tpu.memory_space<vmem>>, %arg11: memref<8x1024xf32, #tpu.memory_space<vmem>>, %arg12: memref<8x1024xf32, #tpu.memory_space<vmem>>, %arg13: memref<8x1024xf32, #tpu.memory_space<vmem>>, %arg14: memref<8x1024xf32, #tpu.memory_space<vmem>>, %arg15: memref<8x1024xf32, #tpu.memory_space<vmem>>, %arg16: memref<8x1024xf32, #tpu.memory_space<vmem>>, %arg17: memref<!tpu.dma_semaphore, #tpu.memory_space<semaphore_mem>>, %arg18: memref<!tpu.dma_semaphore, #tpu.memory_space<semaphore_mem>>, %arg19: memref<!tpu.dma_semaphore, #tpu.memory_space<semaphore_mem>>, %arg20: memref<!tpu.dma_semaphore, #tpu.memory_space<semaphore_mem>>) attributes {dimension_semantics = [#tpu.dimension_semantics<core_parallel>, #tpu.dimension_semantics<subcore_parallel>], iteration_bounds = array<i64: 2, 16>, scalar_prefetch = 0 : i64, scratch_operands = 15 : i64, tpu.core_type = #tpu.core_type<sc_vector_subcore>, window_params = [{transform_indices = #map}, {transform_indices = #map1}, {transform_indices = #map1}, {transform_indices = #map1}]} {
    %mul3A = arith.constant 2 : i32
    %mul3A_0 = arith.muli %arg1, %mul3A : i32
    %add3A = arith.addi %mul3A_0, %arg0 : i32
    %mul3A_1 = arith.constant 64 : i32
    %mul3A_2 = arith.muli %add3A, %mul3A_1 : i32
    %add3A_3 = arith.constant 0 : i32
    %add3A_4 = arith.addi %add3A_3, %mul3A_2 : i32
    "tpu.region"() ({
      %run_scoped3A = tpu.sem_alloc : memref<!tpu.dma_semaphore, #tpu.memory_space<semaphore_mem>>
      %dma_start3A_63 = arith.constant 0 : i32
      %dma_start3A_64 = tpu.memref_slice %arg6[%dma_start3A_63] : memref<256xi32, #tpu.memory_space<vmem>> -> memref<64xi32, #tpu.memory_space<vmem>>
      %dma_start3A_65 = tpu.memref_slice %arg2[%add3A_4] : memref<8192xi32, #tpu.memory_space<hbm>> -> memref<64xi32, #tpu.memory_space<hbm>>
      %dma_start3A_66 = arith.constant 0 : i32
      %dma_start3A_67 = tpu.memref_slice %arg6[%dma_start3A_66] : memref<256xi32, #tpu.memory_space<vmem>> -> memref<64xi32, #tpu.memory_space<vmem>>
      %dma_start3A_68 = tpu.memref_slice %arg2[%add3A_4] : memref<8192xi32, #tpu.memory_space<hbm>> -> memref<64xi32, #tpu.memory_space<hbm>>
      tpu.enqueue_dma source(%dma_start3A_68 : memref<64xi32, #tpu.memory_space<hbm>>) target(%dma_start3A_67 : memref<64xi32, #tpu.memory_space<vmem>>) target_semaphore(%run_scoped3A : memref<!tpu.dma_semaphore, #tpu.memory_space<semaphore_mem>>)
      %dma_wait3A_69 = arith.constant 0 : i32
      %dma_wait3A_70 = tpu.memref_slice %arg6[%dma_wait3A_69] : memref<256xi32, #tpu.memory_space<vmem>> -> memref<64xi32, #tpu.memory_space<vmem>>
      %dma_wait3A_71 = tpu.memref_slice %arg2[%add3A_4] : memref<8192xi32, #tpu.memory_space<hbm>> -> memref<64xi32, #tpu.memory_space<hbm>>
      %dma_wait3A_72 = arith.constant 0 : i32
      %dma_wait3A_73 = tpu.memref_slice %arg6[%dma_wait3A_72] : memref<256xi32, #tpu.memory_space<vmem>> -> memref<64xi32, #tpu.memory_space<vmem>>
      %dma_wait3A_74 = tpu.memref_slice %arg2[%add3A_4] : memref<8192xi32, #tpu.memory_space<hbm>> -> memref<64xi32, #tpu.memory_space<hbm>>
      tpu.wait_dma2 semaphore(%run_scoped3A : memref<!tpu.dma_semaphore, #tpu.memory_space<semaphore_mem>>) src(%dma_wait3A_74 : memref<64xi32, #tpu.memory_space<hbm>>) dst(%dma_wait3A_73 : memref<64xi32, #tpu.memory_space<vmem>>)
      tpu.yield
    }) : () -> ()
    %add3A_5 = arith.constant 2048 : i32
    %add3A_6 = arith.addi %add3A_5, %mul3A_2 : i32
    "tpu.region"() ({
      %run_scoped3A = tpu.sem_alloc : memref<!tpu.dma_semaphore, #tpu.memory_space<semaphore_mem>>
      %dma_start3A_63 = arith.constant 64 : i32
      %dma_start3A_64 = tpu.memref_slice %arg6[%dma_start3A_63] : memref<256xi32, #tpu.memory_space<vmem>> -> memref<64xi32, #tpu.memory_space<vmem>>
      %dma_start3A_65 = tpu.memref_slice %arg2[%add3A_6] : memref<8192xi32, #tpu.memory_space<hbm>> -> memref<64xi32, #tpu.memory_space<hbm>>
      %dma_start3A_66 = arith.constant 64 : i32
      %dma_start3A_67 = tpu.memref_slice %arg6[%dma_start3A_66] : memref<256xi32, #tpu.memory_space<vmem>> -> memref<64xi32, #tpu.memory_space<vmem>>
      %dma_start3A_68 = tpu.memref_slice %arg2[%add3A_6] : memref<8192xi32, #tpu.memory_space<hbm>> -> memref<64xi32, #tpu.memory_space<hbm>>
      tpu.enqueue_dma source(%dma_start3A_68 : memref<64xi32, #tpu.memory_space<hbm>>) target(%dma_start3A_67 : memref<64xi32, #tpu.memory_space<vmem>>) target_semaphore(%run_scoped3A : memref<!tpu.dma_semaphore, #tpu.memory_space<semaphore_mem>>)
      %dma_wait3A_69 = arith.constant 64 : i32
      %dma_wait3A_70 = tpu.memref_slice %arg6[%dma_wait3A_69] : memref<256xi32, #tpu.memory_space<vmem>> -> memref<64xi32, #tpu.memory_space<vmem>>
      %dma_wait3A_71 = tpu.memref_slice %arg2[%add3A_6] : memref<8192xi32, #tpu.memory_space<hbm>> -> memref<64xi32, #tpu.memory_space<hbm>>
      %dma_wait3A_72 = arith.constant 64 : i32
      %dma_wait3A_73 = tpu.memref_slice %arg6[%dma_wait3A_72] : memref<256xi32, #tpu.memory_space<vmem>> -> memref<64xi32, #tpu.memory_space<vmem>>
      %dma_wait3A_74 = tpu.memref_slice %arg2[%add3A_6] : memref<8192xi32, #tpu.memory_space<hbm>> -> memref<64xi32, #tpu.memory_space<hbm>>
      tpu.wait_dma2 semaphore(%run_scoped3A : memref<!tpu.dma_semaphore, #tpu.memory_space<semaphore_mem>>) src(%dma_wait3A_74 : memref<64xi32, #tpu.memory_space<hbm>>) dst(%dma_wait3A_73 : memref<64xi32, #tpu.memory_space<vmem>>)
      tpu.yield
    }) : () -> ()
    %add3A_7 = arith.constant 4096 : i32
    %add3A_8 = arith.addi %add3A_7, %mul3A_2 : i32
    "tpu.region"() ({
      %run_scoped3A = tpu.sem_alloc : memref<!tpu.dma_semaphore, #tpu.memory_space<semaphore_mem>>
      %dma_start3A_63 = arith.constant 128 : i32
      %dma_start3A_64 = tpu.memref_slice %arg6[%dma_start3A_63] : memref<256xi32, #tpu.memory_space<vmem>> -> memref<64xi32, #tpu.memory_space<vmem>>
      %dma_start3A_65 = tpu.memref_slice %arg2[%add3A_8] : memref<8192xi32, #tpu.memory_space<hbm>> -> memref<64xi32, #tpu.memory_space<hbm>>
      %dma_start3A_66 = arith.constant 128 : i32
      %dma_start3A_67 = tpu.memref_slice %arg6[%dma_start3A_66] : memref<256xi32, #tpu.memory_space<vmem>> -> memref<64xi32, #tpu.memory_space<vmem>>
      %dma_start3A_68 = tpu.memref_slice %arg2[%add3A_8] : memref<8192xi32, #tpu.memory_space<hbm>> -> memref<64xi32, #tpu.memory_space<hbm>>
      tpu.enqueue_dma source(%dma_start3A_68 : memref<64xi32, #tpu.memory_space<hbm>>) target(%dma_start3A_67 : memref<64xi32, #tpu.memory_space<vmem>>) target_semaphore(%run_scoped3A : memref<!tpu.dma_semaphore, #tpu.memory_space<semaphore_mem>>)
      %dma_wait3A_69 = arith.constant 128 : i32
      %dma_wait3A_70 = tpu.memref_slice %arg6[%dma_wait3A_69] : memref<256xi32, #tpu.memory_space<vmem>> -> memref<64xi32, #tpu.memory_space<vmem>>
      %dma_wait3A_71 = tpu.memref_slice %arg2[%add3A_8] : memref<8192xi32, #tpu.memory_space<hbm>> -> memref<64xi32, #tpu.memory_space<hbm>>
      %dma_wait3A_72 = arith.constant 128 : i32
      %dma_wait3A_73 = tpu.memref_slice %arg6[%dma_wait3A_72] : memref<256xi32, #tpu.memory_space<vmem>> -> memref<64xi32, #tpu.memory_space<vmem>>
      %dma_wait3A_74 = tpu.memref_slice %arg2[%add3A_8] : memref<8192xi32, #tpu.memory_space<hbm>> -> memref<64xi32, #tpu.memory_space<hbm>>
      tpu.wait_dma2 semaphore(%run_scoped3A : memref<!tpu.dma_semaphore, #tpu.memory_space<semaphore_mem>>) src(%dma_wait3A_74 : memref<64xi32, #tpu.memory_space<hbm>>) dst(%dma_wait3A_73 : memref<64xi32, #tpu.memory_space<vmem>>)
      tpu.yield
    }) : () -> ()
    %add3A_9 = arith.constant 6144 : i32
    %add3A_10 = arith.addi %add3A_9, %mul3A_2 : i32
    "tpu.region"() ({
      %run_scoped3A = tpu.sem_alloc : memref<!tpu.dma_semaphore, #tpu.memory_space<semaphore_mem>>
      %dma_start3A_63 = arith.constant 192 : i32
      %dma_start3A_64 = tpu.memref_slice %arg6[%dma_start3A_63] : memref<256xi32, #tpu.memory_space<vmem>> -> memref<64xi32, #tpu.memory_space<vmem>>
      %dma_start3A_65 = tpu.memref_slice %arg2[%add3A_10] : memref<8192xi32, #tpu.memory_space<hbm>> -> memref<64xi32, #tpu.memory_space<hbm>>
      %dma_start3A_66 = arith.constant 192 : i32
      %dma_start3A_67 = tpu.memref_slice %arg6[%dma_start3A_66] : memref<256xi32, #tpu.memory_space<vmem>> -> memref<64xi32, #tpu.memory_space<vmem>>
      %dma_start3A_68 = tpu.memref_slice %arg2[%add3A_10] : memref<8192xi32, #tpu.memory_space<hbm>> -> memref<64xi32, #tpu.memory_space<hbm>>
      tpu.enqueue_dma source(%dma_start3A_68 : memref<64xi32, #tpu.memory_space<hbm>>) target(%dma_start3A_67 : memref<64xi32, #tpu.memory_space<vmem>>) target_semaphore(%run_scoped3A : memref<!tpu.dma_semaphore, #tpu.memory_space<semaphore_mem>>)
      %dma_wait3A_69 = arith.constant 192 : i32
      %dma_wait3A_70 = tpu.memref_slice %arg6[%dma_wait3A_69] : memref<256xi32, #tpu.memory_space<vmem>> -> memref<64xi32, #tpu.memory_space<vmem>>
      %dma_wait3A_71 = tpu.memref_slice %arg2[%add3A_10] : memref<8192xi32, #tpu.memory_space<hbm>> -> memref<64xi32, #tpu.memory_space<hbm>>
      %dma_wait3A_72 = arith.constant 192 : i32
      %dma_wait3A_73 = tpu.memref_slice %arg6[%dma_wait3A_72] : memref<256xi32, #tpu.memory_space<vmem>> -> memref<64xi32, #tpu.memory_space<vmem>>
      %dma_wait3A_74 = tpu.memref_slice %arg2[%add3A_10] : memref<8192xi32, #tpu.memory_space<hbm>> -> memref<64xi32, #tpu.memory_space<hbm>>
      tpu.wait_dma2 semaphore(%run_scoped3A : memref<!tpu.dma_semaphore, #tpu.memory_space<semaphore_mem>>) src(%dma_wait3A_74 : memref<64xi32, #tpu.memory_space<hbm>>) dst(%dma_wait3A_73 : memref<64xi32, #tpu.memory_space<vmem>>)
      tpu.yield
    }) : () -> ()
    %dma_start3A = arith.constant 0 : i32
    %dma_start3A_11 = tpu.memref_slice %arg6[%dma_start3A] : memref<256xi32, #tpu.memory_space<vmem>> -> memref<8xi32, #tpu.memory_space<vmem>>
    %dma_start3A_12 = arith.constant 0 : i32
    %dma_start3A_13 = arith.constant 0 : i32
    %dma_start3A_14 = tpu.memref_slice %arg3[%dma_start3A_12, %dma_start3A_13] : memref<100000x1024xf32, #tpu.memory_space<hbm>> -> memref<100000x1024xf32, #tpu.memory_space<hbm>>
    tpu.enqueue_indirect_dma source(%dma_start3A_14 : memref<100000x1024xf32, #tpu.memory_space<hbm>>) target(%arg9 : memref<8x1024xf32, #tpu.memory_space<vmem>>) offsets(%dma_start3A_11 : memref<8xi32, #tpu.memory_space<vmem>>) semaphore(%arg17 : memref<!tpu.dma_semaphore, #tpu.memory_space<semaphore_mem>>)
    %dma_start3A_15 = arith.constant 64 : i32
    %dma_start3A_16 = tpu.memref_slice %arg6[%dma_start3A_15] : memref<256xi32, #tpu.memory_space<vmem>> -> memref<8xi32, #tpu.memory_space<vmem>>
    %dma_start3A_17 = arith.constant 0 : i32
    %dma_start3A_18 = arith.constant 0 : i32
    %dma_start3A_19 = tpu.memref_slice %arg3[%dma_start3A_17, %dma_start3A_18] : memref<100000x1024xf32, #tpu.memory_space<hbm>> -> memref<100000x1024xf32, #tpu.memory_space<hbm>>
    tpu.enqueue_indirect_dma source(%dma_start3A_19 : memref<100000x1024xf32, #tpu.memory_space<hbm>>) target(%arg10 : memref<8x1024xf32, #tpu.memory_space<vmem>>) offsets(%dma_start3A_16 : memref<8xi32, #tpu.memory_space<vmem>>) semaphore(%arg17 : memref<!tpu.dma_semaphore, #tpu.memory_space<semaphore_mem>>)
    %dma_start3A_20 = arith.constant 128 : i32
    %dma_start3A_21 = tpu.memref_slice %arg6[%dma_start3A_20] : memref<256xi32, #tpu.memory_space<vmem>> -> memref<8xi32, #tpu.memory_space<vmem>>
    %dma_start3A_22 = arith.constant 0 : i32
    %dma_start3A_23 = arith.constant 0 : i32
    %dma_start3A_24 = tpu.memref_slice %arg3[%dma_start3A_22, %dma_start3A_23] : memref<100000x1024xf32, #tpu.memory_space<hbm>> -> memref<100000x1024xf32, #tpu.memory_space<hbm>>
    tpu.enqueue_indirect_dma source(%dma_start3A_24 : memref<100000x1024xf32, #tpu.memory_space<hbm>>) target(%arg11 : memref<8x1024xf32, #tpu.memory_space<vmem>>) offsets(%dma_start3A_21 : memref<8xi32, #tpu.memory_space<vmem>>) semaphore(%arg17 : memref<!tpu.dma_semaphore, #tpu.memory_space<semaphore_mem>>)
    %dma_start3A_25 = arith.constant 192 : i32
    %dma_start3A_26 = tpu.memref_slice %arg6[%dma_start3A_25] : memref<256xi32, #tpu.memory_space<vmem>> -> memref<8xi32, #tpu.memory_space<vmem>>
    %dma_start3A_27 = arith.constant 0 : i32
    %dma_start3A_28 = arith.constant 0 : i32
    %dma_start3A_29 = tpu.memref_slice %arg3[%dma_start3A_27, %dma_start3A_28] : memref<100000x1024xf32, #tpu.memory_space<hbm>> -> memref<100000x1024xf32, #tpu.memory_space<hbm>>
    tpu.enqueue_indirect_dma source(%dma_start3A_29 : memref<100000x1024xf32, #tpu.memory_space<hbm>>) target(%arg12 : memref<8x1024xf32, #tpu.memory_space<vmem>>) offsets(%dma_start3A_26 : memref<8xi32, #tpu.memory_space<vmem>>) semaphore(%arg17 : memref<!tpu.dma_semaphore, #tpu.memory_space<semaphore_mem>>)
    %add3A_30 = arith.constant 0 : i32
    %add3A_31 = arith.addi %mul3A_2, %add3A_30 : i32
    %dma_start3A_32 = arith.constant 0 : i32
    %dma_start3A_33 = tpu.memref_slice %arg4[%add3A_31, %dma_start3A_32] : memref<2048x1024xf32, #tpu.memory_space<hbm>> -> memref<8x1024xf32, #tpu.memory_space<hbm>>
    %dma_start3A_34 = arith.constant 0 : i32
    %dma_start3A_35 = tpu.memref_slice %arg4[%add3A_31, %dma_start3A_34] : memref<2048x1024xf32, #tpu.memory_space<hbm>> -> memref<8x1024xf32, #tpu.memory_space<hbm>>
    tpu.enqueue_dma source(%dma_start3A_35 : memref<8x1024xf32, #tpu.memory_space<hbm>>) target(%arg7 : memref<8x1024xf32, #tpu.memory_space<vmem>>) target_semaphore(%arg17 : memref<!tpu.dma_semaphore, #tpu.memory_space<semaphore_mem>>)
    %scan3A = arith.constant 0 : i32
    %scan3A_36 = arith.constant 4 : i32
    %scan3A_37 = arith.addi %scan3A, %scan3A_36 : i32
    %scan3A_38 = arith.constant 1 : i32
    scf.for %scan3A_63 = %scan3A to %scan3A_37 step %scan3A_38  : i32 {
      %mul3A_64 = arith.constant 2 : i32
      %mul3A_65 = arith.muli %scan3A_63, %mul3A_64 : i32
      %add3A_66 = arith.constant 0 : i32
      %add3A_67 = arith.addi %add3A_66, %mul3A_65 : i32
      %add3A_68 = arith.constant 0 : i32
      %add3A_69 = arith.addi %add3A_67, %add3A_68 : i32
      %ge3A = arith.constant 1 : i32
      %ge3A_70 = arith.cmpi sge, %add3A_69, %ge3A : i32
      %convert_element_type3A = arith.extui %ge3A_70 : i1 to i32
      %cond3A = arith.constant 0 : i32
      %cond3A_71 = arith.cmpi ne, %convert_element_type3A, %cond3A : i32
      scf.if %cond3A_71 {
        %dma_wait3A_236 = arith.constant 0 : i32
        %dma_wait3A_237 = arith.constant 0 : i32
        %dma_wait3A_238 = tpu.memref_slice %arg5[%dma_wait3A_236, %dma_wait3A_237] : memref<8192x1024xf32, #tpu.memory_space<hbm>> -> memref<8x1024xf32, #tpu.memory_space<hbm>>
        %dma_wait3A_239 = arith.constant 0 : i32
        %dma_wait3A_240 = arith.constant 0 : i32
        %dma_wait3A_241 = tpu.memref_slice %arg5[%dma_wait3A_239, %dma_wait3A_240] : memref<8192x1024xf32, #tpu.memory_space<hbm>> -> memref<8x1024xf32, #tpu.memory_space<hbm>>
        tpu.wait_dma2 semaphore(%arg20 : memref<!tpu.dma_semaphore, #tpu.memory_space<semaphore_mem>>) src(%arg13 : memref<8x1024xf32, #tpu.memory_space<vmem>>) dst(%dma_wait3A_241 : memref<8x1024xf32, #tpu.memory_space<hbm>>)
        %dma_wait3A_242 = arith.constant 0 : i32
        %dma_wait3A_243 = arith.constant 0 : i32
        %dma_wait3A_244 = tpu.memref_slice %arg5[%dma_wait3A_242, %dma_wait3A_243] : memref<8192x1024xf32, #tpu.memory_space<hbm>> -> memref<8x1024xf32, #tpu.memory_space<hbm>>
        %dma_wait3A_245 = arith.constant 0 : i32
        %dma_wait3A_246 = arith.constant 0 : i32
        %dma_wait3A_247 = tpu.memref_slice %arg5[%dma_wait3A_245, %dma_wait3A_246] : memref<8192x1024xf32, #tpu.memory_space<hbm>> -> memref<8x1024xf32, #tpu.memory_space<hbm>>
        tpu.wait_dma2 semaphore(%arg20 : memref<!tpu.dma_semaphore, #tpu.memory_space<semaphore_mem>>) src(%arg14 : memref<8x1024xf32, #tpu.memory_space<vmem>>) dst(%dma_wait3A_247 : memref<8x1024xf32, #tpu.memory_space<hbm>>)
        %dma_wait3A_248 = arith.constant 0 : i32
        %dma_wait3A_249 = arith.constant 0 : i32
        %dma_wait3A_250 = tpu.memref_slice %arg5[%dma_wait3A_248, %dma_wait3A_249] : memref<8192x1024xf32, #tpu.memory_space<hbm>> -> memref<8x1024xf32, #tpu.memory_space<hbm>>
        %dma_wait3A_251 = arith.constant 0 : i32
        %dma_wait3A_252 = arith.constant 0 : i32
        %dma_wait3A_253 = tpu.memref_slice %arg5[%dma_wait3A_251, %dma_wait3A_252] : memref<8192x1024xf32, #tpu.memory_space<hbm>> -> memref<8x1024xf32, #tpu.memory_space<hbm>>
        tpu.wait_dma2 semaphore(%arg20 : memref<!tpu.dma_semaphore, #tpu.memory_space<semaphore_mem>>) src(%arg15 : memref<8x1024xf32, #tpu.memory_space<vmem>>) dst(%dma_wait3A_253 : memref<8x1024xf32, #tpu.memory_space<hbm>>)
        %dma_wait3A_254 = arith.constant 0 : i32
        %dma_wait3A_255 = arith.constant 0 : i32
        %dma_wait3A_256 = tpu.memref_slice %arg5[%dma_wait3A_254, %dma_wait3A_255] : memref<8192x1024xf32, #tpu.memory_space<hbm>> -> memref<8x1024xf32, #tpu.memory_space<hbm>>
        %dma_wait3A_257 = arith.constant 0 : i32
        %dma_wait3A_258 = arith.constant 0 : i32
        %dma_wait3A_259 = tpu.memref_slice %arg5[%dma_wait3A_257, %dma_wait3A_258] : memref<8192x1024xf32, #tpu.memory_space<hbm>> -> memref<8x1024xf32, #tpu.memory_space<hbm>>
        tpu.wait_dma2 semaphore(%arg20 : memref<!tpu.dma_semaphore, #tpu.memory_space<semaphore_mem>>) src(%arg16 : memref<8x1024xf32, #tpu.memory_space<vmem>>) dst(%dma_wait3A_259 : memref<8x1024xf32, #tpu.memory_space<hbm>>)
      } else {
      }
      %add3A_72 = arith.constant 1 : i32
      %add3A_73 = arith.addi %add3A_69, %add3A_72 : i32
      %lt3A = arith.constant 8 : i32
      %lt3A_74 = arith.cmpi slt, %add3A_73, %lt3A : i32
      %convert_element_type3A_75 = arith.extui %lt3A_74 : i1 to i32
      %cond3A_76 = arith.constant 0 : i32
      %cond3A_77 = arith.cmpi ne, %convert_element_type3A_75, %cond3A_76 : i32
      scf.if %cond3A_77 {
        %add3A_236 = arith.constant 1 : i32
        %add3A_237 = arith.addi %add3A_69, %add3A_236 : i32
        %mul3A_238 = arith.constant 8 : i32
        %mul3A_239 = arith.muli %add3A_237, %mul3A_238 : i32
        %add3A_240 = arith.constant 0 : i32
        %add3A_241 = arith.addi %add3A_240, %mul3A_239 : i32
        %dma_start3A_242 = tpu.memref_slice %arg6[%add3A_241] : memref<256xi32, #tpu.memory_space<vmem>> -> memref<8xi32, #tpu.memory_space<vmem>>
        %dma_start3A_243 = arith.constant 0 : i32
        %dma_start3A_244 = arith.constant 0 : i32
        %dma_start3A_245 = tpu.memref_slice %arg3[%dma_start3A_243, %dma_start3A_244] : memref<100000x1024xf32, #tpu.memory_space<hbm>> -> memref<100000x1024xf32, #tpu.memory_space<hbm>>
        tpu.enqueue_indirect_dma source(%dma_start3A_245 : memref<100000x1024xf32, #tpu.memory_space<hbm>>) target(%arg13 : memref<8x1024xf32, #tpu.memory_space<vmem>>) offsets(%dma_start3A_242 : memref<8xi32, #tpu.memory_space<vmem>>) semaphore(%arg18 : memref<!tpu.dma_semaphore, #tpu.memory_space<semaphore_mem>>)
        %mul3A_246 = arith.constant 8 : i32
        %mul3A_247 = arith.muli %add3A_237, %mul3A_246 : i32
        %add3A_248 = arith.constant 64 : i32
        %add3A_249 = arith.addi %add3A_248, %mul3A_247 : i32
        %dma_start3A_250 = tpu.memref_slice %arg6[%add3A_249] : memref<256xi32, #tpu.memory_space<vmem>> -> memref<8xi32, #tpu.memory_space<vmem>>
        %dma_start3A_251 = arith.constant 0 : i32
        %dma_start3A_252 = arith.constant 0 : i32
        %dma_start3A_253 = tpu.memref_slice %arg3[%dma_start3A_251, %dma_start3A_252] : memref<100000x1024xf32, #tpu.memory_space<hbm>> -> memref<100000x1024xf32, #tpu.memory_space<hbm>>
        tpu.enqueue_indirect_dma source(%dma_start3A_253 : memref<100000x1024xf32, #tpu.memory_space<hbm>>) target(%arg14 : memref<8x1024xf32, #tpu.memory_space<vmem>>) offsets(%dma_start3A_250 : memref<8xi32, #tpu.memory_space<vmem>>) semaphore(%arg18 : memref<!tpu.dma_semaphore, #tpu.memory_space<semaphore_mem>>)
        %mul3A_254 = arith.constant 8 : i32
        %mul3A_255 = arith.muli %add3A_237, %mul3A_254 : i32
        %add3A_256 = arith.constant 128 : i32
        %add3A_257 = arith.addi %add3A_256, %mul3A_255 : i32
        %dma_start3A_258 = tpu.memref_slice %arg6[%add3A_257] : memref<256xi32, #tpu.memory_space<vmem>> -> memref<8xi32, #tpu.memory_space<vmem>>
        %dma_start3A_259 = arith.constant 0 : i32
        %dma_start3A_260 = arith.constant 0 : i32
        %dma_start3A_261 = tpu.memref_slice %arg3[%dma_start3A_259, %dma_start3A_260] : memref<100000x1024xf32, #tpu.memory_space<hbm>> -> memref<100000x1024xf32, #tpu.memory_space<hbm>>
        tpu.enqueue_indirect_dma source(%dma_start3A_261 : memref<100000x1024xf32, #tpu.memory_space<hbm>>) target(%arg15 : memref<8x1024xf32, #tpu.memory_space<vmem>>) offsets(%dma_start3A_258 : memref<8xi32, #tpu.memory_space<vmem>>) semaphore(%arg18 : memref<!tpu.dma_semaphore, #tpu.memory_space<semaphore_mem>>)
        %mul3A_262 = arith.constant 8 : i32
        %mul3A_263 = arith.muli %add3A_237, %mul3A_262 : i32
        %add3A_264 = arith.constant 192 : i32
        %add3A_265 = arith.addi %add3A_264, %mul3A_263 : i32
        %dma_start3A_266 = tpu.memref_slice %arg6[%add3A_265] : memref<256xi32, #tpu.memory_space<vmem>> -> memref<8xi32, #tpu.memory_space<vmem>>
        %dma_start3A_267 = arith.constant 0 : i32
        %dma_start3A_268 = arith.constant 0 : i32
        %dma_start3A_269 = tpu.memref_slice %arg3[%dma_start3A_267, %dma_start3A_268] : memref<100000x1024xf32, #tpu.memory_space<hbm>> -> memref<100000x1024xf32, #tpu.memory_space<hbm>>
        tpu.enqueue_indirect_dma source(%dma_start3A_269 : memref<100000x1024xf32, #tpu.memory_space<hbm>>) target(%arg16 : memref<8x1024xf32, #tpu.memory_space<vmem>>) offsets(%dma_start3A_266 : memref<8xi32, #tpu.memory_space<vmem>>) semaphore(%arg18 : memref<!tpu.dma_semaphore, #tpu.memory_space<semaphore_mem>>)
        %mul3A_270 = arith.constant 8 : i32
        %mul3A_271 = arith.muli %add3A_237, %mul3A_270 : i32
        %add3A_272 = arith.addi %mul3A_2, %mul3A_271 : i32
        %dma_start3A_273 = arith.constant 0 : i32
        %dma_start3A_274 = tpu.memref_slice %arg4[%add3A_272, %dma_start3A_273] : memref<2048x1024xf32, #tpu.memory_space<hbm>> -> memref<8x1024xf32, #tpu.memory_space<hbm>>
        %dma_start3A_275 = arith.constant 0 : i32
        %dma_start3A_276 = tpu.memref_slice %arg4[%add3A_272, %dma_start3A_275] : memref<2048x1024xf32, #tpu.memory_space<hbm>> -> memref<8x1024xf32, #tpu.memory_space<hbm>>
        tpu.enqueue_dma source(%dma_start3A_276 : memref<8x1024xf32, #tpu.memory_space<hbm>>) target(%arg8 : memref<8x1024xf32, #tpu.memory_space<vmem>>) target_semaphore(%arg18 : memref<!tpu.dma_semaphore, #tpu.memory_space<semaphore_mem>>)
      } else {
      }
      %dma_wait3A_78 = arith.constant 0 : i32
      %dma_wait3A_79 = arith.constant 0 : i32
      %dma_wait3A_80 = tpu.memref_slice %arg5[%dma_wait3A_78, %dma_wait3A_79] : memref<8192x1024xf32, #tpu.memory_space<hbm>> -> memref<8x1024xf32, #tpu.memory_space<hbm>>
      %dma_wait3A_81 = arith.constant 0 : i32
      %dma_wait3A_82 = arith.constant 0 : i32
      %dma_wait3A_83 = tpu.memref_slice %arg5[%dma_wait3A_81, %dma_wait3A_82] : memref<8192x1024xf32, #tpu.memory_space<hbm>> -> memref<8x1024xf32, #tpu.memory_space<hbm>>
      tpu.wait_dma2 semaphore(%arg17 : memref<!tpu.dma_semaphore, #tpu.memory_space<semaphore_mem>>) src(%dma_wait3A_83 : memref<8x1024xf32, #tpu.memory_space<hbm>>) dst(%arg9 : memref<8x1024xf32, #tpu.memory_space<vmem>>)
      %dma_wait3A_84 = arith.constant 0 : i32
      %dma_wait3A_85 = arith.constant 0 : i32
      %dma_wait3A_86 = tpu.memref_slice %arg5[%dma_wait3A_84, %dma_wait3A_85] : memref<8192x1024xf32, #tpu.memory_space<hbm>> -> memref<8x1024xf32, #tpu.memory_space<hbm>>
      %dma_wait3A_87 = arith.constant 0 : i32
      %dma_wait3A_88 = arith.constant 0 : i32
      %dma_wait3A_89 = tpu.memref_slice %arg5[%dma_wait3A_87, %dma_wait3A_88] : memref<8192x1024xf32, #tpu.memory_space<hbm>> -> memref<8x1024xf32, #tpu.memory_space<hbm>>
      tpu.wait_dma2 semaphore(%arg17 : memref<!tpu.dma_semaphore, #tpu.memory_space<semaphore_mem>>) src(%dma_wait3A_89 : memref<8x1024xf32, #tpu.memory_space<hbm>>) dst(%arg10 : memref<8x1024xf32, #tpu.memory_space<vmem>>)
      %dma_wait3A_90 = arith.constant 0 : i32
      %dma_wait3A_91 = arith.constant 0 : i32
      %dma_wait3A_92 = tpu.memref_slice %arg5[%dma_wait3A_90, %dma_wait3A_91] : memref<8192x1024xf32, #tpu.memory_space<hbm>> -> memref<8x1024xf32, #tpu.memory_space<hbm>>
      %dma_wait3A_93 = arith.constant 0 : i32
      %dma_wait3A_94 = arith.constant 0 : i32
      %dma_wait3A_95 = tpu.memref_slice %arg5[%dma_wait3A_93, %dma_wait3A_94] : memref<8192x1024xf32, #tpu.memory_space<hbm>> -> memref<8x1024xf32, #tpu.memory_space<hbm>>
      tpu.wait_dma2 semaphore(%arg17 : memref<!tpu.dma_semaphore, #tpu.memory_space<semaphore_mem>>) src(%dma_wait3A_95 : memref<8x1024xf32, #tpu.memory_space<hbm>>) dst(%arg11 : memref<8x1024xf32, #tpu.memory_space<vmem>>)
      %dma_wait3A_96 = arith.constant 0 : i32
      %dma_wait3A_97 = arith.constant 0 : i32
      %dma_wait3A_98 = tpu.memref_slice %arg5[%dma_wait3A_96, %dma_wait3A_97] : memref<8192x1024xf32, #tpu.memory_space<hbm>> -> memref<8x1024xf32, #tpu.memory_space<hbm>>
      %dma_wait3A_99 = arith.constant 0 : i32
      %dma_wait3A_100 = arith.constant 0 : i32
      %dma_wait3A_101 = tpu.memref_slice %arg5[%dma_wait3A_99, %dma_wait3A_100] : memref<8192x1024xf32, #tpu.memory_space<hbm>> -> memref<8x1024xf32, #tpu.memory_space<hbm>>
      tpu.wait_dma2 semaphore(%arg17 : memref<!tpu.dma_semaphore, #tpu.memory_space<semaphore_mem>>) src(%dma_wait3A_101 : memref<8x1024xf32, #tpu.memory_space<hbm>>) dst(%arg12 : memref<8x1024xf32, #tpu.memory_space<vmem>>)
      %dma_wait3A_102 = arith.constant 0 : i32
      %dma_wait3A_103 = arith.constant 0 : i32
      %dma_wait3A_104 = tpu.memref_slice %arg5[%dma_wait3A_102, %dma_wait3A_103] : memref<8192x1024xf32, #tpu.memory_space<hbm>> -> memref<8x1024xf32, #tpu.memory_space<hbm>>
      %dma_wait3A_105 = arith.constant 0 : i32
      %dma_wait3A_106 = arith.constant 0 : i32
      %dma_wait3A_107 = tpu.memref_slice %arg5[%dma_wait3A_105, %dma_wait3A_106] : memref<8192x1024xf32, #tpu.memory_space<hbm>> -> memref<8x1024xf32, #tpu.memory_space<hbm>>
      tpu.wait_dma2 semaphore(%arg17 : memref<!tpu.dma_semaphore, #tpu.memory_space<semaphore_mem>>) src(%dma_wait3A_107 : memref<8x1024xf32, #tpu.memory_space<hbm>>) dst(%arg7 : memref<8x1024xf32, #tpu.memory_space<vmem>>)
      %scan3A_108 = arith.constant 0 : i32
      %scan3A_109 = arith.constant 0 : i32
      %scan3A_110 = arith.constant 8 : i32
      %scan3A_111 = arith.addi %scan3A_109, %scan3A_110 : i32
      %scan3A_112 = arith.constant 1 : i32
      scf.for %scan3A_236 = %scan3A_109 to %scan3A_111 step %scan3A_112  : i32 {
        %get3A = arith.index_cast %scan3A_236 : i32 to index
        %get3A_237 = arith.constant 0 : index
        %get3A_238 = tpu.vector_load %arg7[%get3A, %get3A_237] {strides = array<i32>} : memref<8x1024xf32, #tpu.memory_space<vmem>>, vector<1x16xf32>,
        %get3A_239 = vector.shape_cast %get3A_238 : vector<1x16xf32> to vector<16xf32>
        %swap3A = arith.index_cast %scan3A_236 : i32 to index
        %swap3A_240 = arith.constant 0 : index
        %swap3A_241 = tpu.vector_load %arg9[%swap3A, %swap3A_240] {strides = array<i32>} : memref<8x1024xf32, #tpu.memory_space<vmem>>, vector<1x16xf32>,
        %swap3A_242 = vector.shape_cast %swap3A_241 : vector<1x16xf32> to vector<16xf32>
        %swap3A_243 = vector.shape_cast %get3A_239 : vector<16xf32> to vector<1x16xf32>
        tpu.vector_store %arg9[%swap3A, %swap3A_240], %swap3A_243 {add = true, strides = array<i32>} : memref<8x1024xf32, #tpu.memory_space<vmem>>, vector<1x16xf32>,
        %swap3A_244 = arith.index_cast %scan3A_236 : i32 to index
        %swap3A_245 = arith.constant 0 : index
        %swap3A_246 = tpu.vector_load %arg10[%swap3A_244, %swap3A_245] {strides = array<i32>} : memref<8x1024xf32, #tpu.memory_space<vmem>>, vector<1x16xf32>,
        %swap3A_247 = vector.shape_cast %swap3A_246 : vector<1x16xf32> to vector<16xf32>
        %swap3A_248 = vector.shape_cast %get3A_239 : vector<16xf32> to vector<1x16xf32>
        tpu.vector_store %arg10[%swap3A_244, %swap3A_245], %swap3A_248 {add = true, strides = array<i32>} : memref<8x1024xf32, #tpu.memory_space<vmem>>, vector<1x16xf32>,
        %swap3A_249 = arith.index_cast %scan3A_236 : i32 to index
        %swap3A_250 = arith.constant 0 : index
        %swap3A_251 = tpu.vector_load %arg11[%swap3A_249, %swap3A_250] {strides = array<i32>} : memref<8x1024xf32, #tpu.memory_space<vmem>>, vector<1x16xf32>,
        %swap3A_252 = vector.shape_cast %swap3A_251 : vector<1x16xf32> to vector<16xf32>
        %swap3A_253 = vector.shape_cast %get3A_239 : vector<16xf32> to vector<1x16xf32>
        tpu.vector_store %arg11[%swap3A_249, %swap3A_250], %swap3A_253 {add = true, strides = array<i32>} : memref<8x1024xf32, #tpu.memory_space<vmem>>, vector<1x16xf32>,
        %swap3A_254 = arith.index_cast %scan3A_236 : i32 to index
        %swap3A_255 = arith.constant 0 : index
        %swap3A_256 = tpu.vector_load %arg12[%swap3A_254, %swap3A_255] {strides = array<i32>} : memref<8x1024xf32, #tpu.memory_space<vmem>>, vector<1x16xf32>,
        %swap3A_257 = vector.shape_cast %swap3A_256 : vector<1x16xf32> to vector<16xf32>
        %swap3A_258 = vector.shape_cast %get3A_239 : vector<16xf32> to vector<1x16xf32>
        tpu.vector_store %arg12[%swap3A_254, %swap3A_255], %swap3A_258 {add = true, strides = array<i32>} : memref<8x1024xf32, #tpu.memory_space<vmem>>, vector<1x16xf32>,
        %get3A_259 = arith.index_cast %scan3A_236 : i32 to index
        %get3A_260 = arith.constant 16 : index
        %get3A_261 = tpu.vector_load %arg7[%get3A_259, %get3A_260] {strides = array<i32>} : memref<8x1024xf32, #tpu.memory_space<vmem>>, vector<1x16xf32>,
        %get3A_262 = vector.shape_cast %get3A_261 : vector<1x16xf32> to vector<16xf32>
        %swap3A_263 = arith.index_cast %scan3A_236 : i32 to index
        %swap3A_264 = arith.constant 16 : index
        %swap3A_265 = tpu.vector_load %arg9[%swap3A_263, %swap3A_264] {strides = array<i32>} : memref<8x1024xf32, #tpu.memory_space<vmem>>, vector<1x16xf32>,
        %swap3A_266 = vector.shape_cast %swap3A_265 : vector<1x16xf32> to vector<16xf32>
        %swap3A_267 = vector.shape_cast %get3A_262 : vector<16xf32> to vector<1x16xf32>
        tpu.vector_store %arg9[%swap3A_263, %swap3A_264], %swap3A_267 {add = true, strides = array<i32>} : memref<8x1024xf32, #tpu.memory_space<vmem>>, vector<1x16xf32>,
        %swap3A_268 = arith.index_cast %scan3A_236 : i32 to index
        %swap3A_269 = arith.constant 16 : index
        %swap3A_270 = tpu.vector_load %arg10[%swap3A_268, %swap3A_269] {strides = array<i32>} : memref<8x1024xf32, #tpu.memory_space<vmem>>, vector<1x16xf32>,
        %swap3A_271 = vector.shape_cast %swap3A_270 : vector<1x16xf32> to vector<16xf32>
        %swap3A_272 = vector.shape_cast %get3A_262 : vector<16xf32> to vector<1x16xf32>
        tpu.vector_store %arg10[%swap3A_268, %swap3A_269], %swap3A_272 {add = true, strides = array<i32>} : memref<8x1024xf32, #tpu.memory_space<vmem>>, vector<1x16xf32>,
        %swap3A_273 = arith.index_cast %scan3A_236 : i32 to index
        %swap3A_274 = arith.constant 16 : index
        %swap3A_275 = tpu.vector_load %arg11[%swap3A_273, %swap3A_274] {strides = array<i32>} : memref<8x1024xf32, #tpu.memory_space<vmem>>, vector<1x16xf32>,
        %swap3A_276 = vector.shape_cast %swap3A_275 : vector<1x16xf32> to vector<16xf32>
        %swap3A_277 = vector.shape_cast %get3A_262 : vector<16xf32> to vector<1x16xf32>
        tpu.vector_store %arg11[%swap3A_273, %swap3A_274], %swap3A_277 {add = true, strides = array<i32>} : memref<8x1024xf32, #tpu.memory_space<vmem>>, vector<1x16xf32>,
        %swap3A_278 = arith.index_cast %scan3A_236 : i32 to index
        %swap3A_279 = arith.constant 16 : index
        %swap3A_280 = tpu.vector_load %arg12[%swap3A_278, %swap3A_279] {strides = array<i32>} : memref<8x1024xf32, #tpu.memory_space<vmem>>, vector<1x16xf32>,
        %swap3A_281 = vector.shape_cast %swap3A_280 : vector<1x16xf32> to vector<16xf32>
        %swap3A_282 = vector.shape_cast %get3A_262 : vector<16xf32> to vector<1x16xf32>
        tpu.vector_store %arg12[%swap3A_278, %swap3A_279], %swap3A_282 {add = true, strides = array<i32>} : memref<8x1024xf32, #tpu.memory_space<vmem>>, vector<1x16xf32>,
        %get3A_283 = arith.index_cast %scan3A_236 : i32 to index
        %get3A_284 = arith.constant 32 : index
        %get3A_285 = tpu.vector_load %arg7[%get3A_283, %get3A_284] {strides = array<i32>} : memref<8x1024xf32, #tpu.memory_space<vmem>>, vector<1x16xf32>,
        %get3A_286 = vector.shape_cast %get3A_285 : vector<1x16xf32> to vector<16xf32>
        %swap3A_287 = arith.index_cast %scan3A_236 : i32 to index
        %swap3A_288 = arith.constant 32 : index
        %swap3A_289 = tpu.vector_load %arg9[%swap3A_287, %swap3A_288] {strides = array<i32>} : memref<8x1024xf32, #tpu.memory_space<vmem>>, vector<1x16xf32>,
        %swap3A_290 = vector.shape_cast %swap3A_289 : vector<1x16xf32> to vector<16xf32>
        %swap3A_291 = vector.shape_cast %get3A_286 : vector<16xf32> to vector<1x16xf32>
        tpu.vector_store %arg9[%swap3A_287, %swap3A_288], %swap3A_291 {add = true, strides = array<i32>} : memref<8x1024xf32, #tpu.memory_space<vmem>>, vector<1x16xf32>,
        %swap3A_292 = arith.index_cast %scan3A_236 : i32 to index
        %swap3A_293 = arith.constant 32 : index
        %swap3A_294 = tpu.vector_load %arg10[%swap3A_292, %swap3A_293] {strides = array<i32>} : memref<8x1024xf32, #tpu.memory_space<vmem>>, vector<1x16xf32>,
        %swap3A_295 = vector.shape_cast %swap3A_294 : vector<1x16xf32> to vector<16xf32>
        %swap3A_296 = vector.shape_cast %get3A_286 : vector<16xf32> to vector<1x16xf32>
        tpu.vector_store %arg10[%swap3A_292, %swap3A_293], %swap3A_296 {add = true, strides = array<i32>} : memref<8x1024xf32, #tpu.memory_space<vmem>>, vector<1x16xf32>,
        %swap3A_297 = arith.index_cast %scan3A_236 : i32 to index
        %swap3A_298 = arith.constant 32 : index
        %swap3A_299 = tpu.vector_load %arg11[%swap3A_297, %swap3A_298] {strides = array<i32>} : memref<8x1024xf32, #tpu.memory_space<vmem>>, vector<1x16xf32>,
        %swap3A_300 = vector.shape_cast %swap3A_299 : vector<1x16xf32> to vector<16xf32>
        %swap3A_301 = vector.shape_cast %get3A_286 : vector<16xf32> to vector<1x16xf32>
        tpu.vector_store %arg11[%swap3A_297, %swap3A_298], %swap3A_301 {add = true, strides = array<i32>} : memref<8x1024xf32, #tpu.memory_space<vmem>>, vector<1x16xf32>,
        %swap3A_302 = arith.index_cast %scan3A_236 : i32 to index
        %swap3A_303 = arith.constant 32 : index
        %swap3A_304 = tpu.vector_load %arg12[%swap3A_302, %swap3A_303] {strides = array<i32>} : memref<8x1024xf32, #tpu.memory_space<vmem>>, vector<1x16xf32>,
        %swap3A_305 = vector.shape_cast %swap3A_304 : vector<1x16xf32> to vector<16xf32>
        %swap3A_306 = vector.shape_cast %get3A_286 : vector<16xf32> to vector<1x16xf32>
        tpu.vector_store %arg12[%swap3A_302, %swap3A_303], %swap3A_306 {add = true, strides = array<i32>} : memref<8x1024xf32, #tpu.memory_space<vmem>>, vector<1x16xf32>,
        %get3A_307 = arith.index_cast %scan3A_236 : i32 to index
        %get3A_308 = arith.constant 48 : index
        %get3A_309 = tpu.vector_load %arg7[%get3A_307, %get3A_308] {strides = array<i32>} : memref<8x1024xf32, #tpu.memory_space<vmem>>, vector<1x16xf32>,
        %get3A_310 = vector.shape_cast %get3A_309 : vector<1x16xf32> to vector<16xf32>
        %swap3A_311 = arith.index_cast %scan3A_236 : i32 to index
        %swap3A_312 = arith.constant 48 : index
        %swap3A_313 = tpu.vector_load %arg9[%swap3A_311, %swap3A_312] {strides = array<i32>} : memref<8x1024xf32, #tpu.memory_space<vmem>>, vector<1x16xf32>,
        %swap3A_314 = vector.shape_cast %swap3A_313 : vector<1x16xf32> to vector<16xf32>
        %swap3A_315 = vector.shape_cast %get3A_310 : vector<16xf32> to vector<1x16xf32>
        tpu.vector_store %arg9[%swap3A_311, %swap3A_312], %swap3A_315 {add = true, strides = array<i32>} : memref<8x1024xf32, #tpu.memory_space<vmem>>, vector<1x16xf32>,
        %swap3A_316 = arith.index_cast %scan3A_236 : i32 to index
        %swap3A_317 = arith.constant 48 : index
        %swap3A_318 = tpu.vector_load %arg10[%swap3A_316, %swap3A_317] {strides = array<i32>} : memref<8x1024xf32, #tpu.memory_space<vmem>>, vector<1x16xf32>,
        %swap3A_319 = vector.shape_cast %swap3A_318 : vector<1x16xf32> to vector<16xf32>
        %swap3A_320 = vector.shape_cast %get3A_310 : vector<16xf32> to vector<1x16xf32>
        tpu.vector_store %arg10[%swap3A_316, %swap3A_317], %swap3A_320 {add = true, strides = array<i32>} : memref<8x1024xf32, #tpu.memory_space<vmem>>, vector<1x16xf32>,
        %swap3A_321 = arith.index_cast %scan3A_236 : i32 to index
        %swap3A_322 = arith.constant 48 : index
        %swap3A_323 = tpu.vector_load %arg11[%swap3A_321, %swap3A_322] {strides = array<i32>} : memref<8x1024xf32, #tpu.memory_space<vmem>>, vector<1x16xf32>,
        %swap3A_324 = vector.shape_cast %swap3A_323 : vector<1x16xf32> to vector<16xf32>
        %swap3A_325 = vector.shape_cast %get3A_310 : vector<16xf32> to vector<1x16xf32>
        tpu.vector_store %arg11[%swap3A_321, %swap3A_322], %swap3A_325 {add = true, strides = array<i32>} : memref<8x1024xf32, #tpu.memory_space<vmem>>, vector<1x16xf32>,
        %swap3A_326 = arith.index_cast %scan3A_236 : i32 to index
        %swap3A_327 = arith.constant 48 : index
        %swap3A_328 = tpu.vector_load %arg12[%swap3A_326, %swap3A_327] {strides = array<i32>} : memref<8x1024xf32, #tpu.memory_space<vmem>>, vector<1x16xf32>,
        %swap3A_329 = vector.shape_cast %swap3A_328 : vector<1x16xf32> to vector<16xf32>
        %swap3A_330 = vector.shape_cast %get3A_310 : vector<16xf32> to vector<1x16xf32>
        tpu.vector_store %arg12[%swap3A_326, %swap3A_327], %swap3A_330 {add = true, strides = array<i32>} : memref<8x1024xf32, #tpu.memory_space<vmem>>, vector<1x16xf32>,
        %get3A_331 = arith.index_cast %scan3A_236 : i32 to index
        %get3A_332 = arith.constant 64 : index
        %get3A_333 = tpu.vector_load %arg7[%get3A_331, %get3A_332] {strides = array<i32>} : memref<8x1024xf32, #tpu.memory_space<vmem>>, vector<1x16xf32>,
        %get3A_334 = vector.shape_cast %get3A_333 : vector<1x16xf32> to vector<16xf32>
        %swap3A_335 = arith.index_cast %scan3A_236 : i32 to index
        %swap3A_336 = arith.constant 64 : index
        %swap3A_337 = tpu.vector_load %arg9[%swap3A_335, %swap3A_336] {strides = array<i32>} : memref<8x1024xf32, #tpu.memory_space<vmem>>, vector<1x16xf32>,
        %swap3A_338 = vector.shape_cast %swap3A_337 : vector<1x16xf32> to vector<16xf32>
        %swap3A_339 = vector.shape_cast %get3A_334 : vector<16xf32> to vector<1x16xf32>
        tpu.vector_store %arg9[%swap3A_335, %swap3A_336], %swap3A_339 {add = true, strides = array<i32>} : memref<8x1024xf32, #tpu.memory_space<vmem>>, vector<1x16xf32>,
        %swap3A_340 = arith.index_cast %scan3A_236 : i32 to index
        %swap3A_341 = arith.constant 64 : index
        %swap3A_342 = tpu.vector_load %arg10[%swap3A_340, %swap3A_341] {strides = array<i32>} : memref<8x1024xf32, #tpu.memory_space<vmem>>, vector<1x16xf32>,
        %swap3A_343 = vector.shape_cast %swap3A_342 : vector<1x16xf32> to vector<16xf32>
        %swap3A_344 = vector.shape_cast %get3A_334 : vector<16xf32> to vector<1x16xf32>
        tpu.vector_store %arg10[%swap3A_340, %swap3A_341], %swap3A_344 {add = true, strides = array<i32>} : memref<8x1024xf32, #tpu.memory_space<vmem>>, vector<1x16xf32>,
        %swap3A_345 = arith.index_cast %scan3A_236 : i32 to index
        %swap3A_346 = arith.constant 64 : index
        %swap3A_347 = tpu.vector_load %arg11[%swap3A_345, %swap3A_346] {strides = array<i32>} : memref<8x1024xf32, #tpu.memory_space<vmem>>, vector<1x16xf32>,
        %swap3A_348 = vector.shape_cast %swap3A_347 : vector<1x16xf32> to vector<16xf32>
        %swap3A_349 = vector.shape_cast %get3A_334 : vector<16xf32> to vector<1x16xf32>
        tpu.vector_store %arg11[%swap3A_345, %swap3A_346], %swap3A_349 {add = true, strides = array<i32>} : memref<8x1024xf32, #tpu.memory_space<vmem>>, vector<1x16xf32>,
        %swap3A_350 = arith.index_cast %scan3A_236 : i32 to index
        %swap3A_351 = arith.constant 64 : index
        %swap3A_352 = tpu.vector_load %arg12[%swap3A_350, %swap3A_351] {strides = array<i32>} : memref<8x1024xf32, #tpu.memory_space<vmem>>, vector<1x16xf32>,
        %swap3A_353 = vector.shape_cast %swap3A_352 : vector<1x16xf32> to vector<16xf32>
        %swap3A_354 = vector.shape_cast %get3A_334 : vector<16xf32> to vector<1x16xf32>
        tpu.vector_store %arg12[%swap3A_350, %swap3A_351], %swap3A_354 {add = true, strides = array<i32>} : memref<8x1024xf32, #tpu.memory_space<vmem>>, vector<1x16xf32>,
        %get3A_355 = arith.index_cast %scan3A_236 : i32 to index
        %get3A_356 = arith.constant 80 : index
        %get3A_357 = tpu.vector_load %arg7[%get3A_355, %get3A_356] {strides = array<i32>} : memref<8x1024xf32, #tpu.memory_space<vmem>>, vector<1x16xf32>,
        %get3A_358 = vector.shape_cast %get3A_357 : vector<1x16xf32> to vector<16xf32>
        %swap3A_359 = arith.index_cast %scan3A_236 : i32 to index
        %swap3A_360 = arith.constant 80 : index
        %swap3A_361 = tpu.vector_load %arg9[%swap3A_359, %swap3A_360] {strides = array<i32>} : memref<8x1024xf32, #tpu.memory_space<vmem>>, vector<1x16xf32>,
        %swap3A_362 = vector.shape_cast %swap3A_361 : vector<1x16xf32> to vector<16xf32>
        %swap3A_363 = vector.shape_cast %get3A_358 : vector<16xf32> to vector<1x16xf32>
        tpu.vector_store %arg9[%swap3A_359, %swap3A_360], %swap3A_363 {add = true, strides = array<i32>} : memref<8x1024xf32, #tpu.memory_space<vmem>>, vector<1x16xf32>,
        %swap3A_364 = arith.index_cast %scan3A_236 : i32 to index
        %swap3A_365 = arith.constant 80 : index
        %swap3A_366 = tpu.vector_load %arg10[%swap3A_364, %swap3A_365] {strides = array<i32>} : memref<8x1024xf32, #tpu.memory_space<vmem>>, vector<1x16xf32>,
        %swap3A_367 = vector.shape_cast %swap3A_366 : vector<1x16xf32> to vector<16xf32>
        %swap3A_368 = vector.shape_cast %get3A_358 : vector<16xf32> to vector<1x16xf32>
        tpu.vector_store %arg10[%swap3A_364, %swap3A_365], %swap3A_368 {add = true, strides = array<i32>} : memref<8x1024xf32, #tpu.memory_space<vmem>>, vector<1x16xf32>,
        %swap3A_369 = arith.index_cast %scan3A_236 : i32 to index
        %swap3A_370 = arith.constant 80 : index
        %swap3A_371 = tpu.vector_load %arg11[%swap3A_369, %swap3A_370] {strides = array<i32>} : memref<8x1024xf32, #tpu.memory_space<vmem>>, vector<1x16xf32>,
        %swap3A_372 = vector.shape_cast %swap3A_371 : vector<1x16xf32> to vector<16xf32>
        %swap3A_373 = vector.shape_cast %get3A_358 : vector<16xf32> to vector<1x16xf32>
        tpu.vector_store %arg11[%swap3A_369, %swap3A_370], %swap3A_373 {add = true, strides = array<i32>} : memref<8x1024xf32, #tpu.memory_space<vmem>>, vector<1x16xf32>,
        %swap3A_374 = arith.index_cast %scan3A_236 : i32 to index
        %swap3A_375 = arith.constant 80 : index
        %swap3A_376 = tpu.vector_load %arg12[%swap3A_374, %swap3A_375] {strides = array<i32>} : memref<8x1024xf32, #tpu.memory_space<vmem>>, vector<1x16xf32>,
        %swap3A_377 = vector.shape_cast %swap3A_376 : vector<1x16xf32> to vector<16xf32>
        %swap3A_378 = vector.shape_cast %get3A_358 : vector<16xf32> to vector<1x16xf32>
        tpu.vector_store %arg12[%swap3A_374, %swap3A_375], %swap3A_378 {add = true, strides = array<i32>} : memref<8x1024xf32, #tpu.memory_space<vmem>>, vector<1x16xf32>,
        %get3A_379 = arith.index_cast %scan3A_236 : i32 to index
        %get3A_380 = arith.constant 96 : index
        %get3A_381 = tpu.vector_load %arg7[%get3A_379, %get3A_380] {strides = array<i32>} : memref<8x1024xf32, #tpu.memory_space<vmem>>, vector<1x16xf32>,
        %get3A_382 = vector.shape_cast %get3A_381 : vector<1x16xf32> to vector<16xf32>
        %swap3A_383 = arith.index_cast %scan3A_236 : i32 to index
        %swap3A_384 = arith.constant 96 : index
        %swap3A_385 = tpu.vector_load %arg9[%swap3A_383, %swap3A_384] {strides = array<i32>} : memref<8x1024xf32, #tpu.memory_space<vmem>>, vector<1x16xf32>,
        %swap3A_386 = vector.shape_cast %swap3A_385 : vector<1x16xf32> to vector<16xf32>
        %swap3A_387 = vector.shape_cast %get3A_382 : vector<16xf32> to vector<1x16xf32>
        tpu.vector_store %arg9[%swap3A_383, %swap3A_384], %swap3A_387 {add = true, strides = array<i32>} : memref<8x1024xf32, #tpu.memory_space<vmem>>, vector<1x16xf32>,
        %swap3A_388 = arith.index_cast %scan3A_236 : i32 to index
        %swap3A_389 = arith.constant 96 : index
        %swap3A_390 = tpu.vector_load %arg10[%swap3A_388, %swap3A_389] {strides = array<i32>} : memref<8x1024xf32, #tpu.memory_space<vmem>>, vector<1x16xf32>,
        %swap3A_391 = vector.shape_cast %swap3A_390 : vector<1x16xf32> to vector<16xf32>
        %swap3A_392 = vector.shape_cast %get3A_382 : vector<16xf32> to vector<1x16xf32>
        tpu.vector_store %arg10[%swap3A_388, %swap3A_389], %swap3A_392 {add = true, strides = array<i32>} : memref<8x1024xf32, #tpu.memory_space<vmem>>, vector<1x16xf32>,
        %swap3A_393 = arith.index_cast %scan3A_236 : i32 to index
        %swap3A_394 = arith.constant 96 : index
        %swap3A_395 = tpu.vector_load %arg11[%swap3A_393, %swap3A_394] {strides = array<i32>} : memref<8x1024xf32, #tpu.memory_space<vmem>>, vector<1x16xf32>,
        %swap3A_396 = vector.shape_cast %swap3A_395 : vector<1x16xf32> to vector<16xf32>
        %swap3A_397 = vector.shape_cast %get3A_382 : vector<16xf32> to vector<1x16xf32>
        tpu.vector_store %arg11[%swap3A_393, %swap3A_394], %swap3A_397 {add = true, strides = array<i32>} : memref<8x1024xf32, #tpu.memory_space<vmem>>, vector<1x16xf32>,
        %swap3A_398 = arith.index_cast %scan3A_236 : i32 to index
        %swap3A_399 = arith.constant 96 : index
        %swap3A_400 = tpu.vector_load %arg12[%swap3A_398, %swap3A_399] {strides = array<i32>} : memref<8x1024xf32, #tpu.memory_space<vmem>>, vector<1x16xf32>,
        %swap3A_401 = vector.shape_cast %swap3A_400 : vector<1x16xf32> to vector<16xf32>
        %swap3A_402 = vector.shape_cast %get3A_382 : vector<16xf32> to vector<1x16xf32>
        tpu.vector_store %arg12[%swap3A_398, %swap3A_399], %swap3A_402 {add = true, strides = array<i32>} : memref<8x1024xf32, #tpu.memory_space<vmem>>, vector<1x16xf32>,
        %get3A_403 = arith.index_cast %scan3A_236 : i32 to index
        %get3A_404 = arith.constant 112 : index
        %get3A_405 = tpu.vector_load %arg7[%get3A_403, %get3A_404] {strides = array<i32>} : memref<8x1024xf32, #tpu.memory_space<vmem>>, vector<1x16xf32>,
        %get3A_406 = vector.shape_cast %get3A_405 : vector<1x16xf32> to vector<16xf32>
        %swap3A_407 = arith.index_cast %scan3A_236 : i32 to index
        %swap3A_408 = arith.constant 112 : index
        %swap3A_409 = tpu.vector_load %arg9[%swap3A_407, %swap3A_408] {strides = array<i32>} : memref<8x1024xf32, #tpu.memory_space<vmem>>, vector<1x16xf32>,
        %swap3A_410 = vector.shape_cast %swap3A_409 : vector<1x16xf32> to vector<16xf32>
        %swap3A_411 = vector.shape_cast %get3A_406 : vector<16xf32> to vector<1x16xf32>
        tpu.vector_store %arg9[%swap3A_407, %swap3A_408], %swap3A_411 {add = true, strides = array<i32>} : memref<8x1024xf32, #tpu.memory_space<vmem>>, vector<1x16xf32>,
        %swap3A_412 = arith.index_cast %scan3A_236 : i32 to index
        %swap3A_413 = arith.constant 112 : index
        %swap3A_414 = tpu.vector_load %arg10[%swap3A_412, %swap3A_413] {strides = array<i32>} : memref<8x1024xf32, #tpu.memory_space<vmem>>, vector<1x16xf32>,
        %swap3A_415 = vector.shape_cast %swap3A_414 : vector<1x16xf32> to vector<16xf32>
        %swap3A_416 = vector.shape_cast %get3A_406 : vector<16xf32> to vector<1x16xf32>
        tpu.vector_store %arg10[%swap3A_412, %swap3A_413], %swap3A_416 {add = true, strides = array<i32>} : memref<8x1024xf32, #tpu.memory_space<vmem>>, vector<1x16xf32>,
        %swap3A_417 = arith.index_cast %scan3A_236 : i32 to index
        %swap3A_418 = arith.constant 112 : index
        %swap3A_419 = tpu.vector_load %arg11[%swap3A_417, %swap3A_418] {strides = array<i32>} : memref<8x1024xf32, #tpu.memory_space<vmem>>, vector<1x16xf32>,
        %swap3A_420 = vector.shape_cast %swap3A_419 : vector<1x16xf32> to vector<16xf32>
        %swap3A_421 = vector.shape_cast %get3A_406 : vector<16xf32> to vector<1x16xf32>
        tpu.vector_store %arg11[%swap3A_417, %swap3A_418], %swap3A_421 {add = true, strides = array<i32>} : memref<8x1024xf32, #tpu.memory_space<vmem>>, vector<1x16xf32>,
        %swap3A_422 = arith.index_cast %scan3A_236 : i32 to index
        %swap3A_423 = arith.constant 112 : index
        %swap3A_424 = tpu.vector_load %arg12[%swap3A_422, %swap3A_423] {strides = array<i32>} : memref<8x1024xf32, #tpu.memory_space<vmem>>, vector<1x16xf32>,
        %swap3A_425 = vector.shape_cast %swap3A_424 : vector<1x16xf32> to vector<16xf32>
        %swap3A_426 = vector.shape_cast %get3A_406 : vector<16xf32> to vector<1x16xf32>
        tpu.vector_store %arg12[%swap3A_422, %swap3A_423], %swap3A_426 {add = true, strides = array<i32>} : memref<8x1024xf32, #tpu.memory_space<vmem>>, vector<1x16xf32>,
        %get3A_427 = arith.index_cast %scan3A_236 : i32 to index
        %get3A_428 = arith.constant 128 : index
        %get3A_429 = tpu.vector_load %arg7[%get3A_427, %get3A_428] {strides = array<i32>} : memref<8x1024xf32, #tpu.memory_space<vmem>>, vector<1x16xf32>,
        %get3A_430 = vector.shape_cast %get3A_429 : vector<1x16xf32> to vector<16xf32>
        %swap3A_431 = arith.index_cast %scan3A_236 : i32 to index
        %swap3A_432 = arith.constant 128 : index
        %swap3A_433 = tpu.vector_load %arg9[%swap3A_431, %swap3A_432] {strides = array<i32>} : memref<8x1024xf32, #tpu.memory_space<vmem>>, vector<1x16xf32>,
        %swap3A_434 = vector.shape_cast %swap3A_433 : vector<1x16xf32> to vector<16xf32>
        %swap3A_435 = vector.shape_cast %get3A_430 : vector<16xf32> to vector<1x16xf32>
        tpu.vector_store %arg9[%swap3A_431, %swap3A_432], %swap3A_435 {add = true, strides = array<i32>} : memref<8x1024xf32, #tpu.memory_space<vmem>>, vector<1x16xf32>,
        %swap3A_436 = arith.index_cast %scan3A_236 : i32 to index
        %swap3A_437 = arith.constant 128 : index
        %swap3A_438 = tpu.vector_load %arg10[%swap3A_436, %swap3A_437] {strides = array<i32>} : memref<8x1024xf32, #tpu.memory_space<vmem>>, vector<1x16xf32>,
        %swap3A_439 = vector.shape_cast %swap3A_438 : vector<1x16xf32> to vector<16xf32>
        %swap3A_440 = vector.shape_cast %get3A_430 : vector<16xf32> to vector<1x16xf32>
        tpu.vector_store %arg10[%swap3A_436, %swap3A_437], %swap3A_440 {add = true, strides = array<i32>} : memref<8x1024xf32, #tpu.memory_space<vmem>>, vector<1x16xf32>,
        %swap3A_441 = arith.index_cast %scan3A_236 : i32 to index
        %swap3A_442 = arith.constant 128 : index
        %swap3A_443 = tpu.vector_load %arg11[%swap3A_441, %swap3A_442] {strides = array<i32>} : memref<8x1024xf32, #tpu.memory_space<vmem>>, vector<1x16xf32>,
        %swap3A_444 = vector.shape_cast %swap3A_443 : vector<1x16xf32> to vector<16xf32>
        %swap3A_445 = vector.shape_cast %get3A_430 : vector<16xf32> to vector<1x16xf32>
        tpu.vector_store %arg11[%swap3A_441, %swap3A_442], %swap3A_445 {add = true, strides = array<i32>} : memref<8x1024xf32, #tpu.memory_space<vmem>>, vector<1x16xf32>,
        %swap3A_446 = arith.index_cast %scan3A_236 : i32 to index
        %swap3A_447 = arith.constant 128 : index
        %swap3A_448 = tpu.vector_load %arg12[%swap3A_446, %swap3A_447] {strides = array<i32>} : memref<8x1024xf32, #tpu.memory_space<vmem>>, vector<1x16xf32>,
        %swap3A_449 = vector.shape_cast %swap3A_448 : vector<1x16xf32> to vector<16xf32>
        %swap3A_450 = vector.shape_cast %get3A_430 : vector<16xf32> to vector<1x16xf32>
        tpu.vector_store %arg12[%swap3A_446, %swap3A_447], %swap3A_450 {add = true, strides = array<i32>} : memref<8x1024xf32, #tpu.memory_space<vmem>>, vector<1x16xf32>,
        %get3A_451 = arith.index_cast %scan3A_236 : i32 to index
        %get3A_452 = arith.constant 144 : index
        %get3A_453 = tpu.vector_load %arg7[%get3A_451, %get3A_452] {strides = array<i32>} : memref<8x1024xf32, #tpu.memory_space<vmem>>, vector<1x16xf32>,
        %get3A_454 = vector.shape_cast %get3A_453 : vector<1x16xf32> to vector<16xf32>
        %swap3A_455 = arith.index_cast %scan3A_236 : i32 to index
        %swap3A_456 = arith.constant 144 : index
        %swap3A_457 = tpu.vector_load %arg9[%swap3A_455, %swap3A_456] {strides = array<i32>} : memref<8x1024xf32, #tpu.memory_space<vmem>>, vector<1x16xf32>,
        %swap3A_458 = vector.shape_cast %swap3A_457 : vector<1x16xf32> to vector<16xf32>
        %swap3A_459 = vector.shape_cast %get3A_454 : vector<16xf32> to vector<1x16xf32>
        tpu.vector_store %arg9[%swap3A_455, %swap3A_456], %swap3A_459 {add = true, strides = array<i32>} : memref<8x1024xf32, #tpu.memory_space<vmem>>, vector<1x16xf32>,
        %swap3A_460 = arith.index_cast %scan3A_236 : i32 to index
        %swap3A_461 = arith.constant 144 : index
        %swap3A_462 = tpu.vector_load %arg10[%swap3A_460, %swap3A_461] {strides = array<i32>} : memref<8x1024xf32, #tpu.memory_space<vmem>>, vector<1x16xf32>,
        %swap3A_463 = vector.shape_cast %swap3A_462 : vector<1x16xf32> to vector<16xf32>
        %swap3A_464 = vector.shape_cast %get3A_454 : vector<16xf32> to vector<1x16xf32>
        tpu.vector_store %arg10[%swap3A_460, %swap3A_461], %swap3A_464 {add = true, strides = array<i32>} : memref<8x1024xf32, #tpu.memory_space<vmem>>, vector<1x16xf32>,
        %swap3A_465 = arith.index_cast %scan3A_236 : i32 to index
        %swap3A_466 = arith.constant 144 : index
        %swap3A_467 = tpu.vector_load %arg11[%swap3A_465, %swap3A_466] {strides = array<i32>} : memref<8x1024xf32, #tpu.memory_space<vmem>>, vector<1x16xf32>,
        %swap3A_468 = vector.shape_cast %swap3A_467 : vector<1x16xf32> to vector<16xf32>
        %swap3A_469 = vector.shape_cast %get3A_454 : vector<16xf32> to vector<1x16xf32>
        tpu.vector_store %arg11[%swap3A_465, %swap3A_466], %swap3A_469 {add = true, strides = array<i32>} : memref<8x1024xf32, #tpu.memory_space<vmem>>, vector<1x16xf32>,
        %swap3A_470 = arith.index_cast %scan3A_236 : i32 to index
        %swap3A_471 = arith.constant 144 : index
        %swap3A_472 = tpu.vector_load %arg12[%swap3A_470, %swap3A_471] {strides = array<i32>} : memref<8x1024xf32, #tpu.memory_space<vmem>>, vector<1x16xf32>,
        %swap3A_473 = vector.shape_cast %swap3A_472 : vector<1x16xf32> to vector<16xf32>
        %swap3A_474 = vector.shape_cast %get3A_454 : vector<16xf32> to vector<1x16xf32>
        tpu.vector_store %arg12[%swap3A_470, %swap3A_471], %swap3A_474 {add = true, strides = array<i32>} : memref<8x1024xf32, #tpu.memory_space<vmem>>, vector<1x16xf32>,
        %get3A_475 = arith.index_cast %scan3A_236 : i32 to index
        %get3A_476 = arith.constant 160 : index
        %get3A_477 = tpu.vector_load %arg7[%get3A_475, %get3A_476] {strides = array<i32>} : memref<8x1024xf32, #tpu.memory_space<vmem>>, vector<1x16xf32>,
        %get3A_478 = vector.shape_cast %get3A_477 : vector<1x16xf32> to vector<16xf32>
        %swap3A_479 = arith.index_cast %scan3A_236 : i32 to index
        %swap3A_480 = arith.constant 160 : index
        %swap3A_481 = tpu.vector_load %arg9[%swap3A_479, %swap3A_480] {strides = array<i32>} : memref<8x1024xf32, #tpu.memory_space<vmem>>, vector<1x16xf32>,
        %swap3A_482 = vector.shape_cast %swap3A_481 : vector<1x16xf32> to vector<16xf32>
        %swap3A_483 = vector.shape_cast %get3A_478 : vector<16xf32> to vector<1x16xf32>
        tpu.vector_store %arg9[%swap3A_479, %swap3A_480], %swap3A_483 {add = true, strides = array<i32>} : memref<8x1024xf32, #tpu.memory_space<vmem>>, vector<1x16xf32>,
        %swap3A_484 = arith.index_cast %scan3A_236 : i32 to index
        %swap3A_485 = arith.constant 160 : index
        %swap3A_486 = tpu.vector_load %arg10[%swap3A_484, %swap3A_485] {strides = array<i32>} : memref<8x1024xf32, #tpu.memory_space<vmem>>, vector<1x16xf32>,
        %swap3A_487 = vector.shape_cast %swap3A_486 : vector<1x16xf32> to vector<16xf32>
        %swap3A_488 = vector.shape_cast %get3A_478 : vector<16xf32> to vector<1x16xf32>
        tpu.vector_store %arg10[%swap3A_484, %swap3A_485], %swap3A_488 {add = true, strides = array<i32>} : memref<8x1024xf32, #tpu.memory_space<vmem>>, vector<1x16xf32>,
        %swap3A_489 = arith.index_cast %scan3A_236 : i32 to index
        %swap3A_490 = arith.constant 160 : index
        %swap3A_491 = tpu.vector_load %arg11[%swap3A_489, %swap3A_490] {strides = array<i32>} : memref<8x1024xf32, #tpu.memory_space<vmem>>, vector<1x16xf32>,
        %swap3A_492 = vector.shape_cast %swap3A_491 : vector<1x16xf32> to vector<16xf32>
        %swap3A_493 = vector.shape_cast %get3A_478 : vector<16xf32> to vector<1x16xf32>
        tpu.vector_store %arg11[%swap3A_489, %swap3A_490], %swap3A_493 {add = true, strides = array<i32>} : memref<8x1024xf32, #tpu.memory_space<vmem>>, vector<1x16xf32>,
        %swap3A_494 = arith.index_cast %scan3A_236 : i32 to index
        %swap3A_495 = arith.constant 160 : index
        %swap3A_496 = tpu.vector_load %arg12[%swap3A_494, %swap3A_495] {strides = array<i32>} : memref<8x1024xf32, #tpu.memory_space<vmem>>, vector<1x16xf32>,
        %swap3A_497 = vector.shape_cast %swap3A_496 : vector<1x16xf32> to vector<16xf32>
        %swap3A_498 = vector.shape_cast %get3A_478 : vector<16xf32> to vector<1x16xf32>
        tpu.vector_store %arg12[%swap3A_494, %swap3A_495], %swap3A_498 {add = true, strides = array<i32>} : memref<8x1024xf32, #tpu.memory_space<vmem>>, vector<1x16xf32>,
        %get3A_499 = arith.index_cast %scan3A_236 : i32 to index
        %get3A_500 = arith.constant 176 : index
        %get3A_501 = tpu.vector_load %arg7[%get3A_499, %get3A_500] {strides = array<i32>} : memref<8x1024xf32, #tpu.memory_space<vmem>>, vector<1x16xf32>,
        %get3A_502 = vector.shape_cast %get3A_501 : vector<1x16xf32> to vector<16xf32>
        %swap3A_503 = arith.index_cast %scan3A_236 : i32 to index
        %swap3A_504 = arith.constant 176 : index
        %swap3A_505 = tpu.vector_load %arg9[%swap3A_503, %swap3A_504] {strides = array<i32>} : memref<8x1024xf32, #tpu.memory_space<vmem>>, vector<1x16xf32>,
        %swap3A_506 = vector.shape_cast %swap3A_505 : vector<1x16xf32> to vector<16xf32>
        %swap3A_507 = vector.shape_cast %get3A_502 : vector<16xf32> to vector<1x16xf32>
        tpu.vector_store %arg9[%swap3A_503, %swap3A_504], %swap3A_507 {add = true, strides = array<i32>} : memref<8x1024xf32, #tpu.memory_space<vmem>>, vector<1x16xf32>,
        %swap3A_508 = arith.index_cast %scan3A_236 : i32 to index
        %swap3A_509 = arith.constant 176 : index
        %swap3A_510 = tpu.vector_load %arg10[%swap3A_508, %swap3A_509] {strides = array<i32>} : memref<8x1024xf32, #tpu.memory_space<vmem>>, vector<1x16xf32>,
        %swap3A_511 = vector.shape_cast %swap3A_510 : vector<1x16xf32> to vector<16xf32>
        %swap3A_512 = vector.shape_cast %get3A_502 : vector<16xf32> to vector<1x16xf32>
        tpu.vector_store %arg10[%swap3A_508, %swap3A_509], %swap3A_512 {add = true, strides = array<i32>} : memref<8x1024xf32, #tpu.memory_space<vmem>>, vector<1x16xf32>,
        %swap3A_513 = arith.index_cast %scan3A_236 : i32 to index
        %swap3A_514 = arith.constant 176 : index
        %swap3A_515 = tpu.vector_load %arg11[%swap3A_513, %swap3A_514] {strides = array<i32>} : memref<8x1024xf32, #tpu.memory_space<vmem>>, vector<1x16xf32>,
        %swap3A_516 = vector.shape_cast %swap3A_515 : vector<1x16xf32> to vector<16xf32>
        %swap3A_517 = vector.shape_cast %get3A_502 : vector<16xf32> to vector<1x16xf32>
        tpu.vector_store %arg11[%swap3A_513, %swap3A_514], %swap3A_517 {add = true, strides = array<i32>} : memref<8x1024xf32, #tpu.memory_space<vmem>>, vector<1x16xf32>,
        %swap3A_518 = arith.index_cast %scan3A_236 : i32 to index
        %swap3A_519 = arith.constant 176 : index
        %swap3A_520 = tpu.vector_load %arg12[%swap3A_518, %swap3A_519] {strides = array<i32>} : memref<8x1024xf32, #tpu.memory_space<vmem>>, vector<1x16xf32>,
        %swap3A_521 = vector.shape_cast %swap3A_520 : vector<1x16xf32> to vector<16xf32>
        %swap3A_522 = vector.shape_cast %get3A_502 : vector<16xf32> to vector<1x16xf32>
        tpu.vector_store %arg12[%swap3A_518, %swap3A_519], %swap3A_522 {add = true, strides = array<i32>} : memref<8x1024xf32, #tpu.memory_space<vmem>>, vector<1x16xf32>,
        %get3A_523 = arith.index_cast %scan3A_236 : i32 to index
        %get3A_524 = arith.constant 192 : index
        %get3A_525 = tpu.vector_load %arg7[%get3A_523, %get3A_524] {strides = array<i32>} : memref<8x1024xf32, #tpu.memory_space<vmem>>, vector<1x16xf32>,
        %get3A_526 = vector.shape_cast %get3A_525 : vector<1x16xf32> to vector<16xf32>
        %swap3A_527 = arith.index_cast %scan3A_236 : i32 to index
        %swap3A_528 = arith.constant 192 : index
        %swap3A_529 = tpu.vector_load %arg9[%swap3A_527, %swap3A_528] {strides = array<i32>} : memref<8x1024xf32, #tpu.memory_space<vmem>>, vector<1x16xf32>,
        %swap3A_530 = vector.shape_cast %swap3A_529 : vector<1x16xf32> to vector<16xf32>
        %swap3A_531 = vector.shape_cast %get3A_526 : vector<16xf32> to vector<1x16xf32>
        tpu.vector_store %arg9[%swap3A_527, %swap3A_528], %swap3A_531 {add = true, strides = array<i32>} : memref<8x1024xf32, #tpu.memory_space<vmem>>, vector<1x16xf32>,
        %swap3A_532 = arith.index_cast %scan3A_236 : i32 to index
        %swap3A_533 = arith.constant 192 : index
        %swap3A_534 = tpu.vector_load %arg10[%swap3A_532, %swap3A_533] {strides = array<i32>} : memref<8x1024xf32, #tpu.memory_space<vmem>>, vector<1x16xf32>,
        %swap3A_535 = vector.shape_cast %swap3A_534 : vector<1x16xf32> to vector<16xf32>
        %swap3A_536 = vector.shape_cast %get3A_526 : vector<16xf32> to vector<1x16xf32>
        tpu.vector_store %arg10[%swap3A_532, %swap3A_533], %swap3A_536 {add = true, strides = array<i32>} : memref<8x1024xf32, #tpu.memory_space<vmem>>, vector<1x16xf32>,
        %swap3A_537 = arith.index_cast %scan3A_236 : i32 to index
        %swap3A_538 = arith.constant 192 : index
        %swap3A_539 = tpu.vector_load %arg11[%swap3A_537, %swap3A_538] {strides = array<i32>} : memref<8x1024xf32, #tpu.memory_space<vmem>>, vector<1x16xf32>,
        %swap3A_540 = vector.shape_cast %swap3A_539 : vector<1x16xf32> to vector<16xf32>
        %swap3A_541 = vector.shape_cast %get3A_526 : vector<16xf32> to vector<1x16xf32>
        tpu.vector_store %arg11[%swap3A_537, %swap3A_538], %swap3A_541 {add = true, strides = array<i32>} : memref<8x1024xf32, #tpu.memory_space<vmem>>, vector<1x16xf32>,
        %swap3A_542 = arith.index_cast %scan3A_236 : i32 to index
        %swap3A_543 = arith.constant 192 : index
        %swap3A_544 = tpu.vector_load %arg12[%swap3A_542, %swap3A_543] {strides = array<i32>} : memref<8x1024xf32, #tpu.memory_space<vmem>>, vector<1x16xf32>,
        %swap3A_545 = vector.shape_cast %swap3A_544 : vector<1x16xf32> to vector<16xf32>
        %swap3A_546 = vector.shape_cast %get3A_526 : vector<16xf32> to vector<1x16xf32>
        tpu.vector_store %arg12[%swap3A_542, %swap3A_543], %swap3A_546 {add = true, strides = array<i32>} : memref<8x1024xf32, #tpu.memory_space<vmem>>, vector<1x16xf32>,
        %get3A_547 = arith.index_cast %scan3A_236 : i32 to index
        %get3A_548 = arith.constant 208 : index
        %get3A_549 = tpu.vector_load %arg7[%get3A_547, %get3A_548] {strides = array<i32>} : memref<8x1024xf32, #tpu.memory_space<vmem>>, vector<1x16xf32>,
        %get3A_550 = vector.shape_cast %get3A_549 : vector<1x16xf32> to vector<16xf32>
        %swap3A_551 = arith.index_cast %scan3A_236 : i32 to index
        %swap3A_552 = arith.constant 208 : index
        %swap3A_553 = tpu.vector_load %arg9[%swap3A_551, %swap3A_552] {strides = array<i32>} : memref<8x1024xf32, #tpu.memory_space<vmem>>, vector<1x16xf32>,
        %swap3A_554 = vector.shape_cast %swap3A_553 : vector<1x16xf32> to vector<16xf32>
        %swap3A_555 = vector.shape_cast %get3A_550 : vector<16xf32> to vector<1x16xf32>
        tpu.vector_store %arg9[%swap3A_551, %swap3A_552], %swap3A_555 {add = true, strides = array<i32>} : memref<8x1024xf32, #tpu.memory_space<vmem>>, vector<1x16xf32>,
        %swap3A_556 = arith.index_cast %scan3A_236 : i32 to index
        %swap3A_557 = arith.constant 208 : index
        %swap3A_558 = tpu.vector_load %arg10[%swap3A_556, %swap3A_557] {strides = array<i32>} : memref<8x1024xf32, #tpu.memory_space<vmem>>, vector<1x16xf32>,
        %swap3A_559 = vector.shape_cast %swap3A_558 : vector<1x16xf32> to vector<16xf32>
        %swap3A_560 = vector.shape_cast %get3A_550 : vector<16xf32> to vector<1x16xf32>
        tpu.vector_store %arg10[%swap3A_556, %swap3A_557], %swap3A_560 {add = true, strides = array<i32>} : memref<8x1024xf32, #tpu.memory_space<vmem>>, vector<1x16xf32>,
        %swap3A_561 = arith.index_cast %scan3A_236 : i32 to index
        %swap3A_562 = arith.constant 208 : index
        %swap3A_563 = tpu.vector_load %arg11[%swap3A_561, %swap3A_562] {strides = array<i32>} : memref<8x1024xf32, #tpu.memory_space<vmem>>, vector<1x16xf32>,
        %swap3A_564 = vector.shape_cast %swap3A_563 : vector<1x16xf32> to vector<16xf32>
        %swap3A_565 = vector.shape_cast %get3A_550 : vector<16xf32> to vector<1x16xf32>
        tpu.vector_store %arg11[%swap3A_561, %swap3A_562], %swap3A_565 {add = true, strides = array<i32>} : memref<8x1024xf32, #tpu.memory_space<vmem>>, vector<1x16xf32>,
        %swap3A_566 = arith.index_cast %scan3A_236 : i32 to index
        %swap3A_567 = arith.constant 208 : index
        %swap3A_568 = tpu.vector_load %arg12[%swap3A_566, %swap3A_567] {strides = array<i32>} : memref<8x1024xf32, #tpu.memory_space<vmem>>, vector<1x16xf32>,
        %swap3A_569 = vector.shape_cast %swap3A_568 : vector<1x16xf32> to vector<16xf32>
        %swap3A_570 = vector.shape_cast %get3A_550 : vector<16xf32> to vector<1x16xf32>
        tpu.vector_store %arg12[%swap3A_566, %swap3A_567], %swap3A_570 {add = true, strides = array<i32>} : memref<8x1024xf32, #tpu.memory_space<vmem>>, vector<1x16xf32>,
        %get3A_571 = arith.index_cast %scan3A_236 : i32 to index
        %get3A_572 = arith.constant 224 : index
        %get3A_573 = tpu.vector_load %arg7[%get3A_571, %get3A_572] {strides = array<i32>} : memref<8x1024xf32, #tpu.memory_space<vmem>>, vector<1x16xf32>,
        %get3A_574 = vector.shape_cast %get3A_573 : vector<1x16xf32> to vector<16xf32>
        %swap3A_575 = arith.index_cast %scan3A_236 : i32 to index
        %swap3A_576 = arith.constant 224 : index
        %swap3A_577 = tpu.vector_load %arg9[%swap3A_575, %swap3A_576] {strides = array<i32>} : memref<8x1024xf32, #tpu.memory_space<vmem>>, vector<1x16xf32>,
        %swap3A_578 = vector.shape_cast %swap3A_577 : vector<1x16xf32> to vector<16xf32>
        %swap3A_579 = vector.shape_cast %get3A_574 : vector<16xf32> to vector<1x16xf32>
        tpu.vector_store %arg9[%swap3A_575, %swap3A_576], %swap3A_579 {add = true, strides = array<i32>} : memref<8x1024xf32, #tpu.memory_space<vmem>>, vector<1x16xf32>,
        %swap3A_580 = arith.index_cast %scan3A_236 : i32 to index
        %swap3A_581 = arith.constant 224 : index
        %swap3A_582 = tpu.vector_load %arg10[%swap3A_580, %swap3A_581] {strides = array<i32>} : memref<8x1024xf32, #tpu.memory_space<vmem>>, vector<1x16xf32>,
        %swap3A_583 = vector.shape_cast %swap3A_582 : vector<1x16xf32> to vector<16xf32>
        %swap3A_584 = vector.shape_cast %get3A_574 : vector<16xf32> to vector<1x16xf32>
        tpu.vector_store %arg10[%swap3A_580, %swap3A_581], %swap3A_584 {add = true, strides = array<i32>} : memref<8x1024xf32, #tpu.memory_space<vmem>>, vector<1x16xf32>,
        %swap3A_585 = arith.index_cast %scan3A_236 : i32 to index
        %swap3A_586 = arith.constant 224 : index
        %swap3A_587 = tpu.vector_load %arg11[%swap3A_585, %swap3A_586] {strides = array<i32>} : memref<8x1024xf32, #tpu.memory_space<vmem>>, vector<1x16xf32>,
        %swap3A_588 = vector.shape_cast %swap3A_587 : vector<1x16xf32> to vector<16xf32>
        %swap3A_589 = vector.shape_cast %get3A_574 : vector<16xf32> to vector<1x16xf32>
        tpu.vector_store %arg11[%swap3A_585, %swap3A_586], %swap3A_589 {add = true, strides = array<i32>} : memref<8x1024xf32, #tpu.memory_space<vmem>>, vector<1x16xf32>,
        %swap3A_590 = arith.index_cast %scan3A_236 : i32 to index
        %swap3A_591 = arith.constant 224 : index
        %swap3A_592 = tpu.vector_load %arg12[%swap3A_590, %swap3A_591] {strides = array<i32>} : memref<8x1024xf32, #tpu.memory_space<vmem>>, vector<1x16xf32>,
        %swap3A_593 = vector.shape_cast %swap3A_592 : vector<1x16xf32> to vector<16xf32>
        %swap3A_594 = vector.shape_cast %get3A_574 : vector<16xf32> to vector<1x16xf32>
        tpu.vector_store %arg12[%swap3A_590, %swap3A_591], %swap3A_594 {add = true, strides = array<i32>} : memref<8x1024xf32, #tpu.memory_space<vmem>>, vector<1x16xf32>,
        %get3A_595 = arith.index_cast %scan3A_236 : i32 to index
        %get3A_596 = arith.constant 240 : index
        %get3A_597 = tpu.vector_load %arg7[%get3A_595, %get3A_596] {strides = array<i32>} : memref<8x1024xf32, #tpu.memory_space<vmem>>, vector<1x16xf32>,
        %get3A_598 = vector.shape_cast %get3A_597 : vector<1x16xf32> to vector<16xf32>
        %swap3A_599 = arith.index_cast %scan3A_236 : i32 to index
        %swap3A_600 = arith.constant 240 : index
        %swap3A_601 = tpu.vector_load %arg9[%swap3A_599, %swap3A_600] {strides = array<i32>} : memref<8x1024xf32, #tpu.memory_space<vmem>>, vector<1x16xf32>,
        %swap3A_602 = vector.shape_cast %swap3A_601 : vector<1x16xf32> to vector<16xf32>
        %swap3A_603 = vector.shape_cast %get3A_598 : vector<16xf32> to vector<1x16xf32>
        tpu.vector_store %arg9[%swap3A_599, %swap3A_600], %swap3A_603 {add = true, strides = array<i32>} : memref<8x1024xf32, #tpu.memory_space<vmem>>, vector<1x16xf32>,
        %swap3A_604 = arith.index_cast %scan3A_236 : i32 to index
        %swap3A_605 = arith.constant 240 : index
        %swap3A_606 = tpu.vector_load %arg10[%swap3A_604, %swap3A_605] {strides = array<i32>} : memref<8x1024xf32, #tpu.memory_space<vmem>>, vector<1x16xf32>,
        %swap3A_607 = vector.shape_cast %swap3A_606 : vector<1x16xf32> to vector<16xf32>
        %swap3A_608 = vector.shape_cast %get3A_598 : vector<16xf32> to vector<1x16xf32>
        tpu.vector_store %arg10[%swap3A_604, %swap3A_605], %swap3A_608 {add = true, strides = array<i32>} : memref<8x1024xf32, #tpu.memory_space<vmem>>, vector<1x16xf32>,
        %swap3A_609 = arith.index_cast %scan3A_236 : i32 to index
        %swap3A_610 = arith.constant 240 : index
        %swap3A_611 = tpu.vector_load %arg11[%swap3A_609, %swap3A_610] {strides = array<i32>} : memref<8x1024xf32, #tpu.memory_space<vmem>>, vector<1x16xf32>,
        %swap3A_612 = vector.shape_cast %swap3A_611 : vector<1x16xf32> to vector<16xf32>
        %swap3A_613 = vector.shape_cast %get3A_598 : vector<16xf32> to vector<1x16xf32>
        tpu.vector_store %arg11[%swap3A_609, %swap3A_610], %swap3A_613 {add = true, strides = array<i32>} : memref<8x1024xf32, #tpu.memory_space<vmem>>, vector<1x16xf32>,
        %swap3A_614 = arith.index_cast %scan3A_236 : i32 to index
        %swap3A_615 = arith.constant 240 : index
        %swap3A_616 = tpu.vector_load %arg12[%swap3A_614, %swap3A_615] {strides = array<i32>} : memref<8x1024xf32, #tpu.memory_space<vmem>>, vector<1x16xf32>,
        %swap3A_617 = vector.shape_cast %swap3A_616 : vector<1x16xf32> to vector<16xf32>
        %swap3A_618 = vector.shape_cast %get3A_598 : vector<16xf32> to vector<1x16xf32>
        tpu.vector_store %arg12[%swap3A_614, %swap3A_615], %swap3A_618 {add = true, strides = array<i32>} : memref<8x1024xf32, #tpu.memory_space<vmem>>, vector<1x16xf32>,
        %get3A_619 = arith.index_cast %scan3A_236 : i32 to index
        %get3A_620 = arith.constant 256 : index
        %get3A_621 = tpu.vector_load %arg7[%get3A_619, %get3A_620] {strides = array<i32>} : memref<8x1024xf32, #tpu.memory_space<vmem>>, vector<1x16xf32>,
        %get3A_622 = vector.shape_cast %get3A_621 : vector<1x16xf32> to vector<16xf32>
        %swap3A_623 = arith.index_cast %scan3A_236 : i32 to index
        %swap3A_624 = arith.constant 256 : index
        %swap3A_625 = tpu.vector_load %arg9[%swap3A_623, %swap3A_624] {strides = array<i32>} : memref<8x1024xf32, #tpu.memory_space<vmem>>, vector<1x16xf32>,
        %swap3A_626 = vector.shape_cast %swap3A_625 : vector<1x16xf32> to vector<16xf32>
        %swap3A_627 = vector.shape_cast %get3A_622 : vector<16xf32> to vector<1x16xf32>
        tpu.vector_store %arg9[%swap3A_623, %swap3A_624], %swap3A_627 {add = true, strides = array<i32>} : memref<8x1024xf32, #tpu.memory_space<vmem>>, vector<1x16xf32>,
        %swap3A_628 = arith.index_cast %scan3A_236 : i32 to index
        %swap3A_629 = arith.constant 256 : index
        %swap3A_630 = tpu.vector_load %arg10[%swap3A_628, %swap3A_629] {strides = array<i32>} : memref<8x1024xf32, #tpu.memory_space<vmem>>, vector<1x16xf32>,
        %swap3A_631 = vector.shape_cast %swap3A_630 : vector<1x16xf32> to vector<16xf32>
        %swap3A_632 = vector.shape_cast %get3A_622 : vector<16xf32> to vector<1x16xf32>
        tpu.vector_store %arg10[%swap3A_628, %swap3A_629], %swap3A_632 {add = true, strides = array<i32>} : memref<8x1024xf32, #tpu.memory_space<vmem>>, vector<1x16xf32>,
        %swap3A_633 = arith.index_cast %scan3A_236 : i32 to index
        %swap3A_634 = arith.constant 256 : index
        %swap3A_635 = tpu.vector_load %arg11[%swap3A_633, %swap3A_634] {strides = array<i32>} : memref<8x1024xf32, #tpu.memory_space<vmem>>, vector<1x16xf32>,
        %swap3A_636 = vector.shape_cast %swap3A_635 : vector<1x16xf32> to vector<16xf32>
        %swap3A_637 = vector.shape_cast %get3A_622 : vector<16xf32> to vector<1x16xf32>
        tpu.vector_store %arg11[%swap3A_633, %swap3A_634], %swap3A_637 {add = true, strides = array<i32>} : memref<8x1024xf32, #tpu.memory_space<vmem>>, vector<1x16xf32>,
        %swap3A_638 = arith.index_cast %scan3A_236 : i32 to index
        %swap3A_639 = arith.constant 256 : index
        %swap3A_640 = tpu.vector_load %arg12[%swap3A_638, %swap3A_639] {strides = array<i32>} : memref<8x1024xf32, #tpu.memory_space<vmem>>, vector<1x16xf32>,
        %swap3A_641 = vector.shape_cast %swap3A_640 : vector<1x16xf32> to vector<16xf32>
        %swap3A_642 = vector.shape_cast %get3A_622 : vector<16xf32> to vector<1x16xf32>
        tpu.vector_store %arg12[%swap3A_638, %swap3A_639], %swap3A_642 {add = true, strides = array<i32>} : memref<8x1024xf32, #tpu.memory_space<vmem>>, vector<1x16xf32>,
        %get3A_643 = arith.index_cast %scan3A_236 : i32 to index
        %get3A_644 = arith.constant 272 : index
        %get3A_645 = tpu.vector_load %arg7[%get3A_643, %get3A_644] {strides = array<i32>} : memref<8x1024xf32, #tpu.memory_space<vmem>>, vector<1x16xf32>,
        %get3A_646 = vector.shape_cast %get3A_645 : vector<1x16xf32> to vector<16xf32>
        %swap3A_647 = arith.index_cast %scan3A_236 : i32 to index
        %swap3A_648 = arith.constant 272 : index
        %swap3A_649 = tpu.vector_load %arg9[%swap3A_647, %swap3A_648] {strides = array<i32>} : memref<8x1024xf32, #tpu.memory_space<vmem>>, vector<1x16xf32>,
        %swap3A_650 = vector.shape_cast %swap3A_649 : vector<1x16xf32> to vector<16xf32>
        %swap3A_651 = vector.shape_cast %get3A_646 : vector<16xf32> to vector<1x16xf32>
        tpu.vector_store %arg9[%swap3A_647, %swap3A_648], %swap3A_651 {add = true, strides = array<i32>} : memref<8x1024xf32, #tpu.memory_space<vmem>>, vector<1x16xf32>,
        %swap3A_652 = arith.index_cast %scan3A_236 : i32 to index
        %swap3A_653 = arith.constant 272 : index
        %swap3A_654 = tpu.vector_load %arg10[%swap3A_652, %swap3A_653] {strides = array<i32>} : memref<8x1024xf32, #tpu.memory_space<vmem>>, vector<1x16xf32>,
        %swap3A_655 = vector.shape_cast %swap3A_654 : vector<1x16xf32> to vector<16xf32>
        %swap3A_656 = vector.shape_cast %get3A_646 : vector<16xf32> to vector<1x16xf32>
        tpu.vector_store %arg10[%swap3A_652, %swap3A_653], %swap3A_656 {add = true, strides = array<i32>} : memref<8x1024xf32, #tpu.memory_space<vmem>>, vector<1x16xf32>,
        %swap3A_657 = arith.index_cast %scan3A_236 : i32 to index
        %swap3A_658 = arith.constant 272 : index
        %swap3A_659 = tpu.vector_load %arg11[%swap3A_657, %swap3A_658] {strides = array<i32>} : memref<8x1024xf32, #tpu.memory_space<vmem>>, vector<1x16xf32>,
        %swap3A_660 = vector.shape_cast %swap3A_659 : vector<1x16xf32> to vector<16xf32>
        %swap3A_661 = vector.shape_cast %get3A_646 : vector<16xf32> to vector<1x16xf32>
        tpu.vector_store %arg11[%swap3A_657, %swap3A_658], %swap3A_661 {add = true, strides = array<i32>} : memref<8x1024xf32, #tpu.memory_space<vmem>>, vector<1x16xf32>,
        %swap3A_662 = arith.index_cast %scan3A_236 : i32 to index
        %swap3A_663 = arith.constant 272 : index
        %swap3A_664 = tpu.vector_load %arg12[%swap3A_662, %swap3A_663] {strides = array<i32>} : memref<8x1024xf32, #tpu.memory_space<vmem>>, vector<1x16xf32>,
        %swap3A_665 = vector.shape_cast %swap3A_664 : vector<1x16xf32> to vector<16xf32>
        %swap3A_666 = vector.shape_cast %get3A_646 : vector<16xf32> to vector<1x16xf32>
        tpu.vector_store %arg12[%swap3A_662, %swap3A_663], %swap3A_666 {add = true, strides = array<i32>} : memref<8x1024xf32, #tpu.memory_space<vmem>>, vector<1x16xf32>,
        %get3A_667 = arith.index_cast %scan3A_236 : i32 to index
        %get3A_668 = arith.constant 288 : index
        %get3A_669 = tpu.vector_load %arg7[%get3A_667, %get3A_668] {strides = array<i32>} : memref<8x1024xf32, #tpu.memory_space<vmem>>, vector<1x16xf32>,
        %get3A_670 = vector.shape_cast %get3A_669 : vector<1x16xf32> to vector<16xf32>
        %swap3A_671 = arith.index_cast %scan3A_236 : i32 to index
        %swap3A_672 = arith.constant 288 : index
        %swap3A_673 = tpu.vector_load %arg9[%swap3A_671, %swap3A_672] {strides = array<i32>} : memref<8x1024xf32, #tpu.memory_space<vmem>>, vector<1x16xf32>,
        %swap3A_674 = vector.shape_cast %swap3A_673 : vector<1x16xf32> to vector<16xf32>
        %swap3A_675 = vector.shape_cast %get3A_670 : vector<16xf32> to vector<1x16xf32>
        tpu.vector_store %arg9[%swap3A_671, %swap3A_672], %swap3A_675 {add = true, strides = array<i32>} : memref<8x1024xf32, #tpu.memory_space<vmem>>, vector<1x16xf32>,
        %swap3A_676 = arith.index_cast %scan3A_236 : i32 to index
        %swap3A_677 = arith.constant 288 : index
        %swap3A_678 = tpu.vector_load %arg10[%swap3A_676, %swap3A_677] {strides = array<i32>} : memref<8x1024xf32, #tpu.memory_space<vmem>>, vector<1x16xf32>,
        %swap3A_679 = vector.shape_cast %swap3A_678 : vector<1x16xf32> to vector<16xf32>
        %swap3A_680 = vector.shape_cast %get3A_670 : vector<16xf32> to vector<1x16xf32>
        tpu.vector_store %arg10[%swap3A_676, %swap3A_677], %swap3A_680 {add = true, strides = array<i32>} : memref<8x1024xf32, #tpu.memory_space<vmem>>, vector<1x16xf32>,
        %swap3A_681 = arith.index_cast %scan3A_236 : i32 to index
        %swap3A_682 = arith.constant 288 : index
        %swap3A_683 = tpu.vector_load %arg11[%swap3A_681, %swap3A_682] {strides = array<i32>} : memref<8x1024xf32, #tpu.memory_space<vmem>>, vector<1x16xf32>,
        %swap3A_684 = vector.shape_cast %swap3A_683 : vector<1x16xf32> to vector<16xf32>
        %swap3A_685 = vector.shape_cast %get3A_670 : vector<16xf32> to vector<1x16xf32>
        tpu.vector_store %arg11[%swap3A_681, %swap3A_682], %swap3A_685 {add = true, strides = array<i32>} : memref<8x1024xf32, #tpu.memory_space<vmem>>, vector<1x16xf32>,
        %swap3A_686 = arith.index_cast %scan3A_236 : i32 to index
        %swap3A_687 = arith.constant 288 : index
        %swap3A_688 = tpu.vector_load %arg12[%swap3A_686, %swap3A_687] {strides = array<i32>} : memref<8x1024xf32, #tpu.memory_space<vmem>>, vector<1x16xf32>,
        %swap3A_689 = vector.shape_cast %swap3A_688 : vector<1x16xf32> to vector<16xf32>
        %swap3A_690 = vector.shape_cast %get3A_670 : vector<16xf32> to vector<1x16xf32>
        tpu.vector_store %arg12[%swap3A_686, %swap3A_687], %swap3A_690 {add = true, strides = array<i32>} : memref<8x1024xf32, #tpu.memory_space<vmem>>, vector<1x16xf32>,
        %get3A_691 = arith.index_cast %scan3A_236 : i32 to index
        %get3A_692 = arith.constant 304 : index
        %get3A_693 = tpu.vector_load %arg7[%get3A_691, %get3A_692] {strides = array<i32>} : memref<8x1024xf32, #tpu.memory_space<vmem>>, vector<1x16xf32>,
        %get3A_694 = vector.shape_cast %get3A_693 : vector<1x16xf32> to vector<16xf32>
        %swap3A_695 = arith.index_cast %scan3A_236 : i32 to index
        %swap3A_696 = arith.constant 304 : index
        %swap3A_697 = tpu.vector_load %arg9[%swap3A_695, %swap3A_696] {strides = array<i32>} : memref<8x1024xf32, #tpu.memory_space<vmem>>, vector<1x16xf32>,
        %swap3A_698 = vector.shape_cast %swap3A_697 : vector<1x16xf32> to vector<16xf32>
        %swap3A_699 = vector.shape_cast %get3A_694 : vector<16xf32> to vector<1x16xf32>
        tpu.vector_store %arg9[%swap3A_695, %swap3A_696], %swap3A_699 {add = true, strides = array<i32>} : memref<8x1024xf32, #tpu.memory_space<vmem>>, vector<1x16xf32>,
        %swap3A_700 = arith.index_cast %scan3A_236 : i32 to index
        %swap3A_701 = arith.constant 304 : index
        %swap3A_702 = tpu.vector_load %arg10[%swap3A_700, %swap3A_701] {strides = array<i32>} : memref<8x1024xf32, #tpu.memory_space<vmem>>, vector<1x16xf32>,
        %swap3A_703 = vector.shape_cast %swap3A_702 : vector<1x16xf32> to vector<16xf32>
        %swap3A_704 = vector.shape_cast %get3A_694 : vector<16xf32> to vector<1x16xf32>
        tpu.vector_store %arg10[%swap3A_700, %swap3A_701], %swap3A_704 {add = true, strides = array<i32>} : memref<8x1024xf32, #tpu.memory_space<vmem>>, vector<1x16xf32>,
        %swap3A_705 = arith.index_cast %scan3A_236 : i32 to index
        %swap3A_706 = arith.constant 304 : index
        %swap3A_707 = tpu.vector_load %arg11[%swap3A_705, %swap3A_706] {strides = array<i32>} : memref<8x1024xf32, #tpu.memory_space<vmem>>, vector<1x16xf32>,
        %swap3A_708 = vector.shape_cast %swap3A_707 : vector<1x16xf32> to vector<16xf32>
        %swap3A_709 = vector.shape_cast %get3A_694 : vector<16xf32> to vector<1x16xf32>
        tpu.vector_store %arg11[%swap3A_705, %swap3A_706], %swap3A_709 {add = true, strides = array<i32>} : memref<8x1024xf32, #tpu.memory_space<vmem>>, vector<1x16xf32>,
        %swap3A_710 = arith.index_cast %scan3A_236 : i32 to index
        %swap3A_711 = arith.constant 304 : index
        %swap3A_712 = tpu.vector_load %arg12[%swap3A_710, %swap3A_711] {strides = array<i32>} : memref<8x1024xf32, #tpu.memory_space<vmem>>, vector<1x16xf32>,
        %swap3A_713 = vector.shape_cast %swap3A_712 : vector<1x16xf32> to vector<16xf32>
        %swap3A_714 = vector.shape_cast %get3A_694 : vector<16xf32> to vector<1x16xf32>
        tpu.vector_store %arg12[%swap3A_710, %swap3A_711], %swap3A_714 {add = true, strides = array<i32>} : memref<8x1024xf32, #tpu.memory_space<vmem>>, vector<1x16xf32>,
        %get3A_715 = arith.index_cast %scan3A_236 : i32 to index
        %get3A_716 = arith.constant 320 : index
        %get3A_717 = tpu.vector_load %arg7[%get3A_715, %get3A_716] {strides = array<i32>} : memref<8x1024xf32, #tpu.memory_space<vmem>>, vector<1x16xf32>,
        %get3A_718 = vector.shape_cast %get3A_717 : vector<1x16xf32> to vector<16xf32>
        %swap3A_719 = arith.index_cast %scan3A_236 : i32 to index
        %swap3A_720 = arith.constant 320 : index
        %swap3A_721 = tpu.vector_load %arg9[%swap3A_719, %swap3A_720] {strides = array<i32>} : memref<8x1024xf32, #tpu.memory_space<vmem>>, vector<1x16xf32>,
        %swap3A_722 = vector.shape_cast %swap3A_721 : vector<1x16xf32> to vector<16xf32>
        %swap3A_723 = vector.shape_cast %get3A_718 : vector<16xf32> to vector<1x16xf32>
        tpu.vector_store %arg9[%swap3A_719, %swap3A_720], %swap3A_723 {add = true, strides = array<i32>} : memref<8x1024xf32, #tpu.memory_space<vmem>>, vector<1x16xf32>,
        %swap3A_724 = arith.index_cast %scan3A_236 : i32 to index
        %swap3A_725 = arith.constant 320 : index
        %swap3A_726 = tpu.vector_load %arg10[%swap3A_724, %swap3A_725] {strides = array<i32>} : memref<8x1024xf32, #tpu.memory_space<vmem>>, vector<1x16xf32>,
        %swap3A_727 = vector.shape_cast %swap3A_726 : vector<1x16xf32> to vector<16xf32>
        %swap3A_728 = vector.shape_cast %get3A_718 : vector<16xf32> to vector<1x16xf32>
        tpu.vector_store %arg10[%swap3A_724, %swap3A_725], %swap3A_728 {add = true, strides = array<i32>} : memref<8x1024xf32, #tpu.memory_space<vmem>>, vector<1x16xf32>,
        %swap3A_729 = arith.index_cast %scan3A_236 : i32 to index
        %swap3A_730 = arith.constant 320 : index
        %swap3A_731 = tpu.vector_load %arg11[%swap3A_729, %swap3A_730] {strides = array<i32>} : memref<8x1024xf32, #tpu.memory_space<vmem>>, vector<1x16xf32>,
        %swap3A_732 = vector.shape_cast %swap3A_731 : vector<1x16xf32> to vector<16xf32>
        %swap3A_733 = vector.shape_cast %get3A_718 : vector<16xf32> to vector<1x16xf32>
        tpu.vector_store %arg11[%swap3A_729, %swap3A_730], %swap3A_733 {add = true, strides = array<i32>} : memref<8x1024xf32, #tpu.memory_space<vmem>>, vector<1x16xf32>,
        %swap3A_734 = arith.index_cast %scan3A_236 : i32 to index
        %swap3A_735 = arith.constant 320 : index
        %swap3A_736 = tpu.vector_load %arg12[%swap3A_734, %swap3A_735] {strides = array<i32>} : memref<8x1024xf32, #tpu.memory_space<vmem>>, vector<1x16xf32>,
        %swap3A_737 = vector.shape_cast %swap3A_736 : vector<1x16xf32> to vector<16xf32>
        %swap3A_738 = vector.shape_cast %get3A_718 : vector<16xf32> to vector<1x16xf32>
        tpu.vector_store %arg12[%swap3A_734, %swap3A_735], %swap3A_738 {add = true, strides = array<i32>} : memref<8x1024xf32, #tpu.memory_space<vmem>>, vector<1x16xf32>,
        %get3A_739 = arith.index_cast %scan3A_236 : i32 to index
        %get3A_740 = arith.constant 336 : index
        %get3A_741 = tpu.vector_load %arg7[%get3A_739, %get3A_740] {strides = array<i32>} : memref<8x1024xf32, #tpu.memory_space<vmem>>, vector<1x16xf32>,
        %get3A_742 = vector.shape_cast %get3A_741 : vector<1x16xf32> to vector<16xf32>
        %swap3A_743 = arith.index_cast %scan3A_236 : i32 to index
        %swap3A_744 = arith.constant 336 : index
        %swap3A_745 = tpu.vector_load %arg9[%swap3A_743, %swap3A_744] {strides = array<i32>} : memref<8x1024xf32, #tpu.memory_space<vmem>>, vector<1x16xf32>,
        %swap3A_746 = vector.shape_cast %swap3A_745 : vector<1x16xf32> to vector<16xf32>
        %swap3A_747 = vector.shape_cast %get3A_742 : vector<16xf32> to vector<1x16xf32>
        tpu.vector_store %arg9[%swap3A_743, %swap3A_744], %swap3A_747 {add = true, strides = array<i32>} : memref<8x1024xf32, #tpu.memory_space<vmem>>, vector<1x16xf32>,
        %swap3A_748 = arith.index_cast %scan3A_236 : i32 to index
        %swap3A_749 = arith.constant 336 : index
        %swap3A_750 = tpu.vector_load %arg10[%swap3A_748, %swap3A_749] {strides = array<i32>} : memref<8x1024xf32, #tpu.memory_space<vmem>>, vector<1x16xf32>,
        %swap3A_751 = vector.shape_cast %swap3A_750 : vector<1x16xf32> to vector<16xf32>
        %swap3A_752 = vector.shape_cast %get3A_742 : vector<16xf32> to vector<1x16xf32>
        tpu.vector_store %arg10[%swap3A_748, %swap3A_749], %swap3A_752 {add = true, strides = array<i32>} : memref<8x1024xf32, #tpu.memory_space<vmem>>, vector<1x16xf32>,
        %swap3A_753 = arith.index_cast %scan3A_236 : i32 to index
        %swap3A_754 = arith.constant 336 : index
        %swap3A_755 = tpu.vector_load %arg11[%swap3A_753, %swap3A_754] {strides = array<i32>} : memref<8x1024xf32, #tpu.memory_space<vmem>>, vector<1x16xf32>,
        %swap3A_756 = vector.shape_cast %swap3A_755 : vector<1x16xf32> to vector<16xf32>
        %swap3A_757 = vector.shape_cast %get3A_742 : vector<16xf32> to vector<1x16xf32>
        tpu.vector_store %arg11[%swap3A_753, %swap3A_754], %swap3A_757 {add = true, strides = array<i32>} : memref<8x1024xf32, #tpu.memory_space<vmem>>, vector<1x16xf32>,
        %swap3A_758 = arith.index_cast %scan3A_236 : i32 to index
        %swap3A_759 = arith.constant 336 : index
        %swap3A_760 = tpu.vector_load %arg12[%swap3A_758, %swap3A_759] {strides = array<i32>} : memref<8x1024xf32, #tpu.memory_space<vmem>>, vector<1x16xf32>,
        %swap3A_761 = vector.shape_cast %swap3A_760 : vector<1x16xf32> to vector<16xf32>
        %swap3A_762 = vector.shape_cast %get3A_742 : vector<16xf32> to vector<1x16xf32>
        tpu.vector_store %arg12[%swap3A_758, %swap3A_759], %swap3A_762 {add = true, strides = array<i32>} : memref<8x1024xf32, #tpu.memory_space<vmem>>, vector<1x16xf32>,
        %get3A_763 = arith.index_cast %scan3A_236 : i32 to index
        %get3A_764 = arith.constant 352 : index
        %get3A_765 = tpu.vector_load %arg7[%get3A_763, %get3A_764] {strides = array<i32>} : memref<8x1024xf32, #tpu.memory_space<vmem>>, vector<1x16xf32>,
        %get3A_766 = vector.shape_cast %get3A_765 : vector<1x16xf32> to vector<16xf32>
        %swap3A_767 = arith.index_cast %scan3A_236 : i32 to index
        %swap3A_768 = arith.constant 352 : index
        %swap3A_769 = tpu.vector_load %arg9[%swap3A_767, %swap3A_768] {strides = array<i32>} : memref<8x1024xf32, #tpu.memory_space<vmem>>, vector<1x16xf32>,
        %swap3A_770 = vector.shape_cast %swap3A_769 : vector<1x16xf32> to vector<16xf32>
        %swap3A_771 = vector.shape_cast %get3A_766 : vector<16xf32> to vector<1x16xf32>
        tpu.vector_store %arg9[%swap3A_767, %swap3A_768], %swap3A_771 {add = true, strides = array<i32>} : memref<8x1024xf32, #tpu.memory_space<vmem>>, vector<1x16xf32>,
        %swap3A_772 = arith.index_cast %scan3A_236 : i32 to index
        %swap3A_773 = arith.constant 352 : index
        %swap3A_774 = tpu.vector_load %arg10[%swap3A_772, %swap3A_773] {strides = array<i32>} : memref<8x1024xf32, #tpu.memory_space<vmem>>, vector<1x16xf32>,
        %swap3A_775 = vector.shape_cast %swap3A_774 : vector<1x16xf32> to vector<16xf32>
        %swap3A_776 = vector.shape_cast %get3A_766 : vector<16xf32> to vector<1x16xf32>
        tpu.vector_store %arg10[%swap3A_772, %swap3A_773], %swap3A_776 {add = true, strides = array<i32>} : memref<8x1024xf32, #tpu.memory_space<vmem>>, vector<1x16xf32>,
        %swap3A_777 = arith.index_cast %scan3A_236 : i32 to index
        %swap3A_778 = arith.constant 352 : index
        %swap3A_779 = tpu.vector_load %arg11[%swap3A_777, %swap3A_778] {strides = array<i32>} : memref<8x1024xf32, #tpu.memory_space<vmem>>, vector<1x16xf32>,
        %swap3A_780 = vector.shape_cast %swap3A_779 : vector<1x16xf32> to vector<16xf32>
        %swap3A_781 = vector.shape_cast %get3A_766 : vector<16xf32> to vector<1x16xf32>
        tpu.vector_store %arg11[%swap3A_777, %swap3A_778], %swap3A_781 {add = true, strides = array<i32>} : memref<8x1024xf32, #tpu.memory_space<vmem>>, vector<1x16xf32>,
        %swap3A_782 = arith.index_cast %scan3A_236 : i32 to index
        %swap3A_783 = arith.constant 352 : index
        %swap3A_784 = tpu.vector_load %arg12[%swap3A_782, %swap3A_783] {strides = array<i32>} : memref<8x1024xf32, #tpu.memory_space<vmem>>, vector<1x16xf32>,
        %swap3A_785 = vector.shape_cast %swap3A_784 : vector<1x16xf32> to vector<16xf32>
        %swap3A_786 = vector.shape_cast %get3A_766 : vector<16xf32> to vector<1x16xf32>
        tpu.vector_store %arg12[%swap3A_782, %swap3A_783], %swap3A_786 {add = true, strides = array<i32>} : memref<8x1024xf32, #tpu.memory_space<vmem>>, vector<1x16xf32>,
        %get3A_787 = arith.index_cast %scan3A_236 : i32 to index
        %get3A_788 = arith.constant 368 : index
        %get3A_789 = tpu.vector_load %arg7[%get3A_787, %get3A_788] {strides = array<i32>} : memref<8x1024xf32, #tpu.memory_space<vmem>>, vector<1x16xf32>,
        %get3A_790 = vector.shape_cast %get3A_789 : vector<1x16xf32> to vector<16xf32>
        %swap3A_791 = arith.index_cast %scan3A_236 : i32 to index
        %swap3A_792 = arith.constant 368 : index
        %swap3A_793 = tpu.vector_load %arg9[%swap3A_791, %swap3A_792] {strides = array<i32>} : memref<8x1024xf32, #tpu.memory_space<vmem>>, vector<1x16xf32>,
        %swap3A_794 = vector.shape_cast %swap3A_793 : vector<1x16xf32> to vector<16xf32>
        %swap3A_795 = vector.shape_cast %get3A_790 : vector<16xf32> to vector<1x16xf32>
        tpu.vector_store %arg9[%swap3A_791, %swap3A_792], %swap3A_795 {add = true, strides = array<i32>} : memref<8x1024xf32, #tpu.memory_space<vmem>>, vector<1x16xf32>,
        %swap3A_796 = arith.index_cast %scan3A_236 : i32 to index
        %swap3A_797 = arith.constant 368 : index
        %swap3A_798 = tpu.vector_load %arg10[%swap3A_796, %swap3A_797] {strides = array<i32>} : memref<8x1024xf32, #tpu.memory_space<vmem>>, vector<1x16xf32>,
        %swap3A_799 = vector.shape_cast %swap3A_798 : vector<1x16xf32> to vector<16xf32>
        %swap3A_800 = vector.shape_cast %get3A_790 : vector<16xf32> to vector<1x16xf32>
        tpu.vector_store %arg10[%swap3A_796, %swap3A_797], %swap3A_800 {add = true, strides = array<i32>} : memref<8x1024xf32, #tpu.memory_space<vmem>>, vector<1x16xf32>,
        %swap3A_801 = arith.index_cast %scan3A_236 : i32 to index
        %swap3A_802 = arith.constant 368 : index
        %swap3A_803 = tpu.vector_load %arg11[%swap3A_801, %swap3A_802] {strides = array<i32>} : memref<8x1024xf32, #tpu.memory_space<vmem>>, vector<1x16xf32>,
        %swap3A_804 = vector.shape_cast %swap3A_803 : vector<1x16xf32> to vector<16xf32>
        %swap3A_805 = vector.shape_cast %get3A_790 : vector<16xf32> to vector<1x16xf32>
        tpu.vector_store %arg11[%swap3A_801, %swap3A_802], %swap3A_805 {add = true, strides = array<i32>} : memref<8x1024xf32, #tpu.memory_space<vmem>>, vector<1x16xf32>,
        %swap3A_806 = arith.index_cast %scan3A_236 : i32 to index
        %swap3A_807 = arith.constant 368 : index
        %swap3A_808 = tpu.vector_load %arg12[%swap3A_806, %swap3A_807] {strides = array<i32>} : memref<8x1024xf32, #tpu.memory_space<vmem>>, vector<1x16xf32>,
        %swap3A_809 = vector.shape_cast %swap3A_808 : vector<1x16xf32> to vector<16xf32>
        %swap3A_810 = vector.shape_cast %get3A_790 : vector<16xf32> to vector<1x16xf32>
        tpu.vector_store %arg12[%swap3A_806, %swap3A_807], %swap3A_810 {add = true, strides = array<i32>} : memref<8x1024xf32, #tpu.memory_space<vmem>>, vector<1x16xf32>,
        %get3A_811 = arith.index_cast %scan3A_236 : i32 to index
        %get3A_812 = arith.constant 384 : index
        %get3A_813 = tpu.vector_load %arg7[%get3A_811, %get3A_812] {strides = array<i32>} : memref<8x1024xf32, #tpu.memory_space<vmem>>, vector<1x16xf32>,
        %get3A_814 = vector.shape_cast %get3A_813 : vector<1x16xf32> to vector<16xf32>
        %swap3A_815 = arith.index_cast %scan3A_236 : i32 to index
        %swap3A_816 = arith.constant 384 : index
        %swap3A_817 = tpu.vector_load %arg9[%swap3A_815, %swap3A_816] {strides = array<i32>} : memref<8x1024xf32, #tpu.memory_space<vmem>>, vector<1x16xf32>,
        %swap3A_818 = vector.shape_cast %swap3A_817 : vector<1x16xf32> to vector<16xf32>
        %swap3A_819 = vector.shape_cast %get3A_814 : vector<16xf32> to vector<1x16xf32>
        tpu.vector_store %arg9[%swap3A_815, %swap3A_816], %swap3A_819 {add = true, strides = array<i32>} : memref<8x1024xf32, #tpu.memory_space<vmem>>, vector<1x16xf32>,
        %swap3A_820 = arith.index_cast %scan3A_236 : i32 to index
        %swap3A_821 = arith.constant 384 : index
        %swap3A_822 = tpu.vector_load %arg10[%swap3A_820, %swap3A_821] {strides = array<i32>} : memref<8x1024xf32, #tpu.memory_space<vmem>>, vector<1x16xf32>,
        %swap3A_823 = vector.shape_cast %swap3A_822 : vector<1x16xf32> to vector<16xf32>
        %swap3A_824 = vector.shape_cast %get3A_814 : vector<16xf32> to vector<1x16xf32>
        tpu.vector_store %arg10[%swap3A_820, %swap3A_821], %swap3A_824 {add = true, strides = array<i32>} : memref<8x1024xf32, #tpu.memory_space<vmem>>, vector<1x16xf32>,
        %swap3A_825 = arith.index_cast %scan3A_236 : i32 to index
        %swap3A_826 = arith.constant 384 : index
        %swap3A_827 = tpu.vector_load %arg11[%swap3A_825, %swap3A_826] {strides = array<i32>} : memref<8x1024xf32, #tpu.memory_space<vmem>>, vector<1x16xf32>,
        %swap3A_828 = vector.shape_cast %swap3A_827 : vector<1x16xf32> to vector<16xf32>
        %swap3A_829 = vector.shape_cast %get3A_814 : vector<16xf32> to vector<1x16xf32>
        tpu.vector_store %arg11[%swap3A_825, %swap3A_826], %swap3A_829 {add = true, strides = array<i32>} : memref<8x1024xf32, #tpu.memory_space<vmem>>, vector<1x16xf32>,
        %swap3A_830 = arith.index_cast %scan3A_236 : i32 to index
        %swap3A_831 = arith.constant 384 : index
        %swap3A_832 = tpu.vector_load %arg12[%swap3A_830, %swap3A_831] {strides = array<i32>} : memref<8x1024xf32, #tpu.memory_space<vmem>>, vector<1x16xf32>,
        %swap3A_833 = vector.shape_cast %swap3A_832 : vector<1x16xf32> to vector<16xf32>
        %swap3A_834 = vector.shape_cast %get3A_814 : vector<16xf32> to vector<1x16xf32>
        tpu.vector_store %arg12[%swap3A_830, %swap3A_831], %swap3A_834 {add = true, strides = array<i32>} : memref<8x1024xf32, #tpu.memory_space<vmem>>, vector<1x16xf32>,
        %get3A_835 = arith.index_cast %scan3A_236 : i32 to index
        %get3A_836 = arith.constant 400 : index
        %get3A_837 = tpu.vector_load %arg7[%get3A_835, %get3A_836] {strides = array<i32>} : memref<8x1024xf32, #tpu.memory_space<vmem>>, vector<1x16xf32>,
        %get3A_838 = vector.shape_cast %get3A_837 : vector<1x16xf32> to vector<16xf32>
        %swap3A_839 = arith.index_cast %scan3A_236 : i32 to index
        %swap3A_840 = arith.constant 400 : index
        %swap3A_841 = tpu.vector_load %arg9[%swap3A_839, %swap3A_840] {strides = array<i32>} : memref<8x1024xf32, #tpu.memory_space<vmem>>, vector<1x16xf32>,
        %swap3A_842 = vector.shape_cast %swap3A_841 : vector<1x16xf32> to vector<16xf32>
        %swap3A_843 = vector.shape_cast %get3A_838 : vector<16xf32> to vector<1x16xf32>
        tpu.vector_store %arg9[%swap3A_839, %swap3A_840], %swap3A_843 {add = true, strides = array<i32>} : memref<8x1024xf32, #tpu.memory_space<vmem>>, vector<1x16xf32>,
        %swap3A_844 = arith.index_cast %scan3A_236 : i32 to index
        %swap3A_845 = arith.constant 400 : index
        %swap3A_846 = tpu.vector_load %arg10[%swap3A_844, %swap3A_845] {strides = array<i32>} : memref<8x1024xf32, #tpu.memory_space<vmem>>, vector<1x16xf32>,
        %swap3A_847 = vector.shape_cast %swap3A_846 : vector<1x16xf32> to vector<16xf32>
        %swap3A_848 = vector.shape_cast %get3A_838 : vector<16xf32> to vector<1x16xf32>
        tpu.vector_store %arg10[%swap3A_844, %swap3A_845], %swap3A_848 {add = true, strides = array<i32>} : memref<8x1024xf32, #tpu.memory_space<vmem>>, vector<1x16xf32>,
        %swap3A_849 = arith.index_cast %scan3A_236 : i32 to index
        %swap3A_850 = arith.constant 400 : index
        %swap3A_851 = tpu.vector_load %arg11[%swap3A_849, %swap3A_850] {strides = array<i32>} : memref<8x1024xf32, #tpu.memory_space<vmem>>, vector<1x16xf32>,
        %swap3A_852 = vector.shape_cast %swap3A_851 : vector<1x16xf32> to vector<16xf32>
        %swap3A_853 = vector.shape_cast %get3A_838 : vector<16xf32> to vector<1x16xf32>
        tpu.vector_store %arg11[%swap3A_849, %swap3A_850], %swap3A_853 {add = true, strides = array<i32>} : memref<8x1024xf32, #tpu.memory_space<vmem>>, vector<1x16xf32>,
        %swap3A_854 = arith.index_cast %scan3A_236 : i32 to index
        %swap3A_855 = arith.constant 400 : index
        %swap3A_856 = tpu.vector_load %arg12[%swap3A_854, %swap3A_855] {strides = array<i32>} : memref<8x1024xf32, #tpu.memory_space<vmem>>, vector<1x16xf32>,
        %swap3A_857 = vector.shape_cast %swap3A_856 : vector<1x16xf32> to vector<16xf32>
        %swap3A_858 = vector.shape_cast %get3A_838 : vector<16xf32> to vector<1x16xf32>
        tpu.vector_store %arg12[%swap3A_854, %swap3A_855], %swap3A_858 {add = true, strides = array<i32>} : memref<8x1024xf32, #tpu.memory_space<vmem>>, vector<1x16xf32>,
        %get3A_859 = arith.index_cast %scan3A_236 : i32 to index
        %get3A_860 = arith.constant 416 : index
        %get3A_861 = tpu.vector_load %arg7[%get3A_859, %get3A_860] {strides = array<i32>} : memref<8x1024xf32, #tpu.memory_space<vmem>>, vector<1x16xf32>,
        %get3A_862 = vector.shape_cast %get3A_861 : vector<1x16xf32> to vector<16xf32>
        %swap3A_863 = arith.index_cast %scan3A_236 : i32 to index
        %swap3A_864 = arith.constant 416 : index
        %swap3A_865 = tpu.vector_load %arg9[%swap3A_863, %swap3A_864] {strides = array<i32>} : memref<8x1024xf32, #tpu.memory_space<vmem>>, vector<1x16xf32>,
        %swap3A_866 = vector.shape_cast %swap3A_865 : vector<1x16xf32> to vector<16xf32>
        %swap3A_867 = vector.shape_cast %get3A_862 : vector<16xf32> to vector<1x16xf32>
        tpu.vector_store %arg9[%swap3A_863, %swap3A_864], %swap3A_867 {add = true, strides = array<i32>} : memref<8x1024xf32, #tpu.memory_space<vmem>>, vector<1x16xf32>,
        %swap3A_868 = arith.index_cast %scan3A_236 : i32 to index
        %swap3A_869 = arith.constant 416 : index
        %swap3A_870 = tpu.vector_load %arg10[%swap3A_868, %swap3A_869] {strides = array<i32>} : memref<8x1024xf32, #tpu.memory_space<vmem>>, vector<1x16xf32>,
        %swap3A_871 = vector.shape_cast %swap3A_870 : vector<1x16xf32> to vector<16xf32>
        %swap3A_872 = vector.shape_cast %get3A_862 : vector<16xf32> to vector<1x16xf32>
        tpu.vector_store %arg10[%swap3A_868, %swap3A_869], %swap3A_872 {add = true, strides = array<i32>} : memref<8x1024xf32, #tpu.memory_space<vmem>>, vector<1x16xf32>,
        %swap3A_873 = arith.index_cast %scan3A_236 : i32 to index
        %swap3A_874 = arith.constant 416 : index
        %swap3A_875 = tpu.vector_load %arg11[%swap3A_873, %swap3A_874] {strides = array<i32>} : memref<8x1024xf32, #tpu.memory_space<vmem>>, vector<1x16xf32>,
        %swap3A_876 = vector.shape_cast %swap3A_875 : vector<1x16xf32> to vector<16xf32>
        %swap3A_877 = vector.shape_cast %get3A_862 : vector<16xf32> to vector<1x16xf32>
        tpu.vector_store %arg11[%swap3A_873, %swap3A_874], %swap3A_877 {add = true, strides = array<i32>} : memref<8x1024xf32, #tpu.memory_space<vmem>>, vector<1x16xf32>,
        %swap3A_878 = arith.index_cast %scan3A_236 : i32 to index
        %swap3A_879 = arith.constant 416 : index
        %swap3A_880 = tpu.vector_load %arg12[%swap3A_878, %swap3A_879] {strides = array<i32>} : memref<8x1024xf32, #tpu.memory_space<vmem>>, vector<1x16xf32>,
        %swap3A_881 = vector.shape_cast %swap3A_880 : vector<1x16xf32> to vector<16xf32>
        %swap3A_882 = vector.shape_cast %get3A_862 : vector<16xf32> to vector<1x16xf32>
        tpu.vector_store %arg12[%swap3A_878, %swap3A_879], %swap3A_882 {add = true, strides = array<i32>} : memref<8x1024xf32, #tpu.memory_space<vmem>>, vector<1x16xf32>,
        %get3A_883 = arith.index_cast %scan3A_236 : i32 to index
        %get3A_884 = arith.constant 432 : index
        %get3A_885 = tpu.vector_load %arg7[%get3A_883, %get3A_884] {strides = array<i32>} : memref<8x1024xf32, #tpu.memory_space<vmem>>, vector<1x16xf32>,
        %get3A_886 = vector.shape_cast %get3A_885 : vector<1x16xf32> to vector<16xf32>
        %swap3A_887 = arith.index_cast %scan3A_236 : i32 to index
        %swap3A_888 = arith.constant 432 : index
        %swap3A_889 = tpu.vector_load %arg9[%swap3A_887, %swap3A_888] {strides = array<i32>} : memref<8x1024xf32, #tpu.memory_space<vmem>>, vector<1x16xf32>,
        %swap3A_890 = vector.shape_cast %swap3A_889 : vector<1x16xf32> to vector<16xf32>
        %swap3A_891 = vector.shape_cast %get3A_886 : vector<16xf32> to vector<1x16xf32>
        tpu.vector_store %arg9[%swap3A_887, %swap3A_888], %swap3A_891 {add = true, strides = array<i32>} : memref<8x1024xf32, #tpu.memory_space<vmem>>, vector<1x16xf32>,
        %swap3A_892 = arith.index_cast %scan3A_236 : i32 to index
        %swap3A_893 = arith.constant 432 : index
        %swap3A_894 = tpu.vector_load %arg10[%swap3A_892, %swap3A_893] {strides = array<i32>} : memref<8x1024xf32, #tpu.memory_space<vmem>>, vector<1x16xf32>,
        %swap3A_895 = vector.shape_cast %swap3A_894 : vector<1x16xf32> to vector<16xf32>
        %swap3A_896 = vector.shape_cast %get3A_886 : vector<16xf32> to vector<1x16xf32>
        tpu.vector_store %arg10[%swap3A_892, %swap3A_893], %swap3A_896 {add = true, strides = array<i32>} : memref<8x1024xf32, #tpu.memory_space<vmem>>, vector<1x16xf32>,
        %swap3A_897 = arith.index_cast %scan3A_236 : i32 to index
        %swap3A_898 = arith.constant 432 : index
        %swap3A_899 = tpu.vector_load %arg11[%swap3A_897, %swap3A_898] {strides = array<i32>} : memref<8x1024xf32, #tpu.memory_space<vmem>>, vector<1x16xf32>,
        %swap3A_900 = vector.shape_cast %swap3A_899 : vector<1x16xf32> to vector<16xf32>
        %swap3A_901 = vector.shape_cast %get3A_886 : vector<16xf32> to vector<1x16xf32>
        tpu.vector_store %arg11[%swap3A_897, %swap3A_898], %swap3A_901 {add = true, strides = array<i32>} : memref<8x1024xf32, #tpu.memory_space<vmem>>, vector<1x16xf32>,
        %swap3A_902 = arith.index_cast %scan3A_236 : i32 to index
        %swap3A_903 = arith.constant 432 : index
        %swap3A_904 = tpu.vector_load %arg12[%swap3A_902, %swap3A_903] {strides = array<i32>} : memref<8x1024xf32, #tpu.memory_space<vmem>>, vector<1x16xf32>,
        %swap3A_905 = vector.shape_cast %swap3A_904 : vector<1x16xf32> to vector<16xf32>
        %swap3A_906 = vector.shape_cast %get3A_886 : vector<16xf32> to vector<1x16xf32>
        tpu.vector_store %arg12[%swap3A_902, %swap3A_903], %swap3A_906 {add = true, strides = array<i32>} : memref<8x1024xf32, #tpu.memory_space<vmem>>, vector<1x16xf32>,
        %get3A_907 = arith.index_cast %scan3A_236 : i32 to index
        %get3A_908 = arith.constant 448 : index
        %get3A_909 = tpu.vector_load %arg7[%get3A_907, %get3A_908] {strides = array<i32>} : memref<8x1024xf32, #tpu.memory_space<vmem>>, vector<1x16xf32>,
        %get3A_910 = vector.shape_cast %get3A_909 : vector<1x16xf32> to vector<16xf32>
        %swap3A_911 = arith.index_cast %scan3A_236 : i32 to index
        %swap3A_912 = arith.constant 448 : index
        %swap3A_913 = tpu.vector_load %arg9[%swap3A_911, %swap3A_912] {strides = array<i32>} : memref<8x1024xf32, #tpu.memory_space<vmem>>, vector<1x16xf32>,
        %swap3A_914 = vector.shape_cast %swap3A_913 : vector<1x16xf32> to vector<16xf32>
        %swap3A_915 = vector.shape_cast %get3A_910 : vector<16xf32> to vector<1x16xf32>
        tpu.vector_store %arg9[%swap3A_911, %swap3A_912], %swap3A_915 {add = true, strides = array<i32>} : memref<8x1024xf32, #tpu.memory_space<vmem>>, vector<1x16xf32>,
        %swap3A_916 = arith.index_cast %scan3A_236 : i32 to index
        %swap3A_917 = arith.constant 448 : index
        %swap3A_918 = tpu.vector_load %arg10[%swap3A_916, %swap3A_917] {strides = array<i32>} : memref<8x1024xf32, #tpu.memory_space<vmem>>, vector<1x16xf32>,
        %swap3A_919 = vector.shape_cast %swap3A_918 : vector<1x16xf32> to vector<16xf32>
        %swap3A_920 = vector.shape_cast %get3A_910 : vector<16xf32> to vector<1x16xf32>
        tpu.vector_store %arg10[%swap3A_916, %swap3A_917], %swap3A_920 {add = true, strides = array<i32>} : memref<8x1024xf32, #tpu.memory_space<vmem>>, vector<1x16xf32>,
        %swap3A_921 = arith.index_cast %scan3A_236 : i32 to index
        %swap3A_922 = arith.constant 448 : index
        %swap3A_923 = tpu.vector_load %arg11[%swap3A_921, %swap3A_922] {strides = array<i32>} : memref<8x1024xf32, #tpu.memory_space<vmem>>, vector<1x16xf32>,
        %swap3A_924 = vector.shape_cast %swap3A_923 : vector<1x16xf32> to vector<16xf32>
        %swap3A_925 = vector.shape_cast %get3A_910 : vector<16xf32> to vector<1x16xf32>
        tpu.vector_store %arg11[%swap3A_921, %swap3A_922], %swap3A_925 {add = true, strides = array<i32>} : memref<8x1024xf32, #tpu.memory_space<vmem>>, vector<1x16xf32>,
        %swap3A_926 = arith.index_cast %scan3A_236 : i32 to index
        %swap3A_927 = arith.constant 448 : index
        %swap3A_928 = tpu.vector_load %arg12[%swap3A_926, %swap3A_927] {strides = array<i32>} : memref<8x1024xf32, #tpu.memory_space<vmem>>, vector<1x16xf32>,
        %swap3A_929 = vector.shape_cast %swap3A_928 : vector<1x16xf32> to vector<16xf32>
        %swap3A_930 = vector.shape_cast %get3A_910 : vector<16xf32> to vector<1x16xf32>
        tpu.vector_store %arg12[%swap3A_926, %swap3A_927], %swap3A_930 {add = true, strides = array<i32>} : memref<8x1024xf32, #tpu.memory_space<vmem>>, vector<1x16xf32>,
        %get3A_931 = arith.index_cast %scan3A_236 : i32 to index
        %get3A_932 = arith.constant 464 : index
        %get3A_933 = tpu.vector_load %arg7[%get3A_931, %get3A_932] {strides = array<i32>} : memref<8x1024xf32, #tpu.memory_space<vmem>>, vector<1x16xf32>,
        %get3A_934 = vector.shape_cast %get3A_933 : vector<1x16xf32> to vector<16xf32>
        %swap3A_935 = arith.index_cast %scan3A_236 : i32 to index
        %swap3A_936 = arith.constant 464 : index
        %swap3A_937 = tpu.vector_load %arg9[%swap3A_935, %swap3A_936] {strides = array<i32>} : memref<8x1024xf32, #tpu.memory_space<vmem>>, vector<1x16xf32>,
        %swap3A_938 = vector.shape_cast %swap3A_937 : vector<1x16xf32> to vector<16xf32>
        %swap3A_939 = vector.shape_cast %get3A_934 : vector<16xf32> to vector<1x16xf32>
        tpu.vector_store %arg9[%swap3A_935, %swap3A_936], %swap3A_939 {add = true, strides = array<i32>} : memref<8x1024xf32, #tpu.memory_space<vmem>>, vector<1x16xf32>,
        %swap3A_940 = arith.index_cast %scan3A_236 : i32 to index
        %swap3A_941 = arith.constant 464 : index
        %swap3A_942 = tpu.vector_load %arg10[%swap3A_940, %swap3A_941] {strides = array<i32>} : memref<8x1024xf32, #tpu.memory_space<vmem>>, vector<1x16xf32>,
        %swap3A_943 = vector.shape_cast %swap3A_942 : vector<1x16xf32> to vector<16xf32>
        %swap3A_944 = vector.shape_cast %get3A_934 : vector<16xf32> to vector<1x16xf32>
        tpu.vector_store %arg10[%swap3A_940, %swap3A_941], %swap3A_944 {add = true, strides = array<i32>} : memref<8x1024xf32, #tpu.memory_space<vmem>>, vector<1x16xf32>,
        %swap3A_945 = arith.index_cast %scan3A_236 : i32 to index
        %swap3A_946 = arith.constant 464 : index
        %swap3A_947 = tpu.vector_load %arg11[%swap3A_945, %swap3A_946] {strides = array<i32>} : memref<8x1024xf32, #tpu.memory_space<vmem>>, vector<1x16xf32>,
        %swap3A_948 = vector.shape_cast %swap3A_947 : vector<1x16xf32> to vector<16xf32>
        %swap3A_949 = vector.shape_cast %get3A_934 : vector<16xf32> to vector<1x16xf32>
        tpu.vector_store %arg11[%swap3A_945, %swap3A_946], %swap3A_949 {add = true, strides = array<i32>} : memref<8x1024xf32, #tpu.memory_space<vmem>>, vector<1x16xf32>,
        %swap3A_950 = arith.index_cast %scan3A_236 : i32 to index
        %swap3A_951 = arith.constant 464 : index
        %swap3A_952 = tpu.vector_load %arg12[%swap3A_950, %swap3A_951] {strides = array<i32>} : memref<8x1024xf32, #tpu.memory_space<vmem>>, vector<1x16xf32>,
        %swap3A_953 = vector.shape_cast %swap3A_952 : vector<1x16xf32> to vector<16xf32>
        %swap3A_954 = vector.shape_cast %get3A_934 : vector<16xf32> to vector<1x16xf32>
        tpu.vector_store %arg12[%swap3A_950, %swap3A_951], %swap3A_954 {add = true, strides = array<i32>} : memref<8x1024xf32, #tpu.memory_space<vmem>>, vector<1x16xf32>,
        %get3A_955 = arith.index_cast %scan3A_236 : i32 to index
        %get3A_956 = arith.constant 480 : index
        %get3A_957 = tpu.vector_load %arg7[%get3A_955, %get3A_956] {strides = array<i32>} : memref<8x1024xf32, #tpu.memory_space<vmem>>, vector<1x16xf32>,
        %get3A_958 = vector.shape_cast %get3A_957 : vector<1x16xf32> to vector<16xf32>
        %swap3A_959 = arith.index_cast %scan3A_236 : i32 to index
        %swap3A_960 = arith.constant 480 : index
        %swap3A_961 = tpu.vector_load %arg9[%swap3A_959, %swap3A_960] {strides = array<i32>} : memref<8x1024xf32, #tpu.memory_space<vmem>>, vector<1x16xf32>,
        %swap3A_962 = vector.shape_cast %swap3A_961 : vector<1x16xf32> to vector<16xf32>
        %swap3A_963 = vector.shape_cast %get3A_958 : vector<16xf32> to vector<1x16xf32>
        tpu.vector_store %arg9[%swap3A_959, %swap3A_960], %swap3A_963 {add = true, strides = array<i32>} : memref<8x1024xf32, #tpu.memory_space<vmem>>, vector<1x16xf32>,
        %swap3A_964 = arith.index_cast %scan3A_236 : i32 to index
        %swap3A_965 = arith.constant 480 : index
        %swap3A_966 = tpu.vector_load %arg10[%swap3A_964, %swap3A_965] {strides = array<i32>} : memref<8x1024xf32, #tpu.memory_space<vmem>>, vector<1x16xf32>,
        %swap3A_967 = vector.shape_cast %swap3A_966 : vector<1x16xf32> to vector<16xf32>
        %swap3A_968 = vector.shape_cast %get3A_958 : vector<16xf32> to vector<1x16xf32>
        tpu.vector_store %arg10[%swap3A_964, %swap3A_965], %swap3A_968 {add = true, strides = array<i32>} : memref<8x1024xf32, #tpu.memory_space<vmem>>, vector<1x16xf32>,
        %swap3A_969 = arith.index_cast %scan3A_236 : i32 to index
        %swap3A_970 = arith.constant 480 : index
        %swap3A_971 = tpu.vector_load %arg11[%swap3A_969, %swap3A_970] {strides = array<i32>} : memref<8x1024xf32, #tpu.memory_space<vmem>>, vector<1x16xf32>,
        %swap3A_972 = vector.shape_cast %swap3A_971 : vector<1x16xf32> to vector<16xf32>
        %swap3A_973 = vector.shape_cast %get3A_958 : vector<16xf32> to vector<1x16xf32>
        tpu.vector_store %arg11[%swap3A_969, %swap3A_970], %swap3A_973 {add = true, strides = array<i32>} : memref<8x1024xf32, #tpu.memory_space<vmem>>, vector<1x16xf32>,
        %swap3A_974 = arith.index_cast %scan3A_236 : i32 to index
        %swap3A_975 = arith.constant 480 : index
        %swap3A_976 = tpu.vector_load %arg12[%swap3A_974, %swap3A_975] {strides = array<i32>} : memref<8x1024xf32, #tpu.memory_space<vmem>>, vector<1x16xf32>,
        %swap3A_977 = vector.shape_cast %swap3A_976 : vector<1x16xf32> to vector<16xf32>
        %swap3A_978 = vector.shape_cast %get3A_958 : vector<16xf32> to vector<1x16xf32>
        tpu.vector_store %arg12[%swap3A_974, %swap3A_975], %swap3A_978 {add = true, strides = array<i32>} : memref<8x1024xf32, #tpu.memory_space<vmem>>, vector<1x16xf32>,
        %get3A_979 = arith.index_cast %scan3A_236 : i32 to index
        %get3A_980 = arith.constant 496 : index
        %get3A_981 = tpu.vector_load %arg7[%get3A_979, %get3A_980] {strides = array<i32>} : memref<8x1024xf32, #tpu.memory_space<vmem>>, vector<1x16xf32>,
        %get3A_982 = vector.shape_cast %get3A_981 : vector<1x16xf32> to vector<16xf32>
        %swap3A_983 = arith.index_cast %scan3A_236 : i32 to index
        %swap3A_984 = arith.constant 496 : index
        %swap3A_985 = tpu.vector_load %arg9[%swap3A_983, %swap3A_984] {strides = array<i32>} : memref<8x1024xf32, #tpu.memory_space<vmem>>, vector<1x16xf32>,
        %swap3A_986 = vector.shape_cast %swap3A_985 : vector<1x16xf32> to vector<16xf32>
        %swap3A_987 = vector.shape_cast %get3A_982 : vector<16xf32> to vector<1x16xf32>
        tpu.vector_store %arg9[%swap3A_983, %swap3A_984], %swap3A_987 {add = true, strides = array<i32>} : memref<8x1024xf32, #tpu.memory_space<vmem>>, vector<1x16xf32>,
        %swap3A_988 = arith.index_cast %scan3A_236 : i32 to index
        %swap3A_989 = arith.constant 496 : index
        %swap3A_990 = tpu.vector_load %arg10[%swap3A_988, %swap3A_989] {strides = array<i32>} : memref<8x1024xf32, #tpu.memory_space<vmem>>, vector<1x16xf32>,
        %swap3A_991 = vector.shape_cast %swap3A_990 : vector<1x16xf32> to vector<16xf32>
        %swap3A_992 = vector.shape_cast %get3A_982 : vector<16xf32> to vector<1x16xf32>
        tpu.vector_store %arg10[%swap3A_988, %swap3A_989], %swap3A_992 {add = true, strides = array<i32>} : memref<8x1024xf32, #tpu.memory_space<vmem>>, vector<1x16xf32>,
        %swap3A_993 = arith.index_cast %scan3A_236 : i32 to index
        %swap3A_994 = arith.constant 496 : index
        %swap3A_995 = tpu.vector_load %arg11[%swap3A_993, %swap3A_994] {strides = array<i32>} : memref<8x1024xf32, #tpu.memory_space<vmem>>, vector<1x16xf32>,
        %swap3A_996 = vector.shape_cast %swap3A_995 : vector<1x16xf32> to vector<16xf32>
        %swap3A_997 = vector.shape_cast %get3A_982 : vector<16xf32> to vector<1x16xf32>
        tpu.vector_store %arg11[%swap3A_993, %swap3A_994], %swap3A_997 {add = true, strides = array<i32>} : memref<8x1024xf32, #tpu.memory_space<vmem>>, vector<1x16xf32>,
        %swap3A_998 = arith.index_cast %scan3A_236 : i32 to index
        %swap3A_999 = arith.constant 496 : index
        %swap3A_1000 = tpu.vector_load %arg12[%swap3A_998, %swap3A_999] {strides = array<i32>} : memref<8x1024xf32, #tpu.memory_space<vmem>>, vector<1x16xf32>,
        %swap3A_1001 = vector.shape_cast %swap3A_1000 : vector<1x16xf32> to vector<16xf32>
        %swap3A_1002 = vector.shape_cast %get3A_982 : vector<16xf32> to vector<1x16xf32>
        tpu.vector_store %arg12[%swap3A_998, %swap3A_999], %swap3A_1002 {add = true, strides = array<i32>} : memref<8x1024xf32, #tpu.memory_space<vmem>>, vector<1x16xf32>,
        %get3A_1003 = arith.index_cast %scan3A_236 : i32 to index
        %get3A_1004 = arith.constant 512 : index
        %get3A_1005 = tpu.vector_load %arg7[%get3A_1003, %get3A_1004] {strides = array<i32>} : memref<8x1024xf32, #tpu.memory_space<vmem>>, vector<1x16xf32>,
        %get3A_1006 = vector.shape_cast %get3A_1005 : vector<1x16xf32> to vector<16xf32>
        %swap3A_1007 = arith.index_cast %scan3A_236 : i32 to index
        %swap3A_1008 = arith.constant 512 : index
        %swap3A_1009 = tpu.vector_load %arg9[%swap3A_1007, %swap3A_1008] {strides = array<i32>} : memref<8x1024xf32, #tpu.memory_space<vmem>>, vector<1x16xf32>,
        %swap3A_1010 = vector.shape_cast %swap3A_1009 : vector<1x16xf32> to vector<16xf32>
        %swap3A_1011 = vector.shape_cast %get3A_1006 : vector<16xf32> to vector<1x16xf32>
        tpu.vector_store %arg9[%swap3A_1007, %swap3A_1008], %swap3A_1011 {add = true, strides = array<i32>} : memref<8x1024xf32, #tpu.memory_space<vmem>>, vector<1x16xf32>,
        %swap3A_1012 = arith.index_cast %scan3A_236 : i32 to index
        %swap3A_1013 = arith.constant 512 : index
        %swap3A_1014 = tpu.vector_load %arg10[%swap3A_1012, %swap3A_1013] {strides = array<i32>} : memref<8x1024xf32, #tpu.memory_space<vmem>>, vector<1x16xf32>,
        %swap3A_1015 = vector.shape_cast %swap3A_1014 : vector<1x16xf32> to vector<16xf32>
        %swap3A_1016 = vector.shape_cast %get3A_1006 : vector<16xf32> to vector<1x16xf32>
        tpu.vector_store %arg10[%swap3A_1012, %swap3A_1013], %swap3A_1016 {add = true, strides = array<i32>} : memref<8x1024xf32, #tpu.memory_space<vmem>>, vector<1x16xf32>,
        %swap3A_1017 = arith.index_cast %scan3A_236 : i32 to index
        %swap3A_1018 = arith.constant 512 : index
        %swap3A_1019 = tpu.vector_load %arg11[%swap3A_1017, %swap3A_1018] {strides = array<i32>} : memref<8x1024xf32, #tpu.memory_space<vmem>>, vector<1x16xf32>,
        %swap3A_1020 = vector.shape_cast %swap3A_1019 : vector<1x16xf32> to vector<16xf32>
        %swap3A_1021 = vector.shape_cast %get3A_1006 : vector<16xf32> to vector<1x16xf32>
        tpu.vector_store %arg11[%swap3A_1017, %swap3A_1018], %swap3A_1021 {add = true, strides = array<i32>} : memref<8x1024xf32, #tpu.memory_space<vmem>>, vector<1x16xf32>,
        %swap3A_1022 = arith.index_cast %scan3A_236 : i32 to index
        %swap3A_1023 = arith.constant 512 : index
        %swap3A_1024 = tpu.vector_load %arg12[%swap3A_1022, %swap3A_1023] {strides = array<i32>} : memref<8x1024xf32, #tpu.memory_space<vmem>>, vector<1x16xf32>,
        %swap3A_1025 = vector.shape_cast %swap3A_1024 : vector<1x16xf32> to vector<16xf32>
        %swap3A_1026 = vector.shape_cast %get3A_1006 : vector<16xf32> to vector<1x16xf32>
        tpu.vector_store %arg12[%swap3A_1022, %swap3A_1023], %swap3A_1026 {add = true, strides = array<i32>} : memref<8x1024xf32, #tpu.memory_space<vmem>>, vector<1x16xf32>,
        %get3A_1027 = arith.index_cast %scan3A_236 : i32 to index
        %get3A_1028 = arith.constant 528 : index
        %get3A_1029 = tpu.vector_load %arg7[%get3A_1027, %get3A_1028] {strides = array<i32>} : memref<8x1024xf32, #tpu.memory_space<vmem>>, vector<1x16xf32>,
        %get3A_1030 = vector.shape_cast %get3A_1029 : vector<1x16xf32> to vector<16xf32>
        %swap3A_1031 = arith.index_cast %scan3A_236 : i32 to index
        %swap3A_1032 = arith.constant 528 : index
        %swap3A_1033 = tpu.vector_load %arg9[%swap3A_1031, %swap3A_1032] {strides = array<i32>} : memref<8x1024xf32, #tpu.memory_space<vmem>>, vector<1x16xf32>,
        %swap3A_1034 = vector.shape_cast %swap3A_1033 : vector<1x16xf32> to vector<16xf32>
        %swap3A_1035 = vector.shape_cast %get3A_1030 : vector<16xf32> to vector<1x16xf32>
        tpu.vector_store %arg9[%swap3A_1031, %swap3A_1032], %swap3A_1035 {add = true, strides = array<i32>} : memref<8x1024xf32, #tpu.memory_space<vmem>>, vector<1x16xf32>,
        %swap3A_1036 = arith.index_cast %scan3A_236 : i32 to index
        %swap3A_1037 = arith.constant 528 : index
        %swap3A_1038 = tpu.vector_load %arg10[%swap3A_1036, %swap3A_1037] {strides = array<i32>} : memref<8x1024xf32, #tpu.memory_space<vmem>>, vector<1x16xf32>,
        %swap3A_1039 = vector.shape_cast %swap3A_1038 : vector<1x16xf32> to vector<16xf32>
        %swap3A_1040 = vector.shape_cast %get3A_1030 : vector<16xf32> to vector<1x16xf32>
        tpu.vector_store %arg10[%swap3A_1036, %swap3A_1037], %swap3A_1040 {add = true, strides = array<i32>} : memref<8x1024xf32, #tpu.memory_space<vmem>>, vector<1x16xf32>,
        %swap3A_1041 = arith.index_cast %scan3A_236 : i32 to index
        %swap3A_1042 = arith.constant 528 : index
        %swap3A_1043 = tpu.vector_load %arg11[%swap3A_1041, %swap3A_1042] {strides = array<i32>} : memref<8x1024xf32, #tpu.memory_space<vmem>>, vector<1x16xf32>,
        %swap3A_1044 = vector.shape_cast %swap3A_1043 : vector<1x16xf32> to vector<16xf32>
        %swap3A_1045 = vector.shape_cast %get3A_1030 : vector<16xf32> to vector<1x16xf32>
        tpu.vector_store %arg11[%swap3A_1041, %swap3A_1042], %swap3A_1045 {add = true, strides = array<i32>} : memref<8x1024xf32, #tpu.memory_space<vmem>>, vector<1x16xf32>,
        %swap3A_1046 = arith.index_cast %scan3A_236 : i32 to index
        %swap3A_1047 = arith.constant 528 : index
        %swap3A_1048 = tpu.vector_load %arg12[%swap3A_1046, %swap3A_1047] {strides = array<i32>} : memref<8x1024xf32, #tpu.memory_space<vmem>>, vector<1x16xf32>,
        %swap3A_1049 = vector.shape_cast %swap3A_1048 : vector<1x16xf32> to vector<16xf32>
        %swap3A_1050 = vector.shape_cast %get3A_1030 : vector<16xf32> to vector<1x16xf32>
        tpu.vector_store %arg12[%swap3A_1046, %swap3A_1047], %swap3A_1050 {add = true, strides = array<i32>} : memref<8x1024xf32, #tpu.memory_space<vmem>>, vector<1x16xf32>,
        %get3A_1051 = arith.index_cast %scan3A_236 : i32 to index
        %get3A_1052 = arith.constant 544 : index
        %get3A_1053 = tpu.vector_load %arg7[%get3A_1051, %get3A_1052] {strides = array<i32>} : memref<8x1024xf32, #tpu.memory_space<vmem>>, vector<1x16xf32>,
        %get3A_1054 = vector.shape_cast %get3A_1053 : vector<1x16xf32> to vector<16xf32>
        %swap3A_1055 = arith.index_cast %scan3A_236 : i32 to index
        %swap3A_1056 = arith.constant 544 : index
        %swap3A_1057 = tpu.vector_load %arg9[%swap3A_1055, %swap3A_1056] {strides = array<i32>} : memref<8x1024xf32, #tpu.memory_space<vmem>>, vector<1x16xf32>,
        %swap3A_1058 = vector.shape_cast %swap3A_1057 : vector<1x16xf32> to vector<16xf32>
        %swap3A_1059 = vector.shape_cast %get3A_1054 : vector<16xf32> to vector<1x16xf32>
        tpu.vector_store %arg9[%swap3A_1055, %swap3A_1056], %swap3A_1059 {add = true, strides = array<i32>} : memref<8x1024xf32, #tpu.memory_space<vmem>>, vector<1x16xf32>,
        %swap3A_1060 = arith.index_cast %scan3A_236 : i32 to index
        %swap3A_1061 = arith.constant 544 : index
        %swap3A_1062 = tpu.vector_load %arg10[%swap3A_1060, %swap3A_1061] {strides = array<i32>} : memref<8x1024xf32, #tpu.memory_space<vmem>>, vector<1x16xf32>,
        %swap3A_1063 = vector.shape_cast %swap3A_1062 : vector<1x16xf32> to vector<16xf32>
        %swap3A_1064 = vector.shape_cast %get3A_1054 : vector<16xf32> to vector<1x16xf32>
        tpu.vector_store %arg10[%swap3A_1060, %swap3A_1061], %swap3A_1064 {add = true, strides = array<i32>} : memref<8x1024xf32, #tpu.memory_space<vmem>>, vector<1x16xf32>,
        %swap3A_1065 = arith.index_cast %scan3A_236 : i32 to index
        %swap3A_1066 = arith.constant 544 : index
        %swap3A_1067 = tpu.vector_load %arg11[%swap3A_1065, %swap3A_1066] {strides = array<i32>} : memref<8x1024xf32, #tpu.memory_space<vmem>>, vector<1x16xf32>,
        %swap3A_1068 = vector.shape_cast %swap3A_1067 : vector<1x16xf32> to vector<16xf32>
        %swap3A_1069 = vector.shape_cast %get3A_1054 : vector<16xf32> to vector<1x16xf32>
        tpu.vector_store %arg11[%swap3A_1065, %swap3A_1066], %swap3A_1069 {add = true, strides = array<i32>} : memref<8x1024xf32, #tpu.memory_space<vmem>>, vector<1x16xf32>,
        %swap3A_1070 = arith.index_cast %scan3A_236 : i32 to index
        %swap3A_1071 = arith.constant 544 : index
        %swap3A_1072 = tpu.vector_load %arg12[%swap3A_1070, %swap3A_1071] {strides = array<i32>} : memref<8x1024xf32, #tpu.memory_space<vmem>>, vector<1x16xf32>,
        %swap3A_1073 = vector.shape_cast %swap3A_1072 : vector<1x16xf32> to vector<16xf32>
        %swap3A_1074 = vector.shape_cast %get3A_1054 : vector<16xf32> to vector<1x16xf32>
        tpu.vector_store %arg12[%swap3A_1070, %swap3A_1071], %swap3A_1074 {add = true, strides = array<i32>} : memref<8x1024xf32, #tpu.memory_space<vmem>>, vector<1x16xf32>,
        %get3A_1075 = arith.index_cast %scan3A_236 : i32 to index
        %get3A_1076 = arith.constant 560 : index
        %get3A_1077 = tpu.vector_load %arg7[%get3A_1075, %get3A_1076] {strides = array<i32>} : memref<8x1024xf32, #tpu.memory_space<vmem>>, vector<1x16xf32>,
        %get3A_1078 = vector.shape_cast %get3A_1077 : vector<1x16xf32> to vector<16xf32>
        %swap3A_1079 = arith.index_cast %scan3A_236 : i32 to index
        %swap3A_1080 = arith.constant 560 : index
        %swap3A_1081 = tpu.vector_load %arg9[%swap3A_1079, %swap3A_1080] {strides = array<i32>} : memref<8x1024xf32, #tpu.memory_space<vmem>>, vector<1x16xf32>,
        %swap3A_1082 = vector.shape_cast %swap3A_1081 : vector<1x16xf32> to vector<16xf32>
        %swap3A_1083 = vector.shape_cast %get3A_1078 : vector<16xf32> to vector<1x16xf32>
        tpu.vector_store %arg9[%swap3A_1079, %swap3A_1080], %swap3A_1083 {add = true, strides = array<i32>} : memref<8x1024xf32, #tpu.memory_space<vmem>>, vector<1x16xf32>,
        %swap3A_1084 = arith.index_cast %scan3A_236 : i32 to index
        %swap3A_1085 = arith.constant 560 : index
        %swap3A_1086 = tpu.vector_load %arg10[%swap3A_1084, %swap3A_1085] {strides = array<i32>} : memref<8x1024xf32, #tpu.memory_space<vmem>>, vector<1x16xf32>,
        %swap3A_1087 = vector.shape_cast %swap3A_1086 : vector<1x16xf32> to vector<16xf32>
        %swap3A_1088 = vector.shape_cast %get3A_1078 : vector<16xf32> to vector<1x16xf32>
        tpu.vector_store %arg10[%swap3A_1084, %swap3A_1085], %swap3A_1088 {add = true, strides = array<i32>} : memref<8x1024xf32, #tpu.memory_space<vmem>>, vector<1x16xf32>,
        %swap3A_1089 = arith.index_cast %scan3A_236 : i32 to index
        %swap3A_1090 = arith.constant 560 : index
        %swap3A_1091 = tpu.vector_load %arg11[%swap3A_1089, %swap3A_1090] {strides = array<i32>} : memref<8x1024xf32, #tpu.memory_space<vmem>>, vector<1x16xf32>,
        %swap3A_1092 = vector.shape_cast %swap3A_1091 : vector<1x16xf32> to vector<16xf32>
        %swap3A_1093 = vector.shape_cast %get3A_1078 : vector<16xf32> to vector<1x16xf32>
        tpu.vector_store %arg11[%swap3A_1089, %swap3A_1090], %swap3A_1093 {add = true, strides = array<i32>} : memref<8x1024xf32, #tpu.memory_space<vmem>>, vector<1x16xf32>,
        %swap3A_1094 = arith.index_cast %scan3A_236 : i32 to index
        %swap3A_1095 = arith.constant 560 : index
        %swap3A_1096 = tpu.vector_load %arg12[%swap3A_1094, %swap3A_1095] {strides = array<i32>} : memref<8x1024xf32, #tpu.memory_space<vmem>>, vector<1x16xf32>,
        %swap3A_1097 = vector.shape_cast %swap3A_1096 : vector<1x16xf32> to vector<16xf32>
        %swap3A_1098 = vector.shape_cast %get3A_1078 : vector<16xf32> to vector<1x16xf32>
        tpu.vector_store %arg12[%swap3A_1094, %swap3A_1095], %swap3A_1098 {add = true, strides = array<i32>} : memref<8x1024xf32, #tpu.memory_space<vmem>>, vector<1x16xf32>,
        %get3A_1099 = arith.index_cast %scan3A_236 : i32 to index
        %get3A_1100 = arith.constant 576 : index
        %get3A_1101 = tpu.vector_load %arg7[%get3A_1099, %get3A_1100] {strides = array<i32>} : memref<8x1024xf32, #tpu.memory_space<vmem>>, vector<1x16xf32>,
        %get3A_1102 = vector.shape_cast %get3A_1101 : vector<1x16xf32> to vector<16xf32>
        %swap3A_1103 = arith.index_cast %scan3A_236 : i32 to index
        %swap3A_1104 = arith.constant 576 : index
        %swap3A_1105 = tpu.vector_load %arg9[%swap3A_1103, %swap3A_1104] {strides = array<i32>} : memref<8x1024xf32, #tpu.memory_space<vmem>>, vector<1x16xf32>,
        %swap3A_1106 = vector.shape_cast %swap3A_1105 : vector<1x16xf32> to vector<16xf32>
        %swap3A_1107 = vector.shape_cast %get3A_1102 : vector<16xf32> to vector<1x16xf32>
        tpu.vector_store %arg9[%swap3A_1103, %swap3A_1104], %swap3A_1107 {add = true, strides = array<i32>} : memref<8x1024xf32, #tpu.memory_space<vmem>>, vector<1x16xf32>,
        %swap3A_1108 = arith.index_cast %scan3A_236 : i32 to index
        %swap3A_1109 = arith.constant 576 : index
        %swap3A_1110 = tpu.vector_load %arg10[%swap3A_1108, %swap3A_1109] {strides = array<i32>} : memref<8x1024xf32, #tpu.memory_space<vmem>>, vector<1x16xf32>,
        %swap3A_1111 = vector.shape_cast %swap3A_1110 : vector<1x16xf32> to vector<16xf32>
        %swap3A_1112 = vector.shape_cast %get3A_1102 : vector<16xf32> to vector<1x16xf32>
        tpu.vector_store %arg10[%swap3A_1108, %swap3A_1109], %swap3A_1112 {add = true, strides = array<i32>} : memref<8x1024xf32, #tpu.memory_space<vmem>>, vector<1x16xf32>,
        %swap3A_1113 = arith.index_cast %scan3A_236 : i32 to index
        %swap3A_1114 = arith.constant 576 : index
        %swap3A_1115 = tpu.vector_load %arg11[%swap3A_1113, %swap3A_1114] {strides = array<i32>} : memref<8x1024xf32, #tpu.memory_space<vmem>>, vector<1x16xf32>,
        %swap3A_1116 = vector.shape_cast %swap3A_1115 : vector<1x16xf32> to vector<16xf32>
        %swap3A_1117 = vector.shape_cast %get3A_1102 : vector<16xf32> to vector<1x16xf32>
        tpu.vector_store %arg11[%swap3A_1113, %swap3A_1114], %swap3A_1117 {add = true, strides = array<i32>} : memref<8x1024xf32, #tpu.memory_space<vmem>>, vector<1x16xf32>,
        %swap3A_1118 = arith.index_cast %scan3A_236 : i32 to index
        %swap3A_1119 = arith.constant 576 : index
        %swap3A_1120 = tpu.vector_load %arg12[%swap3A_1118, %swap3A_1119] {strides = array<i32>} : memref<8x1024xf32, #tpu.memory_space<vmem>>, vector<1x16xf32>,
        %swap3A_1121 = vector.shape_cast %swap3A_1120 : vector<1x16xf32> to vector<16xf32>
        %swap3A_1122 = vector.shape_cast %get3A_1102 : vector<16xf32> to vector<1x16xf32>
        tpu.vector_store %arg12[%swap3A_1118, %swap3A_1119], %swap3A_1122 {add = true, strides = array<i32>} : memref<8x1024xf32, #tpu.memory_space<vmem>>, vector<1x16xf32>,
        %get3A_1123 = arith.index_cast %scan3A_236 : i32 to index
        %get3A_1124 = arith.constant 592 : index
        %get3A_1125 = tpu.vector_load %arg7[%get3A_1123, %get3A_1124] {strides = array<i32>} : memref<8x1024xf32, #tpu.memory_space<vmem>>, vector<1x16xf32>,
        %get3A_1126 = vector.shape_cast %get3A_1125 : vector<1x16xf32> to vector<16xf32>
        %swap3A_1127 = arith.index_cast %scan3A_236 : i32 to index
        %swap3A_1128 = arith.constant 592 : index
        %swap3A_1129 = tpu.vector_load %arg9[%swap3A_1127, %swap3A_1128] {strides = array<i32>} : memref<8x1024xf32, #tpu.memory_space<vmem>>, vector<1x16xf32>,
        %swap3A_1130 = vector.shape_cast %swap3A_1129 : vector<1x16xf32> to vector<16xf32>
        %swap3A_1131 = vector.shape_cast %get3A_1126 : vector<16xf32> to vector<1x16xf32>
        tpu.vector_store %arg9[%swap3A_1127, %swap3A_1128], %swap3A_1131 {add = true, strides = array<i32>} : memref<8x1024xf32, #tpu.memory_space<vmem>>, vector<1x16xf32>,
        %swap3A_1132 = arith.index_cast %scan3A_236 : i32 to index
        %swap3A_1133 = arith.constant 592 : index
        %swap3A_1134 = tpu.vector_load %arg10[%swap3A_1132, %swap3A_1133] {strides = array<i32>} : memref<8x1024xf32, #tpu.memory_space<vmem>>, vector<1x16xf32>,
        %swap3A_1135 = vector.shape_cast %swap3A_1134 : vector<1x16xf32> to vector<16xf32>
        %swap3A_1136 = vector.shape_cast %get3A_1126 : vector<16xf32> to vector<1x16xf32>
        tpu.vector_store %arg10[%swap3A_1132, %swap3A_1133], %swap3A_1136 {add = true, strides = array<i32>} : memref<8x1024xf32, #tpu.memory_space<vmem>>, vector<1x16xf32>,
        %swap3A_1137 = arith.index_cast %scan3A_236 : i32 to index
        %swap3A_1138 = arith.constant 592 : index
        %swap3A_1139 = tpu.vector_load %arg11[%swap3A_1137, %swap3A_1138] {strides = array<i32>} : memref<8x1024xf32, #tpu.memory_space<vmem>>, vector<1x16xf32>,
        %swap3A_1140 = vector.shape_cast %swap3A_1139 : vector<1x16xf32> to vector<16xf32>
        %swap3A_1141 = vector.shape_cast %get3A_1126 : vector<16xf32> to vector<1x16xf32>
        tpu.vector_store %arg11[%swap3A_1137, %swap3A_1138], %swap3A_1141 {add = true, strides = array<i32>} : memref<8x1024xf32, #tpu.memory_space<vmem>>, vector<1x16xf32>,
        %swap3A_1142 = arith.index_cast %scan3A_236 : i32 to index
        %swap3A_1143 = arith.constant 592 : index
        %swap3A_1144 = tpu.vector_load %arg12[%swap3A_1142, %swap3A_1143] {strides = array<i32>} : memref<8x1024xf32, #tpu.memory_space<vmem>>, vector<1x16xf32>,
        %swap3A_1145 = vector.shape_cast %swap3A_1144 : vector<1x16xf32> to vector<16xf32>
        %swap3A_1146 = vector.shape_cast %get3A_1126 : vector<16xf32> to vector<1x16xf32>
        tpu.vector_store %arg12[%swap3A_1142, %swap3A_1143], %swap3A_1146 {add = true, strides = array<i32>} : memref<8x1024xf32, #tpu.memory_space<vmem>>, vector<1x16xf32>,
        %get3A_1147 = arith.index_cast %scan3A_236 : i32 to index
        %get3A_1148 = arith.constant 608 : index
        %get3A_1149 = tpu.vector_load %arg7[%get3A_1147, %get3A_1148] {strides = array<i32>} : memref<8x1024xf32, #tpu.memory_space<vmem>>, vector<1x16xf32>,
        %get3A_1150 = vector.shape_cast %get3A_1149 : vector<1x16xf32> to vector<16xf32>
        %swap3A_1151 = arith.index_cast %scan3A_236 : i32 to index
        %swap3A_1152 = arith.constant 608 : index
        %swap3A_1153 = tpu.vector_load %arg9[%swap3A_1151, %swap3A_1152] {strides = array<i32>} : memref<8x1024xf32, #tpu.memory_space<vmem>>, vector<1x16xf32>,
        %swap3A_1154 = vector.shape_cast %swap3A_1153 : vector<1x16xf32> to vector<16xf32>
        %swap3A_1155 = vector.shape_cast %get3A_1150 : vector<16xf32> to vector<1x16xf32>
        tpu.vector_store %arg9[%swap3A_1151, %swap3A_1152], %swap3A_1155 {add = true, strides = array<i32>} : memref<8x1024xf32, #tpu.memory_space<vmem>>, vector<1x16xf32>,
        %swap3A_1156 = arith.index_cast %scan3A_236 : i32 to index
        %swap3A_1157 = arith.constant 608 : index
        %swap3A_1158 = tpu.vector_load %arg10[%swap3A_1156, %swap3A_1157] {strides = array<i32>} : memref<8x1024xf32, #tpu.memory_space<vmem>>, vector<1x16xf32>,
        %swap3A_1159 = vector.shape_cast %swap3A_1158 : vector<1x16xf32> to vector<16xf32>
        %swap3A_1160 = vector.shape_cast %get3A_1150 : vector<16xf32> to vector<1x16xf32>
        tpu.vector_store %arg10[%swap3A_1156, %swap3A_1157], %swap3A_1160 {add = true, strides = array<i32>} : memref<8x1024xf32, #tpu.memory_space<vmem>>, vector<1x16xf32>,
        %swap3A_1161 = arith.index_cast %scan3A_236 : i32 to index
        %swap3A_1162 = arith.constant 608 : index
        %swap3A_1163 = tpu.vector_load %arg11[%swap3A_1161, %swap3A_1162] {strides = array<i32>} : memref<8x1024xf32, #tpu.memory_space<vmem>>, vector<1x16xf32>,
        %swap3A_1164 = vector.shape_cast %swap3A_1163 : vector<1x16xf32> to vector<16xf32>
        %swap3A_1165 = vector.shape_cast %get3A_1150 : vector<16xf32> to vector<1x16xf32>
        tpu.vector_store %arg11[%swap3A_1161, %swap3A_1162], %swap3A_1165 {add = true, strides = array<i32>} : memref<8x1024xf32, #tpu.memory_space<vmem>>, vector<1x16xf32>,
        %swap3A_1166 = arith.index_cast %scan3A_236 : i32 to index
        %swap3A_1167 = arith.constant 608 : index
        %swap3A_1168 = tpu.vector_load %arg12[%swap3A_1166, %swap3A_1167] {strides = array<i32>} : memref<8x1024xf32, #tpu.memory_space<vmem>>, vector<1x16xf32>,
        %swap3A_1169 = vector.shape_cast %swap3A_1168 : vector<1x16xf32> to vector<16xf32>
        %swap3A_1170 = vector.shape_cast %get3A_1150 : vector<16xf32> to vector<1x16xf32>
        tpu.vector_store %arg12[%swap3A_1166, %swap3A_1167], %swap3A_1170 {add = true, strides = array<i32>} : memref<8x1024xf32, #tpu.memory_space<vmem>>, vector<1x16xf32>,
        %get3A_1171 = arith.index_cast %scan3A_236 : i32 to index
        %get3A_1172 = arith.constant 624 : index
        %get3A_1173 = tpu.vector_load %arg7[%get3A_1171, %get3A_1172] {strides = array<i32>} : memref<8x1024xf32, #tpu.memory_space<vmem>>, vector<1x16xf32>,
        %get3A_1174 = vector.shape_cast %get3A_1173 : vector<1x16xf32> to vector<16xf32>
        %swap3A_1175 = arith.index_cast %scan3A_236 : i32 to index
        %swap3A_1176 = arith.constant 624 : index
        %swap3A_1177 = tpu.vector_load %arg9[%swap3A_1175, %swap3A_1176] {strides = array<i32>} : memref<8x1024xf32, #tpu.memory_space<vmem>>, vector<1x16xf32>,
        %swap3A_1178 = vector.shape_cast %swap3A_1177 : vector<1x16xf32> to vector<16xf32>
        %swap3A_1179 = vector.shape_cast %get3A_1174 : vector<16xf32> to vector<1x16xf32>
        tpu.vector_store %arg9[%swap3A_1175, %swap3A_1176], %swap3A_1179 {add = true, strides = array<i32>} : memref<8x1024xf32, #tpu.memory_space<vmem>>, vector<1x16xf32>,
        %swap3A_1180 = arith.index_cast %scan3A_236 : i32 to index
        %swap3A_1181 = arith.constant 624 : index
        %swap3A_1182 = tpu.vector_load %arg10[%swap3A_1180, %swap3A_1181] {strides = array<i32>} : memref<8x1024xf32, #tpu.memory_space<vmem>>, vector<1x16xf32>,
        %swap3A_1183 = vector.shape_cast %swap3A_1182 : vector<1x16xf32> to vector<16xf32>
        %swap3A_1184 = vector.shape_cast %get3A_1174 : vector<16xf32> to vector<1x16xf32>
        tpu.vector_store %arg10[%swap3A_1180, %swap3A_1181], %swap3A_1184 {add = true, strides = array<i32>} : memref<8x1024xf32, #tpu.memory_space<vmem>>, vector<1x16xf32>,
        %swap3A_1185 = arith.index_cast %scan3A_236 : i32 to index
        %swap3A_1186 = arith.constant 624 : index
        %swap3A_1187 = tpu.vector_load %arg11[%swap3A_1185, %swap3A_1186] {strides = array<i32>} : memref<8x1024xf32, #tpu.memory_space<vmem>>, vector<1x16xf32>,
        %swap3A_1188 = vector.shape_cast %swap3A_1187 : vector<1x16xf32> to vector<16xf32>
        %swap3A_1189 = vector.shape_cast %get3A_1174 : vector<16xf32> to vector<1x16xf32>
        tpu.vector_store %arg11[%swap3A_1185, %swap3A_1186], %swap3A_1189 {add = true, strides = array<i32>} : memref<8x1024xf32, #tpu.memory_space<vmem>>, vector<1x16xf32>,
        %swap3A_1190 = arith.index_cast %scan3A_236 : i32 to index
        %swap3A_1191 = arith.constant 624 : index
        %swap3A_1192 = tpu.vector_load %arg12[%swap3A_1190, %swap3A_1191] {strides = array<i32>} : memref<8x1024xf32, #tpu.memory_space<vmem>>, vector<1x16xf32>,
        %swap3A_1193 = vector.shape_cast %swap3A_1192 : vector<1x16xf32> to vector<16xf32>
        %swap3A_1194 = vector.shape_cast %get3A_1174 : vector<16xf32> to vector<1x16xf32>
        tpu.vector_store %arg12[%swap3A_1190, %swap3A_1191], %swap3A_1194 {add = true, strides = array<i32>} : memref<8x1024xf32, #tpu.memory_space<vmem>>, vector<1x16xf32>,
        %get3A_1195 = arith.index_cast %scan3A_236 : i32 to index
        %get3A_1196 = arith.constant 640 : index
        %get3A_1197 = tpu.vector_load %arg7[%get3A_1195, %get3A_1196] {strides = array<i32>} : memref<8x1024xf32, #tpu.memory_space<vmem>>, vector<1x16xf32>,
        %get3A_1198 = vector.shape_cast %get3A_1197 : vector<1x16xf32> to vector<16xf32>
        %swap3A_1199 = arith.index_cast %scan3A_236 : i32 to index
        %swap3A_1200 = arith.constant 640 : index
        %swap3A_1201 = tpu.vector_load %arg9[%swap3A_1199, %swap3A_1200] {strides = array<i32>} : memref<8x1024xf32, #tpu.memory_space<vmem>>, vector<1x16xf32>,
        %swap3A_1202 = vector.shape_cast %swap3A_1201 : vector<1x16xf32> to vector<16xf32>
        %swap3A_1203 = vector.shape_cast %get3A_1198 : vector<16xf32> to vector<1x16xf32>
        tpu.vector_store %arg9[%swap3A_1199, %swap3A_1200], %swap3A_1203 {add = true, strides = array<i32>} : memref<8x1024xf32, #tpu.memory_space<vmem>>, vector<1x16xf32>,
        %swap3A_1204 = arith.index_cast %scan3A_236 : i32 to index
        %swap3A_1205 = arith.constant 640 : index
        %swap3A_1206 = tpu.vector_load %arg10[%swap3A_1204, %swap3A_1205] {strides = array<i32>} : memref<8x1024xf32, #tpu.memory_space<vmem>>, vector<1x16xf32>,
        %swap3A_1207 = vector.shape_cast %swap3A_1206 : vector<1x16xf32> to vector<16xf32>
        %swap3A_1208 = vector.shape_cast %get3A_1198 : vector<16xf32> to vector<1x16xf32>
        tpu.vector_store %arg10[%swap3A_1204, %swap3A_1205], %swap3A_1208 {add = true, strides = array<i32>} : memref<8x1024xf32, #tpu.memory_space<vmem>>, vector<1x16xf32>,
        %swap3A_1209 = arith.index_cast %scan3A_236 : i32 to index
        %swap3A_1210 = arith.constant 640 : index
        %swap3A_1211 = tpu.vector_load %arg11[%swap3A_1209, %swap3A_1210] {strides = array<i32>} : memref<8x1024xf32, #tpu.memory_space<vmem>>, vector<1x16xf32>,
        %swap3A_1212 = vector.shape_cast %swap3A_1211 : vector<1x16xf32> to vector<16xf32>
        %swap3A_1213 = vector.shape_cast %get3A_1198 : vector<16xf32> to vector<1x16xf32>
        tpu.vector_store %arg11[%swap3A_1209, %swap3A_1210], %swap3A_1213 {add = true, strides = array<i32>} : memref<8x1024xf32, #tpu.memory_space<vmem>>, vector<1x16xf32>,
        %swap3A_1214 = arith.index_cast %scan3A_236 : i32 to index
        %swap3A_1215 = arith.constant 640 : index
        %swap3A_1216 = tpu.vector_load %arg12[%swap3A_1214, %swap3A_1215] {strides = array<i32>} : memref<8x1024xf32, #tpu.memory_space<vmem>>, vector<1x16xf32>,
        %swap3A_1217 = vector.shape_cast %swap3A_1216 : vector<1x16xf32> to vector<16xf32>
        %swap3A_1218 = vector.shape_cast %get3A_1198 : vector<16xf32> to vector<1x16xf32>
        tpu.vector_store %arg12[%swap3A_1214, %swap3A_1215], %swap3A_1218 {add = true, strides = array<i32>} : memref<8x1024xf32, #tpu.memory_space<vmem>>, vector<1x16xf32>,
        %get3A_1219 = arith.index_cast %scan3A_236 : i32 to index
        %get3A_1220 = arith.constant 656 : index
        %get3A_1221 = tpu.vector_load %arg7[%get3A_1219, %get3A_1220] {strides = array<i32>} : memref<8x1024xf32, #tpu.memory_space<vmem>>, vector<1x16xf32>,
        %get3A_1222 = vector.shape_cast %get3A_1221 : vector<1x16xf32> to vector<16xf32>
        %swap3A_1223 = arith.index_cast %scan3A_236 : i32 to index
        %swap3A_1224 = arith.constant 656 : index
        %swap3A_1225 = tpu.vector_load %arg9[%swap3A_1223, %swap3A_1224] {strides = array<i32>} : memref<8x1024xf32, #tpu.memory_space<vmem>>, vector<1x16xf32>,
        %swap3A_1226 = vector.shape_cast %swap3A_1225 : vector<1x16xf32> to vector<16xf32>
        %swap3A_1227 = vector.shape_cast %get3A_1222 : vector<16xf32> to vector<1x16xf32>
        tpu.vector_store %arg9[%swap3A_1223, %swap3A_1224], %swap3A_1227 {add = true, strides = array<i32>} : memref<8x1024xf32, #tpu.memory_space<vmem>>, vector<1x16xf32>,
        %swap3A_1228 = arith.index_cast %scan3A_236 : i32 to index
        %swap3A_1229 = arith.constant 656 : index
        %swap3A_1230 = tpu.vector_load %arg10[%swap3A_1228, %swap3A_1229] {strides = array<i32>} : memref<8x1024xf32, #tpu.memory_space<vmem>>, vector<1x16xf32>,
        %swap3A_1231 = vector.shape_cast %swap3A_1230 : vector<1x16xf32> to vector<16xf32>
        %swap3A_1232 = vector.shape_cast %get3A_1222 : vector<16xf32> to vector<1x16xf32>
        tpu.vector_store %arg10[%swap3A_1228, %swap3A_1229], %swap3A_1232 {add = true, strides = array<i32>} : memref<8x1024xf32, #tpu.memory_space<vmem>>, vector<1x16xf32>,
        %swap3A_1233 = arith.index_cast %scan3A_236 : i32 to index
        %swap3A_1234 = arith.constant 656 : index
        %swap3A_1235 = tpu.vector_load %arg11[%swap3A_1233, %swap3A_1234] {strides = array<i32>} : memref<8x1024xf32, #tpu.memory_space<vmem>>, vector<1x16xf32>,
        %swap3A_1236 = vector.shape_cast %swap3A_1235 : vector<1x16xf32> to vector<16xf32>
        %swap3A_1237 = vector.shape_cast %get3A_1222 : vector<16xf32> to vector<1x16xf32>
        tpu.vector_store %arg11[%swap3A_1233, %swap3A_1234], %swap3A_1237 {add = true, strides = array<i32>} : memref<8x1024xf32, #tpu.memory_space<vmem>>, vector<1x16xf32>,
        %swap3A_1238 = arith.index_cast %scan3A_236 : i32 to index
        %swap3A_1239 = arith.constant 656 : index
        %swap3A_1240 = tpu.vector_load %arg12[%swap3A_1238, %swap3A_1239] {strides = array<i32>} : memref<8x1024xf32, #tpu.memory_space<vmem>>, vector<1x16xf32>,
        %swap3A_1241 = vector.shape_cast %swap3A_1240 : vector<1x16xf32> to vector<16xf32>
        %swap3A_1242 = vector.shape_cast %get3A_1222 : vector<16xf32> to vector<1x16xf32>
        tpu.vector_store %arg12[%swap3A_1238, %swap3A_1239], %swap3A_1242 {add = true, strides = array<i32>} : memref<8x1024xf32, #tpu.memory_space<vmem>>, vector<1x16xf32>,
        %get3A_1243 = arith.index_cast %scan3A_236 : i32 to index
        %get3A_1244 = arith.constant 672 : index
        %get3A_1245 = tpu.vector_load %arg7[%get3A_1243, %get3A_1244] {strides = array<i32>} : memref<8x1024xf32, #tpu.memory_space<vmem>>, vector<1x16xf32>,
        %get3A_1246 = vector.shape_cast %get3A_1245 : vector<1x16xf32> to vector<16xf32>
        %swap3A_1247 = arith.index_cast %scan3A_236 : i32 to index
        %swap3A_1248 = arith.constant 672 : index
        %swap3A_1249 = tpu.vector_load %arg9[%swap3A_1247, %swap3A_1248] {strides = array<i32>} : memref<8x1024xf32, #tpu.memory_space<vmem>>, vector<1x16xf32>,
        %swap3A_1250 = vector.shape_cast %swap3A_1249 : vector<1x16xf32> to vector<16xf32>
        %swap3A_1251 = vector.shape_cast %get3A_1246 : vector<16xf32> to vector<1x16xf32>
        tpu.vector_store %arg9[%swap3A_1247, %swap3A_1248], %swap3A_1251 {add = true, strides = array<i32>} : memref<8x1024xf32, #tpu.memory_space<vmem>>, vector<1x16xf32>,
        %swap3A_1252 = arith.index_cast %scan3A_236 : i32 to index
        %swap3A_1253 = arith.constant 672 : index
        %swap3A_1254 = tpu.vector_load %arg10[%swap3A_1252, %swap3A_1253] {strides = array<i32>} : memref<8x1024xf32, #tpu.memory_space<vmem>>, vector<1x16xf32>,
        %swap3A_1255 = vector.shape_cast %swap3A_1254 : vector<1x16xf32> to vector<16xf32>
        %swap3A_1256 = vector.shape_cast %get3A_1246 : vector<16xf32> to vector<1x16xf32>
        tpu.vector_store %arg10[%swap3A_1252, %swap3A_1253], %swap3A_1256 {add = true, strides = array<i32>} : memref<8x1024xf32, #tpu.memory_space<vmem>>, vector<1x16xf32>,
        %swap3A_1257 = arith.index_cast %scan3A_236 : i32 to index
        %swap3A_1258 = arith.constant 672 : index
        %swap3A_1259 = tpu.vector_load %arg11[%swap3A_1257, %swap3A_1258] {strides = array<i32>} : memref<8x1024xf32, #tpu.memory_space<vmem>>, vector<1x16xf32>,
        %swap3A_1260 = vector.shape_cast %swap3A_1259 : vector<1x16xf32> to vector<16xf32>
        %swap3A_1261 = vector.shape_cast %get3A_1246 : vector<16xf32> to vector<1x16xf32>
        tpu.vector_store %arg11[%swap3A_1257, %swap3A_1258], %swap3A_1261 {add = true, strides = array<i32>} : memref<8x1024xf32, #tpu.memory_space<vmem>>, vector<1x16xf32>,
        %swap3A_1262 = arith.index_cast %scan3A_236 : i32 to index
        %swap3A_1263 = arith.constant 672 : index
        %swap3A_1264 = tpu.vector_load %arg12[%swap3A_1262, %swap3A_1263] {strides = array<i32>} : memref<8x1024xf32, #tpu.memory_space<vmem>>, vector<1x16xf32>,
        %swap3A_1265 = vector.shape_cast %swap3A_1264 : vector<1x16xf32> to vector<16xf32>
        %swap3A_1266 = vector.shape_cast %get3A_1246 : vector<16xf32> to vector<1x16xf32>
        tpu.vector_store %arg12[%swap3A_1262, %swap3A_1263], %swap3A_1266 {add = true, strides = array<i32>} : memref<8x1024xf32, #tpu.memory_space<vmem>>, vector<1x16xf32>,
        %get3A_1267 = arith.index_cast %scan3A_236 : i32 to index
        %get3A_1268 = arith.constant 688 : index
        %get3A_1269 = tpu.vector_load %arg7[%get3A_1267, %get3A_1268] {strides = array<i32>} : memref<8x1024xf32, #tpu.memory_space<vmem>>, vector<1x16xf32>,
        %get3A_1270 = vector.shape_cast %get3A_1269 : vector<1x16xf32> to vector<16xf32>
        %swap3A_1271 = arith.index_cast %scan3A_236 : i32 to index
        %swap3A_1272 = arith.constant 688 : index
        %swap3A_1273 = tpu.vector_load %arg9[%swap3A_1271, %swap3A_1272] {strides = array<i32>} : memref<8x1024xf32, #tpu.memory_space<vmem>>, vector<1x16xf32>,
        %swap3A_1274 = vector.shape_cast %swap3A_1273 : vector<1x16xf32> to vector<16xf32>
        %swap3A_1275 = vector.shape_cast %get3A_1270 : vector<16xf32> to vector<1x16xf32>
        tpu.vector_store %arg9[%swap3A_1271, %swap3A_1272], %swap3A_1275 {add = true, strides = array<i32>} : memref<8x1024xf32, #tpu.memory_space<vmem>>, vector<1x16xf32>,
        %swap3A_1276 = arith.index_cast %scan3A_236 : i32 to index
        %swap3A_1277 = arith.constant 688 : index
        %swap3A_1278 = tpu.vector_load %arg10[%swap3A_1276, %swap3A_1277] {strides = array<i32>} : memref<8x1024xf32, #tpu.memory_space<vmem>>, vector<1x16xf32>,
        %swap3A_1279 = vector.shape_cast %swap3A_1278 : vector<1x16xf32> to vector<16xf32>
        %swap3A_1280 = vector.shape_cast %get3A_1270 : vector<16xf32> to vector<1x16xf32>
        tpu.vector_store %arg10[%swap3A_1276, %swap3A_1277], %swap3A_1280 {add = true, strides = array<i32>} : memref<8x1024xf32, #tpu.memory_space<vmem>>, vector<1x16xf32>,
        %swap3A_1281 = arith.index_cast %scan3A_236 : i32 to index
        %swap3A_1282 = arith.constant 688 : index
        %swap3A_1283 = tpu.vector_load %arg11[%swap3A_1281, %swap3A_1282] {strides = array<i32>} : memref<8x1024xf32, #tpu.memory_space<vmem>>, vector<1x16xf32>,
        %swap3A_1284 = vector.shape_cast %swap3A_1283 : vector<1x16xf32> to vector<16xf32>
        %swap3A_1285 = vector.shape_cast %get3A_1270 : vector<16xf32> to vector<1x16xf32>
        tpu.vector_store %arg11[%swap3A_1281, %swap3A_1282], %swap3A_1285 {add = true, strides = array<i32>} : memref<8x1024xf32, #tpu.memory_space<vmem>>, vector<1x16xf32>,
        %swap3A_1286 = arith.index_cast %scan3A_236 : i32 to index
        %swap3A_1287 = arith.constant 688 : index
        %swap3A_1288 = tpu.vector_load %arg12[%swap3A_1286, %swap3A_1287] {strides = array<i32>} : memref<8x1024xf32, #tpu.memory_space<vmem>>, vector<1x16xf32>,
        %swap3A_1289 = vector.shape_cast %swap3A_1288 : vector<1x16xf32> to vector<16xf32>
        %swap3A_1290 = vector.shape_cast %get3A_1270 : vector<16xf32> to vector<1x16xf32>
        tpu.vector_store %arg12[%swap3A_1286, %swap3A_1287], %swap3A_1290 {add = true, strides = array<i32>} : memref<8x1024xf32, #tpu.memory_space<vmem>>, vector<1x16xf32>,
        %get3A_1291 = arith.index_cast %scan3A_236 : i32 to index
        %get3A_1292 = arith.constant 704 : index
        %get3A_1293 = tpu.vector_load %arg7[%get3A_1291, %get3A_1292] {strides = array<i32>} : memref<8x1024xf32, #tpu.memory_space<vmem>>, vector<1x16xf32>,
        %get3A_1294 = vector.shape_cast %get3A_1293 : vector<1x16xf32> to vector<16xf32>
        %swap3A_1295 = arith.index_cast %scan3A_236 : i32 to index
        %swap3A_1296 = arith.constant 704 : index
        %swap3A_1297 = tpu.vector_load %arg9[%swap3A_1295, %swap3A_1296] {strides = array<i32>} : memref<8x1024xf32, #tpu.memory_space<vmem>>, vector<1x16xf32>,
        %swap3A_1298 = vector.shape_cast %swap3A_1297 : vector<1x16xf32> to vector<16xf32>
        %swap3A_1299 = vector.shape_cast %get3A_1294 : vector<16xf32> to vector<1x16xf32>
        tpu.vector_store %arg9[%swap3A_1295, %swap3A_1296], %swap3A_1299 {add = true, strides = array<i32>} : memref<8x1024xf32, #tpu.memory_space<vmem>>, vector<1x16xf32>,
        %swap3A_1300 = arith.index_cast %scan3A_236 : i32 to index
        %swap3A_1301 = arith.constant 704 : index
        %swap3A_1302 = tpu.vector_load %arg10[%swap3A_1300, %swap3A_1301] {strides = array<i32>} : memref<8x1024xf32, #tpu.memory_space<vmem>>, vector<1x16xf32>,
        %swap3A_1303 = vector.shape_cast %swap3A_1302 : vector<1x16xf32> to vector<16xf32>
        %swap3A_1304 = vector.shape_cast %get3A_1294 : vector<16xf32> to vector<1x16xf32>
        tpu.vector_store %arg10[%swap3A_1300, %swap3A_1301], %swap3A_1304 {add = true, strides = array<i32>} : memref<8x1024xf32, #tpu.memory_space<vmem>>, vector<1x16xf32>,
        %swap3A_1305 = arith.index_cast %scan3A_236 : i32 to index
        %swap3A_1306 = arith.constant 704 : index
        %swap3A_1307 = tpu.vector_load %arg11[%swap3A_1305, %swap3A_1306] {strides = array<i32>} : memref<8x1024xf32, #tpu.memory_space<vmem>>, vector<1x16xf32>,
        %swap3A_1308 = vector.shape_cast %swap3A_1307 : vector<1x16xf32> to vector<16xf32>
        %swap3A_1309 = vector.shape_cast %get3A_1294 : vector<16xf32> to vector<1x16xf32>
        tpu.vector_store %arg11[%swap3A_1305, %swap3A_1306], %swap3A_1309 {add = true, strides = array<i32>} : memref<8x1024xf32, #tpu.memory_space<vmem>>, vector<1x16xf32>,
        %swap3A_1310 = arith.index_cast %scan3A_236 : i32 to index
        %swap3A_1311 = arith.constant 704 : index
        %swap3A_1312 = tpu.vector_load %arg12[%swap3A_1310, %swap3A_1311] {strides = array<i32>} : memref<8x1024xf32, #tpu.memory_space<vmem>>, vector<1x16xf32>,
        %swap3A_1313 = vector.shape_cast %swap3A_1312 : vector<1x16xf32> to vector<16xf32>
        %swap3A_1314 = vector.shape_cast %get3A_1294 : vector<16xf32> to vector<1x16xf32>
        tpu.vector_store %arg12[%swap3A_1310, %swap3A_1311], %swap3A_1314 {add = true, strides = array<i32>} : memref<8x1024xf32, #tpu.memory_space<vmem>>, vector<1x16xf32>,
        %get3A_1315 = arith.index_cast %scan3A_236 : i32 to index
        %get3A_1316 = arith.constant 720 : index
        %get3A_1317 = tpu.vector_load %arg7[%get3A_1315, %get3A_1316] {strides = array<i32>} : memref<8x1024xf32, #tpu.memory_space<vmem>>, vector<1x16xf32>,
        %get3A_1318 = vector.shape_cast %get3A_1317 : vector<1x16xf32> to vector<16xf32>
        %swap3A_1319 = arith.index_cast %scan3A_236 : i32 to index
        %swap3A_1320 = arith.constant 720 : index
        %swap3A_1321 = tpu.vector_load %arg9[%swap3A_1319, %swap3A_1320] {strides = array<i32>} : memref<8x1024xf32, #tpu.memory_space<vmem>>, vector<1x16xf32>,
        %swap3A_1322 = vector.shape_cast %swap3A_1321 : vector<1x16xf32> to vector<16xf32>
        %swap3A_1323 = vector.shape_cast %get3A_1318 : vector<16xf32> to vector<1x16xf32>
        tpu.vector_store %arg9[%swap3A_1319, %swap3A_1320], %swap3A_1323 {add = true, strides = array<i32>} : memref<8x1024xf32, #tpu.memory_space<vmem>>, vector<1x16xf32>,
        %swap3A_1324 = arith.index_cast %scan3A_236 : i32 to index
        %swap3A_1325 = arith.constant 720 : index
        %swap3A_1326 = tpu.vector_load %arg10[%swap3A_1324, %swap3A_1325] {strides = array<i32>} : memref<8x1024xf32, #tpu.memory_space<vmem>>, vector<1x16xf32>,
        %swap3A_1327 = vector.shape_cast %swap3A_1326 : vector<1x16xf32> to vector<16xf32>
        %swap3A_1328 = vector.shape_cast %get3A_1318 : vector<16xf32> to vector<1x16xf32>
        tpu.vector_store %arg10[%swap3A_1324, %swap3A_1325], %swap3A_1328 {add = true, strides = array<i32>} : memref<8x1024xf32, #tpu.memory_space<vmem>>, vector<1x16xf32>,
        %swap3A_1329 = arith.index_cast %scan3A_236 : i32 to index
        %swap3A_1330 = arith.constant 720 : index
        %swap3A_1331 = tpu.vector_load %arg11[%swap3A_1329, %swap3A_1330] {strides = array<i32>} : memref<8x1024xf32, #tpu.memory_space<vmem>>, vector<1x16xf32>,
        %swap3A_1332 = vector.shape_cast %swap3A_1331 : vector<1x16xf32> to vector<16xf32>
        %swap3A_1333 = vector.shape_cast %get3A_1318 : vector<16xf32> to vector<1x16xf32>
        tpu.vector_store %arg11[%swap3A_1329, %swap3A_1330], %swap3A_1333 {add = true, strides = array<i32>} : memref<8x1024xf32, #tpu.memory_space<vmem>>, vector<1x16xf32>,
        %swap3A_1334 = arith.index_cast %scan3A_236 : i32 to index
        %swap3A_1335 = arith.constant 720 : index
        %swap3A_1336 = tpu.vector_load %arg12[%swap3A_1334, %swap3A_1335] {strides = array<i32>} : memref<8x1024xf32, #tpu.memory_space<vmem>>, vector<1x16xf32>,
        %swap3A_1337 = vector.shape_cast %swap3A_1336 : vector<1x16xf32> to vector<16xf32>
        %swap3A_1338 = vector.shape_cast %get3A_1318 : vector<16xf32> to vector<1x16xf32>
        tpu.vector_store %arg12[%swap3A_1334, %swap3A_1335], %swap3A_1338 {add = true, strides = array<i32>} : memref<8x1024xf32, #tpu.memory_space<vmem>>, vector<1x16xf32>,
        %get3A_1339 = arith.index_cast %scan3A_236 : i32 to index
        %get3A_1340 = arith.constant 736 : index
        %get3A_1341 = tpu.vector_load %arg7[%get3A_1339, %get3A_1340] {strides = array<i32>} : memref<8x1024xf32, #tpu.memory_space<vmem>>, vector<1x16xf32>,
        %get3A_1342 = vector.shape_cast %get3A_1341 : vector<1x16xf32> to vector<16xf32>
        %swap3A_1343 = arith.index_cast %scan3A_236 : i32 to index
        %swap3A_1344 = arith.constant 736 : index
        %swap3A_1345 = tpu.vector_load %arg9[%swap3A_1343, %swap3A_1344] {strides = array<i32>} : memref<8x1024xf32, #tpu.memory_space<vmem>>, vector<1x16xf32>,
        %swap3A_1346 = vector.shape_cast %swap3A_1345 : vector<1x16xf32> to vector<16xf32>
        %swap3A_1347 = vector.shape_cast %get3A_1342 : vector<16xf32> to vector<1x16xf32>
        tpu.vector_store %arg9[%swap3A_1343, %swap3A_1344], %swap3A_1347 {add = true, strides = array<i32>} : memref<8x1024xf32, #tpu.memory_space<vmem>>, vector<1x16xf32>,
        %swap3A_1348 = arith.index_cast %scan3A_236 : i32 to index
        %swap3A_1349 = arith.constant 736 : index
        %swap3A_1350 = tpu.vector_load %arg10[%swap3A_1348, %swap3A_1349] {strides = array<i32>} : memref<8x1024xf32, #tpu.memory_space<vmem>>, vector<1x16xf32>,
        %swap3A_1351 = vector.shape_cast %swap3A_1350 : vector<1x16xf32> to vector<16xf32>
        %swap3A_1352 = vector.shape_cast %get3A_1342 : vector<16xf32> to vector<1x16xf32>
        tpu.vector_store %arg10[%swap3A_1348, %swap3A_1349], %swap3A_1352 {add = true, strides = array<i32>} : memref<8x1024xf32, #tpu.memory_space<vmem>>, vector<1x16xf32>,
        %swap3A_1353 = arith.index_cast %scan3A_236 : i32 to index
        %swap3A_1354 = arith.constant 736 : index
        %swap3A_1355 = tpu.vector_load %arg11[%swap3A_1353, %swap3A_1354] {strides = array<i32>} : memref<8x1024xf32, #tpu.memory_space<vmem>>, vector<1x16xf32>,
        %swap3A_1356 = vector.shape_cast %swap3A_1355 : vector<1x16xf32> to vector<16xf32>
        %swap3A_1357 = vector.shape_cast %get3A_1342 : vector<16xf32> to vector<1x16xf32>
        tpu.vector_store %arg11[%swap3A_1353, %swap3A_1354], %swap3A_1357 {add = true, strides = array<i32>} : memref<8x1024xf32, #tpu.memory_space<vmem>>, vector<1x16xf32>,
        %swap3A_1358 = arith.index_cast %scan3A_236 : i32 to index
        %swap3A_1359 = arith.constant 736 : index
        %swap3A_1360 = tpu.vector_load %arg12[%swap3A_1358, %swap3A_1359] {strides = array<i32>} : memref<8x1024xf32, #tpu.memory_space<vmem>>, vector<1x16xf32>,
        %swap3A_1361 = vector.shape_cast %swap3A_1360 : vector<1x16xf32> to vector<16xf32>
        %swap3A_1362 = vector.shape_cast %get3A_1342 : vector<16xf32> to vector<1x16xf32>
        tpu.vector_store %arg12[%swap3A_1358, %swap3A_1359], %swap3A_1362 {add = true, strides = array<i32>} : memref<8x1024xf32, #tpu.memory_space<vmem>>, vector<1x16xf32>,
        %get3A_1363 = arith.index_cast %scan3A_236 : i32 to index
        %get3A_1364 = arith.constant 752 : index
        %get3A_1365 = tpu.vector_load %arg7[%get3A_1363, %get3A_1364] {strides = array<i32>} : memref<8x1024xf32, #tpu.memory_space<vmem>>, vector<1x16xf32>,
        %get3A_1366 = vector.shape_cast %get3A_1365 : vector<1x16xf32> to vector<16xf32>
        %swap3A_1367 = arith.index_cast %scan3A_236 : i32 to index
        %swap3A_1368 = arith.constant 752 : index
        %swap3A_1369 = tpu.vector_load %arg9[%swap3A_1367, %swap3A_1368] {strides = array<i32>} : memref<8x1024xf32, #tpu.memory_space<vmem>>, vector<1x16xf32>,
        %swap3A_1370 = vector.shape_cast %swap3A_1369 : vector<1x16xf32> to vector<16xf32>
        %swap3A_1371 = vector.shape_cast %get3A_1366 : vector<16xf32> to vector<1x16xf32>
        tpu.vector_store %arg9[%swap3A_1367, %swap3A_1368], %swap3A_1371 {add = true, strides = array<i32>} : memref<8x1024xf32, #tpu.memory_space<vmem>>, vector<1x16xf32>,
        %swap3A_1372 = arith.index_cast %scan3A_236 : i32 to index
        %swap3A_1373 = arith.constant 752 : index
        %swap3A_1374 = tpu.vector_load %arg10[%swap3A_1372, %swap3A_1373] {strides = array<i32>} : memref<8x1024xf32, #tpu.memory_space<vmem>>, vector<1x16xf32>,
        %swap3A_1375 = vector.shape_cast %swap3A_1374 : vector<1x16xf32> to vector<16xf32>
        %swap3A_1376 = vector.shape_cast %get3A_1366 : vector<16xf32> to vector<1x16xf32>
        tpu.vector_store %arg10[%swap3A_1372, %swap3A_1373], %swap3A_1376 {add = true, strides = array<i32>} : memref<8x1024xf32, #tpu.memory_space<vmem>>, vector<1x16xf32>,
        %swap3A_1377 = arith.index_cast %scan3A_236 : i32 to index
        %swap3A_1378 = arith.constant 752 : index
        %swap3A_1379 = tpu.vector_load %arg11[%swap3A_1377, %swap3A_1378] {strides = array<i32>} : memref<8x1024xf32, #tpu.memory_space<vmem>>, vector<1x16xf32>,
        %swap3A_1380 = vector.shape_cast %swap3A_1379 : vector<1x16xf32> to vector<16xf32>
        %swap3A_1381 = vector.shape_cast %get3A_1366 : vector<16xf32> to vector<1x16xf32>
        tpu.vector_store %arg11[%swap3A_1377, %swap3A_1378], %swap3A_1381 {add = true, strides = array<i32>} : memref<8x1024xf32, #tpu.memory_space<vmem>>, vector<1x16xf32>,
        %swap3A_1382 = arith.index_cast %scan3A_236 : i32 to index
        %swap3A_1383 = arith.constant 752 : index
        %swap3A_1384 = tpu.vector_load %arg12[%swap3A_1382, %swap3A_1383] {strides = array<i32>} : memref<8x1024xf32, #tpu.memory_space<vmem>>, vector<1x16xf32>,
        %swap3A_1385 = vector.shape_cast %swap3A_1384 : vector<1x16xf32> to vector<16xf32>
        %swap3A_1386 = vector.shape_cast %get3A_1366 : vector<16xf32> to vector<1x16xf32>
        tpu.vector_store %arg12[%swap3A_1382, %swap3A_1383], %swap3A_1386 {add = true, strides = array<i32>} : memref<8x1024xf32, #tpu.memory_space<vmem>>, vector<1x16xf32>,
        %get3A_1387 = arith.index_cast %scan3A_236 : i32 to index
        %get3A_1388 = arith.constant 768 : index
        %get3A_1389 = tpu.vector_load %arg7[%get3A_1387, %get3A_1388] {strides = array<i32>} : memref<8x1024xf32, #tpu.memory_space<vmem>>, vector<1x16xf32>,
        %get3A_1390 = vector.shape_cast %get3A_1389 : vector<1x16xf32> to vector<16xf32>
        %swap3A_1391 = arith.index_cast %scan3A_236 : i32 to index
        %swap3A_1392 = arith.constant 768 : index
        %swap3A_1393 = tpu.vector_load %arg9[%swap3A_1391, %swap3A_1392] {strides = array<i32>} : memref<8x1024xf32, #tpu.memory_space<vmem>>, vector<1x16xf32>,
        %swap3A_1394 = vector.shape_cast %swap3A_1393 : vector<1x16xf32> to vector<16xf32>
        %swap3A_1395 = vector.shape_cast %get3A_1390 : vector<16xf32> to vector<1x16xf32>
        tpu.vector_store %arg9[%swap3A_1391, %swap3A_1392], %swap3A_1395 {add = true, strides = array<i32>} : memref<8x1024xf32, #tpu.memory_space<vmem>>, vector<1x16xf32>,
        %swap3A_1396 = arith.index_cast %scan3A_236 : i32 to index
        %swap3A_1397 = arith.constant 768 : index
        %swap3A_1398 = tpu.vector_load %arg10[%swap3A_1396, %swap3A_1397] {strides = array<i32>} : memref<8x1024xf32, #tpu.memory_space<vmem>>, vector<1x16xf32>,
        %swap3A_1399 = vector.shape_cast %swap3A_1398 : vector<1x16xf32> to vector<16xf32>
        %swap3A_1400 = vector.shape_cast %get3A_1390 : vector<16xf32> to vector<1x16xf32>
        tpu.vector_store %arg10[%swap3A_1396, %swap3A_1397], %swap3A_1400 {add = true, strides = array<i32>} : memref<8x1024xf32, #tpu.memory_space<vmem>>, vector<1x16xf32>,
        %swap3A_1401 = arith.index_cast %scan3A_236 : i32 to index
        %swap3A_1402 = arith.constant 768 : index
        %swap3A_1403 = tpu.vector_load %arg11[%swap3A_1401, %swap3A_1402] {strides = array<i32>} : memref<8x1024xf32, #tpu.memory_space<vmem>>, vector<1x16xf32>,
        %swap3A_1404 = vector.shape_cast %swap3A_1403 : vector<1x16xf32> to vector<16xf32>
        %swap3A_1405 = vector.shape_cast %get3A_1390 : vector<16xf32> to vector<1x16xf32>
        tpu.vector_store %arg11[%swap3A_1401, %swap3A_1402], %swap3A_1405 {add = true, strides = array<i32>} : memref<8x1024xf32, #tpu.memory_space<vmem>>, vector<1x16xf32>,
        %swap3A_1406 = arith.index_cast %scan3A_236 : i32 to index
        %swap3A_1407 = arith.constant 768 : index
        %swap3A_1408 = tpu.vector_load %arg12[%swap3A_1406, %swap3A_1407] {strides = array<i32>} : memref<8x1024xf32, #tpu.memory_space<vmem>>, vector<1x16xf32>,
        %swap3A_1409 = vector.shape_cast %swap3A_1408 : vector<1x16xf32> to vector<16xf32>
        %swap3A_1410 = vector.shape_cast %get3A_1390 : vector<16xf32> to vector<1x16xf32>
        tpu.vector_store %arg12[%swap3A_1406, %swap3A_1407], %swap3A_1410 {add = true, strides = array<i32>} : memref<8x1024xf32, #tpu.memory_space<vmem>>, vector<1x16xf32>,
        %get3A_1411 = arith.index_cast %scan3A_236 : i32 to index
        %get3A_1412 = arith.constant 784 : index
        %get3A_1413 = tpu.vector_load %arg7[%get3A_1411, %get3A_1412] {strides = array<i32>} : memref<8x1024xf32, #tpu.memory_space<vmem>>, vector<1x16xf32>,
        %get3A_1414 = vector.shape_cast %get3A_1413 : vector<1x16xf32> to vector<16xf32>
        %swap3A_1415 = arith.index_cast %scan3A_236 : i32 to index
        %swap3A_1416 = arith.constant 784 : index
        %swap3A_1417 = tpu.vector_load %arg9[%swap3A_1415, %swap3A_1416] {strides = array<i32>} : memref<8x1024xf32, #tpu.memory_space<vmem>>, vector<1x16xf32>,
        %swap3A_1418 = vector.shape_cast %swap3A_1417 : vector<1x16xf32> to vector<16xf32>
        %swap3A_1419 = vector.shape_cast %get3A_1414 : vector<16xf32> to vector<1x16xf32>
        tpu.vector_store %arg9[%swap3A_1415, %swap3A_1416], %swap3A_1419 {add = true, strides = array<i32>} : memref<8x1024xf32, #tpu.memory_space<vmem>>, vector<1x16xf32>,
        %swap3A_1420 = arith.index_cast %scan3A_236 : i32 to index
        %swap3A_1421 = arith.constant 784 : index
        %swap3A_1422 = tpu.vector_load %arg10[%swap3A_1420, %swap3A_1421] {strides = array<i32>} : memref<8x1024xf32, #tpu.memory_space<vmem>>, vector<1x16xf32>,
        %swap3A_1423 = vector.shape_cast %swap3A_1422 : vector<1x16xf32> to vector<16xf32>
        %swap3A_1424 = vector.shape_cast %get3A_1414 : vector<16xf32> to vector<1x16xf32>
        tpu.vector_store %arg10[%swap3A_1420, %swap3A_1421], %swap3A_1424 {add = true, strides = array<i32>} : memref<8x1024xf32, #tpu.memory_space<vmem>>, vector<1x16xf32>,
        %swap3A_1425 = arith.index_cast %scan3A_236 : i32 to index
        %swap3A_1426 = arith.constant 784 : index
        %swap3A_1427 = tpu.vector_load %arg11[%swap3A_1425, %swap3A_1426] {strides = array<i32>} : memref<8x1024xf32, #tpu.memory_space<vmem>>, vector<1x16xf32>,
        %swap3A_1428 = vector.shape_cast %swap3A_1427 : vector<1x16xf32> to vector<16xf32>
        %swap3A_1429 = vector.shape_cast %get3A_1414 : vector<16xf32> to vector<1x16xf32>
        tpu.vector_store %arg11[%swap3A_1425, %swap3A_1426], %swap3A_1429 {add = true, strides = array<i32>} : memref<8x1024xf32, #tpu.memory_space<vmem>>, vector<1x16xf32>,
        %swap3A_1430 = arith.index_cast %scan3A_236 : i32 to index
        %swap3A_1431 = arith.constant 784 : index
        %swap3A_1432 = tpu.vector_load %arg12[%swap3A_1430, %swap3A_1431] {strides = array<i32>} : memref<8x1024xf32, #tpu.memory_space<vmem>>, vector<1x16xf32>,
        %swap3A_1433 = vector.shape_cast %swap3A_1432 : vector<1x16xf32> to vector<16xf32>
        %swap3A_1434 = vector.shape_cast %get3A_1414 : vector<16xf32> to vector<1x16xf32>
        tpu.vector_store %arg12[%swap3A_1430, %swap3A_1431], %swap3A_1434 {add = true, strides = array<i32>} : memref<8x1024xf32, #tpu.memory_space<vmem>>, vector<1x16xf32>,
        %get3A_1435 = arith.index_cast %scan3A_236 : i32 to index
        %get3A_1436 = arith.constant 800 : index
        %get3A_1437 = tpu.vector_load %arg7[%get3A_1435, %get3A_1436] {strides = array<i32>} : memref<8x1024xf32, #tpu.memory_space<vmem>>, vector<1x16xf32>,
        %get3A_1438 = vector.shape_cast %get3A_1437 : vector<1x16xf32> to vector<16xf32>
        %swap3A_1439 = arith.index_cast %scan3A_236 : i32 to index
        %swap3A_1440 = arith.constant 800 : index
        %swap3A_1441 = tpu.vector_load %arg9[%swap3A_1439, %swap3A_1440] {strides = array<i32>} : memref<8x1024xf32, #tpu.memory_space<vmem>>, vector<1x16xf32>,
        %swap3A_1442 = vector.shape_cast %swap3A_1441 : vector<1x16xf32> to vector<16xf32>
        %swap3A_1443 = vector.shape_cast %get3A_1438 : vector<16xf32> to vector<1x16xf32>
        tpu.vector_store %arg9[%swap3A_1439, %swap3A_1440], %swap3A_1443 {add = true, strides = array<i32>} : memref<8x1024xf32, #tpu.memory_space<vmem>>, vector<1x16xf32>,
        %swap3A_1444 = arith.index_cast %scan3A_236 : i32 to index
        %swap3A_1445 = arith.constant 800 : index
        %swap3A_1446 = tpu.vector_load %arg10[%swap3A_1444, %swap3A_1445] {strides = array<i32>} : memref<8x1024xf32, #tpu.memory_space<vmem>>, vector<1x16xf32>,
        %swap3A_1447 = vector.shape_cast %swap3A_1446 : vector<1x16xf32> to vector<16xf32>
        %swap3A_1448 = vector.shape_cast %get3A_1438 : vector<16xf32> to vector<1x16xf32>
        tpu.vector_store %arg10[%swap3A_1444, %swap3A_1445], %swap3A_1448 {add = true, strides = array<i32>} : memref<8x1024xf32, #tpu.memory_space<vmem>>, vector<1x16xf32>,
        %swap3A_1449 = arith.index_cast %scan3A_236 : i32 to index
        %swap3A_1450 = arith.constant 800 : index
        %swap3A_1451 = tpu.vector_load %arg11[%swap3A_1449, %swap3A_1450] {strides = array<i32>} : memref<8x1024xf32, #tpu.memory_space<vmem>>, vector<1x16xf32>,
        %swap3A_1452 = vector.shape_cast %swap3A_1451 : vector<1x16xf32> to vector<16xf32>
        %swap3A_1453 = vector.shape_cast %get3A_1438 : vector<16xf32> to vector<1x16xf32>
        tpu.vector_store %arg11[%swap3A_1449, %swap3A_1450], %swap3A_1453 {add = true, strides = array<i32>} : memref<8x1024xf32, #tpu.memory_space<vmem>>, vector<1x16xf32>,
        %swap3A_1454 = arith.index_cast %scan3A_236 : i32 to index
        %swap3A_1455 = arith.constant 800 : index
        %swap3A_1456 = tpu.vector_load %arg12[%swap3A_1454, %swap3A_1455] {strides = array<i32>} : memref<8x1024xf32, #tpu.memory_space<vmem>>, vector<1x16xf32>,
        %swap3A_1457 = vector.shape_cast %swap3A_1456 : vector<1x16xf32> to vector<16xf32>
        %swap3A_1458 = vector.shape_cast %get3A_1438 : vector<16xf32> to vector<1x16xf32>
        tpu.vector_store %arg12[%swap3A_1454, %swap3A_1455], %swap3A_1458 {add = true, strides = array<i32>} : memref<8x1024xf32, #tpu.memory_space<vmem>>, vector<1x16xf32>,
        %get3A_1459 = arith.index_cast %scan3A_236 : i32 to index
        %get3A_1460 = arith.constant 816 : index
        %get3A_1461 = tpu.vector_load %arg7[%get3A_1459, %get3A_1460] {strides = array<i32>} : memref<8x1024xf32, #tpu.memory_space<vmem>>, vector<1x16xf32>,
        %get3A_1462 = vector.shape_cast %get3A_1461 : vector<1x16xf32> to vector<16xf32>
        %swap3A_1463 = arith.index_cast %scan3A_236 : i32 to index
        %swap3A_1464 = arith.constant 816 : index
        %swap3A_1465 = tpu.vector_load %arg9[%swap3A_1463, %swap3A_1464] {strides = array<i32>} : memref<8x1024xf32, #tpu.memory_space<vmem>>, vector<1x16xf32>,
        %swap3A_1466 = vector.shape_cast %swap3A_1465 : vector<1x16xf32> to vector<16xf32>
        %swap3A_1467 = vector.shape_cast %get3A_1462 : vector<16xf32> to vector<1x16xf32>
        tpu.vector_store %arg9[%swap3A_1463, %swap3A_1464], %swap3A_1467 {add = true, strides = array<i32>} : memref<8x1024xf32, #tpu.memory_space<vmem>>, vector<1x16xf32>,
        %swap3A_1468 = arith.index_cast %scan3A_236 : i32 to index
        %swap3A_1469 = arith.constant 816 : index
        %swap3A_1470 = tpu.vector_load %arg10[%swap3A_1468, %swap3A_1469] {strides = array<i32>} : memref<8x1024xf32, #tpu.memory_space<vmem>>, vector<1x16xf32>,
        %swap3A_1471 = vector.shape_cast %swap3A_1470 : vector<1x16xf32> to vector<16xf32>
        %swap3A_1472 = vector.shape_cast %get3A_1462 : vector<16xf32> to vector<1x16xf32>
        tpu.vector_store %arg10[%swap3A_1468, %swap3A_1469], %swap3A_1472 {add = true, strides = array<i32>} : memref<8x1024xf32, #tpu.memory_space<vmem>>, vector<1x16xf32>,
        %swap3A_1473 = arith.index_cast %scan3A_236 : i32 to index
        %swap3A_1474 = arith.constant 816 : index
        %swap3A_1475 = tpu.vector_load %arg11[%swap3A_1473, %swap3A_1474] {strides = array<i32>} : memref<8x1024xf32, #tpu.memory_space<vmem>>, vector<1x16xf32>,
        %swap3A_1476 = vector.shape_cast %swap3A_1475 : vector<1x16xf32> to vector<16xf32>
        %swap3A_1477 = vector.shape_cast %get3A_1462 : vector<16xf32> to vector<1x16xf32>
        tpu.vector_store %arg11[%swap3A_1473, %swap3A_1474], %swap3A_1477 {add = true, strides = array<i32>} : memref<8x1024xf32, #tpu.memory_space<vmem>>, vector<1x16xf32>,
        %swap3A_1478 = arith.index_cast %scan3A_236 : i32 to index
        %swap3A_1479 = arith.constant 816 : index
        %swap3A_1480 = tpu.vector_load %arg12[%swap3A_1478, %swap3A_1479] {strides = array<i32>} : memref<8x1024xf32, #tpu.memory_space<vmem>>, vector<1x16xf32>,
        %swap3A_1481 = vector.shape_cast %swap3A_1480 : vector<1x16xf32> to vector<16xf32>
        %swap3A_1482 = vector.shape_cast %get3A_1462 : vector<16xf32> to vector<1x16xf32>
        tpu.vector_store %arg12[%swap3A_1478, %swap3A_1479], %swap3A_1482 {add = true, strides = array<i32>} : memref<8x1024xf32, #tpu.memory_space<vmem>>, vector<1x16xf32>,
        %get3A_1483 = arith.index_cast %scan3A_236 : i32 to index
        %get3A_1484 = arith.constant 832 : index
        %get3A_1485 = tpu.vector_load %arg7[%get3A_1483, %get3A_1484] {strides = array<i32>} : memref<8x1024xf32, #tpu.memory_space<vmem>>, vector<1x16xf32>,
        %get3A_1486 = vector.shape_cast %get3A_1485 : vector<1x16xf32> to vector<16xf32>
        %swap3A_1487 = arith.index_cast %scan3A_236 : i32 to index
        %swap3A_1488 = arith.constant 832 : index
        %swap3A_1489 = tpu.vector_load %arg9[%swap3A_1487, %swap3A_1488] {strides = array<i32>} : memref<8x1024xf32, #tpu.memory_space<vmem>>, vector<1x16xf32>,
        %swap3A_1490 = vector.shape_cast %swap3A_1489 : vector<1x16xf32> to vector<16xf32>
        %swap3A_1491 = vector.shape_cast %get3A_1486 : vector<16xf32> to vector<1x16xf32>
        tpu.vector_store %arg9[%swap3A_1487, %swap3A_1488], %swap3A_1491 {add = true, strides = array<i32>} : memref<8x1024xf32, #tpu.memory_space<vmem>>, vector<1x16xf32>,
        %swap3A_1492 = arith.index_cast %scan3A_236 : i32 to index
        %swap3A_1493 = arith.constant 832 : index
        %swap3A_1494 = tpu.vector_load %arg10[%swap3A_1492, %swap3A_1493] {strides = array<i32>} : memref<8x1024xf32, #tpu.memory_space<vmem>>, vector<1x16xf32>,
        %swap3A_1495 = vector.shape_cast %swap3A_1494 : vector<1x16xf32> to vector<16xf32>
        %swap3A_1496 = vector.shape_cast %get3A_1486 : vector<16xf32> to vector<1x16xf32>
        tpu.vector_store %arg10[%swap3A_1492, %swap3A_1493], %swap3A_1496 {add = true, strides = array<i32>} : memref<8x1024xf32, #tpu.memory_space<vmem>>, vector<1x16xf32>,
        %swap3A_1497 = arith.index_cast %scan3A_236 : i32 to index
        %swap3A_1498 = arith.constant 832 : index
        %swap3A_1499 = tpu.vector_load %arg11[%swap3A_1497, %swap3A_1498] {strides = array<i32>} : memref<8x1024xf32, #tpu.memory_space<vmem>>, vector<1x16xf32>,
        %swap3A_1500 = vector.shape_cast %swap3A_1499 : vector<1x16xf32> to vector<16xf32>
        %swap3A_1501 = vector.shape_cast %get3A_1486 : vector<16xf32> to vector<1x16xf32>
        tpu.vector_store %arg11[%swap3A_1497, %swap3A_1498], %swap3A_1501 {add = true, strides = array<i32>} : memref<8x1024xf32, #tpu.memory_space<vmem>>, vector<1x16xf32>,
        %swap3A_1502 = arith.index_cast %scan3A_236 : i32 to index
        %swap3A_1503 = arith.constant 832 : index
        %swap3A_1504 = tpu.vector_load %arg12[%swap3A_1502, %swap3A_1503] {strides = array<i32>} : memref<8x1024xf32, #tpu.memory_space<vmem>>, vector<1x16xf32>,
        %swap3A_1505 = vector.shape_cast %swap3A_1504 : vector<1x16xf32> to vector<16xf32>
        %swap3A_1506 = vector.shape_cast %get3A_1486 : vector<16xf32> to vector<1x16xf32>
        tpu.vector_store %arg12[%swap3A_1502, %swap3A_1503], %swap3A_1506 {add = true, strides = array<i32>} : memref<8x1024xf32, #tpu.memory_space<vmem>>, vector<1x16xf32>,
        %get3A_1507 = arith.index_cast %scan3A_236 : i32 to index
        %get3A_1508 = arith.constant 848 : index
        %get3A_1509 = tpu.vector_load %arg7[%get3A_1507, %get3A_1508] {strides = array<i32>} : memref<8x1024xf32, #tpu.memory_space<vmem>>, vector<1x16xf32>,
        %get3A_1510 = vector.shape_cast %get3A_1509 : vector<1x16xf32> to vector<16xf32>
        %swap3A_1511 = arith.index_cast %scan3A_236 : i32 to index
        %swap3A_1512 = arith.constant 848 : index
        %swap3A_1513 = tpu.vector_load %arg9[%swap3A_1511, %swap3A_1512] {strides = array<i32>} : memref<8x1024xf32, #tpu.memory_space<vmem>>, vector<1x16xf32>,
        %swap3A_1514 = vector.shape_cast %swap3A_1513 : vector<1x16xf32> to vector<16xf32>
        %swap3A_1515 = vector.shape_cast %get3A_1510 : vector<16xf32> to vector<1x16xf32>
        tpu.vector_store %arg9[%swap3A_1511, %swap3A_1512], %swap3A_1515 {add = true, strides = array<i32>} : memref<8x1024xf32, #tpu.memory_space<vmem>>, vector<1x16xf32>,
        %swap3A_1516 = arith.index_cast %scan3A_236 : i32 to index
        %swap3A_1517 = arith.constant 848 : index
        %swap3A_1518 = tpu.vector_load %arg10[%swap3A_1516, %swap3A_1517] {strides = array<i32>} : memref<8x1024xf32, #tpu.memory_space<vmem>>, vector<1x16xf32>,
        %swap3A_1519 = vector.shape_cast %swap3A_1518 : vector<1x16xf32> to vector<16xf32>
        %swap3A_1520 = vector.shape_cast %get3A_1510 : vector<16xf32> to vector<1x16xf32>
        tpu.vector_store %arg10[%swap3A_1516, %swap3A_1517], %swap3A_1520 {add = true, strides = array<i32>} : memref<8x1024xf32, #tpu.memory_space<vmem>>, vector<1x16xf32>,
        %swap3A_1521 = arith.index_cast %scan3A_236 : i32 to index
        %swap3A_1522 = arith.constant 848 : index
        %swap3A_1523 = tpu.vector_load %arg11[%swap3A_1521, %swap3A_1522] {strides = array<i32>} : memref<8x1024xf32, #tpu.memory_space<vmem>>, vector<1x16xf32>,
        %swap3A_1524 = vector.shape_cast %swap3A_1523 : vector<1x16xf32> to vector<16xf32>
        %swap3A_1525 = vector.shape_cast %get3A_1510 : vector<16xf32> to vector<1x16xf32>
        tpu.vector_store %arg11[%swap3A_1521, %swap3A_1522], %swap3A_1525 {add = true, strides = array<i32>} : memref<8x1024xf32, #tpu.memory_space<vmem>>, vector<1x16xf32>,
        %swap3A_1526 = arith.index_cast %scan3A_236 : i32 to index
        %swap3A_1527 = arith.constant 848 : index
        %swap3A_1528 = tpu.vector_load %arg12[%swap3A_1526, %swap3A_1527] {strides = array<i32>} : memref<8x1024xf32, #tpu.memory_space<vmem>>, vector<1x16xf32>,
        %swap3A_1529 = vector.shape_cast %swap3A_1528 : vector<1x16xf32> to vector<16xf32>
        %swap3A_1530 = vector.shape_cast %get3A_1510 : vector<16xf32> to vector<1x16xf32>
        tpu.vector_store %arg12[%swap3A_1526, %swap3A_1527], %swap3A_1530 {add = true, strides = array<i32>} : memref<8x1024xf32, #tpu.memory_space<vmem>>, vector<1x16xf32>,
        %get3A_1531 = arith.index_cast %scan3A_236 : i32 to index
        %get3A_1532 = arith.constant 864 : index
        %get3A_1533 = tpu.vector_load %arg7[%get3A_1531, %get3A_1532] {strides = array<i32>} : memref<8x1024xf32, #tpu.memory_space<vmem>>, vector<1x16xf32>,
        %get3A_1534 = vector.shape_cast %get3A_1533 : vector<1x16xf32> to vector<16xf32>
        %swap3A_1535 = arith.index_cast %scan3A_236 : i32 to index
        %swap3A_1536 = arith.constant 864 : index
        %swap3A_1537 = tpu.vector_load %arg9[%swap3A_1535, %swap3A_1536] {strides = array<i32>} : memref<8x1024xf32, #tpu.memory_space<vmem>>, vector<1x16xf32>,
        %swap3A_1538 = vector.shape_cast %swap3A_1537 : vector<1x16xf32> to vector<16xf32>
        %swap3A_1539 = vector.shape_cast %get3A_1534 : vector<16xf32> to vector<1x16xf32>
        tpu.vector_store %arg9[%swap3A_1535, %swap3A_1536], %swap3A_1539 {add = true, strides = array<i32>} : memref<8x1024xf32, #tpu.memory_space<vmem>>, vector<1x16xf32>,
        %swap3A_1540 = arith.index_cast %scan3A_236 : i32 to index
        %swap3A_1541 = arith.constant 864 : index
        %swap3A_1542 = tpu.vector_load %arg10[%swap3A_1540, %swap3A_1541] {strides = array<i32>} : memref<8x1024xf32, #tpu.memory_space<vmem>>, vector<1x16xf32>,
        %swap3A_1543 = vector.shape_cast %swap3A_1542 : vector<1x16xf32> to vector<16xf32>
        %swap3A_1544 = vector.shape_cast %get3A_1534 : vector<16xf32> to vector<1x16xf32>
        tpu.vector_store %arg10[%swap3A_1540, %swap3A_1541], %swap3A_1544 {add = true, strides = array<i32>} : memref<8x1024xf32, #tpu.memory_space<vmem>>, vector<1x16xf32>,
        %swap3A_1545 = arith.index_cast %scan3A_236 : i32 to index
        %swap3A_1546 = arith.constant 864 : index
        %swap3A_1547 = tpu.vector_load %arg11[%swap3A_1545, %swap3A_1546] {strides = array<i32>} : memref<8x1024xf32, #tpu.memory_space<vmem>>, vector<1x16xf32>,
        %swap3A_1548 = vector.shape_cast %swap3A_1547 : vector<1x16xf32> to vector<16xf32>
        %swap3A_1549 = vector.shape_cast %get3A_1534 : vector<16xf32> to vector<1x16xf32>
        tpu.vector_store %arg11[%swap3A_1545, %swap3A_1546], %swap3A_1549 {add = true, strides = array<i32>} : memref<8x1024xf32, #tpu.memory_space<vmem>>, vector<1x16xf32>,
        %swap3A_1550 = arith.index_cast %scan3A_236 : i32 to index
        %swap3A_1551 = arith.constant 864 : index
        %swap3A_1552 = tpu.vector_load %arg12[%swap3A_1550, %swap3A_1551] {strides = array<i32>} : memref<8x1024xf32, #tpu.memory_space<vmem>>, vector<1x16xf32>,
        %swap3A_1553 = vector.shape_cast %swap3A_1552 : vector<1x16xf32> to vector<16xf32>
        %swap3A_1554 = vector.shape_cast %get3A_1534 : vector<16xf32> to vector<1x16xf32>
        tpu.vector_store %arg12[%swap3A_1550, %swap3A_1551], %swap3A_1554 {add = true, strides = array<i32>} : memref<8x1024xf32, #tpu.memory_space<vmem>>, vector<1x16xf32>,
        %get3A_1555 = arith.index_cast %scan3A_236 : i32 to index
        %get3A_1556 = arith.constant 880 : index
        %get3A_1557 = tpu.vector_load %arg7[%get3A_1555, %get3A_1556] {strides = array<i32>} : memref<8x1024xf32, #tpu.memory_space<vmem>>, vector<1x16xf32>,
        %get3A_1558 = vector.shape_cast %get3A_1557 : vector<1x16xf32> to vector<16xf32>
        %swap3A_1559 = arith.index_cast %scan3A_236 : i32 to index
        %swap3A_1560 = arith.constant 880 : index
        %swap3A_1561 = tpu.vector_load %arg9[%swap3A_1559, %swap3A_1560] {strides = array<i32>} : memref<8x1024xf32, #tpu.memory_space<vmem>>, vector<1x16xf32>,
        %swap3A_1562 = vector.shape_cast %swap3A_1561 : vector<1x16xf32> to vector<16xf32>
        %swap3A_1563 = vector.shape_cast %get3A_1558 : vector<16xf32> to vector<1x16xf32>
        tpu.vector_store %arg9[%swap3A_1559, %swap3A_1560], %swap3A_1563 {add = true, strides = array<i32>} : memref<8x1024xf32, #tpu.memory_space<vmem>>, vector<1x16xf32>,
        %swap3A_1564 = arith.index_cast %scan3A_236 : i32 to index
        %swap3A_1565 = arith.constant 880 : index
        %swap3A_1566 = tpu.vector_load %arg10[%swap3A_1564, %swap3A_1565] {strides = array<i32>} : memref<8x1024xf32, #tpu.memory_space<vmem>>, vector<1x16xf32>,
        %swap3A_1567 = vector.shape_cast %swap3A_1566 : vector<1x16xf32> to vector<16xf32>
        %swap3A_1568 = vector.shape_cast %get3A_1558 : vector<16xf32> to vector<1x16xf32>
        tpu.vector_store %arg10[%swap3A_1564, %swap3A_1565], %swap3A_1568 {add = true, strides = array<i32>} : memref<8x1024xf32, #tpu.memory_space<vmem>>, vector<1x16xf32>,
        %swap3A_1569 = arith.index_cast %scan3A_236 : i32 to index
        %swap3A_1570 = arith.constant 880 : index
        %swap3A_1571 = tpu.vector_load %arg11[%swap3A_1569, %swap3A_1570] {strides = array<i32>} : memref<8x1024xf32, #tpu.memory_space<vmem>>, vector<1x16xf32>,
        %swap3A_1572 = vector.shape_cast %swap3A_1571 : vector<1x16xf32> to vector<16xf32>
        %swap3A_1573 = vector.shape_cast %get3A_1558 : vector<16xf32> to vector<1x16xf32>
        tpu.vector_store %arg11[%swap3A_1569, %swap3A_1570], %swap3A_1573 {add = true, strides = array<i32>} : memref<8x1024xf32, #tpu.memory_space<vmem>>, vector<1x16xf32>,
        %swap3A_1574 = arith.index_cast %scan3A_236 : i32 to index
        %swap3A_1575 = arith.constant 880 : index
        %swap3A_1576 = tpu.vector_load %arg12[%swap3A_1574, %swap3A_1575] {strides = array<i32>} : memref<8x1024xf32, #tpu.memory_space<vmem>>, vector<1x16xf32>,
        %swap3A_1577 = vector.shape_cast %swap3A_1576 : vector<1x16xf32> to vector<16xf32>
        %swap3A_1578 = vector.shape_cast %get3A_1558 : vector<16xf32> to vector<1x16xf32>
        tpu.vector_store %arg12[%swap3A_1574, %swap3A_1575], %swap3A_1578 {add = true, strides = array<i32>} : memref<8x1024xf32, #tpu.memory_space<vmem>>, vector<1x16xf32>,
        %get3A_1579 = arith.index_cast %scan3A_236 : i32 to index
        %get3A_1580 = arith.constant 896 : index
        %get3A_1581 = tpu.vector_load %arg7[%get3A_1579, %get3A_1580] {strides = array<i32>} : memref<8x1024xf32, #tpu.memory_space<vmem>>, vector<1x16xf32>,
        %get3A_1582 = vector.shape_cast %get3A_1581 : vector<1x16xf32> to vector<16xf32>
        %swap3A_1583 = arith.index_cast %scan3A_236 : i32 to index
        %swap3A_1584 = arith.constant 896 : index
        %swap3A_1585 = tpu.vector_load %arg9[%swap3A_1583, %swap3A_1584] {strides = array<i32>} : memref<8x1024xf32, #tpu.memory_space<vmem>>, vector<1x16xf32>,
        %swap3A_1586 = vector.shape_cast %swap3A_1585 : vector<1x16xf32> to vector<16xf32>
        %swap3A_1587 = vector.shape_cast %get3A_1582 : vector<16xf32> to vector<1x16xf32>
        tpu.vector_store %arg9[%swap3A_1583, %swap3A_1584], %swap3A_1587 {add = true, strides = array<i32>} : memref<8x1024xf32, #tpu.memory_space<vmem>>, vector<1x16xf32>,
        %swap3A_1588 = arith.index_cast %scan3A_236 : i32 to index
        %swap3A_1589 = arith.constant 896 : index
        %swap3A_1590 = tpu.vector_load %arg10[%swap3A_1588, %swap3A_1589] {strides = array<i32>} : memref<8x1024xf32, #tpu.memory_space<vmem>>, vector<1x16xf32>,
        %swap3A_1591 = vector.shape_cast %swap3A_1590 : vector<1x16xf32> to vector<16xf32>
        %swap3A_1592 = vector.shape_cast %get3A_1582 : vector<16xf32> to vector<1x16xf32>
        tpu.vector_store %arg10[%swap3A_1588, %swap3A_1589], %swap3A_1592 {add = true, strides = array<i32>} : memref<8x1024xf32, #tpu.memory_space<vmem>>, vector<1x16xf32>,
        %swap3A_1593 = arith.index_cast %scan3A_236 : i32 to index
        %swap3A_1594 = arith.constant 896 : index
        %swap3A_1595 = tpu.vector_load %arg11[%swap3A_1593, %swap3A_1594] {strides = array<i32>} : memref<8x1024xf32, #tpu.memory_space<vmem>>, vector<1x16xf32>,
        %swap3A_1596 = vector.shape_cast %swap3A_1595 : vector<1x16xf32> to vector<16xf32>
        %swap3A_1597 = vector.shape_cast %get3A_1582 : vector<16xf32> to vector<1x16xf32>
        tpu.vector_store %arg11[%swap3A_1593, %swap3A_1594], %swap3A_1597 {add = true, strides = array<i32>} : memref<8x1024xf32, #tpu.memory_space<vmem>>, vector<1x16xf32>,
        %swap3A_1598 = arith.index_cast %scan3A_236 : i32 to index
        %swap3A_1599 = arith.constant 896 : index
        %swap3A_1600 = tpu.vector_load %arg12[%swap3A_1598, %swap3A_1599] {strides = array<i32>} : memref<8x1024xf32, #tpu.memory_space<vmem>>, vector<1x16xf32>,
        %swap3A_1601 = vector.shape_cast %swap3A_1600 : vector<1x16xf32> to vector<16xf32>
        %swap3A_1602 = vector.shape_cast %get3A_1582 : vector<16xf32> to vector<1x16xf32>
        tpu.vector_store %arg12[%swap3A_1598, %swap3A_1599], %swap3A_1602 {add = true, strides = array<i32>} : memref<8x1024xf32, #tpu.memory_space<vmem>>, vector<1x16xf32>,
        %get3A_1603 = arith.index_cast %scan3A_236 : i32 to index
        %get3A_1604 = arith.constant 912 : index
        %get3A_1605 = tpu.vector_load %arg7[%get3A_1603, %get3A_1604] {strides = array<i32>} : memref<8x1024xf32, #tpu.memory_space<vmem>>, vector<1x16xf32>,
        %get3A_1606 = vector.shape_cast %get3A_1605 : vector<1x16xf32> to vector<16xf32>
        %swap3A_1607 = arith.index_cast %scan3A_236 : i32 to index
        %swap3A_1608 = arith.constant 912 : index
        %swap3A_1609 = tpu.vector_load %arg9[%swap3A_1607, %swap3A_1608] {strides = array<i32>} : memref<8x1024xf32, #tpu.memory_space<vmem>>, vector<1x16xf32>,
        %swap3A_1610 = vector.shape_cast %swap3A_1609 : vector<1x16xf32> to vector<16xf32>
        %swap3A_1611 = vector.shape_cast %get3A_1606 : vector<16xf32> to vector<1x16xf32>
        tpu.vector_store %arg9[%swap3A_1607, %swap3A_1608], %swap3A_1611 {add = true, strides = array<i32>} : memref<8x1024xf32, #tpu.memory_space<vmem>>, vector<1x16xf32>,
        %swap3A_1612 = arith.index_cast %scan3A_236 : i32 to index
        %swap3A_1613 = arith.constant 912 : index
        %swap3A_1614 = tpu.vector_load %arg10[%swap3A_1612, %swap3A_1613] {strides = array<i32>} : memref<8x1024xf32, #tpu.memory_space<vmem>>, vector<1x16xf32>,
        %swap3A_1615 = vector.shape_cast %swap3A_1614 : vector<1x16xf32> to vector<16xf32>
        %swap3A_1616 = vector.shape_cast %get3A_1606 : vector<16xf32> to vector<1x16xf32>
        tpu.vector_store %arg10[%swap3A_1612, %swap3A_1613], %swap3A_1616 {add = true, strides = array<i32>} : memref<8x1024xf32, #tpu.memory_space<vmem>>, vector<1x16xf32>,
        %swap3A_1617 = arith.index_cast %scan3A_236 : i32 to index
        %swap3A_1618 = arith.constant 912 : index
        %swap3A_1619 = tpu.vector_load %arg11[%swap3A_1617, %swap3A_1618] {strides = array<i32>} : memref<8x1024xf32, #tpu.memory_space<vmem>>, vector<1x16xf32>,
        %swap3A_1620 = vector.shape_cast %swap3A_1619 : vector<1x16xf32> to vector<16xf32>
        %swap3A_1621 = vector.shape_cast %get3A_1606 : vector<16xf32> to vector<1x16xf32>
        tpu.vector_store %arg11[%swap3A_1617, %swap3A_1618], %swap3A_1621 {add = true, strides = array<i32>} : memref<8x1024xf32, #tpu.memory_space<vmem>>, vector<1x16xf32>,
        %swap3A_1622 = arith.index_cast %scan3A_236 : i32 to index
        %swap3A_1623 = arith.constant 912 : index
        %swap3A_1624 = tpu.vector_load %arg12[%swap3A_1622, %swap3A_1623] {strides = array<i32>} : memref<8x1024xf32, #tpu.memory_space<vmem>>, vector<1x16xf32>,
        %swap3A_1625 = vector.shape_cast %swap3A_1624 : vector<1x16xf32> to vector<16xf32>
        %swap3A_1626 = vector.shape_cast %get3A_1606 : vector<16xf32> to vector<1x16xf32>
        tpu.vector_store %arg12[%swap3A_1622, %swap3A_1623], %swap3A_1626 {add = true, strides = array<i32>} : memref<8x1024xf32, #tpu.memory_space<vmem>>, vector<1x16xf32>,
        %get3A_1627 = arith.index_cast %scan3A_236 : i32 to index
        %get3A_1628 = arith.constant 928 : index
        %get3A_1629 = tpu.vector_load %arg7[%get3A_1627, %get3A_1628] {strides = array<i32>} : memref<8x1024xf32, #tpu.memory_space<vmem>>, vector<1x16xf32>,
        %get3A_1630 = vector.shape_cast %get3A_1629 : vector<1x16xf32> to vector<16xf32>
        %swap3A_1631 = arith.index_cast %scan3A_236 : i32 to index
        %swap3A_1632 = arith.constant 928 : index
        %swap3A_1633 = tpu.vector_load %arg9[%swap3A_1631, %swap3A_1632] {strides = array<i32>} : memref<8x1024xf32, #tpu.memory_space<vmem>>, vector<1x16xf32>,
        %swap3A_1634 = vector.shape_cast %swap3A_1633 : vector<1x16xf32> to vector<16xf32>
        %swap3A_1635 = vector.shape_cast %get3A_1630 : vector<16xf32> to vector<1x16xf32>
        tpu.vector_store %arg9[%swap3A_1631, %swap3A_1632], %swap3A_1635 {add = true, strides = array<i32>} : memref<8x1024xf32, #tpu.memory_space<vmem>>, vector<1x16xf32>,
        %swap3A_1636 = arith.index_cast %scan3A_236 : i32 to index
        %swap3A_1637 = arith.constant 928 : index
        %swap3A_1638 = tpu.vector_load %arg10[%swap3A_1636, %swap3A_1637] {strides = array<i32>} : memref<8x1024xf32, #tpu.memory_space<vmem>>, vector<1x16xf32>,
        %swap3A_1639 = vector.shape_cast %swap3A_1638 : vector<1x16xf32> to vector<16xf32>
        %swap3A_1640 = vector.shape_cast %get3A_1630 : vector<16xf32> to vector<1x16xf32>
        tpu.vector_store %arg10[%swap3A_1636, %swap3A_1637], %swap3A_1640 {add = true, strides = array<i32>} : memref<8x1024xf32, #tpu.memory_space<vmem>>, vector<1x16xf32>,
        %swap3A_1641 = arith.index_cast %scan3A_236 : i32 to index
        %swap3A_1642 = arith.constant 928 : index
        %swap3A_1643 = tpu.vector_load %arg11[%swap3A_1641, %swap3A_1642] {strides = array<i32>} : memref<8x1024xf32, #tpu.memory_space<vmem>>, vector<1x16xf32>,
        %swap3A_1644 = vector.shape_cast %swap3A_1643 : vector<1x16xf32> to vector<16xf32>
        %swap3A_1645 = vector.shape_cast %get3A_1630 : vector<16xf32> to vector<1x16xf32>
        tpu.vector_store %arg11[%swap3A_1641, %swap3A_1642], %swap3A_1645 {add = true, strides = array<i32>} : memref<8x1024xf32, #tpu.memory_space<vmem>>, vector<1x16xf32>,
        %swap3A_1646 = arith.index_cast %scan3A_236 : i32 to index
        %swap3A_1647 = arith.constant 928 : index
        %swap3A_1648 = tpu.vector_load %arg12[%swap3A_1646, %swap3A_1647] {strides = array<i32>} : memref<8x1024xf32, #tpu.memory_space<vmem>>, vector<1x16xf32>,
        %swap3A_1649 = vector.shape_cast %swap3A_1648 : vector<1x16xf32> to vector<16xf32>
        %swap3A_1650 = vector.shape_cast %get3A_1630 : vector<16xf32> to vector<1x16xf32>
        tpu.vector_store %arg12[%swap3A_1646, %swap3A_1647], %swap3A_1650 {add = true, strides = array<i32>} : memref<8x1024xf32, #tpu.memory_space<vmem>>, vector<1x16xf32>,
        %get3A_1651 = arith.index_cast %scan3A_236 : i32 to index
        %get3A_1652 = arith.constant 944 : index
        %get3A_1653 = tpu.vector_load %arg7[%get3A_1651, %get3A_1652] {strides = array<i32>} : memref<8x1024xf32, #tpu.memory_space<vmem>>, vector<1x16xf32>,
        %get3A_1654 = vector.shape_cast %get3A_1653 : vector<1x16xf32> to vector<16xf32>
        %swap3A_1655 = arith.index_cast %scan3A_236 : i32 to index
        %swap3A_1656 = arith.constant 944 : index
        %swap3A_1657 = tpu.vector_load %arg9[%swap3A_1655, %swap3A_1656] {strides = array<i32>} : memref<8x1024xf32, #tpu.memory_space<vmem>>, vector<1x16xf32>,
        %swap3A_1658 = vector.shape_cast %swap3A_1657 : vector<1x16xf32> to vector<16xf32>
        %swap3A_1659 = vector.shape_cast %get3A_1654 : vector<16xf32> to vector<1x16xf32>
        tpu.vector_store %arg9[%swap3A_1655, %swap3A_1656], %swap3A_1659 {add = true, strides = array<i32>} : memref<8x1024xf32, #tpu.memory_space<vmem>>, vector<1x16xf32>,
        %swap3A_1660 = arith.index_cast %scan3A_236 : i32 to index
        %swap3A_1661 = arith.constant 944 : index
        %swap3A_1662 = tpu.vector_load %arg10[%swap3A_1660, %swap3A_1661] {strides = array<i32>} : memref<8x1024xf32, #tpu.memory_space<vmem>>, vector<1x16xf32>,
        %swap3A_1663 = vector.shape_cast %swap3A_1662 : vector<1x16xf32> to vector<16xf32>
        %swap3A_1664 = vector.shape_cast %get3A_1654 : vector<16xf32> to vector<1x16xf32>
        tpu.vector_store %arg10[%swap3A_1660, %swap3A_1661], %swap3A_1664 {add = true, strides = array<i32>} : memref<8x1024xf32, #tpu.memory_space<vmem>>, vector<1x16xf32>,
        %swap3A_1665 = arith.index_cast %scan3A_236 : i32 to index
        %swap3A_1666 = arith.constant 944 : index
        %swap3A_1667 = tpu.vector_load %arg11[%swap3A_1665, %swap3A_1666] {strides = array<i32>} : memref<8x1024xf32, #tpu.memory_space<vmem>>, vector<1x16xf32>,
        %swap3A_1668 = vector.shape_cast %swap3A_1667 : vector<1x16xf32> to vector<16xf32>
        %swap3A_1669 = vector.shape_cast %get3A_1654 : vector<16xf32> to vector<1x16xf32>
        tpu.vector_store %arg11[%swap3A_1665, %swap3A_1666], %swap3A_1669 {add = true, strides = array<i32>} : memref<8x1024xf32, #tpu.memory_space<vmem>>, vector<1x16xf32>,
        %swap3A_1670 = arith.index_cast %scan3A_236 : i32 to index
        %swap3A_1671 = arith.constant 944 : index
        %swap3A_1672 = tpu.vector_load %arg12[%swap3A_1670, %swap3A_1671] {strides = array<i32>} : memref<8x1024xf32, #tpu.memory_space<vmem>>, vector<1x16xf32>,
        %swap3A_1673 = vector.shape_cast %swap3A_1672 : vector<1x16xf32> to vector<16xf32>
        %swap3A_1674 = vector.shape_cast %get3A_1654 : vector<16xf32> to vector<1x16xf32>
        tpu.vector_store %arg12[%swap3A_1670, %swap3A_1671], %swap3A_1674 {add = true, strides = array<i32>} : memref<8x1024xf32, #tpu.memory_space<vmem>>, vector<1x16xf32>,
        %get3A_1675 = arith.index_cast %scan3A_236 : i32 to index
        %get3A_1676 = arith.constant 960 : index
        %get3A_1677 = tpu.vector_load %arg7[%get3A_1675, %get3A_1676] {strides = array<i32>} : memref<8x1024xf32, #tpu.memory_space<vmem>>, vector<1x16xf32>,
        %get3A_1678 = vector.shape_cast %get3A_1677 : vector<1x16xf32> to vector<16xf32>
        %swap3A_1679 = arith.index_cast %scan3A_236 : i32 to index
        %swap3A_1680 = arith.constant 960 : index
        %swap3A_1681 = tpu.vector_load %arg9[%swap3A_1679, %swap3A_1680] {strides = array<i32>} : memref<8x1024xf32, #tpu.memory_space<vmem>>, vector<1x16xf32>,
        %swap3A_1682 = vector.shape_cast %swap3A_1681 : vector<1x16xf32> to vector<16xf32>
        %swap3A_1683 = vector.shape_cast %get3A_1678 : vector<16xf32> to vector<1x16xf32>
        tpu.vector_store %arg9[%swap3A_1679, %swap3A_1680], %swap3A_1683 {add = true, strides = array<i32>} : memref<8x1024xf32, #tpu.memory_space<vmem>>, vector<1x16xf32>,
        %swap3A_1684 = arith.index_cast %scan3A_236 : i32 to index
        %swap3A_1685 = arith.constant 960 : index
        %swap3A_1686 = tpu.vector_load %arg10[%swap3A_1684, %swap3A_1685] {strides = array<i32>} : memref<8x1024xf32, #tpu.memory_space<vmem>>, vector<1x16xf32>,
        %swap3A_1687 = vector.shape_cast %swap3A_1686 : vector<1x16xf32> to vector<16xf32>
        %swap3A_1688 = vector.shape_cast %get3A_1678 : vector<16xf32> to vector<1x16xf32>
        tpu.vector_store %arg10[%swap3A_1684, %swap3A_1685], %swap3A_1688 {add = true, strides = array<i32>} : memref<8x1024xf32, #tpu.memory_space<vmem>>, vector<1x16xf32>,
        %swap3A_1689 = arith.index_cast %scan3A_236 : i32 to index
        %swap3A_1690 = arith.constant 960 : index
        %swap3A_1691 = tpu.vector_load %arg11[%swap3A_1689, %swap3A_1690] {strides = array<i32>} : memref<8x1024xf32, #tpu.memory_space<vmem>>, vector<1x16xf32>,
        %swap3A_1692 = vector.shape_cast %swap3A_1691 : vector<1x16xf32> to vector<16xf32>
        %swap3A_1693 = vector.shape_cast %get3A_1678 : vector<16xf32> to vector<1x16xf32>
        tpu.vector_store %arg11[%swap3A_1689, %swap3A_1690], %swap3A_1693 {add = true, strides = array<i32>} : memref<8x1024xf32, #tpu.memory_space<vmem>>, vector<1x16xf32>,
        %swap3A_1694 = arith.index_cast %scan3A_236 : i32 to index
        %swap3A_1695 = arith.constant 960 : index
        %swap3A_1696 = tpu.vector_load %arg12[%swap3A_1694, %swap3A_1695] {strides = array<i32>} : memref<8x1024xf32, #tpu.memory_space<vmem>>, vector<1x16xf32>,
        %swap3A_1697 = vector.shape_cast %swap3A_1696 : vector<1x16xf32> to vector<16xf32>
        %swap3A_1698 = vector.shape_cast %get3A_1678 : vector<16xf32> to vector<1x16xf32>
        tpu.vector_store %arg12[%swap3A_1694, %swap3A_1695], %swap3A_1698 {add = true, strides = array<i32>} : memref<8x1024xf32, #tpu.memory_space<vmem>>, vector<1x16xf32>,
        %get3A_1699 = arith.index_cast %scan3A_236 : i32 to index
        %get3A_1700 = arith.constant 976 : index
        %get3A_1701 = tpu.vector_load %arg7[%get3A_1699, %get3A_1700] {strides = array<i32>} : memref<8x1024xf32, #tpu.memory_space<vmem>>, vector<1x16xf32>,
        %get3A_1702 = vector.shape_cast %get3A_1701 : vector<1x16xf32> to vector<16xf32>
        %swap3A_1703 = arith.index_cast %scan3A_236 : i32 to index
        %swap3A_1704 = arith.constant 976 : index
        %swap3A_1705 = tpu.vector_load %arg9[%swap3A_1703, %swap3A_1704] {strides = array<i32>} : memref<8x1024xf32, #tpu.memory_space<vmem>>, vector<1x16xf32>,
        %swap3A_1706 = vector.shape_cast %swap3A_1705 : vector<1x16xf32> to vector<16xf32>
        %swap3A_1707 = vector.shape_cast %get3A_1702 : vector<16xf32> to vector<1x16xf32>
        tpu.vector_store %arg9[%swap3A_1703, %swap3A_1704], %swap3A_1707 {add = true, strides = array<i32>} : memref<8x1024xf32, #tpu.memory_space<vmem>>, vector<1x16xf32>,
        %swap3A_1708 = arith.index_cast %scan3A_236 : i32 to index
        %swap3A_1709 = arith.constant 976 : index
        %swap3A_1710 = tpu.vector_load %arg10[%swap3A_1708, %swap3A_1709] {strides = array<i32>} : memref<8x1024xf32, #tpu.memory_space<vmem>>, vector<1x16xf32>,
        %swap3A_1711 = vector.shape_cast %swap3A_1710 : vector<1x16xf32> to vector<16xf32>
        %swap3A_1712 = vector.shape_cast %get3A_1702 : vector<16xf32> to vector<1x16xf32>
        tpu.vector_store %arg10[%swap3A_1708, %swap3A_1709], %swap3A_1712 {add = true, strides = array<i32>} : memref<8x1024xf32, #tpu.memory_space<vmem>>, vector<1x16xf32>,
        %swap3A_1713 = arith.index_cast %scan3A_236 : i32 to index
        %swap3A_1714 = arith.constant 976 : index
        %swap3A_1715 = tpu.vector_load %arg11[%swap3A_1713, %swap3A_1714] {strides = array<i32>} : memref<8x1024xf32, #tpu.memory_space<vmem>>, vector<1x16xf32>,
        %swap3A_1716 = vector.shape_cast %swap3A_1715 : vector<1x16xf32> to vector<16xf32>
        %swap3A_1717 = vector.shape_cast %get3A_1702 : vector<16xf32> to vector<1x16xf32>
        tpu.vector_store %arg11[%swap3A_1713, %swap3A_1714], %swap3A_1717 {add = true, strides = array<i32>} : memref<8x1024xf32, #tpu.memory_space<vmem>>, vector<1x16xf32>,
        %swap3A_1718 = arith.index_cast %scan3A_236 : i32 to index
        %swap3A_1719 = arith.constant 976 : index
        %swap3A_1720 = tpu.vector_load %arg12[%swap3A_1718, %swap3A_1719] {strides = array<i32>} : memref<8x1024xf32, #tpu.memory_space<vmem>>, vector<1x16xf32>,
        %swap3A_1721 = vector.shape_cast %swap3A_1720 : vector<1x16xf32> to vector<16xf32>
        %swap3A_1722 = vector.shape_cast %get3A_1702 : vector<16xf32> to vector<1x16xf32>
        tpu.vector_store %arg12[%swap3A_1718, %swap3A_1719], %swap3A_1722 {add = true, strides = array<i32>} : memref<8x1024xf32, #tpu.memory_space<vmem>>, vector<1x16xf32>,
        %get3A_1723 = arith.index_cast %scan3A_236 : i32 to index
        %get3A_1724 = arith.constant 992 : index
        %get3A_1725 = tpu.vector_load %arg7[%get3A_1723, %get3A_1724] {strides = array<i32>} : memref<8x1024xf32, #tpu.memory_space<vmem>>, vector<1x16xf32>,
        %get3A_1726 = vector.shape_cast %get3A_1725 : vector<1x16xf32> to vector<16xf32>
        %swap3A_1727 = arith.index_cast %scan3A_236 : i32 to index
        %swap3A_1728 = arith.constant 992 : index
        %swap3A_1729 = tpu.vector_load %arg9[%swap3A_1727, %swap3A_1728] {strides = array<i32>} : memref<8x1024xf32, #tpu.memory_space<vmem>>, vector<1x16xf32>,
        %swap3A_1730 = vector.shape_cast %swap3A_1729 : vector<1x16xf32> to vector<16xf32>
        %swap3A_1731 = vector.shape_cast %get3A_1726 : vector<16xf32> to vector<1x16xf32>
        tpu.vector_store %arg9[%swap3A_1727, %swap3A_1728], %swap3A_1731 {add = true, strides = array<i32>} : memref<8x1024xf32, #tpu.memory_space<vmem>>, vector<1x16xf32>,
        %swap3A_1732 = arith.index_cast %scan3A_236 : i32 to index
        %swap3A_1733 = arith.constant 992 : index
        %swap3A_1734 = tpu.vector_load %arg10[%swap3A_1732, %swap3A_1733] {strides = array<i32>} : memref<8x1024xf32, #tpu.memory_space<vmem>>, vector<1x16xf32>,
        %swap3A_1735 = vector.shape_cast %swap3A_1734 : vector<1x16xf32> to vector<16xf32>
        %swap3A_1736 = vector.shape_cast %get3A_1726 : vector<16xf32> to vector<1x16xf32>
        tpu.vector_store %arg10[%swap3A_1732, %swap3A_1733], %swap3A_1736 {add = true, strides = array<i32>} : memref<8x1024xf32, #tpu.memory_space<vmem>>, vector<1x16xf32>,
        %swap3A_1737 = arith.index_cast %scan3A_236 : i32 to index
        %swap3A_1738 = arith.constant 992 : index
        %swap3A_1739 = tpu.vector_load %arg11[%swap3A_1737, %swap3A_1738] {strides = array<i32>} : memref<8x1024xf32, #tpu.memory_space<vmem>>, vector<1x16xf32>,
        %swap3A_1740 = vector.shape_cast %swap3A_1739 : vector<1x16xf32> to vector<16xf32>
        %swap3A_1741 = vector.shape_cast %get3A_1726 : vector<16xf32> to vector<1x16xf32>
        tpu.vector_store %arg11[%swap3A_1737, %swap3A_1738], %swap3A_1741 {add = true, strides = array<i32>} : memref<8x1024xf32, #tpu.memory_space<vmem>>, vector<1x16xf32>,
        %swap3A_1742 = arith.index_cast %scan3A_236 : i32 to index
        %swap3A_1743 = arith.constant 992 : index
        %swap3A_1744 = tpu.vector_load %arg12[%swap3A_1742, %swap3A_1743] {strides = array<i32>} : memref<8x1024xf32, #tpu.memory_space<vmem>>, vector<1x16xf32>,
        %swap3A_1745 = vector.shape_cast %swap3A_1744 : vector<1x16xf32> to vector<16xf32>
        %swap3A_1746 = vector.shape_cast %get3A_1726 : vector<16xf32> to vector<1x16xf32>
        tpu.vector_store %arg12[%swap3A_1742, %swap3A_1743], %swap3A_1746 {add = true, strides = array<i32>} : memref<8x1024xf32, #tpu.memory_space<vmem>>, vector<1x16xf32>,
        %get3A_1747 = arith.index_cast %scan3A_236 : i32 to index
        %get3A_1748 = arith.constant 1008 : index
        %get3A_1749 = tpu.vector_load %arg7[%get3A_1747, %get3A_1748] {strides = array<i32>} : memref<8x1024xf32, #tpu.memory_space<vmem>>, vector<1x16xf32>,
        %get3A_1750 = vector.shape_cast %get3A_1749 : vector<1x16xf32> to vector<16xf32>
        %swap3A_1751 = arith.index_cast %scan3A_236 : i32 to index
        %swap3A_1752 = arith.constant 1008 : index
        %swap3A_1753 = tpu.vector_load %arg9[%swap3A_1751, %swap3A_1752] {strides = array<i32>} : memref<8x1024xf32, #tpu.memory_space<vmem>>, vector<1x16xf32>,
        %swap3A_1754 = vector.shape_cast %swap3A_1753 : vector<1x16xf32> to vector<16xf32>
        %swap3A_1755 = vector.shape_cast %get3A_1750 : vector<16xf32> to vector<1x16xf32>
        tpu.vector_store %arg9[%swap3A_1751, %swap3A_1752], %swap3A_1755 {add = true, strides = array<i32>} : memref<8x1024xf32, #tpu.memory_space<vmem>>, vector<1x16xf32>,
        %swap3A_1756 = arith.index_cast %scan3A_236 : i32 to index
        %swap3A_1757 = arith.constant 1008 : index
        %swap3A_1758 = tpu.vector_load %arg10[%swap3A_1756, %swap3A_1757] {strides = array<i32>} : memref<8x1024xf32, #tpu.memory_space<vmem>>, vector<1x16xf32>,
        %swap3A_1759 = vector.shape_cast %swap3A_1758 : vector<1x16xf32> to vector<16xf32>
        %swap3A_1760 = vector.shape_cast %get3A_1750 : vector<16xf32> to vector<1x16xf32>
        tpu.vector_store %arg10[%swap3A_1756, %swap3A_1757], %swap3A_1760 {add = true, strides = array<i32>} : memref<8x1024xf32, #tpu.memory_space<vmem>>, vector<1x16xf32>,
        %swap3A_1761 = arith.index_cast %scan3A_236 : i32 to index
        %swap3A_1762 = arith.constant 1008 : index
        %swap3A_1763 = tpu.vector_load %arg11[%swap3A_1761, %swap3A_1762] {strides = array<i32>} : memref<8x1024xf32, #tpu.memory_space<vmem>>, vector<1x16xf32>,
        %swap3A_1764 = vector.shape_cast %swap3A_1763 : vector<1x16xf32> to vector<16xf32>
        %swap3A_1765 = vector.shape_cast %get3A_1750 : vector<16xf32> to vector<1x16xf32>
        tpu.vector_store %arg11[%swap3A_1761, %swap3A_1762], %swap3A_1765 {add = true, strides = array<i32>} : memref<8x1024xf32, #tpu.memory_space<vmem>>, vector<1x16xf32>,
        %swap3A_1766 = arith.index_cast %scan3A_236 : i32 to index
        %swap3A_1767 = arith.constant 1008 : index
        %swap3A_1768 = tpu.vector_load %arg12[%swap3A_1766, %swap3A_1767] {strides = array<i32>} : memref<8x1024xf32, #tpu.memory_space<vmem>>, vector<1x16xf32>,
        %swap3A_1769 = vector.shape_cast %swap3A_1768 : vector<1x16xf32> to vector<16xf32>
        %swap3A_1770 = vector.shape_cast %get3A_1750 : vector<16xf32> to vector<1x16xf32>
        tpu.vector_store %arg12[%swap3A_1766, %swap3A_1767], %swap3A_1770 {add = true, strides = array<i32>} : memref<8x1024xf32, #tpu.memory_space<vmem>>, vector<1x16xf32>,
      }
      %scan3A_113 = arith.constant 8 : i32
      %add3A_114 = arith.constant 0 : i32
      %add3A_115 = arith.addi %add3A_114, %mul3A_2 : i32
      %mul3A_116 = arith.constant 8 : i32
      %mul3A_117 = arith.muli %add3A_69, %mul3A_116 : i32
      %add3A_118 = arith.addi %add3A_115, %mul3A_117 : i32
      %dma_start3A_119 = arith.constant 0 : i32
      %dma_start3A_120 = tpu.memref_slice %arg5[%add3A_118, %dma_start3A_119] : memref<8192x1024xf32, #tpu.memory_space<hbm>> -> memref<8x1024xf32, #tpu.memory_space<hbm>>
      %dma_start3A_121 = arith.constant 0 : i32
      %dma_start3A_122 = tpu.memref_slice %arg5[%add3A_118, %dma_start3A_121] : memref<8192x1024xf32, #tpu.memory_space<hbm>> -> memref<8x1024xf32, #tpu.memory_space<hbm>>
      tpu.enqueue_dma source(%arg9 : memref<8x1024xf32, #tpu.memory_space<vmem>>) target(%dma_start3A_122 : memref<8x1024xf32, #tpu.memory_space<hbm>>) target_semaphore(%arg19 : memref<!tpu.dma_semaphore, #tpu.memory_space<semaphore_mem>>)
      %add3A_123 = arith.constant 2048 : i32
      %add3A_124 = arith.addi %add3A_123, %mul3A_2 : i32
      %mul3A_125 = arith.constant 8 : i32
      %mul3A_126 = arith.muli %add3A_69, %mul3A_125 : i32
      %add3A_127 = arith.addi %add3A_124, %mul3A_126 : i32
      %dma_start3A_128 = arith.constant 0 : i32
      %dma_start3A_129 = tpu.memref_slice %arg5[%add3A_127, %dma_start3A_128] : memref<8192x1024xf32, #tpu.memory_space<hbm>> -> memref<8x1024xf32, #tpu.memory_space<hbm>>
      %dma_start3A_130 = arith.constant 0 : i32
      %dma_start3A_131 = tpu.memref_slice %arg5[%add3A_127, %dma_start3A_130] : memref<8192x1024xf32, #tpu.memory_space<hbm>> -> memref<8x1024xf32, #tpu.memory_space<hbm>>
      tpu.enqueue_dma source(%arg10 : memref<8x1024xf32, #tpu.memory_space<vmem>>) target(%dma_start3A_131 : memref<8x1024xf32, #tpu.memory_space<hbm>>) target_semaphore(%arg19 : memref<!tpu.dma_semaphore, #tpu.memory_space<semaphore_mem>>)
      %add3A_132 = arith.constant 4096 : i32
      %add3A_133 = arith.addi %add3A_132, %mul3A_2 : i32
      %mul3A_134 = arith.constant 8 : i32
      %mul3A_135 = arith.muli %add3A_69, %mul3A_134 : i32
      %add3A_136 = arith.addi %add3A_133, %mul3A_135 : i32
      %dma_start3A_137 = arith.constant 0 : i32
      %dma_start3A_138 = tpu.memref_slice %arg5[%add3A_136, %dma_start3A_137] : memref<8192x1024xf32, #tpu.memory_space<hbm>> -> memref<8x1024xf32, #tpu.memory_space<hbm>>
      %dma_start3A_139 = arith.constant 0 : i32
      %dma_start3A_140 = tpu.memref_slice %arg5[%add3A_136, %dma_start3A_139] : memref<8192x1024xf32, #tpu.memory_space<hbm>> -> memref<8x1024xf32, #tpu.memory_space<hbm>>
      tpu.enqueue_dma source(%arg11 : memref<8x1024xf32, #tpu.memory_space<vmem>>) target(%dma_start3A_140 : memref<8x1024xf32, #tpu.memory_space<hbm>>) target_semaphore(%arg19 : memref<!tpu.dma_semaphore, #tpu.memory_space<semaphore_mem>>)
      %add3A_141 = arith.constant 6144 : i32
      %add3A_142 = arith.addi %add3A_141, %mul3A_2 : i32
      %mul3A_143 = arith.constant 8 : i32
      %mul3A_144 = arith.muli %add3A_69, %mul3A_143 : i32
      %add3A_145 = arith.addi %add3A_142, %mul3A_144 : i32
      %dma_start3A_146 = arith.constant 0 : i32
      %dma_start3A_147 = tpu.memref_slice %arg5[%add3A_145, %dma_start3A_146] : memref<8192x1024xf32, #tpu.memory_space<hbm>> -> memref<8x1024xf32, #tpu.memory_space<hbm>>
      %dma_start3A_148 = arith.constant 0 : i32
      %dma_start3A_149 = tpu.memref_slice %arg5[%add3A_145, %dma_start3A_148] : memref<8192x1024xf32, #tpu.memory_space<hbm>> -> memref<8x1024xf32, #tpu.memory_space<hbm>>
      tpu.enqueue_dma source(%arg12 : memref<8x1024xf32, #tpu.memory_space<vmem>>) target(%dma_start3A_149 : memref<8x1024xf32, #tpu.memory_space<hbm>>) target_semaphore(%arg19 : memref<!tpu.dma_semaphore, #tpu.memory_space<semaphore_mem>>)
      %add3A_150 = arith.constant 1 : i32
      %add3A_151 = arith.addi %add3A_67, %add3A_150 : i32
      %ge3A_152 = arith.constant 1 : i32
      %ge3A_153 = arith.cmpi sge, %add3A_151, %ge3A_152 : i32
      %convert_element_type3A_154 = arith.extui %ge3A_153 : i1 to i32
      %cond3A_155 = arith.constant 0 : i32
      %cond3A_156 = arith.cmpi ne, %convert_element_type3A_154, %cond3A_155 : i32
      scf.if %cond3A_156 {
        %dma_wait3A_236 = arith.constant 0 : i32
        %dma_wait3A_237 = arith.constant 0 : i32
        %dma_wait3A_238 = tpu.memref_slice %arg5[%dma_wait3A_236, %dma_wait3A_237] : memref<8192x1024xf32, #tpu.memory_space<hbm>> -> memref<8x1024xf32, #tpu.memory_space<hbm>>
        %dma_wait3A_239 = arith.constant 0 : i32
        %dma_wait3A_240 = arith.constant 0 : i32
        %dma_wait3A_241 = tpu.memref_slice %arg5[%dma_wait3A_239, %dma_wait3A_240] : memref<8192x1024xf32, #tpu.memory_space<hbm>> -> memref<8x1024xf32, #tpu.memory_space<hbm>>
        tpu.wait_dma2 semaphore(%arg19 : memref<!tpu.dma_semaphore, #tpu.memory_space<semaphore_mem>>) src(%arg9 : memref<8x1024xf32, #tpu.memory_space<vmem>>) dst(%dma_wait3A_241 : memref<8x1024xf32, #tpu.memory_space<hbm>>)
        %dma_wait3A_242 = arith.constant 0 : i32
        %dma_wait3A_243 = arith.constant 0 : i32
        %dma_wait3A_244 = tpu.memref_slice %arg5[%dma_wait3A_242, %dma_wait3A_243] : memref<8192x1024xf32, #tpu.memory_space<hbm>> -> memref<8x1024xf32, #tpu.memory_space<hbm>>
        %dma_wait3A_245 = arith.constant 0 : i32
        %dma_wait3A_246 = arith.constant 0 : i32
        %dma_wait3A_247 = tpu.memref_slice %arg5[%dma_wait3A_245, %dma_wait3A_246] : memref<8192x1024xf32, #tpu.memory_space<hbm>> -> memref<8x1024xf32, #tpu.memory_space<hbm>>
        tpu.wait_dma2 semaphore(%arg19 : memref<!tpu.dma_semaphore, #tpu.memory_space<semaphore_mem>>) src(%arg10 : memref<8x1024xf32, #tpu.memory_space<vmem>>) dst(%dma_wait3A_247 : memref<8x1024xf32, #tpu.memory_space<hbm>>)
        %dma_wait3A_248 = arith.constant 0 : i32
        %dma_wait3A_249 = arith.constant 0 : i32
        %dma_wait3A_250 = tpu.memref_slice %arg5[%dma_wait3A_248, %dma_wait3A_249] : memref<8192x1024xf32, #tpu.memory_space<hbm>> -> memref<8x1024xf32, #tpu.memory_space<hbm>>
        %dma_wait3A_251 = arith.constant 0 : i32
        %dma_wait3A_252 = arith.constant 0 : i32
        %dma_wait3A_253 = tpu.memref_slice %arg5[%dma_wait3A_251, %dma_wait3A_252] : memref<8192x1024xf32, #tpu.memory_space<hbm>> -> memref<8x1024xf32, #tpu.memory_space<hbm>>
        tpu.wait_dma2 semaphore(%arg19 : memref<!tpu.dma_semaphore, #tpu.memory_space<semaphore_mem>>) src(%arg11 : memref<8x1024xf32, #tpu.memory_space<vmem>>) dst(%dma_wait3A_253 : memref<8x1024xf32, #tpu.memory_space<hbm>>)
        %dma_wait3A_254 = arith.constant 0 : i32
        %dma_wait3A_255 = arith.constant 0 : i32
        %dma_wait3A_256 = tpu.memref_slice %arg5[%dma_wait3A_254, %dma_wait3A_255] : memref<8192x1024xf32, #tpu.memory_space<hbm>> -> memref<8x1024xf32, #tpu.memory_space<hbm>>
        %dma_wait3A_257 = arith.constant 0 : i32
        %dma_wait3A_258 = arith.constant 0 : i32
        %dma_wait3A_259 = tpu.memref_slice %arg5[%dma_wait3A_257, %dma_wait3A_258] : memref<8192x1024xf32, #tpu.memory_space<hbm>> -> memref<8x1024xf32, #tpu.memory_space<hbm>>
        tpu.wait_dma2 semaphore(%arg19 : memref<!tpu.dma_semaphore, #tpu.memory_space<semaphore_mem>>) src(%arg12 : memref<8x1024xf32, #tpu.memory_space<vmem>>) dst(%dma_wait3A_259 : memref<8x1024xf32, #tpu.memory_space<hbm>>)
      } else {
      }
      %add3A_157 = arith.constant 1 : i32
      %add3A_158 = arith.addi %add3A_151, %add3A_157 : i32
      %lt3A_159 = arith.constant 8 : i32
      %lt3A_160 = arith.cmpi slt, %add3A_158, %lt3A_159 : i32
      %convert_element_type3A_161 = arith.extui %lt3A_160 : i1 to i32
      %cond3A_162 = arith.constant 0 : i32
      %cond3A_163 = arith.cmpi ne, %convert_element_type3A_161, %cond3A_162 : i32
      scf.if %cond3A_163 {
        %add3A_236 = arith.constant 1 : i32
        %add3A_237 = arith.addi %add3A_151, %add3A_236 : i32
        %mul3A_238 = arith.constant 8 : i32
        %mul3A_239 = arith.muli %add3A_237, %mul3A_238 : i32
        %add3A_240 = arith.constant 0 : i32
        %add3A_241 = arith.addi %add3A_240, %mul3A_239 : i32
        %dma_start3A_242 = tpu.memref_slice %arg6[%add3A_241] : memref<256xi32, #tpu.memory_space<vmem>> -> memref<8xi32, #tpu.memory_space<vmem>>
        %dma_start3A_243 = arith.constant 0 : i32
        %dma_start3A_244 = arith.constant 0 : i32
        %dma_start3A_245 = tpu.memref_slice %arg3[%dma_start3A_243, %dma_start3A_244] : memref<100000x1024xf32, #tpu.memory_space<hbm>> -> memref<100000x1024xf32, #tpu.memory_space<hbm>>
        tpu.enqueue_indirect_dma source(%dma_start3A_245 : memref<100000x1024xf32, #tpu.memory_space<hbm>>) target(%arg9 : memref<8x1024xf32, #tpu.memory_space<vmem>>) offsets(%dma_start3A_242 : memref<8xi32, #tpu.memory_space<vmem>>) semaphore(%arg17 : memref<!tpu.dma_semaphore, #tpu.memory_space<semaphore_mem>>)
        %mul3A_246 = arith.constant 8 : i32
        %mul3A_247 = arith.muli %add3A_237, %mul3A_246 : i32
        %add3A_248 = arith.constant 64 : i32
        %add3A_249 = arith.addi %add3A_248, %mul3A_247 : i32
        %dma_start3A_250 = tpu.memref_slice %arg6[%add3A_249] : memref<256xi32, #tpu.memory_space<vmem>> -> memref<8xi32, #tpu.memory_space<vmem>>
        %dma_start3A_251 = arith.constant 0 : i32
        %dma_start3A_252 = arith.constant 0 : i32
        %dma_start3A_253 = tpu.memref_slice %arg3[%dma_start3A_251, %dma_start3A_252] : memref<100000x1024xf32, #tpu.memory_space<hbm>> -> memref<100000x1024xf32, #tpu.memory_space<hbm>>
        tpu.enqueue_indirect_dma source(%dma_start3A_253 : memref<100000x1024xf32, #tpu.memory_space<hbm>>) target(%arg10 : memref<8x1024xf32, #tpu.memory_space<vmem>>) offsets(%dma_start3A_250 : memref<8xi32, #tpu.memory_space<vmem>>) semaphore(%arg17 : memref<!tpu.dma_semaphore, #tpu.memory_space<semaphore_mem>>)
        %mul3A_254 = arith.constant 8 : i32
        %mul3A_255 = arith.muli %add3A_237, %mul3A_254 : i32
        %add3A_256 = arith.constant 128 : i32
        %add3A_257 = arith.addi %add3A_256, %mul3A_255 : i32
        %dma_start3A_258 = tpu.memref_slice %arg6[%add3A_257] : memref<256xi32, #tpu.memory_space<vmem>> -> memref<8xi32, #tpu.memory_space<vmem>>
        %dma_start3A_259 = arith.constant 0 : i32
        %dma_start3A_260 = arith.constant 0 : i32
        %dma_start3A_261 = tpu.memref_slice %arg3[%dma_start3A_259, %dma_start3A_260] : memref<100000x1024xf32, #tpu.memory_space<hbm>> -> memref<100000x1024xf32, #tpu.memory_space<hbm>>
        tpu.enqueue_indirect_dma source(%dma_start3A_261 : memref<100000x1024xf32, #tpu.memory_space<hbm>>) target(%arg11 : memref<8x1024xf32, #tpu.memory_space<vmem>>) offsets(%dma_start3A_258 : memref<8xi32, #tpu.memory_space<vmem>>) semaphore(%arg17 : memref<!tpu.dma_semaphore, #tpu.memory_space<semaphore_mem>>)
        %mul3A_262 = arith.constant 8 : i32
        %mul3A_263 = arith.muli %add3A_237, %mul3A_262 : i32
        %add3A_264 = arith.constant 192 : i32
        %add3A_265 = arith.addi %add3A_264, %mul3A_263 : i32
        %dma_start3A_266 = tpu.memref_slice %arg6[%add3A_265] : memref<256xi32, #tpu.memory_space<vmem>> -> memref<8xi32, #tpu.memory_space<vmem>>
        %dma_start3A_267 = arith.constant 0 : i32
        %dma_start3A_268 = arith.constant 0 : i32
        %dma_start3A_269 = tpu.memref_slice %arg3[%dma_start3A_267, %dma_start3A_268] : memref<100000x1024xf32, #tpu.memory_space<hbm>> -> memref<100000x1024xf32, #tpu.memory_space<hbm>>
        tpu.enqueue_indirect_dma source(%dma_start3A_269 : memref<100000x1024xf32, #tpu.memory_space<hbm>>) target(%arg12 : memref<8x1024xf32, #tpu.memory_space<vmem>>) offsets(%dma_start3A_266 : memref<8xi32, #tpu.memory_space<vmem>>) semaphore(%arg17 : memref<!tpu.dma_semaphore, #tpu.memory_space<semaphore_mem>>)
        %mul3A_270 = arith.constant 8 : i32
        %mul3A_271 = arith.muli %add3A_237, %mul3A_270 : i32
        %add3A_272 = arith.addi %mul3A_2, %mul3A_271 : i32
        %dma_start3A_273 = arith.constant 0 : i32
        %dma_start3A_274 = tpu.memref_slice %arg4[%add3A_272, %dma_start3A_273] : memref<2048x1024xf32, #tpu.memory_space<hbm>> -> memref<8x1024xf32, #tpu.memory_space<hbm>>
        %dma_start3A_275 = arith.constant 0 : i32
        %dma_start3A_276 = tpu.memref_slice %arg4[%add3A_272, %dma_start3A_275] : memref<2048x1024xf32, #tpu.memory_space<hbm>> -> memref<8x1024xf32, #tpu.memory_space<hbm>>
        tpu.enqueue_dma source(%dma_start3A_276 : memref<8x1024xf32, #tpu.memory_space<hbm>>) target(%arg7 : memref<8x1024xf32, #tpu.memory_space<vmem>>) target_semaphore(%arg17 : memref<!tpu.dma_semaphore, #tpu.memory_space<semaphore_mem>>)
      } else {
      }
      %dma_wait3A_164 = arith.constant 0 : i32
      %dma_wait3A_165 = arith.constant 0 : i32
      %dma_wait3A_166 = tpu.memref_slice %arg5[%dma_wait3A_164, %dma_wait3A_165] : memref<8192x1024xf32, #tpu.memory_space<hbm>> -> memref<8x1024xf32, #tpu.memory_space<hbm>>
      %dma_wait3A_167 = arith.constant 0 : i32
      %dma_wait3A_168 = arith.constant 0 : i32
      %dma_wait3A_169 = tpu.memref_slice %arg5[%dma_wait3A_167, %dma_wait3A_168] : memref<8192x1024xf32, #tpu.memory_space<hbm>> -> memref<8x1024xf32, #tpu.memory_space<hbm>>
      tpu.wait_dma2 semaphore(%arg18 : memref<!tpu.dma_semaphore, #tpu.memory_space<semaphore_mem>>) src(%dma_wait3A_169 : memref<8x1024xf32, #tpu.memory_space<hbm>>) dst(%arg13 : memref<8x1024xf32, #tpu.memory_space<vmem>>)
      %dma_wait3A_170 = arith.constant 0 : i32
      %dma_wait3A_171 = arith.constant 0 : i32
      %dma_wait3A_172 = tpu.memref_slice %arg5[%dma_wait3A_170, %dma_wait3A_171] : memref<8192x1024xf32, #tpu.memory_space<hbm>> -> memref<8x1024xf32, #tpu.memory_space<hbm>>
      %dma_wait3A_173 = arith.constant 0 : i32
      %dma_wait3A_174 = arith.constant 0 : i32
      %dma_wait3A_175 = tpu.memref_slice %arg5[%dma_wait3A_173, %dma_wait3A_174] : memref<8192x1024xf32, #tpu.memory_space<hbm>> -> memref<8x1024xf32, #tpu.memory_space<hbm>>
      tpu.wait_dma2 semaphore(%arg18 : memref<!tpu.dma_semaphore, #tpu.memory_space<semaphore_mem>>) src(%dma_wait3A_175 : memref<8x1024xf32, #tpu.memory_space<hbm>>) dst(%arg14 : memref<8x1024xf32, #tpu.memory_space<vmem>>)
      %dma_wait3A_176 = arith.constant 0 : i32
      %dma_wait3A_177 = arith.constant 0 : i32
      %dma_wait3A_178 = tpu.memref_slice %arg5[%dma_wait3A_176, %dma_wait3A_177] : memref<8192x1024xf32, #tpu.memory_space<hbm>> -> memref<8x1024xf32, #tpu.memory_space<hbm>>
      %dma_wait3A_179 = arith.constant 0 : i32
      %dma_wait3A_180 = arith.constant 0 : i32
      %dma_wait3A_181 = tpu.memref_slice %arg5[%dma_wait3A_179, %dma_wait3A_180] : memref<8192x1024xf32, #tpu.memory_space<hbm>> -> memref<8x1024xf32, #tpu.memory_space<hbm>>
      tpu.wait_dma2 semaphore(%arg18 : memref<!tpu.dma_semaphore, #tpu.memory_space<semaphore_mem>>) src(%dma_wait3A_181 : memref<8x1024xf32, #tpu.memory_space<hbm>>) dst(%arg15 : memref<8x1024xf32, #tpu.memory_space<vmem>>)
      %dma_wait3A_182 = arith.constant 0 : i32
      %dma_wait3A_183 = arith.constant 0 : i32
      %dma_wait3A_184 = tpu.memref_slice %arg5[%dma_wait3A_182, %dma_wait3A_183] : memref<8192x1024xf32, #tpu.memory_space<hbm>> -> memref<8x1024xf32, #tpu.memory_space<hbm>>
      %dma_wait3A_185 = arith.constant 0 : i32
      %dma_wait3A_186 = arith.constant 0 : i32
      %dma_wait3A_187 = tpu.memref_slice %arg5[%dma_wait3A_185, %dma_wait3A_186] : memref<8192x1024xf32, #tpu.memory_space<hbm>> -> memref<8x1024xf32, #tpu.memory_space<hbm>>
      tpu.wait_dma2 semaphore(%arg18 : memref<!tpu.dma_semaphore, #tpu.memory_space<semaphore_mem>>) src(%dma_wait3A_187 : memref<8x1024xf32, #tpu.memory_space<hbm>>) dst(%arg16 : memref<8x1024xf32, #tpu.memory_space<vmem>>)
      %dma_wait3A_188 = arith.constant 0 : i32
      %dma_wait3A_189 = arith.constant 0 : i32
      %dma_wait3A_190 = tpu.memref_slice %arg5[%dma_wait3A_188, %dma_wait3A_189] : memref<8192x1024xf32, #tpu.memory_space<hbm>> -> memref<8x1024xf32, #tpu.memory_space<hbm>>
      %dma_wait3A_191 = arith.constant 0 : i32
      %dma_wait3A_192 = arith.constant 0 : i32
      %dma_wait3A_193 = tpu.memref_slice %arg5[%dma_wait3A_191, %dma_wait3A_192] : memref<8192x1024xf32, #tpu.memory_space<hbm>> -> memref<8x1024xf32, #tpu.memory_space<hbm>>
      tpu.wait_dma2 semaphore(%arg18 : memref<!tpu.dma_semaphore, #tpu.memory_space<semaphore_mem>>) src(%dma_wait3A_193 : memref<8x1024xf32, #tpu.memory_space<hbm>>) dst(%arg8 : memref<8x1024xf32, #tpu.memory_space<vmem>>)
      %scan3A_194 = arith.constant 0 : i32
      %scan3A_195 = arith.constant 0 : i32
      %scan3A_196 = arith.constant 8 : i32
      %scan3A_197 = arith.addi %scan3A_195, %scan3A_196 : i32
      %scan3A_198 = arith.constant 1 : i32
      scf.for %scan3A_236 = %scan3A_195 to %scan3A_197 step %scan3A_198  : i32 {
        %get3A = arith.index_cast %scan3A_236 : i32 to index
        %get3A_237 = arith.constant 0 : index
        %get3A_238 = tpu.vector_load %arg8[%get3A, %get3A_237] {strides = array<i32>} : memref<8x1024xf32, #tpu.memory_space<vmem>>, vector<1x16xf32>,
        %get3A_239 = vector.shape_cast %get3A_238 : vector<1x16xf32> to vector<16xf32>
        %swap3A = arith.index_cast %scan3A_236 : i32 to index
        %swap3A_240 = arith.constant 0 : index
        %swap3A_241 = tpu.vector_load %arg13[%swap3A, %swap3A_240] {strides = array<i32>} : memref<8x1024xf32, #tpu.memory_space<vmem>>, vector<1x16xf32>,
        %swap3A_242 = vector.shape_cast %swap3A_241 : vector<1x16xf32> to vector<16xf32>
        %swap3A_243 = vector.shape_cast %get3A_239 : vector<16xf32> to vector<1x16xf32>
        tpu.vector_store %arg13[%swap3A, %swap3A_240], %swap3A_243 {add = true, strides = array<i32>} : memref<8x1024xf32, #tpu.memory_space<vmem>>, vector<1x16xf32>,
        %swap3A_244 = arith.index_cast %scan3A_236 : i32 to index
        %swap3A_245 = arith.constant 0 : index
        %swap3A_246 = tpu.vector_load %arg14[%swap3A_244, %swap3A_245] {strides = array<i32>} : memref<8x1024xf32, #tpu.memory_space<vmem>>, vector<1x16xf32>,
        %swap3A_247 = vector.shape_cast %swap3A_246 : vector<1x16xf32> to vector<16xf32>
        %swap3A_248 = vector.shape_cast %get3A_239 : vector<16xf32> to vector<1x16xf32>
        tpu.vector_store %arg14[%swap3A_244, %swap3A_245], %swap3A_248 {add = true, strides = array<i32>} : memref<8x1024xf32, #tpu.memory_space<vmem>>, vector<1x16xf32>,
        %swap3A_249 = arith.index_cast %scan3A_236 : i32 to index
        %swap3A_250 = arith.constant 0 : index
        %swap3A_251 = tpu.vector_load %arg15[%swap3A_249, %swap3A_250] {strides = array<i32>} : memref<8x1024xf32, #tpu.memory_space<vmem>>, vector<1x16xf32>,
        %swap3A_252 = vector.shape_cast %swap3A_251 : vector<1x16xf32> to vector<16xf32>
        %swap3A_253 = vector.shape_cast %get3A_239 : vector<16xf32> to vector<1x16xf32>
        tpu.vector_store %arg15[%swap3A_249, %swap3A_250], %swap3A_253 {add = true, strides = array<i32>} : memref<8x1024xf32, #tpu.memory_space<vmem>>, vector<1x16xf32>,
        %swap3A_254 = arith.index_cast %scan3A_236 : i32 to index
        %swap3A_255 = arith.constant 0 : index
        %swap3A_256 = tpu.vector_load %arg16[%swap3A_254, %swap3A_255] {strides = array<i32>} : memref<8x1024xf32, #tpu.memory_space<vmem>>, vector<1x16xf32>,
        %swap3A_257 = vector.shape_cast %swap3A_256 : vector<1x16xf32> to vector<16xf32>
        %swap3A_258 = vector.shape_cast %get3A_239 : vector<16xf32> to vector<1x16xf32>
        tpu.vector_store %arg16[%swap3A_254, %swap3A_255], %swap3A_258 {add = true, strides = array<i32>} : memref<8x1024xf32, #tpu.memory_space<vmem>>, vector<1x16xf32>,
        %get3A_259 = arith.index_cast %scan3A_236 : i32 to index
        %get3A_260 = arith.constant 16 : index
        %get3A_261 = tpu.vector_load %arg8[%get3A_259, %get3A_260] {strides = array<i32>} : memref<8x1024xf32, #tpu.memory_space<vmem>>, vector<1x16xf32>,
        %get3A_262 = vector.shape_cast %get3A_261 : vector<1x16xf32> to vector<16xf32>
        %swap3A_263 = arith.index_cast %scan3A_236 : i32 to index
        %swap3A_264 = arith.constant 16 : index
        %swap3A_265 = tpu.vector_load %arg13[%swap3A_263, %swap3A_264] {strides = array<i32>} : memref<8x1024xf32, #tpu.memory_space<vmem>>, vector<1x16xf32>,
        %swap3A_266 = vector.shape_cast %swap3A_265 : vector<1x16xf32> to vector<16xf32>
        %swap3A_267 = vector.shape_cast %get3A_262 : vector<16xf32> to vector<1x16xf32>
        tpu.vector_store %arg13[%swap3A_263, %swap3A_264], %swap3A_267 {add = true, strides = array<i32>} : memref<8x1024xf32, #tpu.memory_space<vmem>>, vector<1x16xf32>,
        %swap3A_268 = arith.index_cast %scan3A_236 : i32 to index
        %swap3A_269 = arith.constant 16 : index
        %swap3A_270 = tpu.vector_load %arg14[%swap3A_268, %swap3A_269] {strides = array<i32>} : memref<8x1024xf32, #tpu.memory_space<vmem>>, vector<1x16xf32>,
        %swap3A_271 = vector.shape_cast %swap3A_270 : vector<1x16xf32> to vector<16xf32>
        %swap3A_272 = vector.shape_cast %get3A_262 : vector<16xf32> to vector<1x16xf32>
        tpu.vector_store %arg14[%swap3A_268, %swap3A_269], %swap3A_272 {add = true, strides = array<i32>} : memref<8x1024xf32, #tpu.memory_space<vmem>>, vector<1x16xf32>,
        %swap3A_273 = arith.index_cast %scan3A_236 : i32 to index
        %swap3A_274 = arith.constant 16 : index
        %swap3A_275 = tpu.vector_load %arg15[%swap3A_273, %swap3A_274] {strides = array<i32>} : memref<8x1024xf32, #tpu.memory_space<vmem>>, vector<1x16xf32>,
        %swap3A_276 = vector.shape_cast %swap3A_275 : vector<1x16xf32> to vector<16xf32>
        %swap3A_277 = vector.shape_cast %get3A_262 : vector<16xf32> to vector<1x16xf32>
        tpu.vector_store %arg15[%swap3A_273, %swap3A_274], %swap3A_277 {add = true, strides = array<i32>} : memref<8x1024xf32, #tpu.memory_space<vmem>>, vector<1x16xf32>,
        %swap3A_278 = arith.index_cast %scan3A_236 : i32 to index
        %swap3A_279 = arith.constant 16 : index
        %swap3A_280 = tpu.vector_load %arg16[%swap3A_278, %swap3A_279] {strides = array<i32>} : memref<8x1024xf32, #tpu.memory_space<vmem>>, vector<1x16xf32>,
        %swap3A_281 = vector.shape_cast %swap3A_280 : vector<1x16xf32> to vector<16xf32>
        %swap3A_282 = vector.shape_cast %get3A_262 : vector<16xf32> to vector<1x16xf32>
        tpu.vector_store %arg16[%swap3A_278, %swap3A_279], %swap3A_282 {add = true, strides = array<i32>} : memref<8x1024xf32, #tpu.memory_space<vmem>>, vector<1x16xf32>,
        %get3A_283 = arith.index_cast %scan3A_236 : i32 to index
        %get3A_284 = arith.constant 32 : index
        %get3A_285 = tpu.vector_load %arg8[%get3A_283, %get3A_284] {strides = array<i32>} : memref<8x1024xf32, #tpu.memory_space<vmem>>, vector<1x16xf32>,
        %get3A_286 = vector.shape_cast %get3A_285 : vector<1x16xf32> to vector<16xf32>
        %swap3A_287 = arith.index_cast %scan3A_236 : i32 to index
        %swap3A_288 = arith.constant 32 : index
        %swap3A_289 = tpu.vector_load %arg13[%swap3A_287, %swap3A_288] {strides = array<i32>} : memref<8x1024xf32, #tpu.memory_space<vmem>>, vector<1x16xf32>,
        %swap3A_290 = vector.shape_cast %swap3A_289 : vector<1x16xf32> to vector<16xf32>
        %swap3A_291 = vector.shape_cast %get3A_286 : vector<16xf32> to vector<1x16xf32>
        tpu.vector_store %arg13[%swap3A_287, %swap3A_288], %swap3A_291 {add = true, strides = array<i32>} : memref<8x1024xf32, #tpu.memory_space<vmem>>, vector<1x16xf32>,
        %swap3A_292 = arith.index_cast %scan3A_236 : i32 to index
        %swap3A_293 = arith.constant 32 : index
        %swap3A_294 = tpu.vector_load %arg14[%swap3A_292, %swap3A_293] {strides = array<i32>} : memref<8x1024xf32, #tpu.memory_space<vmem>>, vector<1x16xf32>,
        %swap3A_295 = vector.shape_cast %swap3A_294 : vector<1x16xf32> to vector<16xf32>
        %swap3A_296 = vector.shape_cast %get3A_286 : vector<16xf32> to vector<1x16xf32>
        tpu.vector_store %arg14[%swap3A_292, %swap3A_293], %swap3A_296 {add = true, strides = array<i32>} : memref<8x1024xf32, #tpu.memory_space<vmem>>, vector<1x16xf32>,
        %swap3A_297 = arith.index_cast %scan3A_236 : i32 to index
        %swap3A_298 = arith.constant 32 : index
        %swap3A_299 = tpu.vector_load %arg15[%swap3A_297, %swap3A_298] {strides = array<i32>} : memref<8x1024xf32, #tpu.memory_space<vmem>>, vector<1x16xf32>,
        %swap3A_300 = vector.shape_cast %swap3A_299 : vector<1x16xf32> to vector<16xf32>
        %swap3A_301 = vector.shape_cast %get3A_286 : vector<16xf32> to vector<1x16xf32>
        tpu.vector_store %arg15[%swap3A_297, %swap3A_298], %swap3A_301 {add = true, strides = array<i32>} : memref<8x1024xf32, #tpu.memory_space<vmem>>, vector<1x16xf32>,
        %swap3A_302 = arith.index_cast %scan3A_236 : i32 to index
        %swap3A_303 = arith.constant 32 : index
        %swap3A_304 = tpu.vector_load %arg16[%swap3A_302, %swap3A_303] {strides = array<i32>} : memref<8x1024xf32, #tpu.memory_space<vmem>>, vector<1x16xf32>,
        %swap3A_305 = vector.shape_cast %swap3A_304 : vector<1x16xf32> to vector<16xf32>
        %swap3A_306 = vector.shape_cast %get3A_286 : vector<16xf32> to vector<1x16xf32>
        tpu.vector_store %arg16[%swap3A_302, %swap3A_303], %swap3A_306 {add = true, strides = array<i32>} : memref<8x1024xf32, #tpu.memory_space<vmem>>, vector<1x16xf32>,
        %get3A_307 = arith.index_cast %scan3A_236 : i32 to index
        %get3A_308 = arith.constant 48 : index
        %get3A_309 = tpu.vector_load %arg8[%get3A_307, %get3A_308] {strides = array<i32>} : memref<8x1024xf32, #tpu.memory_space<vmem>>, vector<1x16xf32>,
        %get3A_310 = vector.shape_cast %get3A_309 : vector<1x16xf32> to vector<16xf32>
        %swap3A_311 = arith.index_cast %scan3A_236 : i32 to index
        %swap3A_312 = arith.constant 48 : index
        %swap3A_313 = tpu.vector_load %arg13[%swap3A_311, %swap3A_312] {strides = array<i32>} : memref<8x1024xf32, #tpu.memory_space<vmem>>, vector<1x16xf32>,
        %swap3A_314 = vector.shape_cast %swap3A_313 : vector<1x16xf32> to vector<16xf32>
        %swap3A_315 = vector.shape_cast %get3A_310 : vector<16xf32> to vector<1x16xf32>
        tpu.vector_store %arg13[%swap3A_311, %swap3A_312], %swap3A_315 {add = true, strides = array<i32>} : memref<8x1024xf32, #tpu.memory_space<vmem>>, vector<1x16xf32>,
        %swap3A_316 = arith.index_cast %scan3A_236 : i32 to index
        %swap3A_317 = arith.constant 48 : index
        %swap3A_318 = tpu.vector_load %arg14[%swap3A_316, %swap3A_317] {strides = array<i32>} : memref<8x1024xf32, #tpu.memory_space<vmem>>, vector<1x16xf32>,
        %swap3A_319 = vector.shape_cast %swap3A_318 : vector<1x16xf32> to vector<16xf32>
        %swap3A_320 = vector.shape_cast %get3A_310 : vector<16xf32> to vector<1x16xf32>
        tpu.vector_store %arg14[%swap3A_316, %swap3A_317], %swap3A_320 {add = true, strides = array<i32>} : memref<8x1024xf32, #tpu.memory_space<vmem>>, vector<1x16xf32>,
        %swap3A_321 = arith.index_cast %scan3A_236 : i32 to index
        %swap3A_322 = arith.constant 48 : index
        %swap3A_323 = tpu.vector_load %arg15[%swap3A_321, %swap3A_322] {strides = array<i32>} : memref<8x1024xf32, #tpu.memory_space<vmem>>, vector<1x16xf32>,
        %swap3A_324 = vector.shape_cast %swap3A_323 : vector<1x16xf32> to vector<16xf32>
        %swap3A_325 = vector.shape_cast %get3A_310 : vector<16xf32> to vector<1x16xf32>
        tpu.vector_store %arg15[%swap3A_321, %swap3A_322], %swap3A_325 {add = true, strides = array<i32>} : memref<8x1024xf32, #tpu.memory_space<vmem>>, vector<1x16xf32>,
        %swap3A_326 = arith.index_cast %scan3A_236 : i32 to index
        %swap3A_327 = arith.constant 48 : index
        %swap3A_328 = tpu.vector_load %arg16[%swap3A_326, %swap3A_327] {strides = array<i32>} : memref<8x1024xf32, #tpu.memory_space<vmem>>, vector<1x16xf32>,
        %swap3A_329 = vector.shape_cast %swap3A_328 : vector<1x16xf32> to vector<16xf32>
        %swap3A_330 = vector.shape_cast %get3A_310 : vector<16xf32> to vector<1x16xf32>
        tpu.vector_store %arg16[%swap3A_326, %swap3A_327], %swap3A_330 {add = true, strides = array<i32>} : memref<8x1024xf32, #tpu.memory_space<vmem>>, vector<1x16xf32>,
        %get3A_331 = arith.index_cast %scan3A_236 : i32 to index
        %get3A_332 = arith.constant 64 : index
        %get3A_333 = tpu.vector_load %arg8[%get3A_331, %get3A_332] {strides = array<i32>} : memref<8x1024xf32, #tpu.memory_space<vmem>>, vector<1x16xf32>,
        %get3A_334 = vector.shape_cast %get3A_333 : vector<1x16xf32> to vector<16xf32>
        %swap3A_335 = arith.index_cast %scan3A_236 : i32 to index
        %swap3A_336 = arith.constant 64 : index
        %swap3A_337 = tpu.vector_load %arg13[%swap3A_335, %swap3A_336] {strides = array<i32>} : memref<8x1024xf32, #tpu.memory_space<vmem>>, vector<1x16xf32>,
        %swap3A_338 = vector.shape_cast %swap3A_337 : vector<1x16xf32> to vector<16xf32>
        %swap3A_339 = vector.shape_cast %get3A_334 : vector<16xf32> to vector<1x16xf32>
        tpu.vector_store %arg13[%swap3A_335, %swap3A_336], %swap3A_339 {add = true, strides = array<i32>} : memref<8x1024xf32, #tpu.memory_space<vmem>>, vector<1x16xf32>,
        %swap3A_340 = arith.index_cast %scan3A_236 : i32 to index
        %swap3A_341 = arith.constant 64 : index
        %swap3A_342 = tpu.vector_load %arg14[%swap3A_340, %swap3A_341] {strides = array<i32>} : memref<8x1024xf32, #tpu.memory_space<vmem>>, vector<1x16xf32>,
        %swap3A_343 = vector.shape_cast %swap3A_342 : vector<1x16xf32> to vector<16xf32>
        %swap3A_344 = vector.shape_cast %get3A_334 : vector<16xf32> to vector<1x16xf32>
        tpu.vector_store %arg14[%swap3A_340, %swap3A_341], %swap3A_344 {add = true, strides = array<i32>} : memref<8x1024xf32, #tpu.memory_space<vmem>>, vector<1x16xf32>,
        %swap3A_345 = arith.index_cast %scan3A_236 : i32 to index
        %swap3A_346 = arith.constant 64 : index
        %swap3A_347 = tpu.vector_load %arg15[%swap3A_345, %swap3A_346] {strides = array<i32>} : memref<8x1024xf32, #tpu.memory_space<vmem>>, vector<1x16xf32>,
        %swap3A_348 = vector.shape_cast %swap3A_347 : vector<1x16xf32> to vector<16xf32>
        %swap3A_349 = vector.shape_cast %get3A_334 : vector<16xf32> to vector<1x16xf32>
        tpu.vector_store %arg15[%swap3A_345, %swap3A_346], %swap3A_349 {add = true, strides = array<i32>} : memref<8x1024xf32, #tpu.memory_space<vmem>>, vector<1x16xf32>,
        %swap3A_350 = arith.index_cast %scan3A_236 : i32 to index
        %swap3A_351 = arith.constant 64 : index
        %swap3A_352 = tpu.vector_load %arg16[%swap3A_350, %swap3A_351] {strides = array<i32>} : memref<8x1024xf32, #tpu.memory_space<vmem>>, vector<1x16xf32>,
        %swap3A_353 = vector.shape_cast %swap3A_352 : vector<1x16xf32> to vector<16xf32>
        %swap3A_354 = vector.shape_cast %get3A_334 : vector<16xf32> to vector<1x16xf32>
        tpu.vector_store %arg16[%swap3A_350, %swap3A_351], %swap3A_354 {add = true, strides = array<i32>} : memref<8x1024xf32, #tpu.memory_space<vmem>>, vector<1x16xf32>,
        %get3A_355 = arith.index_cast %scan3A_236 : i32 to index
        %get3A_356 = arith.constant 80 : index
        %get3A_357 = tpu.vector_load %arg8[%get3A_355, %get3A_356] {strides = array<i32>} : memref<8x1024xf32, #tpu.memory_space<vmem>>, vector<1x16xf32>,
        %get3A_358 = vector.shape_cast %get3A_357 : vector<1x16xf32> to vector<16xf32>
        %swap3A_359 = arith.index_cast %scan3A_236 : i32 to index
        %swap3A_360 = arith.constant 80 : index
        %swap3A_361 = tpu.vector_load %arg13[%swap3A_359, %swap3A_360] {strides = array<i32>} : memref<8x1024xf32, #tpu.memory_space<vmem>>, vector<1x16xf32>,
        %swap3A_362 = vector.shape_cast %swap3A_361 : vector<1x16xf32> to vector<16xf32>
        %swap3A_363 = vector.shape_cast %get3A_358 : vector<16xf32> to vector<1x16xf32>
        tpu.vector_store %arg13[%swap3A_359, %swap3A_360], %swap3A_363 {add = true, strides = array<i32>} : memref<8x1024xf32, #tpu.memory_space<vmem>>, vector<1x16xf32>,
        %swap3A_364 = arith.index_cast %scan3A_236 : i32 to index
        %swap3A_365 = arith.constant 80 : index
        %swap3A_366 = tpu.vector_load %arg14[%swap3A_364, %swap3A_365] {strides = array<i32>} : memref<8x1024xf32, #tpu.memory_space<vmem>>, vector<1x16xf32>,
        %swap3A_367 = vector.shape_cast %swap3A_366 : vector<1x16xf32> to vector<16xf32>
        %swap3A_368 = vector.shape_cast %get3A_358 : vector<16xf32> to vector<1x16xf32>
        tpu.vector_store %arg14[%swap3A_364, %swap3A_365], %swap3A_368 {add = true, strides = array<i32>} : memref<8x1024xf32, #tpu.memory_space<vmem>>, vector<1x16xf32>,
        %swap3A_369 = arith.index_cast %scan3A_236 : i32 to index
        %swap3A_370 = arith.constant 80 : index
        %swap3A_371 = tpu.vector_load %arg15[%swap3A_369, %swap3A_370] {strides = array<i32>} : memref<8x1024xf32, #tpu.memory_space<vmem>>, vector<1x16xf32>,
        %swap3A_372 = vector.shape_cast %swap3A_371 : vector<1x16xf32> to vector<16xf32>
        %swap3A_373 = vector.shape_cast %get3A_358 : vector<16xf32> to vector<1x16xf32>
        tpu.vector_store %arg15[%swap3A_369, %swap3A_370], %swap3A_373 {add = true, strides = array<i32>} : memref<8x1024xf32, #tpu.memory_space<vmem>>, vector<1x16xf32>,
        %swap3A_374 = arith.index_cast %scan3A_236 : i32 to index
        %swap3A_375 = arith.constant 80 : index
        %swap3A_376 = tpu.vector_load %arg16[%swap3A_374, %swap3A_375] {strides = array<i32>} : memref<8x1024xf32, #tpu.memory_space<vmem>>, vector<1x16xf32>,
        %swap3A_377 = vector.shape_cast %swap3A_376 : vector<1x16xf32> to vector<16xf32>
        %swap3A_378 = vector.shape_cast %get3A_358 : vector<16xf32> to vector<1x16xf32>
        tpu.vector_store %arg16[%swap3A_374, %swap3A_375], %swap3A_378 {add = true, strides = array<i32>} : memref<8x1024xf32, #tpu.memory_space<vmem>>, vector<1x16xf32>,
        %get3A_379 = arith.index_cast %scan3A_236 : i32 to index
        %get3A_380 = arith.constant 96 : index
        %get3A_381 = tpu.vector_load %arg8[%get3A_379, %get3A_380] {strides = array<i32>} : memref<8x1024xf32, #tpu.memory_space<vmem>>, vector<1x16xf32>,
        %get3A_382 = vector.shape_cast %get3A_381 : vector<1x16xf32> to vector<16xf32>
        %swap3A_383 = arith.index_cast %scan3A_236 : i32 to index
        %swap3A_384 = arith.constant 96 : index
        %swap3A_385 = tpu.vector_load %arg13[%swap3A_383, %swap3A_384] {strides = array<i32>} : memref<8x1024xf32, #tpu.memory_space<vmem>>, vector<1x16xf32>,
        %swap3A_386 = vector.shape_cast %swap3A_385 : vector<1x16xf32> to vector<16xf32>
        %swap3A_387 = vector.shape_cast %get3A_382 : vector<16xf32> to vector<1x16xf32>
        tpu.vector_store %arg13[%swap3A_383, %swap3A_384], %swap3A_387 {add = true, strides = array<i32>} : memref<8x1024xf32, #tpu.memory_space<vmem>>, vector<1x16xf32>,
        %swap3A_388 = arith.index_cast %scan3A_236 : i32 to index
        %swap3A_389 = arith.constant 96 : index
        %swap3A_390 = tpu.vector_load %arg14[%swap3A_388, %swap3A_389] {strides = array<i32>} : memref<8x1024xf32, #tpu.memory_space<vmem>>, vector<1x16xf32>,
        %swap3A_391 = vector.shape_cast %swap3A_390 : vector<1x16xf32> to vector<16xf32>
        %swap3A_392 = vector.shape_cast %get3A_382 : vector<16xf32> to vector<1x16xf32>
        tpu.vector_store %arg14[%swap3A_388, %swap3A_389], %swap3A_392 {add = true, strides = array<i32>} : memref<8x1024xf32, #tpu.memory_space<vmem>>, vector<1x16xf32>,
        %swap3A_393 = arith.index_cast %scan3A_236 : i32 to index
        %swap3A_394 = arith.constant 96 : index
        %swap3A_395 = tpu.vector_load %arg15[%swap3A_393, %swap3A_394] {strides = array<i32>} : memref<8x1024xf32, #tpu.memory_space<vmem>>, vector<1x16xf32>,
        %swap3A_396 = vector.shape_cast %swap3A_395 : vector<1x16xf32> to vector<16xf32>
        %swap3A_397 = vector.shape_cast %get3A_382 : vector<16xf32> to vector<1x16xf32>
        tpu.vector_store %arg15[%swap3A_393, %swap3A_394], %swap3A_397 {add = true, strides = array<i32>} : memref<8x1024xf32, #tpu.memory_space<vmem>>, vector<1x16xf32>,
        %swap3A_398 = arith.index_cast %scan3A_236 : i32 to index
        %swap3A_399 = arith.constant 96 : index
        %swap3A_400 = tpu.vector_load %arg16[%swap3A_398, %swap3A_399] {strides = array<i32>} : memref<8x1024xf32, #tpu.memory_space<vmem>>, vector<1x16xf32>,
        %swap3A_401 = vector.shape_cast %swap3A_400 : vector<1x16xf32> to vector<16xf32>
        %swap3A_402 = vector.shape_cast %get3A_382 : vector<16xf32> to vector<1x16xf32>
        tpu.vector_store %arg16[%swap3A_398, %swap3A_399], %swap3A_402 {add = true, strides = array<i32>} : memref<8x1024xf32, #tpu.memory_space<vmem>>, vector<1x16xf32>,
        %get3A_403 = arith.index_cast %scan3A_236 : i32 to index
        %get3A_404 = arith.constant 112 : index
        %get3A_405 = tpu.vector_load %arg8[%get3A_403, %get3A_404] {strides = array<i32>} : memref<8x1024xf32, #tpu.memory_space<vmem>>, vector<1x16xf32>,
        %get3A_406 = vector.shape_cast %get3A_405 : vector<1x16xf32> to vector<16xf32>
        %swap3A_407 = arith.index_cast %scan3A_236 : i32 to index
        %swap3A_408 = arith.constant 112 : index
        %swap3A_409 = tpu.vector_load %arg13[%swap3A_407, %swap3A_408] {strides = array<i32>} : memref<8x1024xf32, #tpu.memory_space<vmem>>, vector<1x16xf32>,
        %swap3A_410 = vector.shape_cast %swap3A_409 : vector<1x16xf32> to vector<16xf32>
        %swap3A_411 = vector.shape_cast %get3A_406 : vector<16xf32> to vector<1x16xf32>
        tpu.vector_store %arg13[%swap3A_407, %swap3A_408], %swap3A_411 {add = true, strides = array<i32>} : memref<8x1024xf32, #tpu.memory_space<vmem>>, vector<1x16xf32>,
        %swap3A_412 = arith.index_cast %scan3A_236 : i32 to index
        %swap3A_413 = arith.constant 112 : index
        %swap3A_414 = tpu.vector_load %arg14[%swap3A_412, %swap3A_413] {strides = array<i32>} : memref<8x1024xf32, #tpu.memory_space<vmem>>, vector<1x16xf32>,
        %swap3A_415 = vector.shape_cast %swap3A_414 : vector<1x16xf32> to vector<16xf32>
        %swap3A_416 = vector.shape_cast %get3A_406 : vector<16xf32> to vector<1x16xf32>
        tpu.vector_store %arg14[%swap3A_412, %swap3A_413], %swap3A_416 {add = true, strides = array<i32>} : memref<8x1024xf32, #tpu.memory_space<vmem>>, vector<1x16xf32>,
        %swap3A_417 = arith.index_cast %scan3A_236 : i32 to index
        %swap3A_418 = arith.constant 112 : index
        %swap3A_419 = tpu.vector_load %arg15[%swap3A_417, %swap3A_418] {strides = array<i32>} : memref<8x1024xf32, #tpu.memory_space<vmem>>, vector<1x16xf32>,
        %swap3A_420 = vector.shape_cast %swap3A_419 : vector<1x16xf32> to vector<16xf32>
        %swap3A_421 = vector.shape_cast %get3A_406 : vector<16xf32> to vector<1x16xf32>
        tpu.vector_store %arg15[%swap3A_417, %swap3A_418], %swap3A_421 {add = true, strides = array<i32>} : memref<8x1024xf32, #tpu.memory_space<vmem>>, vector<1x16xf32>,
        %swap3A_422 = arith.index_cast %scan3A_236 : i32 to index
        %swap3A_423 = arith.constant 112 : index
        %swap3A_424 = tpu.vector_load %arg16[%swap3A_422, %swap3A_423] {strides = array<i32>} : memref<8x1024xf32, #tpu.memory_space<vmem>>, vector<1x16xf32>,
        %swap3A_425 = vector.shape_cast %swap3A_424 : vector<1x16xf32> to vector<16xf32>
        %swap3A_426 = vector.shape_cast %get3A_406 : vector<16xf32> to vector<1x16xf32>
        tpu.vector_store %arg16[%swap3A_422, %swap3A_423], %swap3A_426 {add = true, strides = array<i32>} : memref<8x1024xf32, #tpu.memory_space<vmem>>, vector<1x16xf32>,
        %get3A_427 = arith.index_cast %scan3A_236 : i32 to index
        %get3A_428 = arith.constant 128 : index
        %get3A_429 = tpu.vector_load %arg8[%get3A_427, %get3A_428] {strides = array<i32>} : memref<8x1024xf32, #tpu.memory_space<vmem>>, vector<1x16xf32>,
        %get3A_430 = vector.shape_cast %get3A_429 : vector<1x16xf32> to vector<16xf32>
        %swap3A_431 = arith.index_cast %scan3A_236 : i32 to index
        %swap3A_432 = arith.constant 128 : index
        %swap3A_433 = tpu.vector_load %arg13[%swap3A_431, %swap3A_432] {strides = array<i32>} : memref<8x1024xf32, #tpu.memory_space<vmem>>, vector<1x16xf32>,
        %swap3A_434 = vector.shape_cast %swap3A_433 : vector<1x16xf32> to vector<16xf32>
        %swap3A_435 = vector.shape_cast %get3A_430 : vector<16xf32> to vector<1x16xf32>
        tpu.vector_store %arg13[%swap3A_431, %swap3A_432], %swap3A_435 {add = true, strides = array<i32>} : memref<8x1024xf32, #tpu.memory_space<vmem>>, vector<1x16xf32>,
        %swap3A_436 = arith.index_cast %scan3A_236 : i32 to index
        %swap3A_437 = arith.constant 128 : index
        %swap3A_438 = tpu.vector_load %arg14[%swap3A_436, %swap3A_437] {strides = array<i32>} : memref<8x1024xf32, #tpu.memory_space<vmem>>, vector<1x16xf32>,
        %swap3A_439 = vector.shape_cast %swap3A_438 : vector<1x16xf32> to vector<16xf32>
        %swap3A_440 = vector.shape_cast %get3A_430 : vector<16xf32> to vector<1x16xf32>
        tpu.vector_store %arg14[%swap3A_436, %swap3A_437], %swap3A_440 {add = true, strides = array<i32>} : memref<8x1024xf32, #tpu.memory_space<vmem>>, vector<1x16xf32>,
        %swap3A_441 = arith.index_cast %scan3A_236 : i32 to index
        %swap3A_442 = arith.constant 128 : index
        %swap3A_443 = tpu.vector_load %arg15[%swap3A_441, %swap3A_442] {strides = array<i32>} : memref<8x1024xf32, #tpu.memory_space<vmem>>, vector<1x16xf32>,
        %swap3A_444 = vector.shape_cast %swap3A_443 : vector<1x16xf32> to vector<16xf32>
        %swap3A_445 = vector.shape_cast %get3A_430 : vector<16xf32> to vector<1x16xf32>
        tpu.vector_store %arg15[%swap3A_441, %swap3A_442], %swap3A_445 {add = true, strides = array<i32>} : memref<8x1024xf32, #tpu.memory_space<vmem>>, vector<1x16xf32>,
        %swap3A_446 = arith.index_cast %scan3A_236 : i32 to index
        %swap3A_447 = arith.constant 128 : index
        %swap3A_448 = tpu.vector_load %arg16[%swap3A_446, %swap3A_447] {strides = array<i32>} : memref<8x1024xf32, #tpu.memory_space<vmem>>, vector<1x16xf32>,
        %swap3A_449 = vector.shape_cast %swap3A_448 : vector<1x16xf32> to vector<16xf32>
        %swap3A_450 = vector.shape_cast %get3A_430 : vector<16xf32> to vector<1x16xf32>
        tpu.vector_store %arg16[%swap3A_446, %swap3A_447], %swap3A_450 {add = true, strides = array<i32>} : memref<8x1024xf32, #tpu.memory_space<vmem>>, vector<1x16xf32>,
        %get3A_451 = arith.index_cast %scan3A_236 : i32 to index
        %get3A_452 = arith.constant 144 : index
        %get3A_453 = tpu.vector_load %arg8[%get3A_451, %get3A_452] {strides = array<i32>} : memref<8x1024xf32, #tpu.memory_space<vmem>>, vector<1x16xf32>,
        %get3A_454 = vector.shape_cast %get3A_453 : vector<1x16xf32> to vector<16xf32>
        %swap3A_455 = arith.index_cast %scan3A_236 : i32 to index
        %swap3A_456 = arith.constant 144 : index
        %swap3A_457 = tpu.vector_load %arg13[%swap3A_455, %swap3A_456] {strides = array<i32>} : memref<8x1024xf32, #tpu.memory_space<vmem>>, vector<1x16xf32>,
        %swap3A_458 = vector.shape_cast %swap3A_457 : vector<1x16xf32> to vector<16xf32>
        %swap3A_459 = vector.shape_cast %get3A_454 : vector<16xf32> to vector<1x16xf32>
        tpu.vector_store %arg13[%swap3A_455, %swap3A_456], %swap3A_459 {add = true, strides = array<i32>} : memref<8x1024xf32, #tpu.memory_space<vmem>>, vector<1x16xf32>,
        %swap3A_460 = arith.index_cast %scan3A_236 : i32 to index
        %swap3A_461 = arith.constant 144 : index
        %swap3A_462 = tpu.vector_load %arg14[%swap3A_460, %swap3A_461] {strides = array<i32>} : memref<8x1024xf32, #tpu.memory_space<vmem>>, vector<1x16xf32>,
        %swap3A_463 = vector.shape_cast %swap3A_462 : vector<1x16xf32> to vector<16xf32>
        %swap3A_464 = vector.shape_cast %get3A_454 : vector<16xf32> to vector<1x16xf32>
        tpu.vector_store %arg14[%swap3A_460, %swap3A_461], %swap3A_464 {add = true, strides = array<i32>} : memref<8x1024xf32, #tpu.memory_space<vmem>>, vector<1x16xf32>,
        %swap3A_465 = arith.index_cast %scan3A_236 : i32 to index
        %swap3A_466 = arith.constant 144 : index
        %swap3A_467 = tpu.vector_load %arg15[%swap3A_465, %swap3A_466] {strides = array<i32>} : memref<8x1024xf32, #tpu.memory_space<vmem>>, vector<1x16xf32>,
        %swap3A_468 = vector.shape_cast %swap3A_467 : vector<1x16xf32> to vector<16xf32>
        %swap3A_469 = vector.shape_cast %get3A_454 : vector<16xf32> to vector<1x16xf32>
        tpu.vector_store %arg15[%swap3A_465, %swap3A_466], %swap3A_469 {add = true, strides = array<i32>} : memref<8x1024xf32, #tpu.memory_space<vmem>>, vector<1x16xf32>,
        %swap3A_470 = arith.index_cast %scan3A_236 : i32 to index
        %swap3A_471 = arith.constant 144 : index
        %swap3A_472 = tpu.vector_load %arg16[%swap3A_470, %swap3A_471] {strides = array<i32>} : memref<8x1024xf32, #tpu.memory_space<vmem>>, vector<1x16xf32>,
        %swap3A_473 = vector.shape_cast %swap3A_472 : vector<1x16xf32> to vector<16xf32>
        %swap3A_474 = vector.shape_cast %get3A_454 : vector<16xf32> to vector<1x16xf32>
        tpu.vector_store %arg16[%swap3A_470, %swap3A_471], %swap3A_474 {add = true, strides = array<i32>} : memref<8x1024xf32, #tpu.memory_space<vmem>>, vector<1x16xf32>,
        %get3A_475 = arith.index_cast %scan3A_236 : i32 to index
        %get3A_476 = arith.constant 160 : index
        %get3A_477 = tpu.vector_load %arg8[%get3A_475, %get3A_476] {strides = array<i32>} : memref<8x1024xf32, #tpu.memory_space<vmem>>, vector<1x16xf32>,
        %get3A_478 = vector.shape_cast %get3A_477 : vector<1x16xf32> to vector<16xf32>
        %swap3A_479 = arith.index_cast %scan3A_236 : i32 to index
        %swap3A_480 = arith.constant 160 : index
        %swap3A_481 = tpu.vector_load %arg13[%swap3A_479, %swap3A_480] {strides = array<i32>} : memref<8x1024xf32, #tpu.memory_space<vmem>>, vector<1x16xf32>,
        %swap3A_482 = vector.shape_cast %swap3A_481 : vector<1x16xf32> to vector<16xf32>
        %swap3A_483 = vector.shape_cast %get3A_478 : vector<16xf32> to vector<1x16xf32>
        tpu.vector_store %arg13[%swap3A_479, %swap3A_480], %swap3A_483 {add = true, strides = array<i32>} : memref<8x1024xf32, #tpu.memory_space<vmem>>, vector<1x16xf32>,
        %swap3A_484 = arith.index_cast %scan3A_236 : i32 to index
        %swap3A_485 = arith.constant 160 : index
        %swap3A_486 = tpu.vector_load %arg14[%swap3A_484, %swap3A_485] {strides = array<i32>} : memref<8x1024xf32, #tpu.memory_space<vmem>>, vector<1x16xf32>,
        %swap3A_487 = vector.shape_cast %swap3A_486 : vector<1x16xf32> to vector<16xf32>
        %swap3A_488 = vector.shape_cast %get3A_478 : vector<16xf32> to vector<1x16xf32>
        tpu.vector_store %arg14[%swap3A_484, %swap3A_485], %swap3A_488 {add = true, strides = array<i32>} : memref<8x1024xf32, #tpu.memory_space<vmem>>, vector<1x16xf32>,
        %swap3A_489 = arith.index_cast %scan3A_236 : i32 to index
        %swap3A_490 = arith.constant 160 : index
        %swap3A_491 = tpu.vector_load %arg15[%swap3A_489, %swap3A_490] {strides = array<i32>} : memref<8x1024xf32, #tpu.memory_space<vmem>>, vector<1x16xf32>,
        %swap3A_492 = vector.shape_cast %swap3A_491 : vector<1x16xf32> to vector<16xf32>
        %swap3A_493 = vector.shape_cast %get3A_478 : vector<16xf32> to vector<1x16xf32>
        tpu.vector_store %arg15[%swap3A_489, %swap3A_490], %swap3A_493 {add = true, strides = array<i32>} : memref<8x1024xf32, #tpu.memory_space<vmem>>, vector<1x16xf32>,
        %swap3A_494 = arith.index_cast %scan3A_236 : i32 to index
        %swap3A_495 = arith.constant 160 : index
        %swap3A_496 = tpu.vector_load %arg16[%swap3A_494, %swap3A_495] {strides = array<i32>} : memref<8x1024xf32, #tpu.memory_space<vmem>>, vector<1x16xf32>,
        %swap3A_497 = vector.shape_cast %swap3A_496 : vector<1x16xf32> to vector<16xf32>
        %swap3A_498 = vector.shape_cast %get3A_478 : vector<16xf32> to vector<1x16xf32>
        tpu.vector_store %arg16[%swap3A_494, %swap3A_495], %swap3A_498 {add = true, strides = array<i32>} : memref<8x1024xf32, #tpu.memory_space<vmem>>, vector<1x16xf32>,
        %get3A_499 = arith.index_cast %scan3A_236 : i32 to index
        %get3A_500 = arith.constant 176 : index
        %get3A_501 = tpu.vector_load %arg8[%get3A_499, %get3A_500] {strides = array<i32>} : memref<8x1024xf32, #tpu.memory_space<vmem>>, vector<1x16xf32>,
        %get3A_502 = vector.shape_cast %get3A_501 : vector<1x16xf32> to vector<16xf32>
        %swap3A_503 = arith.index_cast %scan3A_236 : i32 to index
        %swap3A_504 = arith.constant 176 : index
        %swap3A_505 = tpu.vector_load %arg13[%swap3A_503, %swap3A_504] {strides = array<i32>} : memref<8x1024xf32, #tpu.memory_space<vmem>>, vector<1x16xf32>,
        %swap3A_506 = vector.shape_cast %swap3A_505 : vector<1x16xf32> to vector<16xf32>
        %swap3A_507 = vector.shape_cast %get3A_502 : vector<16xf32> to vector<1x16xf32>
        tpu.vector_store %arg13[%swap3A_503, %swap3A_504], %swap3A_507 {add = true, strides = array<i32>} : memref<8x1024xf32, #tpu.memory_space<vmem>>, vector<1x16xf32>,
        %swap3A_508 = arith.index_cast %scan3A_236 : i32 to index
        %swap3A_509 = arith.constant 176 : index
        %swap3A_510 = tpu.vector_load %arg14[%swap3A_508, %swap3A_509] {strides = array<i32>} : memref<8x1024xf32, #tpu.memory_space<vmem>>, vector<1x16xf32>,
        %swap3A_511 = vector.shape_cast %swap3A_510 : vector<1x16xf32> to vector<16xf32>
        %swap3A_512 = vector.shape_cast %get3A_502 : vector<16xf32> to vector<1x16xf32>
        tpu.vector_store %arg14[%swap3A_508, %swap3A_509], %swap3A_512 {add = true, strides = array<i32>} : memref<8x1024xf32, #tpu.memory_space<vmem>>, vector<1x16xf32>,
        %swap3A_513 = arith.index_cast %scan3A_236 : i32 to index
        %swap3A_514 = arith.constant 176 : index
        %swap3A_515 = tpu.vector_load %arg15[%swap3A_513, %swap3A_514] {strides = array<i32>} : memref<8x1024xf32, #tpu.memory_space<vmem>>, vector<1x16xf32>,
        %swap3A_516 = vector.shape_cast %swap3A_515 : vector<1x16xf32> to vector<16xf32>
        %swap3A_517 = vector.shape_cast %get3A_502 : vector<16xf32> to vector<1x16xf32>
        tpu.vector_store %arg15[%swap3A_513, %swap3A_514], %swap3A_517 {add = true, strides = array<i32>} : memref<8x1024xf32, #tpu.memory_space<vmem>>, vector<1x16xf32>,
        %swap3A_518 = arith.index_cast %scan3A_236 : i32 to index
        %swap3A_519 = arith.constant 176 : index
        %swap3A_520 = tpu.vector_load %arg16[%swap3A_518, %swap3A_519] {strides = array<i32>} : memref<8x1024xf32, #tpu.memory_space<vmem>>, vector<1x16xf32>,
        %swap3A_521 = vector.shape_cast %swap3A_520 : vector<1x16xf32> to vector<16xf32>
        %swap3A_522 = vector.shape_cast %get3A_502 : vector<16xf32> to vector<1x16xf32>
        tpu.vector_store %arg16[%swap3A_518, %swap3A_519], %swap3A_522 {add = true, strides = array<i32>} : memref<8x1024xf32, #tpu.memory_space<vmem>>, vector<1x16xf32>,
        %get3A_523 = arith.index_cast %scan3A_236 : i32 to index
        %get3A_524 = arith.constant 192 : index
        %get3A_525 = tpu.vector_load %arg8[%get3A_523, %get3A_524] {strides = array<i32>} : memref<8x1024xf32, #tpu.memory_space<vmem>>, vector<1x16xf32>,
        %get3A_526 = vector.shape_cast %get3A_525 : vector<1x16xf32> to vector<16xf32>
        %swap3A_527 = arith.index_cast %scan3A_236 : i32 to index
        %swap3A_528 = arith.constant 192 : index
        %swap3A_529 = tpu.vector_load %arg13[%swap3A_527, %swap3A_528] {strides = array<i32>} : memref<8x1024xf32, #tpu.memory_space<vmem>>, vector<1x16xf32>,
        %swap3A_530 = vector.shape_cast %swap3A_529 : vector<1x16xf32> to vector<16xf32>
        %swap3A_531 = vector.shape_cast %get3A_526 : vector<16xf32> to vector<1x16xf32>
        tpu.vector_store %arg13[%swap3A_527, %swap3A_528], %swap3A_531 {add = true, strides = array<i32>} : memref<8x1024xf32, #tpu.memory_space<vmem>>, vector<1x16xf32>,
        %swap3A_532 = arith.index_cast %scan3A_236 : i32 to index
        %swap3A_533 = arith.constant 192 : index
        %swap3A_534 = tpu.vector_load %arg14[%swap3A_532, %swap3A_533] {strides = array<i32>} : memref<8x1024xf32, #tpu.memory_space<vmem>>, vector<1x16xf32>,
        %swap3A_535 = vector.shape_cast %swap3A_534 : vector<1x16xf32> to vector<16xf32>
        %swap3A_536 = vector.shape_cast %get3A_526 : vector<16xf32> to vector<1x16xf32>
        tpu.vector_store %arg14[%swap3A_532, %swap3A_533], %swap3A_536 {add = true, strides = array<i32>} : memref<8x1024xf32, #tpu.memory_space<vmem>>, vector<1x16xf32>,
        %swap3A_537 = arith.index_cast %scan3A_236 : i32 to index
        %swap3A_538 = arith.constant 192 : index
        %swap3A_539 = tpu.vector_load %arg15[%swap3A_537, %swap3A_538] {strides = array<i32>} : memref<8x1024xf32, #tpu.memory_space<vmem>>, vector<1x16xf32>,
        %swap3A_540 = vector.shape_cast %swap3A_539 : vector<1x16xf32> to vector<16xf32>
        %swap3A_541 = vector.shape_cast %get3A_526 : vector<16xf32> to vector<1x16xf32>
        tpu.vector_store %arg15[%swap3A_537, %swap3A_538], %swap3A_541 {add = true, strides = array<i32>} : memref<8x1024xf32, #tpu.memory_space<vmem>>, vector<1x16xf32>,
        %swap3A_542 = arith.index_cast %scan3A_236 : i32 to index
        %swap3A_543 = arith.constant 192 : index
        %swap3A_544 = tpu.vector_load %arg16[%swap3A_542, %swap3A_543] {strides = array<i32>} : memref<8x1024xf32, #tpu.memory_space<vmem>>, vector<1x16xf32>,
        %swap3A_545 = vector.shape_cast %swap3A_544 : vector<1x16xf32> to vector<16xf32>
        %swap3A_546 = vector.shape_cast %get3A_526 : vector<16xf32> to vector<1x16xf32>
        tpu.vector_store %arg16[%swap3A_542, %swap3A_543], %swap3A_546 {add = true, strides = array<i32>} : memref<8x1024xf32, #tpu.memory_space<vmem>>, vector<1x16xf32>,
        %get3A_547 = arith.index_cast %scan3A_236 : i32 to index
        %get3A_548 = arith.constant 208 : index
        %get3A_549 = tpu.vector_load %arg8[%get3A_547, %get3A_548] {strides = array<i32>} : memref<8x1024xf32, #tpu.memory_space<vmem>>, vector<1x16xf32>,
        %get3A_550 = vector.shape_cast %get3A_549 : vector<1x16xf32> to vector<16xf32>
        %swap3A_551 = arith.index_cast %scan3A_236 : i32 to index
        %swap3A_552 = arith.constant 208 : index
        %swap3A_553 = tpu.vector_load %arg13[%swap3A_551, %swap3A_552] {strides = array<i32>} : memref<8x1024xf32, #tpu.memory_space<vmem>>, vector<1x16xf32>,
        %swap3A_554 = vector.shape_cast %swap3A_553 : vector<1x16xf32> to vector<16xf32>
        %swap3A_555 = vector.shape_cast %get3A_550 : vector<16xf32> to vector<1x16xf32>
        tpu.vector_store %arg13[%swap3A_551, %swap3A_552], %swap3A_555 {add = true, strides = array<i32>} : memref<8x1024xf32, #tpu.memory_space<vmem>>, vector<1x16xf32>,
        %swap3A_556 = arith.index_cast %scan3A_236 : i32 to index
        %swap3A_557 = arith.constant 208 : index
        %swap3A_558 = tpu.vector_load %arg14[%swap3A_556, %swap3A_557] {strides = array<i32>} : memref<8x1024xf32, #tpu.memory_space<vmem>>, vector<1x16xf32>,
        %swap3A_559 = vector.shape_cast %swap3A_558 : vector<1x16xf32> to vector<16xf32>
        %swap3A_560 = vector.shape_cast %get3A_550 : vector<16xf32> to vector<1x16xf32>
        tpu.vector_store %arg14[%swap3A_556, %swap3A_557], %swap3A_560 {add = true, strides = array<i32>} : memref<8x1024xf32, #tpu.memory_space<vmem>>, vector<1x16xf32>,
        %swap3A_561 = arith.index_cast %scan3A_236 : i32 to index
        %swap3A_562 = arith.constant 208 : index
        %swap3A_563 = tpu.vector_load %arg15[%swap3A_561, %swap3A_562] {strides = array<i32>} : memref<8x1024xf32, #tpu.memory_space<vmem>>, vector<1x16xf32>,
        %swap3A_564 = vector.shape_cast %swap3A_563 : vector<1x16xf32> to vector<16xf32>
        %swap3A_565 = vector.shape_cast %get3A_550 : vector<16xf32> to vector<1x16xf32>
        tpu.vector_store %arg15[%swap3A_561, %swap3A_562], %swap3A_565 {add = true, strides = array<i32>} : memref<8x1024xf32, #tpu.memory_space<vmem>>, vector<1x16xf32>,
        %swap3A_566 = arith.index_cast %scan3A_236 : i32 to index
        %swap3A_567 = arith.constant 208 : index
        %swap3A_568 = tpu.vector_load %arg16[%swap3A_566, %swap3A_567] {strides = array<i32>} : memref<8x1024xf32, #tpu.memory_space<vmem>>, vector<1x16xf32>,
        %swap3A_569 = vector.shape_cast %swap3A_568 : vector<1x16xf32> to vector<16xf32>
        %swap3A_570 = vector.shape_cast %get3A_550 : vector<16xf32> to vector<1x16xf32>
        tpu.vector_store %arg16[%swap3A_566, %swap3A_567], %swap3A_570 {add = true, strides = array<i32>} : memref<8x1024xf32, #tpu.memory_space<vmem>>, vector<1x16xf32>,
        %get3A_571 = arith.index_cast %scan3A_236 : i32 to index
        %get3A_572 = arith.constant 224 : index
        %get3A_573 = tpu.vector_load %arg8[%get3A_571, %get3A_572] {strides = array<i32>} : memref<8x1024xf32, #tpu.memory_space<vmem>>, vector<1x16xf32>,
        %get3A_574 = vector.shape_cast %get3A_573 : vector<1x16xf32> to vector<16xf32>
        %swap3A_575 = arith.index_cast %scan3A_236 : i32 to index
        %swap3A_576 = arith.constant 224 : index
        %swap3A_577 = tpu.vector_load %arg13[%swap3A_575, %swap3A_576] {strides = array<i32>} : memref<8x1024xf32, #tpu.memory_space<vmem>>, vector<1x16xf32>,
        %swap3A_578 = vector.shape_cast %swap3A_577 : vector<1x16xf32> to vector<16xf32>
        %swap3A_579 = vector.shape_cast %get3A_574 : vector<16xf32> to vector<1x16xf32>
        tpu.vector_store %arg13[%swap3A_575, %swap3A_576], %swap3A_579 {add = true, strides = array<i32>} : memref<8x1024xf32, #tpu.memory_space<vmem>>, vector<1x16xf32>,
        %swap3A_580 = arith.index_cast %scan3A_236 : i32 to index
        %swap3A_581 = arith.constant 224 : index
        %swap3A_582 = tpu.vector_load %arg14[%swap3A_580, %swap3A_581] {strides = array<i32>} : memref<8x1024xf32, #tpu.memory_space<vmem>>, vector<1x16xf32>,
        %swap3A_583 = vector.shape_cast %swap3A_582 : vector<1x16xf32> to vector<16xf32>
        %swap3A_584 = vector.shape_cast %get3A_574 : vector<16xf32> to vector<1x16xf32>
        tpu.vector_store %arg14[%swap3A_580, %swap3A_581], %swap3A_584 {add = true, strides = array<i32>} : memref<8x1024xf32, #tpu.memory_space<vmem>>, vector<1x16xf32>,
        %swap3A_585 = arith.index_cast %scan3A_236 : i32 to index
        %swap3A_586 = arith.constant 224 : index
        %swap3A_587 = tpu.vector_load %arg15[%swap3A_585, %swap3A_586] {strides = array<i32>} : memref<8x1024xf32, #tpu.memory_space<vmem>>, vector<1x16xf32>,
        %swap3A_588 = vector.shape_cast %swap3A_587 : vector<1x16xf32> to vector<16xf32>
        %swap3A_589 = vector.shape_cast %get3A_574 : vector<16xf32> to vector<1x16xf32>
        tpu.vector_store %arg15[%swap3A_585, %swap3A_586], %swap3A_589 {add = true, strides = array<i32>} : memref<8x1024xf32, #tpu.memory_space<vmem>>, vector<1x16xf32>,
        %swap3A_590 = arith.index_cast %scan3A_236 : i32 to index
        %swap3A_591 = arith.constant 224 : index
        %swap3A_592 = tpu.vector_load %arg16[%swap3A_590, %swap3A_591] {strides = array<i32>} : memref<8x1024xf32, #tpu.memory_space<vmem>>, vector<1x16xf32>,
        %swap3A_593 = vector.shape_cast %swap3A_592 : vector<1x16xf32> to vector<16xf32>
        %swap3A_594 = vector.shape_cast %get3A_574 : vector<16xf32> to vector<1x16xf32>
        tpu.vector_store %arg16[%swap3A_590, %swap3A_591], %swap3A_594 {add = true, strides = array<i32>} : memref<8x1024xf32, #tpu.memory_space<vmem>>, vector<1x16xf32>,
        %get3A_595 = arith.index_cast %scan3A_236 : i32 to index
        %get3A_596 = arith.constant 240 : index
        %get3A_597 = tpu.vector_load %arg8[%get3A_595, %get3A_596] {strides = array<i32>} : memref<8x1024xf32, #tpu.memory_space<vmem>>, vector<1x16xf32>,
        %get3A_598 = vector.shape_cast %get3A_597 : vector<1x16xf32> to vector<16xf32>
        %swap3A_599 = arith.index_cast %scan3A_236 : i32 to index
        %swap3A_600 = arith.constant 240 : index
        %swap3A_601 = tpu.vector_load %arg13[%swap3A_599, %swap3A_600] {strides = array<i32>} : memref<8x1024xf32, #tpu.memory_space<vmem>>, vector<1x16xf32>,
        %swap3A_602 = vector.shape_cast %swap3A_601 : vector<1x16xf32> to vector<16xf32>
        %swap3A_603 = vector.shape_cast %get3A_598 : vector<16xf32> to vector<1x16xf32>
        tpu.vector_store %arg13[%swap3A_599, %swap3A_600], %swap3A_603 {add = true, strides = array<i32>} : memref<8x1024xf32, #tpu.memory_space<vmem>>, vector<1x16xf32>,
        %swap3A_604 = arith.index_cast %scan3A_236 : i32 to index
        %swap3A_605 = arith.constant 240 : index
        %swap3A_606 = tpu.vector_load %arg14[%swap3A_604, %swap3A_605] {strides = array<i32>} : memref<8x1024xf32, #tpu.memory_space<vmem>>, vector<1x16xf32>,
        %swap3A_607 = vector.shape_cast %swap3A_606 : vector<1x16xf32> to vector<16xf32>
        %swap3A_608 = vector.shape_cast %get3A_598 : vector<16xf32> to vector<1x16xf32>
        tpu.vector_store %arg14[%swap3A_604, %swap3A_605], %swap3A_608 {add = true, strides = array<i32>} : memref<8x1024xf32, #tpu.memory_space<vmem>>, vector<1x16xf32>,
        %swap3A_609 = arith.index_cast %scan3A_236 : i32 to index
        %swap3A_610 = arith.constant 240 : index
        %swap3A_611 = tpu.vector_load %arg15[%swap3A_609, %swap3A_610] {strides = array<i32>} : memref<8x1024xf32, #tpu.memory_space<vmem>>, vector<1x16xf32>,
        %swap3A_612 = vector.shape_cast %swap3A_611 : vector<1x16xf32> to vector<16xf32>
        %swap3A_613 = vector.shape_cast %get3A_598 : vector<16xf32> to vector<1x16xf32>
        tpu.vector_store %arg15[%swap3A_609, %swap3A_610], %swap3A_613 {add = true, strides = array<i32>} : memref<8x1024xf32, #tpu.memory_space<vmem>>, vector<1x16xf32>,
        %swap3A_614 = arith.index_cast %scan3A_236 : i32 to index
        %swap3A_615 = arith.constant 240 : index
        %swap3A_616 = tpu.vector_load %arg16[%swap3A_614, %swap3A_615] {strides = array<i32>} : memref<8x1024xf32, #tpu.memory_space<vmem>>, vector<1x16xf32>,
        %swap3A_617 = vector.shape_cast %swap3A_616 : vector<1x16xf32> to vector<16xf32>
        %swap3A_618 = vector.shape_cast %get3A_598 : vector<16xf32> to vector<1x16xf32>
        tpu.vector_store %arg16[%swap3A_614, %swap3A_615], %swap3A_618 {add = true, strides = array<i32>} : memref<8x1024xf32, #tpu.memory_space<vmem>>, vector<1x16xf32>,
        %get3A_619 = arith.index_cast %scan3A_236 : i32 to index
        %get3A_620 = arith.constant 256 : index
        %get3A_621 = tpu.vector_load %arg8[%get3A_619, %get3A_620] {strides = array<i32>} : memref<8x1024xf32, #tpu.memory_space<vmem>>, vector<1x16xf32>,
        %get3A_622 = vector.shape_cast %get3A_621 : vector<1x16xf32> to vector<16xf32>
        %swap3A_623 = arith.index_cast %scan3A_236 : i32 to index
        %swap3A_624 = arith.constant 256 : index
        %swap3A_625 = tpu.vector_load %arg13[%swap3A_623, %swap3A_624] {strides = array<i32>} : memref<8x1024xf32, #tpu.memory_space<vmem>>, vector<1x16xf32>,
        %swap3A_626 = vector.shape_cast %swap3A_625 : vector<1x16xf32> to vector<16xf32>
        %swap3A_627 = vector.shape_cast %get3A_622 : vector<16xf32> to vector<1x16xf32>
        tpu.vector_store %arg13[%swap3A_623, %swap3A_624], %swap3A_627 {add = true, strides = array<i32>} : memref<8x1024xf32, #tpu.memory_space<vmem>>, vector<1x16xf32>,
        %swap3A_628 = arith.index_cast %scan3A_236 : i32 to index
        %swap3A_629 = arith.constant 256 : index
        %swap3A_630 = tpu.vector_load %arg14[%swap3A_628, %swap3A_629] {strides = array<i32>} : memref<8x1024xf32, #tpu.memory_space<vmem>>, vector<1x16xf32>,
        %swap3A_631 = vector.shape_cast %swap3A_630 : vector<1x16xf32> to vector<16xf32>
        %swap3A_632 = vector.shape_cast %get3A_622 : vector<16xf32> to vector<1x16xf32>
        tpu.vector_store %arg14[%swap3A_628, %swap3A_629], %swap3A_632 {add = true, strides = array<i32>} : memref<8x1024xf32, #tpu.memory_space<vmem>>, vector<1x16xf32>,
        %swap3A_633 = arith.index_cast %scan3A_236 : i32 to index
        %swap3A_634 = arith.constant 256 : index
        %swap3A_635 = tpu.vector_load %arg15[%swap3A_633, %swap3A_634] {strides = array<i32>} : memref<8x1024xf32, #tpu.memory_space<vmem>>, vector<1x16xf32>,
        %swap3A_636 = vector.shape_cast %swap3A_635 : vector<1x16xf32> to vector<16xf32>
        %swap3A_637 = vector.shape_cast %get3A_622 : vector<16xf32> to vector<1x16xf32>
        tpu.vector_store %arg15[%swap3A_633, %swap3A_634], %swap3A_637 {add = true, strides = array<i32>} : memref<8x1024xf32, #tpu.memory_space<vmem>>, vector<1x16xf32>,
        %swap3A_638 = arith.index_cast %scan3A_236 : i32 to index
        %swap3A_639 = arith.constant 256 : index
        %swap3A_640 = tpu.vector_load %arg16[%swap3A_638, %swap3A_639] {strides = array<i32>} : memref<8x1024xf32, #tpu.memory_space<vmem>>, vector<1x16xf32>,
        %swap3A_641 = vector.shape_cast %swap3A_640 : vector<1x16xf32> to vector<16xf32>
        %swap3A_642 = vector.shape_cast %get3A_622 : vector<16xf32> to vector<1x16xf32>
        tpu.vector_store %arg16[%swap3A_638, %swap3A_639], %swap3A_642 {add = true, strides = array<i32>} : memref<8x1024xf32, #tpu.memory_space<vmem>>, vector<1x16xf32>,
        %get3A_643 = arith.index_cast %scan3A_236 : i32 to index
        %get3A_644 = arith.constant 272 : index
        %get3A_645 = tpu.vector_load %arg8[%get3A_643, %get3A_644] {strides = array<i32>} : memref<8x1024xf32, #tpu.memory_space<vmem>>, vector<1x16xf32>,
        %get3A_646 = vector.shape_cast %get3A_645 : vector<1x16xf32> to vector<16xf32>
        %swap3A_647 = arith.index_cast %scan3A_236 : i32 to index
        %swap3A_648 = arith.constant 272 : index
        %swap3A_649 = tpu.vector_load %arg13[%swap3A_647, %swap3A_648] {strides = array<i32>} : memref<8x1024xf32, #tpu.memory_space<vmem>>, vector<1x16xf32>,
        %swap3A_650 = vector.shape_cast %swap3A_649 : vector<1x16xf32> to vector<16xf32>
        %swap3A_651 = vector.shape_cast %get3A_646 : vector<16xf32> to vector<1x16xf32>
        tpu.vector_store %arg13[%swap3A_647, %swap3A_648], %swap3A_651 {add = true, strides = array<i32>} : memref<8x1024xf32, #tpu.memory_space<vmem>>, vector<1x16xf32>,
        %swap3A_652 = arith.index_cast %scan3A_236 : i32 to index
        %swap3A_653 = arith.constant 272 : index
        %swap3A_654 = tpu.vector_load %arg14[%swap3A_652, %swap3A_653] {strides = array<i32>} : memref<8x1024xf32, #tpu.memory_space<vmem>>, vector<1x16xf32>,
        %swap3A_655 = vector.shape_cast %swap3A_654 : vector<1x16xf32> to vector<16xf32>
        %swap3A_656 = vector.shape_cast %get3A_646 : vector<16xf32> to vector<1x16xf32>
        tpu.vector_store %arg14[%swap3A_652, %swap3A_653], %swap3A_656 {add = true, strides = array<i32>} : memref<8x1024xf32, #tpu.memory_space<vmem>>, vector<1x16xf32>,
        %swap3A_657 = arith.index_cast %scan3A_236 : i32 to index
        %swap3A_658 = arith.constant 272 : index
        %swap3A_659 = tpu.vector_load %arg15[%swap3A_657, %swap3A_658] {strides = array<i32>} : memref<8x1024xf32, #tpu.memory_space<vmem>>, vector<1x16xf32>,
        %swap3A_660 = vector.shape_cast %swap3A_659 : vector<1x16xf32> to vector<16xf32>
        %swap3A_661 = vector.shape_cast %get3A_646 : vector<16xf32> to vector<1x16xf32>
        tpu.vector_store %arg15[%swap3A_657, %swap3A_658], %swap3A_661 {add = true, strides = array<i32>} : memref<8x1024xf32, #tpu.memory_space<vmem>>, vector<1x16xf32>,
        %swap3A_662 = arith.index_cast %scan3A_236 : i32 to index
        %swap3A_663 = arith.constant 272 : index
        %swap3A_664 = tpu.vector_load %arg16[%swap3A_662, %swap3A_663] {strides = array<i32>} : memref<8x1024xf32, #tpu.memory_space<vmem>>, vector<1x16xf32>,
        %swap3A_665 = vector.shape_cast %swap3A_664 : vector<1x16xf32> to vector<16xf32>
        %swap3A_666 = vector.shape_cast %get3A_646 : vector<16xf32> to vector<1x16xf32>
        tpu.vector_store %arg16[%swap3A_662, %swap3A_663], %swap3A_666 {add = true, strides = array<i32>} : memref<8x1024xf32, #tpu.memory_space<vmem>>, vector<1x16xf32>,
        %get3A_667 = arith.index_cast %scan3A_236 : i32 to index
        %get3A_668 = arith.constant 288 : index
        %get3A_669 = tpu.vector_load %arg8[%get3A_667, %get3A_668] {strides = array<i32>} : memref<8x1024xf32, #tpu.memory_space<vmem>>, vector<1x16xf32>,
        %get3A_670 = vector.shape_cast %get3A_669 : vector<1x16xf32> to vector<16xf32>
        %swap3A_671 = arith.index_cast %scan3A_236 : i32 to index
        %swap3A_672 = arith.constant 288 : index
        %swap3A_673 = tpu.vector_load %arg13[%swap3A_671, %swap3A_672] {strides = array<i32>} : memref<8x1024xf32, #tpu.memory_space<vmem>>, vector<1x16xf32>,
        %swap3A_674 = vector.shape_cast %swap3A_673 : vector<1x16xf32> to vector<16xf32>
        %swap3A_675 = vector.shape_cast %get3A_670 : vector<16xf32> to vector<1x16xf32>
        tpu.vector_store %arg13[%swap3A_671, %swap3A_672], %swap3A_675 {add = true, strides = array<i32>} : memref<8x1024xf32, #tpu.memory_space<vmem>>, vector<1x16xf32>,
        %swap3A_676 = arith.index_cast %scan3A_236 : i32 to index
        %swap3A_677 = arith.constant 288 : index
        %swap3A_678 = tpu.vector_load %arg14[%swap3A_676, %swap3A_677] {strides = array<i32>} : memref<8x1024xf32, #tpu.memory_space<vmem>>, vector<1x16xf32>,
        %swap3A_679 = vector.shape_cast %swap3A_678 : vector<1x16xf32> to vector<16xf32>
        %swap3A_680 = vector.shape_cast %get3A_670 : vector<16xf32> to vector<1x16xf32>
        tpu.vector_store %arg14[%swap3A_676, %swap3A_677], %swap3A_680 {add = true, strides = array<i32>} : memref<8x1024xf32, #tpu.memory_space<vmem>>, vector<1x16xf32>,
        %swap3A_681 = arith.index_cast %scan3A_236 : i32 to index
        %swap3A_682 = arith.constant 288 : index
        %swap3A_683 = tpu.vector_load %arg15[%swap3A_681, %swap3A_682] {strides = array<i32>} : memref<8x1024xf32, #tpu.memory_space<vmem>>, vector<1x16xf32>,
        %swap3A_684 = vector.shape_cast %swap3A_683 : vector<1x16xf32> to vector<16xf32>
        %swap3A_685 = vector.shape_cast %get3A_670 : vector<16xf32> to vector<1x16xf32>
        tpu.vector_store %arg15[%swap3A_681, %swap3A_682], %swap3A_685 {add = true, strides = array<i32>} : memref<8x1024xf32, #tpu.memory_space<vmem>>, vector<1x16xf32>,
        %swap3A_686 = arith.index_cast %scan3A_236 : i32 to index
        %swap3A_687 = arith.constant 288 : index
        %swap3A_688 = tpu.vector_load %arg16[%swap3A_686, %swap3A_687] {strides = array<i32>} : memref<8x1024xf32, #tpu.memory_space<vmem>>, vector<1x16xf32>,
        %swap3A_689 = vector.shape_cast %swap3A_688 : vector<1x16xf32> to vector<16xf32>
        %swap3A_690 = vector.shape_cast %get3A_670 : vector<16xf32> to vector<1x16xf32>
        tpu.vector_store %arg16[%swap3A_686, %swap3A_687], %swap3A_690 {add = true, strides = array<i32>} : memref<8x1024xf32, #tpu.memory_space<vmem>>, vector<1x16xf32>,
        %get3A_691 = arith.index_cast %scan3A_236 : i32 to index
        %get3A_692 = arith.constant 304 : index
        %get3A_693 = tpu.vector_load %arg8[%get3A_691, %get3A_692] {strides = array<i32>} : memref<8x1024xf32, #tpu.memory_space<vmem>>, vector<1x16xf32>,
        %get3A_694 = vector.shape_cast %get3A_693 : vector<1x16xf32> to vector<16xf32>
        %swap3A_695 = arith.index_cast %scan3A_236 : i32 to index
        %swap3A_696 = arith.constant 304 : index
        %swap3A_697 = tpu.vector_load %arg13[%swap3A_695, %swap3A_696] {strides = array<i32>} : memref<8x1024xf32, #tpu.memory_space<vmem>>, vector<1x16xf32>,
        %swap3A_698 = vector.shape_cast %swap3A_697 : vector<1x16xf32> to vector<16xf32>
        %swap3A_699 = vector.shape_cast %get3A_694 : vector<16xf32> to vector<1x16xf32>
        tpu.vector_store %arg13[%swap3A_695, %swap3A_696], %swap3A_699 {add = true, strides = array<i32>} : memref<8x1024xf32, #tpu.memory_space<vmem>>, vector<1x16xf32>,
        %swap3A_700 = arith.index_cast %scan3A_236 : i32 to index
        %swap3A_701 = arith.constant 304 : index
        %swap3A_702 = tpu.vector_load %arg14[%swap3A_700, %swap3A_701] {strides = array<i32>} : memref<8x1024xf32, #tpu.memory_space<vmem>>, vector<1x16xf32>,
        %swap3A_703 = vector.shape_cast %swap3A_702 : vector<1x16xf32> to vector<16xf32>
        %swap3A_704 = vector.shape_cast %get3A_694 : vector<16xf32> to vector<1x16xf32>
        tpu.vector_store %arg14[%swap3A_700, %swap3A_701], %swap3A_704 {add = true, strides = array<i32>} : memref<8x1024xf32, #tpu.memory_space<vmem>>, vector<1x16xf32>,
        %swap3A_705 = arith.index_cast %scan3A_236 : i32 to index
        %swap3A_706 = arith.constant 304 : index
        %swap3A_707 = tpu.vector_load %arg15[%swap3A_705, %swap3A_706] {strides = array<i32>} : memref<8x1024xf32, #tpu.memory_space<vmem>>, vector<1x16xf32>,
        %swap3A_708 = vector.shape_cast %swap3A_707 : vector<1x16xf32> to vector<16xf32>
        %swap3A_709 = vector.shape_cast %get3A_694 : vector<16xf32> to vector<1x16xf32>
        tpu.vector_store %arg15[%swap3A_705, %swap3A_706], %swap3A_709 {add = true, strides = array<i32>} : memref<8x1024xf32, #tpu.memory_space<vmem>>, vector<1x16xf32>,
        %swap3A_710 = arith.index_cast %scan3A_236 : i32 to index
        %swap3A_711 = arith.constant 304 : index
        %swap3A_712 = tpu.vector_load %arg16[%swap3A_710, %swap3A_711] {strides = array<i32>} : memref<8x1024xf32, #tpu.memory_space<vmem>>, vector<1x16xf32>,
        %swap3A_713 = vector.shape_cast %swap3A_712 : vector<1x16xf32> to vector<16xf32>
        %swap3A_714 = vector.shape_cast %get3A_694 : vector<16xf32> to vector<1x16xf32>
        tpu.vector_store %arg16[%swap3A_710, %swap3A_711], %swap3A_714 {add = true, strides = array<i32>} : memref<8x1024xf32, #tpu.memory_space<vmem>>, vector<1x16xf32>,
        %get3A_715 = arith.index_cast %scan3A_236 : i32 to index
        %get3A_716 = arith.constant 320 : index
        %get3A_717 = tpu.vector_load %arg8[%get3A_715, %get3A_716] {strides = array<i32>} : memref<8x1024xf32, #tpu.memory_space<vmem>>, vector<1x16xf32>,
        %get3A_718 = vector.shape_cast %get3A_717 : vector<1x16xf32> to vector<16xf32>
        %swap3A_719 = arith.index_cast %scan3A_236 : i32 to index
        %swap3A_720 = arith.constant 320 : index
        %swap3A_721 = tpu.vector_load %arg13[%swap3A_719, %swap3A_720] {strides = array<i32>} : memref<8x1024xf32, #tpu.memory_space<vmem>>, vector<1x16xf32>,
        %swap3A_722 = vector.shape_cast %swap3A_721 : vector<1x16xf32> to vector<16xf32>
        %swap3A_723 = vector.shape_cast %get3A_718 : vector<16xf32> to vector<1x16xf32>
        tpu.vector_store %arg13[%swap3A_719, %swap3A_720], %swap3A_723 {add = true, strides = array<i32>} : memref<8x1024xf32, #tpu.memory_space<vmem>>, vector<1x16xf32>,
        %swap3A_724 = arith.index_cast %scan3A_236 : i32 to index
        %swap3A_725 = arith.constant 320 : index
        %swap3A_726 = tpu.vector_load %arg14[%swap3A_724, %swap3A_725] {strides = array<i32>} : memref<8x1024xf32, #tpu.memory_space<vmem>>, vector<1x16xf32>,
        %swap3A_727 = vector.shape_cast %swap3A_726 : vector<1x16xf32> to vector<16xf32>
        %swap3A_728 = vector.shape_cast %get3A_718 : vector<16xf32> to vector<1x16xf32>
        tpu.vector_store %arg14[%swap3A_724, %swap3A_725], %swap3A_728 {add = true, strides = array<i32>} : memref<8x1024xf32, #tpu.memory_space<vmem>>, vector<1x16xf32>,
        %swap3A_729 = arith.index_cast %scan3A_236 : i32 to index
        %swap3A_730 = arith.constant 320 : index
        %swap3A_731 = tpu.vector_load %arg15[%swap3A_729, %swap3A_730] {strides = array<i32>} : memref<8x1024xf32, #tpu.memory_space<vmem>>, vector<1x16xf32>,
        %swap3A_732 = vector.shape_cast %swap3A_731 : vector<1x16xf32> to vector<16xf32>
        %swap3A_733 = vector.shape_cast %get3A_718 : vector<16xf32> to vector<1x16xf32>
        tpu.vector_store %arg15[%swap3A_729, %swap3A_730], %swap3A_733 {add = true, strides = array<i32>} : memref<8x1024xf32, #tpu.memory_space<vmem>>, vector<1x16xf32>,
        %swap3A_734 = arith.index_cast %scan3A_236 : i32 to index
        %swap3A_735 = arith.constant 320 : index
        %swap3A_736 = tpu.vector_load %arg16[%swap3A_734, %swap3A_735] {strides = array<i32>} : memref<8x1024xf32, #tpu.memory_space<vmem>>, vector<1x16xf32>,
        %swap3A_737 = vector.shape_cast %swap3A_736 : vector<1x16xf32> to vector<16xf32>
        %swap3A_738 = vector.shape_cast %get3A_718 : vector<16xf32> to vector<1x16xf32>
        tpu.vector_store %arg16[%swap3A_734, %swap3A_735], %swap3A_738 {add = true, strides = array<i32>} : memref<8x1024xf32, #tpu.memory_space<vmem>>, vector<1x16xf32>,
        %get3A_739 = arith.index_cast %scan3A_236 : i32 to index
        %get3A_740 = arith.constant 336 : index
        %get3A_741 = tpu.vector_load %arg8[%get3A_739, %get3A_740] {strides = array<i32>} : memref<8x1024xf32, #tpu.memory_space<vmem>>, vector<1x16xf32>,
        %get3A_742 = vector.shape_cast %get3A_741 : vector<1x16xf32> to vector<16xf32>
        %swap3A_743 = arith.index_cast %scan3A_236 : i32 to index
        %swap3A_744 = arith.constant 336 : index
        %swap3A_745 = tpu.vector_load %arg13[%swap3A_743, %swap3A_744] {strides = array<i32>} : memref<8x1024xf32, #tpu.memory_space<vmem>>, vector<1x16xf32>,
        %swap3A_746 = vector.shape_cast %swap3A_745 : vector<1x16xf32> to vector<16xf32>
        %swap3A_747 = vector.shape_cast %get3A_742 : vector<16xf32> to vector<1x16xf32>
        tpu.vector_store %arg13[%swap3A_743, %swap3A_744], %swap3A_747 {add = true, strides = array<i32>} : memref<8x1024xf32, #tpu.memory_space<vmem>>, vector<1x16xf32>,
        %swap3A_748 = arith.index_cast %scan3A_236 : i32 to index
        %swap3A_749 = arith.constant 336 : index
        %swap3A_750 = tpu.vector_load %arg14[%swap3A_748, %swap3A_749] {strides = array<i32>} : memref<8x1024xf32, #tpu.memory_space<vmem>>, vector<1x16xf32>,
        %swap3A_751 = vector.shape_cast %swap3A_750 : vector<1x16xf32> to vector<16xf32>
        %swap3A_752 = vector.shape_cast %get3A_742 : vector<16xf32> to vector<1x16xf32>
        tpu.vector_store %arg14[%swap3A_748, %swap3A_749], %swap3A_752 {add = true, strides = array<i32>} : memref<8x1024xf32, #tpu.memory_space<vmem>>, vector<1x16xf32>,
        %swap3A_753 = arith.index_cast %scan3A_236 : i32 to index
        %swap3A_754 = arith.constant 336 : index
        %swap3A_755 = tpu.vector_load %arg15[%swap3A_753, %swap3A_754] {strides = array<i32>} : memref<8x1024xf32, #tpu.memory_space<vmem>>, vector<1x16xf32>,
        %swap3A_756 = vector.shape_cast %swap3A_755 : vector<1x16xf32> to vector<16xf32>
        %swap3A_757 = vector.shape_cast %get3A_742 : vector<16xf32> to vector<1x16xf32>
        tpu.vector_store %arg15[%swap3A_753, %swap3A_754], %swap3A_757 {add = true, strides = array<i32>} : memref<8x1024xf32, #tpu.memory_space<vmem>>, vector<1x16xf32>,
        %swap3A_758 = arith.index_cast %scan3A_236 : i32 to index
        %swap3A_759 = arith.constant 336 : index
        %swap3A_760 = tpu.vector_load %arg16[%swap3A_758, %swap3A_759] {strides = array<i32>} : memref<8x1024xf32, #tpu.memory_space<vmem>>, vector<1x16xf32>,
        %swap3A_761 = vector.shape_cast %swap3A_760 : vector<1x16xf32> to vector<16xf32>
        %swap3A_762 = vector.shape_cast %get3A_742 : vector<16xf32> to vector<1x16xf32>
        tpu.vector_store %arg16[%swap3A_758, %swap3A_759], %swap3A_762 {add = true, strides = array<i32>} : memref<8x1024xf32, #tpu.memory_space<vmem>>, vector<1x16xf32>,
        %get3A_763 = arith.index_cast %scan3A_236 : i32 to index
        %get3A_764 = arith.constant 352 : index
        %get3A_765 = tpu.vector_load %arg8[%get3A_763, %get3A_764] {strides = array<i32>} : memref<8x1024xf32, #tpu.memory_space<vmem>>, vector<1x16xf32>,
        %get3A_766 = vector.shape_cast %get3A_765 : vector<1x16xf32> to vector<16xf32>
        %swap3A_767 = arith.index_cast %scan3A_236 : i32 to index
        %swap3A_768 = arith.constant 352 : index
        %swap3A_769 = tpu.vector_load %arg13[%swap3A_767, %swap3A_768] {strides = array<i32>} : memref<8x1024xf32, #tpu.memory_space<vmem>>, vector<1x16xf32>,
        %swap3A_770 = vector.shape_cast %swap3A_769 : vector<1x16xf32> to vector<16xf32>
        %swap3A_771 = vector.shape_cast %get3A_766 : vector<16xf32> to vector<1x16xf32>
        tpu.vector_store %arg13[%swap3A_767, %swap3A_768], %swap3A_771 {add = true, strides = array<i32>} : memref<8x1024xf32, #tpu.memory_space<vmem>>, vector<1x16xf32>,
        %swap3A_772 = arith.index_cast %scan3A_236 : i32 to index
        %swap3A_773 = arith.constant 352 : index
        %swap3A_774 = tpu.vector_load %arg14[%swap3A_772, %swap3A_773] {strides = array<i32>} : memref<8x1024xf32, #tpu.memory_space<vmem>>, vector<1x16xf32>,
        %swap3A_775 = vector.shape_cast %swap3A_774 : vector<1x16xf32> to vector<16xf32>
        %swap3A_776 = vector.shape_cast %get3A_766 : vector<16xf32> to vector<1x16xf32>
        tpu.vector_store %arg14[%swap3A_772, %swap3A_773], %swap3A_776 {add = true, strides = array<i32>} : memref<8x1024xf32, #tpu.memory_space<vmem>>, vector<1x16xf32>,
        %swap3A_777 = arith.index_cast %scan3A_236 : i32 to index
        %swap3A_778 = arith.constant 352 : index
        %swap3A_779 = tpu.vector_load %arg15[%swap3A_777, %swap3A_778] {strides = array<i32>} : memref<8x1024xf32, #tpu.memory_space<vmem>>, vector<1x16xf32>,
        %swap3A_780 = vector.shape_cast %swap3A_779 : vector<1x16xf32> to vector<16xf32>
        %swap3A_781 = vector.shape_cast %get3A_766 : vector<16xf32> to vector<1x16xf32>
        tpu.vector_store %arg15[%swap3A_777, %swap3A_778], %swap3A_781 {add = true, strides = array<i32>} : memref<8x1024xf32, #tpu.memory_space<vmem>>, vector<1x16xf32>,
        %swap3A_782 = arith.index_cast %scan3A_236 : i32 to index
        %swap3A_783 = arith.constant 352 : index
        %swap3A_784 = tpu.vector_load %arg16[%swap3A_782, %swap3A_783] {strides = array<i32>} : memref<8x1024xf32, #tpu.memory_space<vmem>>, vector<1x16xf32>,
        %swap3A_785 = vector.shape_cast %swap3A_784 : vector<1x16xf32> to vector<16xf32>
        %swap3A_786 = vector.shape_cast %get3A_766 : vector<16xf32> to vector<1x16xf32>
        tpu.vector_store %arg16[%swap3A_782, %swap3A_783], %swap3A_786 {add = true, strides = array<i32>} : memref<8x1024xf32, #tpu.memory_space<vmem>>, vector<1x16xf32>,
        %get3A_787 = arith.index_cast %scan3A_236 : i32 to index
        %get3A_788 = arith.constant 368 : index
        %get3A_789 = tpu.vector_load %arg8[%get3A_787, %get3A_788] {strides = array<i32>} : memref<8x1024xf32, #tpu.memory_space<vmem>>, vector<1x16xf32>,
        %get3A_790 = vector.shape_cast %get3A_789 : vector<1x16xf32> to vector<16xf32>
        %swap3A_791 = arith.index_cast %scan3A_236 : i32 to index
        %swap3A_792 = arith.constant 368 : index
        %swap3A_793 = tpu.vector_load %arg13[%swap3A_791, %swap3A_792] {strides = array<i32>} : memref<8x1024xf32, #tpu.memory_space<vmem>>, vector<1x16xf32>,
        %swap3A_794 = vector.shape_cast %swap3A_793 : vector<1x16xf32> to vector<16xf32>
        %swap3A_795 = vector.shape_cast %get3A_790 : vector<16xf32> to vector<1x16xf32>
        tpu.vector_store %arg13[%swap3A_791, %swap3A_792], %swap3A_795 {add = true, strides = array<i32>} : memref<8x1024xf32, #tpu.memory_space<vmem>>, vector<1x16xf32>,
        %swap3A_796 = arith.index_cast %scan3A_236 : i32 to index
        %swap3A_797 = arith.constant 368 : index
        %swap3A_798 = tpu.vector_load %arg14[%swap3A_796, %swap3A_797] {strides = array<i32>} : memref<8x1024xf32, #tpu.memory_space<vmem>>, vector<1x16xf32>,
        %swap3A_799 = vector.shape_cast %swap3A_798 : vector<1x16xf32> to vector<16xf32>
        %swap3A_800 = vector.shape_cast %get3A_790 : vector<16xf32> to vector<1x16xf32>
        tpu.vector_store %arg14[%swap3A_796, %swap3A_797], %swap3A_800 {add = true, strides = array<i32>} : memref<8x1024xf32, #tpu.memory_space<vmem>>, vector<1x16xf32>,
        %swap3A_801 = arith.index_cast %scan3A_236 : i32 to index
        %swap3A_802 = arith.constant 368 : index
        %swap3A_803 = tpu.vector_load %arg15[%swap3A_801, %swap3A_802] {strides = array<i32>} : memref<8x1024xf32, #tpu.memory_space<vmem>>, vector<1x16xf32>,
        %swap3A_804 = vector.shape_cast %swap3A_803 : vector<1x16xf32> to vector<16xf32>
        %swap3A_805 = vector.shape_cast %get3A_790 : vector<16xf32> to vector<1x16xf32>
        tpu.vector_store %arg15[%swap3A_801, %swap3A_802], %swap3A_805 {add = true, strides = array<i32>} : memref<8x1024xf32, #tpu.memory_space<vmem>>, vector<1x16xf32>,
        %swap3A_806 = arith.index_cast %scan3A_236 : i32 to index
        %swap3A_807 = arith.constant 368 : index
        %swap3A_808 = tpu.vector_load %arg16[%swap3A_806, %swap3A_807] {strides = array<i32>} : memref<8x1024xf32, #tpu.memory_space<vmem>>, vector<1x16xf32>,
        %swap3A_809 = vector.shape_cast %swap3A_808 : vector<1x16xf32> to vector<16xf32>
        %swap3A_810 = vector.shape_cast %get3A_790 : vector<16xf32> to vector<1x16xf32>
        tpu.vector_store %arg16[%swap3A_806, %swap3A_807], %swap3A_810 {add = true, strides = array<i32>} : memref<8x1024xf32, #tpu.memory_space<vmem>>, vector<1x16xf32>,
        %get3A_811 = arith.index_cast %scan3A_236 : i32 to index
        %get3A_812 = arith.constant 384 : index
        %get3A_813 = tpu.vector_load %arg8[%get3A_811, %get3A_812] {strides = array<i32>} : memref<8x1024xf32, #tpu.memory_space<vmem>>, vector<1x16xf32>,
        %get3A_814 = vector.shape_cast %get3A_813 : vector<1x16xf32> to vector<16xf32>
        %swap3A_815 = arith.index_cast %scan3A_236 : i32 to index
        %swap3A_816 = arith.constant 384 : index
        %swap3A_817 = tpu.vector_load %arg13[%swap3A_815, %swap3A_816] {strides = array<i32>} : memref<8x1024xf32, #tpu.memory_space<vmem>>, vector<1x16xf32>,
        %swap3A_818 = vector.shape_cast %swap3A_817 : vector<1x16xf32> to vector<16xf32>
        %swap3A_819 = vector.shape_cast %get3A_814 : vector<16xf32> to vector<1x16xf32>
        tpu.vector_store %arg13[%swap3A_815, %swap3A_816], %swap3A_819 {add = true, strides = array<i32>} : memref<8x1024xf32, #tpu.memory_space<vmem>>, vector<1x16xf32>,
        %swap3A_820 = arith.index_cast %scan3A_236 : i32 to index
        %swap3A_821 = arith.constant 384 : index
        %swap3A_822 = tpu.vector_load %arg14[%swap3A_820, %swap3A_821] {strides = array<i32>} : memref<8x1024xf32, #tpu.memory_space<vmem>>, vector<1x16xf32>,
        %swap3A_823 = vector.shape_cast %swap3A_822 : vector<1x16xf32> to vector<16xf32>
        %swap3A_824 = vector.shape_cast %get3A_814 : vector<16xf32> to vector<1x16xf32>
        tpu.vector_store %arg14[%swap3A_820, %swap3A_821], %swap3A_824 {add = true, strides = array<i32>} : memref<8x1024xf32, #tpu.memory_space<vmem>>, vector<1x16xf32>,
        %swap3A_825 = arith.index_cast %scan3A_236 : i32 to index
        %swap3A_826 = arith.constant 384 : index
        %swap3A_827 = tpu.vector_load %arg15[%swap3A_825, %swap3A_826] {strides = array<i32>} : memref<8x1024xf32, #tpu.memory_space<vmem>>, vector<1x16xf32>,
        %swap3A_828 = vector.shape_cast %swap3A_827 : vector<1x16xf32> to vector<16xf32>
        %swap3A_829 = vector.shape_cast %get3A_814 : vector<16xf32> to vector<1x16xf32>
        tpu.vector_store %arg15[%swap3A_825, %swap3A_826], %swap3A_829 {add = true, strides = array<i32>} : memref<8x1024xf32, #tpu.memory_space<vmem>>, vector<1x16xf32>,
        %swap3A_830 = arith.index_cast %scan3A_236 : i32 to index
        %swap3A_831 = arith.constant 384 : index
        %swap3A_832 = tpu.vector_load %arg16[%swap3A_830, %swap3A_831] {strides = array<i32>} : memref<8x1024xf32, #tpu.memory_space<vmem>>, vector<1x16xf32>,
        %swap3A_833 = vector.shape_cast %swap3A_832 : vector<1x16xf32> to vector<16xf32>
        %swap3A_834 = vector.shape_cast %get3A_814 : vector<16xf32> to vector<1x16xf32>
        tpu.vector_store %arg16[%swap3A_830, %swap3A_831], %swap3A_834 {add = true, strides = array<i32>} : memref<8x1024xf32, #tpu.memory_space<vmem>>, vector<1x16xf32>,
        %get3A_835 = arith.index_cast %scan3A_236 : i32 to index
        %get3A_836 = arith.constant 400 : index
        %get3A_837 = tpu.vector_load %arg8[%get3A_835, %get3A_836] {strides = array<i32>} : memref<8x1024xf32, #tpu.memory_space<vmem>>, vector<1x16xf32>,
        %get3A_838 = vector.shape_cast %get3A_837 : vector<1x16xf32> to vector<16xf32>
        %swap3A_839 = arith.index_cast %scan3A_236 : i32 to index
        %swap3A_840 = arith.constant 400 : index
        %swap3A_841 = tpu.vector_load %arg13[%swap3A_839, %swap3A_840] {strides = array<i32>} : memref<8x1024xf32, #tpu.memory_space<vmem>>, vector<1x16xf32>,
        %swap3A_842 = vector.shape_cast %swap3A_841 : vector<1x16xf32> to vector<16xf32>
        %swap3A_843 = vector.shape_cast %get3A_838 : vector<16xf32> to vector<1x16xf32>
        tpu.vector_store %arg13[%swap3A_839, %swap3A_840], %swap3A_843 {add = true, strides = array<i32>} : memref<8x1024xf32, #tpu.memory_space<vmem>>, vector<1x16xf32>,
        %swap3A_844 = arith.index_cast %scan3A_236 : i32 to index
        %swap3A_845 = arith.constant 400 : index
        %swap3A_846 = tpu.vector_load %arg14[%swap3A_844, %swap3A_845] {strides = array<i32>} : memref<8x1024xf32, #tpu.memory_space<vmem>>, vector<1x16xf32>,
        %swap3A_847 = vector.shape_cast %swap3A_846 : vector<1x16xf32> to vector<16xf32>
        %swap3A_848 = vector.shape_cast %get3A_838 : vector<16xf32> to vector<1x16xf32>
        tpu.vector_store %arg14[%swap3A_844, %swap3A_845], %swap3A_848 {add = true, strides = array<i32>} : memref<8x1024xf32, #tpu.memory_space<vmem>>, vector<1x16xf32>,
        %swap3A_849 = arith.index_cast %scan3A_236 : i32 to index
        %swap3A_850 = arith.constant 400 : index
        %swap3A_851 = tpu.vector_load %arg15[%swap3A_849, %swap3A_850] {strides = array<i32>} : memref<8x1024xf32, #tpu.memory_space<vmem>>, vector<1x16xf32>,
        %swap3A_852 = vector.shape_cast %swap3A_851 : vector<1x16xf32> to vector<16xf32>
        %swap3A_853 = vector.shape_cast %get3A_838 : vector<16xf32> to vector<1x16xf32>
        tpu.vector_store %arg15[%swap3A_849, %swap3A_850], %swap3A_853 {add = true, strides = array<i32>} : memref<8x1024xf32, #tpu.memory_space<vmem>>, vector<1x16xf32>,
        %swap3A_854 = arith.index_cast %scan3A_236 : i32 to index
        %swap3A_855 = arith.constant 400 : index
        %swap3A_856 = tpu.vector_load %arg16[%swap3A_854, %swap3A_855] {strides = array<i32>} : memref<8x1024xf32, #tpu.memory_space<vmem>>, vector<1x16xf32>,
        %swap3A_857 = vector.shape_cast %swap3A_856 : vector<1x16xf32> to vector<16xf32>
        %swap3A_858 = vector.shape_cast %get3A_838 : vector<16xf32> to vector<1x16xf32>
        tpu.vector_store %arg16[%swap3A_854, %swap3A_855], %swap3A_858 {add = true, strides = array<i32>} : memref<8x1024xf32, #tpu.memory_space<vmem>>, vector<1x16xf32>,
        %get3A_859 = arith.index_cast %scan3A_236 : i32 to index
        %get3A_860 = arith.constant 416 : index
        %get3A_861 = tpu.vector_load %arg8[%get3A_859, %get3A_860] {strides = array<i32>} : memref<8x1024xf32, #tpu.memory_space<vmem>>, vector<1x16xf32>,
        %get3A_862 = vector.shape_cast %get3A_861 : vector<1x16xf32> to vector<16xf32>
        %swap3A_863 = arith.index_cast %scan3A_236 : i32 to index
        %swap3A_864 = arith.constant 416 : index
        %swap3A_865 = tpu.vector_load %arg13[%swap3A_863, %swap3A_864] {strides = array<i32>} : memref<8x1024xf32, #tpu.memory_space<vmem>>, vector<1x16xf32>,
        %swap3A_866 = vector.shape_cast %swap3A_865 : vector<1x16xf32> to vector<16xf32>
        %swap3A_867 = vector.shape_cast %get3A_862 : vector<16xf32> to vector<1x16xf32>
        tpu.vector_store %arg13[%swap3A_863, %swap3A_864], %swap3A_867 {add = true, strides = array<i32>} : memref<8x1024xf32, #tpu.memory_space<vmem>>, vector<1x16xf32>,
        %swap3A_868 = arith.index_cast %scan3A_236 : i32 to index
        %swap3A_869 = arith.constant 416 : index
        %swap3A_870 = tpu.vector_load %arg14[%swap3A_868, %swap3A_869] {strides = array<i32>} : memref<8x1024xf32, #tpu.memory_space<vmem>>, vector<1x16xf32>,
        %swap3A_871 = vector.shape_cast %swap3A_870 : vector<1x16xf32> to vector<16xf32>
        %swap3A_872 = vector.shape_cast %get3A_862 : vector<16xf32> to vector<1x16xf32>
        tpu.vector_store %arg14[%swap3A_868, %swap3A_869], %swap3A_872 {add = true, strides = array<i32>} : memref<8x1024xf32, #tpu.memory_space<vmem>>, vector<1x16xf32>,
        %swap3A_873 = arith.index_cast %scan3A_236 : i32 to index
        %swap3A_874 = arith.constant 416 : index
        %swap3A_875 = tpu.vector_load %arg15[%swap3A_873, %swap3A_874] {strides = array<i32>} : memref<8x1024xf32, #tpu.memory_space<vmem>>, vector<1x16xf32>,
        %swap3A_876 = vector.shape_cast %swap3A_875 : vector<1x16xf32> to vector<16xf32>
        %swap3A_877 = vector.shape_cast %get3A_862 : vector<16xf32> to vector<1x16xf32>
        tpu.vector_store %arg15[%swap3A_873, %swap3A_874], %swap3A_877 {add = true, strides = array<i32>} : memref<8x1024xf32, #tpu.memory_space<vmem>>, vector<1x16xf32>,
        %swap3A_878 = arith.index_cast %scan3A_236 : i32 to index
        %swap3A_879 = arith.constant 416 : index
        %swap3A_880 = tpu.vector_load %arg16[%swap3A_878, %swap3A_879] {strides = array<i32>} : memref<8x1024xf32, #tpu.memory_space<vmem>>, vector<1x16xf32>,
        %swap3A_881 = vector.shape_cast %swap3A_880 : vector<1x16xf32> to vector<16xf32>
        %swap3A_882 = vector.shape_cast %get3A_862 : vector<16xf32> to vector<1x16xf32>
        tpu.vector_store %arg16[%swap3A_878, %swap3A_879], %swap3A_882 {add = true, strides = array<i32>} : memref<8x1024xf32, #tpu.memory_space<vmem>>, vector<1x16xf32>,
        %get3A_883 = arith.index_cast %scan3A_236 : i32 to index
        %get3A_884 = arith.constant 432 : index
        %get3A_885 = tpu.vector_load %arg8[%get3A_883, %get3A_884] {strides = array<i32>} : memref<8x1024xf32, #tpu.memory_space<vmem>>, vector<1x16xf32>,
        %get3A_886 = vector.shape_cast %get3A_885 : vector<1x16xf32> to vector<16xf32>
        %swap3A_887 = arith.index_cast %scan3A_236 : i32 to index
        %swap3A_888 = arith.constant 432 : index
        %swap3A_889 = tpu.vector_load %arg13[%swap3A_887, %swap3A_888] {strides = array<i32>} : memref<8x1024xf32, #tpu.memory_space<vmem>>, vector<1x16xf32>,
        %swap3A_890 = vector.shape_cast %swap3A_889 : vector<1x16xf32> to vector<16xf32>
        %swap3A_891 = vector.shape_cast %get3A_886 : vector<16xf32> to vector<1x16xf32>
        tpu.vector_store %arg13[%swap3A_887, %swap3A_888], %swap3A_891 {add = true, strides = array<i32>} : memref<8x1024xf32, #tpu.memory_space<vmem>>, vector<1x16xf32>,
        %swap3A_892 = arith.index_cast %scan3A_236 : i32 to index
        %swap3A_893 = arith.constant 432 : index
        %swap3A_894 = tpu.vector_load %arg14[%swap3A_892, %swap3A_893] {strides = array<i32>} : memref<8x1024xf32, #tpu.memory_space<vmem>>, vector<1x16xf32>,
        %swap3A_895 = vector.shape_cast %swap3A_894 : vector<1x16xf32> to vector<16xf32>
        %swap3A_896 = vector.shape_cast %get3A_886 : vector<16xf32> to vector<1x16xf32>
        tpu.vector_store %arg14[%swap3A_892, %swap3A_893], %swap3A_896 {add = true, strides = array<i32>} : memref<8x1024xf32, #tpu.memory_space<vmem>>, vector<1x16xf32>,
        %swap3A_897 = arith.index_cast %scan3A_236 : i32 to index
        %swap3A_898 = arith.constant 432 : index
        %swap3A_899 = tpu.vector_load %arg15[%swap3A_897, %swap3A_898] {strides = array<i32>} : memref<8x1024xf32, #tpu.memory_space<vmem>>, vector<1x16xf32>,
        %swap3A_900 = vector.shape_cast %swap3A_899 : vector<1x16xf32> to vector<16xf32>
        %swap3A_901 = vector.shape_cast %get3A_886 : vector<16xf32> to vector<1x16xf32>
        tpu.vector_store %arg15[%swap3A_897, %swap3A_898], %swap3A_901 {add = true, strides = array<i32>} : memref<8x1024xf32, #tpu.memory_space<vmem>>, vector<1x16xf32>,
        %swap3A_902 = arith.index_cast %scan3A_236 : i32 to index
        %swap3A_903 = arith.constant 432 : index
        %swap3A_904 = tpu.vector_load %arg16[%swap3A_902, %swap3A_903] {strides = array<i32>} : memref<8x1024xf32, #tpu.memory_space<vmem>>, vector<1x16xf32>,
        %swap3A_905 = vector.shape_cast %swap3A_904 : vector<1x16xf32> to vector<16xf32>
        %swap3A_906 = vector.shape_cast %get3A_886 : vector<16xf32> to vector<1x16xf32>
        tpu.vector_store %arg16[%swap3A_902, %swap3A_903], %swap3A_906 {add = true, strides = array<i32>} : memref<8x1024xf32, #tpu.memory_space<vmem>>, vector<1x16xf32>,
        %get3A_907 = arith.index_cast %scan3A_236 : i32 to index
        %get3A_908 = arith.constant 448 : index
        %get3A_909 = tpu.vector_load %arg8[%get3A_907, %get3A_908] {strides = array<i32>} : memref<8x1024xf32, #tpu.memory_space<vmem>>, vector<1x16xf32>,
        %get3A_910 = vector.shape_cast %get3A_909 : vector<1x16xf32> to vector<16xf32>
        %swap3A_911 = arith.index_cast %scan3A_236 : i32 to index
        %swap3A_912 = arith.constant 448 : index
        %swap3A_913 = tpu.vector_load %arg13[%swap3A_911, %swap3A_912] {strides = array<i32>} : memref<8x1024xf32, #tpu.memory_space<vmem>>, vector<1x16xf32>,
        %swap3A_914 = vector.shape_cast %swap3A_913 : vector<1x16xf32> to vector<16xf32>
        %swap3A_915 = vector.shape_cast %get3A_910 : vector<16xf32> to vector<1x16xf32>
        tpu.vector_store %arg13[%swap3A_911, %swap3A_912], %swap3A_915 {add = true, strides = array<i32>} : memref<8x1024xf32, #tpu.memory_space<vmem>>, vector<1x16xf32>,
        %swap3A_916 = arith.index_cast %scan3A_236 : i32 to index
        %swap3A_917 = arith.constant 448 : index
        %swap3A_918 = tpu.vector_load %arg14[%swap3A_916, %swap3A_917] {strides = array<i32>} : memref<8x1024xf32, #tpu.memory_space<vmem>>, vector<1x16xf32>,
        %swap3A_919 = vector.shape_cast %swap3A_918 : vector<1x16xf32> to vector<16xf32>
        %swap3A_920 = vector.shape_cast %get3A_910 : vector<16xf32> to vector<1x16xf32>
        tpu.vector_store %arg14[%swap3A_916, %swap3A_917], %swap3A_920 {add = true, strides = array<i32>} : memref<8x1024xf32, #tpu.memory_space<vmem>>, vector<1x16xf32>,
        %swap3A_921 = arith.index_cast %scan3A_236 : i32 to index
        %swap3A_922 = arith.constant 448 : index
        %swap3A_923 = tpu.vector_load %arg15[%swap3A_921, %swap3A_922] {strides = array<i32>} : memref<8x1024xf32, #tpu.memory_space<vmem>>, vector<1x16xf32>,
        %swap3A_924 = vector.shape_cast %swap3A_923 : vector<1x16xf32> to vector<16xf32>
        %swap3A_925 = vector.shape_cast %get3A_910 : vector<16xf32> to vector<1x16xf32>
        tpu.vector_store %arg15[%swap3A_921, %swap3A_922], %swap3A_925 {add = true, strides = array<i32>} : memref<8x1024xf32, #tpu.memory_space<vmem>>, vector<1x16xf32>,
        %swap3A_926 = arith.index_cast %scan3A_236 : i32 to index
        %swap3A_927 = arith.constant 448 : index
        %swap3A_928 = tpu.vector_load %arg16[%swap3A_926, %swap3A_927] {strides = array<i32>} : memref<8x1024xf32, #tpu.memory_space<vmem>>, vector<1x16xf32>,
        %swap3A_929 = vector.shape_cast %swap3A_928 : vector<1x16xf32> to vector<16xf32>
        %swap3A_930 = vector.shape_cast %get3A_910 : vector<16xf32> to vector<1x16xf32>
        tpu.vector_store %arg16[%swap3A_926, %swap3A_927], %swap3A_930 {add = true, strides = array<i32>} : memref<8x1024xf32, #tpu.memory_space<vmem>>, vector<1x16xf32>,
        %get3A_931 = arith.index_cast %scan3A_236 : i32 to index
        %get3A_932 = arith.constant 464 : index
        %get3A_933 = tpu.vector_load %arg8[%get3A_931, %get3A_932] {strides = array<i32>} : memref<8x1024xf32, #tpu.memory_space<vmem>>, vector<1x16xf32>,
        %get3A_934 = vector.shape_cast %get3A_933 : vector<1x16xf32> to vector<16xf32>
        %swap3A_935 = arith.index_cast %scan3A_236 : i32 to index
        %swap3A_936 = arith.constant 464 : index
        %swap3A_937 = tpu.vector_load %arg13[%swap3A_935, %swap3A_936] {strides = array<i32>} : memref<8x1024xf32, #tpu.memory_space<vmem>>, vector<1x16xf32>,
        %swap3A_938 = vector.shape_cast %swap3A_937 : vector<1x16xf32> to vector<16xf32>
        %swap3A_939 = vector.shape_cast %get3A_934 : vector<16xf32> to vector<1x16xf32>
        tpu.vector_store %arg13[%swap3A_935, %swap3A_936], %swap3A_939 {add = true, strides = array<i32>} : memref<8x1024xf32, #tpu.memory_space<vmem>>, vector<1x16xf32>,
        %swap3A_940 = arith.index_cast %scan3A_236 : i32 to index
        %swap3A_941 = arith.constant 464 : index
        %swap3A_942 = tpu.vector_load %arg14[%swap3A_940, %swap3A_941] {strides = array<i32>} : memref<8x1024xf32, #tpu.memory_space<vmem>>, vector<1x16xf32>,
        %swap3A_943 = vector.shape_cast %swap3A_942 : vector<1x16xf32> to vector<16xf32>
        %swap3A_944 = vector.shape_cast %get3A_934 : vector<16xf32> to vector<1x16xf32>
        tpu.vector_store %arg14[%swap3A_940, %swap3A_941], %swap3A_944 {add = true, strides = array<i32>} : memref<8x1024xf32, #tpu.memory_space<vmem>>, vector<1x16xf32>,
        %swap3A_945 = arith.index_cast %scan3A_236 : i32 to index
        %swap3A_946 = arith.constant 464 : index
        %swap3A_947 = tpu.vector_load %arg15[%swap3A_945, %swap3A_946] {strides = array<i32>} : memref<8x1024xf32, #tpu.memory_space<vmem>>, vector<1x16xf32>,
        %swap3A_948 = vector.shape_cast %swap3A_947 : vector<1x16xf32> to vector<16xf32>
        %swap3A_949 = vector.shape_cast %get3A_934 : vector<16xf32> to vector<1x16xf32>
        tpu.vector_store %arg15[%swap3A_945, %swap3A_946], %swap3A_949 {add = true, strides = array<i32>} : memref<8x1024xf32, #tpu.memory_space<vmem>>, vector<1x16xf32>,
        %swap3A_950 = arith.index_cast %scan3A_236 : i32 to index
        %swap3A_951 = arith.constant 464 : index
        %swap3A_952 = tpu.vector_load %arg16[%swap3A_950, %swap3A_951] {strides = array<i32>} : memref<8x1024xf32, #tpu.memory_space<vmem>>, vector<1x16xf32>,
        %swap3A_953 = vector.shape_cast %swap3A_952 : vector<1x16xf32> to vector<16xf32>
        %swap3A_954 = vector.shape_cast %get3A_934 : vector<16xf32> to vector<1x16xf32>
        tpu.vector_store %arg16[%swap3A_950, %swap3A_951], %swap3A_954 {add = true, strides = array<i32>} : memref<8x1024xf32, #tpu.memory_space<vmem>>, vector<1x16xf32>,
        %get3A_955 = arith.index_cast %scan3A_236 : i32 to index
        %get3A_956 = arith.constant 480 : index
        %get3A_957 = tpu.vector_load %arg8[%get3A_955, %get3A_956] {strides = array<i32>} : memref<8x1024xf32, #tpu.memory_space<vmem>>, vector<1x16xf32>,
        %get3A_958 = vector.shape_cast %get3A_957 : vector<1x16xf32> to vector<16xf32>
        %swap3A_959 = arith.index_cast %scan3A_236 : i32 to index
        %swap3A_960 = arith.constant 480 : index
        %swap3A_961 = tpu.vector_load %arg13[%swap3A_959, %swap3A_960] {strides = array<i32>} : memref<8x1024xf32, #tpu.memory_space<vmem>>, vector<1x16xf32>,
        %swap3A_962 = vector.shape_cast %swap3A_961 : vector<1x16xf32> to vector<16xf32>
        %swap3A_963 = vector.shape_cast %get3A_958 : vector<16xf32> to vector<1x16xf32>
        tpu.vector_store %arg13[%swap3A_959, %swap3A_960], %swap3A_963 {add = true, strides = array<i32>} : memref<8x1024xf32, #tpu.memory_space<vmem>>, vector<1x16xf32>,
        %swap3A_964 = arith.index_cast %scan3A_236 : i32 to index
        %swap3A_965 = arith.constant 480 : index
        %swap3A_966 = tpu.vector_load %arg14[%swap3A_964, %swap3A_965] {strides = array<i32>} : memref<8x1024xf32, #tpu.memory_space<vmem>>, vector<1x16xf32>,
        %swap3A_967 = vector.shape_cast %swap3A_966 : vector<1x16xf32> to vector<16xf32>
        %swap3A_968 = vector.shape_cast %get3A_958 : vector<16xf32> to vector<1x16xf32>
        tpu.vector_store %arg14[%swap3A_964, %swap3A_965], %swap3A_968 {add = true, strides = array<i32>} : memref<8x1024xf32, #tpu.memory_space<vmem>>, vector<1x16xf32>,
        %swap3A_969 = arith.index_cast %scan3A_236 : i32 to index
        %swap3A_970 = arith.constant 480 : index
        %swap3A_971 = tpu.vector_load %arg15[%swap3A_969, %swap3A_970] {strides = array<i32>} : memref<8x1024xf32, #tpu.memory_space<vmem>>, vector<1x16xf32>,
        %swap3A_972 = vector.shape_cast %swap3A_971 : vector<1x16xf32> to vector<16xf32>
        %swap3A_973 = vector.shape_cast %get3A_958 : vector<16xf32> to vector<1x16xf32>
        tpu.vector_store %arg15[%swap3A_969, %swap3A_970], %swap3A_973 {add = true, strides = array<i32>} : memref<8x1024xf32, #tpu.memory_space<vmem>>, vector<1x16xf32>,
        %swap3A_974 = arith.index_cast %scan3A_236 : i32 to index
        %swap3A_975 = arith.constant 480 : index
        %swap3A_976 = tpu.vector_load %arg16[%swap3A_974, %swap3A_975] {strides = array<i32>} : memref<8x1024xf32, #tpu.memory_space<vmem>>, vector<1x16xf32>,
        %swap3A_977 = vector.shape_cast %swap3A_976 : vector<1x16xf32> to vector<16xf32>
        %swap3A_978 = vector.shape_cast %get3A_958 : vector<16xf32> to vector<1x16xf32>
        tpu.vector_store %arg16[%swap3A_974, %swap3A_975], %swap3A_978 {add = true, strides = array<i32>} : memref<8x1024xf32, #tpu.memory_space<vmem>>, vector<1x16xf32>,
        %get3A_979 = arith.index_cast %scan3A_236 : i32 to index
        %get3A_980 = arith.constant 496 : index
        %get3A_981 = tpu.vector_load %arg8[%get3A_979, %get3A_980] {strides = array<i32>} : memref<8x1024xf32, #tpu.memory_space<vmem>>, vector<1x16xf32>,
        %get3A_982 = vector.shape_cast %get3A_981 : vector<1x16xf32> to vector<16xf32>
        %swap3A_983 = arith.index_cast %scan3A_236 : i32 to index
        %swap3A_984 = arith.constant 496 : index
        %swap3A_985 = tpu.vector_load %arg13[%swap3A_983, %swap3A_984] {strides = array<i32>} : memref<8x1024xf32, #tpu.memory_space<vmem>>, vector<1x16xf32>,
        %swap3A_986 = vector.shape_cast %swap3A_985 : vector<1x16xf32> to vector<16xf32>
        %swap3A_987 = vector.shape_cast %get3A_982 : vector<16xf32> to vector<1x16xf32>
        tpu.vector_store %arg13[%swap3A_983, %swap3A_984], %swap3A_987 {add = true, strides = array<i32>} : memref<8x1024xf32, #tpu.memory_space<vmem>>, vector<1x16xf32>,
        %swap3A_988 = arith.index_cast %scan3A_236 : i32 to index
        %swap3A_989 = arith.constant 496 : index
        %swap3A_990 = tpu.vector_load %arg14[%swap3A_988, %swap3A_989] {strides = array<i32>} : memref<8x1024xf32, #tpu.memory_space<vmem>>, vector<1x16xf32>,
        %swap3A_991 = vector.shape_cast %swap3A_990 : vector<1x16xf32> to vector<16xf32>
        %swap3A_992 = vector.shape_cast %get3A_982 : vector<16xf32> to vector<1x16xf32>
        tpu.vector_store %arg14[%swap3A_988, %swap3A_989], %swap3A_992 {add = true, strides = array<i32>} : memref<8x1024xf32, #tpu.memory_space<vmem>>, vector<1x16xf32>,
        %swap3A_993 = arith.index_cast %scan3A_236 : i32 to index
        %swap3A_994 = arith.constant 496 : index
        %swap3A_995 = tpu.vector_load %arg15[%swap3A_993, %swap3A_994] {strides = array<i32>} : memref<8x1024xf32, #tpu.memory_space<vmem>>, vector<1x16xf32>,
        %swap3A_996 = vector.shape_cast %swap3A_995 : vector<1x16xf32> to vector<16xf32>
        %swap3A_997 = vector.shape_cast %get3A_982 : vector<16xf32> to vector<1x16xf32>
        tpu.vector_store %arg15[%swap3A_993, %swap3A_994], %swap3A_997 {add = true, strides = array<i32>} : memref<8x1024xf32, #tpu.memory_space<vmem>>, vector<1x16xf32>,
        %swap3A_998 = arith.index_cast %scan3A_236 : i32 to index
        %swap3A_999 = arith.constant 496 : index
        %swap3A_1000 = tpu.vector_load %arg16[%swap3A_998, %swap3A_999] {strides = array<i32>} : memref<8x1024xf32, #tpu.memory_space<vmem>>, vector<1x16xf32>,
        %swap3A_1001 = vector.shape_cast %swap3A_1000 : vector<1x16xf32> to vector<16xf32>
        %swap3A_1002 = vector.shape_cast %get3A_982 : vector<16xf32> to vector<1x16xf32>
        tpu.vector_store %arg16[%swap3A_998, %swap3A_999], %swap3A_1002 {add = true, strides = array<i32>} : memref<8x1024xf32, #tpu.memory_space<vmem>>, vector<1x16xf32>,
        %get3A_1003 = arith.index_cast %scan3A_236 : i32 to index
        %get3A_1004 = arith.constant 512 : index
        %get3A_1005 = tpu.vector_load %arg8[%get3A_1003, %get3A_1004] {strides = array<i32>} : memref<8x1024xf32, #tpu.memory_space<vmem>>, vector<1x16xf32>,
        %get3A_1006 = vector.shape_cast %get3A_1005 : vector<1x16xf32> to vector<16xf32>
        %swap3A_1007 = arith.index_cast %scan3A_236 : i32 to index
        %swap3A_1008 = arith.constant 512 : index
        %swap3A_1009 = tpu.vector_load %arg13[%swap3A_1007, %swap3A_1008] {strides = array<i32>} : memref<8x1024xf32, #tpu.memory_space<vmem>>, vector<1x16xf32>,
        %swap3A_1010 = vector.shape_cast %swap3A_1009 : vector<1x16xf32> to vector<16xf32>
        %swap3A_1011 = vector.shape_cast %get3A_1006 : vector<16xf32> to vector<1x16xf32>
        tpu.vector_store %arg13[%swap3A_1007, %swap3A_1008], %swap3A_1011 {add = true, strides = array<i32>} : memref<8x1024xf32, #tpu.memory_space<vmem>>, vector<1x16xf32>,
        %swap3A_1012 = arith.index_cast %scan3A_236 : i32 to index
        %swap3A_1013 = arith.constant 512 : index
        %swap3A_1014 = tpu.vector_load %arg14[%swap3A_1012, %swap3A_1013] {strides = array<i32>} : memref<8x1024xf32, #tpu.memory_space<vmem>>, vector<1x16xf32>,
        %swap3A_1015 = vector.shape_cast %swap3A_1014 : vector<1x16xf32> to vector<16xf32>
        %swap3A_1016 = vector.shape_cast %get3A_1006 : vector<16xf32> to vector<1x16xf32>
        tpu.vector_store %arg14[%swap3A_1012, %swap3A_1013], %swap3A_1016 {add = true, strides = array<i32>} : memref<8x1024xf32, #tpu.memory_space<vmem>>, vector<1x16xf32>,
        %swap3A_1017 = arith.index_cast %scan3A_236 : i32 to index
        %swap3A_1018 = arith.constant 512 : index
        %swap3A_1019 = tpu.vector_load %arg15[%swap3A_1017, %swap3A_1018] {strides = array<i32>} : memref<8x1024xf32, #tpu.memory_space<vmem>>, vector<1x16xf32>,
        %swap3A_1020 = vector.shape_cast %swap3A_1019 : vector<1x16xf32> to vector<16xf32>
        %swap3A_1021 = vector.shape_cast %get3A_1006 : vector<16xf32> to vector<1x16xf32>
        tpu.vector_store %arg15[%swap3A_1017, %swap3A_1018], %swap3A_1021 {add = true, strides = array<i32>} : memref<8x1024xf32, #tpu.memory_space<vmem>>, vector<1x16xf32>,
        %swap3A_1022 = arith.index_cast %scan3A_236 : i32 to index
        %swap3A_1023 = arith.constant 512 : index
        %swap3A_1024 = tpu.vector_load %arg16[%swap3A_1022, %swap3A_1023] {strides = array<i32>} : memref<8x1024xf32, #tpu.memory_space<vmem>>, vector<1x16xf32>,
        %swap3A_1025 = vector.shape_cast %swap3A_1024 : vector<1x16xf32> to vector<16xf32>
        %swap3A_1026 = vector.shape_cast %get3A_1006 : vector<16xf32> to vector<1x16xf32>
        tpu.vector_store %arg16[%swap3A_1022, %swap3A_1023], %swap3A_1026 {add = true, strides = array<i32>} : memref<8x1024xf32, #tpu.memory_space<vmem>>, vector<1x16xf32>,
        %get3A_1027 = arith.index_cast %scan3A_236 : i32 to index
        %get3A_1028 = arith.constant 528 : index
        %get3A_1029 = tpu.vector_load %arg8[%get3A_1027, %get3A_1028] {strides = array<i32>} : memref<8x1024xf32, #tpu.memory_space<vmem>>, vector<1x16xf32>,
        %get3A_1030 = vector.shape_cast %get3A_1029 : vector<1x16xf32> to vector<16xf32>
        %swap3A_1031 = arith.index_cast %scan3A_236 : i32 to index
        %swap3A_1032 = arith.constant 528 : index
        %swap3A_1033 = tpu.vector_load %arg13[%swap3A_1031, %swap3A_1032] {strides = array<i32>} : memref<8x1024xf32, #tpu.memory_space<vmem>>, vector<1x16xf32>,
        %swap3A_1034 = vector.shape_cast %swap3A_1033 : vector<1x16xf32> to vector<16xf32>
        %swap3A_1035 = vector.shape_cast %get3A_1030 : vector<16xf32> to vector<1x16xf32>
        tpu.vector_store %arg13[%swap3A_1031, %swap3A_1032], %swap3A_1035 {add = true, strides = array<i32>} : memref<8x1024xf32, #tpu.memory_space<vmem>>, vector<1x16xf32>,
        %swap3A_1036 = arith.index_cast %scan3A_236 : i32 to index
        %swap3A_1037 = arith.constant 528 : index
        %swap3A_1038 = tpu.vector_load %arg14[%swap3A_1036, %swap3A_1037] {strides = array<i32>} : memref<8x1024xf32, #tpu.memory_space<vmem>>, vector<1x16xf32>,
        %swap3A_1039 = vector.shape_cast %swap3A_1038 : vector<1x16xf32> to vector<16xf32>
        %swap3A_1040 = vector.shape_cast %get3A_1030 : vector<16xf32> to vector<1x16xf32>
        tpu.vector_store %arg14[%swap3A_1036, %swap3A_1037], %swap3A_1040 {add = true, strides = array<i32>} : memref<8x1024xf32, #tpu.memory_space<vmem>>, vector<1x16xf32>,
        %swap3A_1041 = arith.index_cast %scan3A_236 : i32 to index
        %swap3A_1042 = arith.constant 528 : index
        %swap3A_1043 = tpu.vector_load %arg15[%swap3A_1041, %swap3A_1042] {strides = array<i32>} : memref<8x1024xf32, #tpu.memory_space<vmem>>, vector<1x16xf32>,
        %swap3A_1044 = vector.shape_cast %swap3A_1043 : vector<1x16xf32> to vector<16xf32>
        %swap3A_1045 = vector.shape_cast %get3A_1030 : vector<16xf32> to vector<1x16xf32>
        tpu.vector_store %arg15[%swap3A_1041, %swap3A_1042], %swap3A_1045 {add = true, strides = array<i32>} : memref<8x1024xf32, #tpu.memory_space<vmem>>, vector<1x16xf32>,
        %swap3A_1046 = arith.index_cast %scan3A_236 : i32 to index
        %swap3A_1047 = arith.constant 528 : index
        %swap3A_1048 = tpu.vector_load %arg16[%swap3A_1046, %swap3A_1047] {strides = array<i32>} : memref<8x1024xf32, #tpu.memory_space<vmem>>, vector<1x16xf32>,
        %swap3A_1049 = vector.shape_cast %swap3A_1048 : vector<1x16xf32> to vector<16xf32>
        %swap3A_1050 = vector.shape_cast %get3A_1030 : vector<16xf32> to vector<1x16xf32>
        tpu.vector_store %arg16[%swap3A_1046, %swap3A_1047], %swap3A_1050 {add = true, strides = array<i32>} : memref<8x1024xf32, #tpu.memory_space<vmem>>, vector<1x16xf32>,
        %get3A_1051 = arith.index_cast %scan3A_236 : i32 to index
        %get3A_1052 = arith.constant 544 : index
        %get3A_1053 = tpu.vector_load %arg8[%get3A_1051, %get3A_1052] {strides = array<i32>} : memref<8x1024xf32, #tpu.memory_space<vmem>>, vector<1x16xf32>,
        %get3A_1054 = vector.shape_cast %get3A_1053 : vector<1x16xf32> to vector<16xf32>
        %swap3A_1055 = arith.index_cast %scan3A_236 : i32 to index
        %swap3A_1056 = arith.constant 544 : index
        %swap3A_1057 = tpu.vector_load %arg13[%swap3A_1055, %swap3A_1056] {strides = array<i32>} : memref<8x1024xf32, #tpu.memory_space<vmem>>, vector<1x16xf32>,
        %swap3A_1058 = vector.shape_cast %swap3A_1057 : vector<1x16xf32> to vector<16xf32>
        %swap3A_1059 = vector.shape_cast %get3A_1054 : vector<16xf32> to vector<1x16xf32>
        tpu.vector_store %arg13[%swap3A_1055, %swap3A_1056], %swap3A_1059 {add = true, strides = array<i32>} : memref<8x1024xf32, #tpu.memory_space<vmem>>, vector<1x16xf32>,
        %swap3A_1060 = arith.index_cast %scan3A_236 : i32 to index
        %swap3A_1061 = arith.constant 544 : index
        %swap3A_1062 = tpu.vector_load %arg14[%swap3A_1060, %swap3A_1061] {strides = array<i32>} : memref<8x1024xf32, #tpu.memory_space<vmem>>, vector<1x16xf32>,
        %swap3A_1063 = vector.shape_cast %swap3A_1062 : vector<1x16xf32> to vector<16xf32>
        %swap3A_1064 = vector.shape_cast %get3A_1054 : vector<16xf32> to vector<1x16xf32>
        tpu.vector_store %arg14[%swap3A_1060, %swap3A_1061], %swap3A_1064 {add = true, strides = array<i32>} : memref<8x1024xf32, #tpu.memory_space<vmem>>, vector<1x16xf32>,
        %swap3A_1065 = arith.index_cast %scan3A_236 : i32 to index
        %swap3A_1066 = arith.constant 544 : index
        %swap3A_1067 = tpu.vector_load %arg15[%swap3A_1065, %swap3A_1066] {strides = array<i32>} : memref<8x1024xf32, #tpu.memory_space<vmem>>, vector<1x16xf32>,
        %swap3A_1068 = vector.shape_cast %swap3A_1067 : vector<1x16xf32> to vector<16xf32>
        %swap3A_1069 = vector.shape_cast %get3A_1054 : vector<16xf32> to vector<1x16xf32>
        tpu.vector_store %arg15[%swap3A_1065, %swap3A_1066], %swap3A_1069 {add = true, strides = array<i32>} : memref<8x1024xf32, #tpu.memory_space<vmem>>, vector<1x16xf32>,
        %swap3A_1070 = arith.index_cast %scan3A_236 : i32 to index
        %swap3A_1071 = arith.constant 544 : index
        %swap3A_1072 = tpu.vector_load %arg16[%swap3A_1070, %swap3A_1071] {strides = array<i32>} : memref<8x1024xf32, #tpu.memory_space<vmem>>, vector<1x16xf32>,
        %swap3A_1073 = vector.shape_cast %swap3A_1072 : vector<1x16xf32> to vector<16xf32>
        %swap3A_1074 = vector.shape_cast %get3A_1054 : vector<16xf32> to vector<1x16xf32>
        tpu.vector_store %arg16[%swap3A_1070, %swap3A_1071], %swap3A_1074 {add = true, strides = array<i32>} : memref<8x1024xf32, #tpu.memory_space<vmem>>, vector<1x16xf32>,
        %get3A_1075 = arith.index_cast %scan3A_236 : i32 to index
        %get3A_1076 = arith.constant 560 : index
        %get3A_1077 = tpu.vector_load %arg8[%get3A_1075, %get3A_1076] {strides = array<i32>} : memref<8x1024xf32, #tpu.memory_space<vmem>>, vector<1x16xf32>,
        %get3A_1078 = vector.shape_cast %get3A_1077 : vector<1x16xf32> to vector<16xf32>
        %swap3A_1079 = arith.index_cast %scan3A_236 : i32 to index
        %swap3A_1080 = arith.constant 560 : index
        %swap3A_1081 = tpu.vector_load %arg13[%swap3A_1079, %swap3A_1080] {strides = array<i32>} : memref<8x1024xf32, #tpu.memory_space<vmem>>, vector<1x16xf32>,
        %swap3A_1082 = vector.shape_cast %swap3A_1081 : vector<1x16xf32> to vector<16xf32>
        %swap3A_1083 = vector.shape_cast %get3A_1078 : vector<16xf32> to vector<1x16xf32>
        tpu.vector_store %arg13[%swap3A_1079, %swap3A_1080], %swap3A_1083 {add = true, strides = array<i32>} : memref<8x1024xf32, #tpu.memory_space<vmem>>, vector<1x16xf32>,
        %swap3A_1084 = arith.index_cast %scan3A_236 : i32 to index
        %swap3A_1085 = arith.constant 560 : index
        %swap3A_1086 = tpu.vector_load %arg14[%swap3A_1084, %swap3A_1085] {strides = array<i32>} : memref<8x1024xf32, #tpu.memory_space<vmem>>, vector<1x16xf32>,
        %swap3A_1087 = vector.shape_cast %swap3A_1086 : vector<1x16xf32> to vector<16xf32>
        %swap3A_1088 = vector.shape_cast %get3A_1078 : vector<16xf32> to vector<1x16xf32>
        tpu.vector_store %arg14[%swap3A_1084, %swap3A_1085], %swap3A_1088 {add = true, strides = array<i32>} : memref<8x1024xf32, #tpu.memory_space<vmem>>, vector<1x16xf32>,
        %swap3A_1089 = arith.index_cast %scan3A_236 : i32 to index
        %swap3A_1090 = arith.constant 560 : index
        %swap3A_1091 = tpu.vector_load %arg15[%swap3A_1089, %swap3A_1090] {strides = array<i32>} : memref<8x1024xf32, #tpu.memory_space<vmem>>, vector<1x16xf32>,
        %swap3A_1092 = vector.shape_cast %swap3A_1091 : vector<1x16xf32> to vector<16xf32>
        %swap3A_1093 = vector.shape_cast %get3A_1078 : vector<16xf32> to vector<1x16xf32>
        tpu.vector_store %arg15[%swap3A_1089, %swap3A_1090], %swap3A_1093 {add = true, strides = array<i32>} : memref<8x1024xf32, #tpu.memory_space<vmem>>, vector<1x16xf32>,
        %swap3A_1094 = arith.index_cast %scan3A_236 : i32 to index
        %swap3A_1095 = arith.constant 560 : index
        %swap3A_1096 = tpu.vector_load %arg16[%swap3A_1094, %swap3A_1095] {strides = array<i32>} : memref<8x1024xf32, #tpu.memory_space<vmem>>, vector<1x16xf32>,
        %swap3A_1097 = vector.shape_cast %swap3A_1096 : vector<1x16xf32> to vector<16xf32>
        %swap3A_1098 = vector.shape_cast %get3A_1078 : vector<16xf32> to vector<1x16xf32>
        tpu.vector_store %arg16[%swap3A_1094, %swap3A_1095], %swap3A_1098 {add = true, strides = array<i32>} : memref<8x1024xf32, #tpu.memory_space<vmem>>, vector<1x16xf32>,
        %get3A_1099 = arith.index_cast %scan3A_236 : i32 to index
        %get3A_1100 = arith.constant 576 : index
        %get3A_1101 = tpu.vector_load %arg8[%get3A_1099, %get3A_1100] {strides = array<i32>} : memref<8x1024xf32, #tpu.memory_space<vmem>>, vector<1x16xf32>,
        %get3A_1102 = vector.shape_cast %get3A_1101 : vector<1x16xf32> to vector<16xf32>
        %swap3A_1103 = arith.index_cast %scan3A_236 : i32 to index
        %swap3A_1104 = arith.constant 576 : index
        %swap3A_1105 = tpu.vector_load %arg13[%swap3A_1103, %swap3A_1104] {strides = array<i32>} : memref<8x1024xf32, #tpu.memory_space<vmem>>, vector<1x16xf32>,
        %swap3A_1106 = vector.shape_cast %swap3A_1105 : vector<1x16xf32> to vector<16xf32>
        %swap3A_1107 = vector.shape_cast %get3A_1102 : vector<16xf32> to vector<1x16xf32>
        tpu.vector_store %arg13[%swap3A_1103, %swap3A_1104], %swap3A_1107 {add = true, strides = array<i32>} : memref<8x1024xf32, #tpu.memory_space<vmem>>, vector<1x16xf32>,
        %swap3A_1108 = arith.index_cast %scan3A_236 : i32 to index
        %swap3A_1109 = arith.constant 576 : index
        %swap3A_1110 = tpu.vector_load %arg14[%swap3A_1108, %swap3A_1109] {strides = array<i32>} : memref<8x1024xf32, #tpu.memory_space<vmem>>, vector<1x16xf32>,
        %swap3A_1111 = vector.shape_cast %swap3A_1110 : vector<1x16xf32> to vector<16xf32>
        %swap3A_1112 = vector.shape_cast %get3A_1102 : vector<16xf32> to vector<1x16xf32>
        tpu.vector_store %arg14[%swap3A_1108, %swap3A_1109], %swap3A_1112 {add = true, strides = array<i32>} : memref<8x1024xf32, #tpu.memory_space<vmem>>, vector<1x16xf32>,
        %swap3A_1113 = arith.index_cast %scan3A_236 : i32 to index
        %swap3A_1114 = arith.constant 576 : index
        %swap3A_1115 = tpu.vector_load %arg15[%swap3A_1113, %swap3A_1114] {strides = array<i32>} : memref<8x1024xf32, #tpu.memory_space<vmem>>, vector<1x16xf32>,
        %swap3A_1116 = vector.shape_cast %swap3A_1115 : vector<1x16xf32> to vector<16xf32>
        %swap3A_1117 = vector.shape_cast %get3A_1102 : vector<16xf32> to vector<1x16xf32>
        tpu.vector_store %arg15[%swap3A_1113, %swap3A_1114], %swap3A_1117 {add = true, strides = array<i32>} : memref<8x1024xf32, #tpu.memory_space<vmem>>, vector<1x16xf32>,
        %swap3A_1118 = arith.index_cast %scan3A_236 : i32 to index
        %swap3A_1119 = arith.constant 576 : index
        %swap3A_1120 = tpu.vector_load %arg16[%swap3A_1118, %swap3A_1119] {strides = array<i32>} : memref<8x1024xf32, #tpu.memory_space<vmem>>, vector<1x16xf32>,
        %swap3A_1121 = vector.shape_cast %swap3A_1120 : vector<1x16xf32> to vector<16xf32>
        %swap3A_1122 = vector.shape_cast %get3A_1102 : vector<16xf32> to vector<1x16xf32>
        tpu.vector_store %arg16[%swap3A_1118, %swap3A_1119], %swap3A_1122 {add = true, strides = array<i32>} : memref<8x1024xf32, #tpu.memory_space<vmem>>, vector<1x16xf32>,
        %get3A_1123 = arith.index_cast %scan3A_236 : i32 to index
        %get3A_1124 = arith.constant 592 : index
        %get3A_1125 = tpu.vector_load %arg8[%get3A_1123, %get3A_1124] {strides = array<i32>} : memref<8x1024xf32, #tpu.memory_space<vmem>>, vector<1x16xf32>,
        %get3A_1126 = vector.shape_cast %get3A_1125 : vector<1x16xf32> to vector<16xf32>
        %swap3A_1127 = arith.index_cast %scan3A_236 : i32 to index
        %swap3A_1128 = arith.constant 592 : index
        %swap3A_1129 = tpu.vector_load %arg13[%swap3A_1127, %swap3A_1128] {strides = array<i32>} : memref<8x1024xf32, #tpu.memory_space<vmem>>, vector<1x16xf32>,
        %swap3A_1130 = vector.shape_cast %swap3A_1129 : vector<1x16xf32> to vector<16xf32>
        %swap3A_1131 = vector.shape_cast %get3A_1126 : vector<16xf32> to vector<1x16xf32>
        tpu.vector_store %arg13[%swap3A_1127, %swap3A_1128], %swap3A_1131 {add = true, strides = array<i32>} : memref<8x1024xf32, #tpu.memory_space<vmem>>, vector<1x16xf32>,
        %swap3A_1132 = arith.index_cast %scan3A_236 : i32 to index
        %swap3A_1133 = arith.constant 592 : index
        %swap3A_1134 = tpu.vector_load %arg14[%swap3A_1132, %swap3A_1133] {strides = array<i32>} : memref<8x1024xf32, #tpu.memory_space<vmem>>, vector<1x16xf32>,
        %swap3A_1135 = vector.shape_cast %swap3A_1134 : vector<1x16xf32> to vector<16xf32>
        %swap3A_1136 = vector.shape_cast %get3A_1126 : vector<16xf32> to vector<1x16xf32>
        tpu.vector_store %arg14[%swap3A_1132, %swap3A_1133], %swap3A_1136 {add = true, strides = array<i32>} : memref<8x1024xf32, #tpu.memory_space<vmem>>, vector<1x16xf32>,
        %swap3A_1137 = arith.index_cast %scan3A_236 : i32 to index
        %swap3A_1138 = arith.constant 592 : index
        %swap3A_1139 = tpu.vector_load %arg15[%swap3A_1137, %swap3A_1138] {strides = array<i32>} : memref<8x1024xf32, #tpu.memory_space<vmem>>, vector<1x16xf32>,
        %swap3A_1140 = vector.shape_cast %swap3A_1139 : vector<1x16xf32> to vector<16xf32>
        %swap3A_1141 = vector.shape_cast %get3A_1126 : vector<16xf32> to vector<1x16xf32>
        tpu.vector_store %arg15[%swap3A_1137, %swap3A_1138], %swap3A_1141 {add = true, strides = array<i32>} : memref<8x1024xf32, #tpu.memory_space<vmem>>, vector<1x16xf32>,
        %swap3A_1142 = arith.index_cast %scan3A_236 : i32 to index
        %swap3A_1143 = arith.constant 592 : index
        %swap3A_1144 = tpu.vector_load %arg16[%swap3A_1142, %swap3A_1143] {strides = array<i32>} : memref<8x1024xf32, #tpu.memory_space<vmem>>, vector<1x16xf32>,
        %swap3A_1145 = vector.shape_cast %swap3A_1144 : vector<1x16xf32> to vector<16xf32>
        %swap3A_1146 = vector.shape_cast %get3A_1126 : vector<16xf32> to vector<1x16xf32>
        tpu.vector_store %arg16[%swap3A_1142, %swap3A_1143], %swap3A_1146 {add = true, strides = array<i32>} : memref<8x1024xf32, #tpu.memory_space<vmem>>, vector<1x16xf32>,
        %get3A_1147 = arith.index_cast %scan3A_236 : i32 to index
        %get3A_1148 = arith.constant 608 : index
        %get3A_1149 = tpu.vector_load %arg8[%get3A_1147, %get3A_1148] {strides = array<i32>} : memref<8x1024xf32, #tpu.memory_space<vmem>>, vector<1x16xf32>,
        %get3A_1150 = vector.shape_cast %get3A_1149 : vector<1x16xf32> to vector<16xf32>
        %swap3A_1151 = arith.index_cast %scan3A_236 : i32 to index
        %swap3A_1152 = arith.constant 608 : index
        %swap3A_1153 = tpu.vector_load %arg13[%swap3A_1151, %swap3A_1152] {strides = array<i32>} : memref<8x1024xf32, #tpu.memory_space<vmem>>, vector<1x16xf32>,
        %swap3A_1154 = vector.shape_cast %swap3A_1153 : vector<1x16xf32> to vector<16xf32>
        %swap3A_1155 = vector.shape_cast %get3A_1150 : vector<16xf32> to vector<1x16xf32>
        tpu.vector_store %arg13[%swap3A_1151, %swap3A_1152], %swap3A_1155 {add = true, strides = array<i32>} : memref<8x1024xf32, #tpu.memory_space<vmem>>, vector<1x16xf32>,
        %swap3A_1156 = arith.index_cast %scan3A_236 : i32 to index
        %swap3A_1157 = arith.constant 608 : index
        %swap3A_1158 = tpu.vector_load %arg14[%swap3A_1156, %swap3A_1157] {strides = array<i32>} : memref<8x1024xf32, #tpu.memory_space<vmem>>, vector<1x16xf32>,
        %swap3A_1159 = vector.shape_cast %swap3A_1158 : vector<1x16xf32> to vector<16xf32>
        %swap3A_1160 = vector.shape_cast %get3A_1150 : vector<16xf32> to vector<1x16xf32>
        tpu.vector_store %arg14[%swap3A_1156, %swap3A_1157], %swap3A_1160 {add = true, strides = array<i32>} : memref<8x1024xf32, #tpu.memory_space<vmem>>, vector<1x16xf32>,
        %swap3A_1161 = arith.index_cast %scan3A_236 : i32 to index
        %swap3A_1162 = arith.constant 608 : index
        %swap3A_1163 = tpu.vector_load %arg15[%swap3A_1161, %swap3A_1162] {strides = array<i32>} : memref<8x1024xf32, #tpu.memory_space<vmem>>, vector<1x16xf32>,
        %swap3A_1164 = vector.shape_cast %swap3A_1163 : vector<1x16xf32> to vector<16xf32>
        %swap3A_1165 = vector.shape_cast %get3A_1150 : vector<16xf32> to vector<1x16xf32>
        tpu.vector_store %arg15[%swap3A_1161, %swap3A_1162], %swap3A_1165 {add = true, strides = array<i32>} : memref<8x1024xf32, #tpu.memory_space<vmem>>, vector<1x16xf32>,
        %swap3A_1166 = arith.index_cast %scan3A_236 : i32 to index
        %swap3A_1167 = arith.constant 608 : index
        %swap3A_1168 = tpu.vector_load %arg16[%swap3A_1166, %swap3A_1167] {strides = array<i32>} : memref<8x1024xf32, #tpu.memory_space<vmem>>, vector<1x16xf32>,
        %swap3A_1169 = vector.shape_cast %swap3A_1168 : vector<1x16xf32> to vector<16xf32>
        %swap3A_1170 = vector.shape_cast %get3A_1150 : vector<16xf32> to vector<1x16xf32>
        tpu.vector_store %arg16[%swap3A_1166, %swap3A_1167], %swap3A_1170 {add = true, strides = array<i32>} : memref<8x1024xf32, #tpu.memory_space<vmem>>, vector<1x16xf32>,
        %get3A_1171 = arith.index_cast %scan3A_236 : i32 to index
        %get3A_1172 = arith.constant 624 : index
        %get3A_1173 = tpu.vector_load %arg8[%get3A_1171, %get3A_1172] {strides = array<i32>} : memref<8x1024xf32, #tpu.memory_space<vmem>>, vector<1x16xf32>,
        %get3A_1174 = vector.shape_cast %get3A_1173 : vector<1x16xf32> to vector<16xf32>
        %swap3A_1175 = arith.index_cast %scan3A_236 : i32 to index
        %swap3A_1176 = arith.constant 624 : index
        %swap3A_1177 = tpu.vector_load %arg13[%swap3A_1175, %swap3A_1176] {strides = array<i32>} : memref<8x1024xf32, #tpu.memory_space<vmem>>, vector<1x16xf32>,
        %swap3A_1178 = vector.shape_cast %swap3A_1177 : vector<1x16xf32> to vector<16xf32>
        %swap3A_1179 = vector.shape_cast %get3A_1174 : vector<16xf32> to vector<1x16xf32>
        tpu.vector_store %arg13[%swap3A_1175, %swap3A_1176], %swap3A_1179 {add = true, strides = array<i32>} : memref<8x1024xf32, #tpu.memory_space<vmem>>, vector<1x16xf32>,
        %swap3A_1180 = arith.index_cast %scan3A_236 : i32 to index
        %swap3A_1181 = arith.constant 624 : index
        %swap3A_1182 = tpu.vector_load %arg14[%swap3A_1180, %swap3A_1181] {strides = array<i32>} : memref<8x1024xf32, #tpu.memory_space<vmem>>, vector<1x16xf32>,
        %swap3A_1183 = vector.shape_cast %swap3A_1182 : vector<1x16xf32> to vector<16xf32>
        %swap3A_1184 = vector.shape_cast %get3A_1174 : vector<16xf32> to vector<1x16xf32>
        tpu.vector_store %arg14[%swap3A_1180, %swap3A_1181], %swap3A_1184 {add = true, strides = array<i32>} : memref<8x1024xf32, #tpu.memory_space<vmem>>, vector<1x16xf32>,
        %swap3A_1185 = arith.index_cast %scan3A_236 : i32 to index
        %swap3A_1186 = arith.constant 624 : index
        %swap3A_1187 = tpu.vector_load %arg15[%swap3A_1185, %swap3A_1186] {strides = array<i32>} : memref<8x1024xf32, #tpu.memory_space<vmem>>, vector<1x16xf32>,
        %swap3A_1188 = vector.shape_cast %swap3A_1187 : vector<1x16xf32> to vector<16xf32>
        %swap3A_1189 = vector.shape_cast %get3A_1174 : vector<16xf32> to vector<1x16xf32>
        tpu.vector_store %arg15[%swap3A_1185, %swap3A_1186], %swap3A_1189 {add = true, strides = array<i32>} : memref<8x1024xf32, #tpu.memory_space<vmem>>, vector<1x16xf32>,
        %swap3A_1190 = arith.index_cast %scan3A_236 : i32 to index
        %swap3A_1191 = arith.constant 624 : index
        %swap3A_1192 = tpu.vector_load %arg16[%swap3A_1190, %swap3A_1191] {strides = array<i32>} : memref<8x1024xf32, #tpu.memory_space<vmem>>, vector<1x16xf32>,
        %swap3A_1193 = vector.shape_cast %swap3A_1192 : vector<1x16xf32> to vector<16xf32>
        %swap3A_1194 = vector.shape_cast %get3A_1174 : vector<16xf32> to vector<1x16xf32>
        tpu.vector_store %arg16[%swap3A_1190, %swap3A_1191], %swap3A_1194 {add = true, strides = array<i32>} : memref<8x1024xf32, #tpu.memory_space<vmem>>, vector<1x16xf32>,
        %get3A_1195 = arith.index_cast %scan3A_236 : i32 to index
        %get3A_1196 = arith.constant 640 : index
        %get3A_1197 = tpu.vector_load %arg8[%get3A_1195, %get3A_1196] {strides = array<i32>} : memref<8x1024xf32, #tpu.memory_space<vmem>>, vector<1x16xf32>,
        %get3A_1198 = vector.shape_cast %get3A_1197 : vector<1x16xf32> to vector<16xf32>
        %swap3A_1199 = arith.index_cast %scan3A_236 : i32 to index
        %swap3A_1200 = arith.constant 640 : index
        %swap3A_1201 = tpu.vector_load %arg13[%swap3A_1199, %swap3A_1200] {strides = array<i32>} : memref<8x1024xf32, #tpu.memory_space<vmem>>, vector<1x16xf32>,
        %swap3A_1202 = vector.shape_cast %swap3A_1201 : vector<1x16xf32> to vector<16xf32>
        %swap3A_1203 = vector.shape_cast %get3A_1198 : vector<16xf32> to vector<1x16xf32>
        tpu.vector_store %arg13[%swap3A_1199, %swap3A_1200], %swap3A_1203 {add = true, strides = array<i32>} : memref<8x1024xf32, #tpu.memory_space<vmem>>, vector<1x16xf32>,
        %swap3A_1204 = arith.index_cast %scan3A_236 : i32 to index
        %swap3A_1205 = arith.constant 640 : index
        %swap3A_1206 = tpu.vector_load %arg14[%swap3A_1204, %swap3A_1205] {strides = array<i32>} : memref<8x1024xf32, #tpu.memory_space<vmem>>, vector<1x16xf32>,
        %swap3A_1207 = vector.shape_cast %swap3A_1206 : vector<1x16xf32> to vector<16xf32>
        %swap3A_1208 = vector.shape_cast %get3A_1198 : vector<16xf32> to vector<1x16xf32>
        tpu.vector_store %arg14[%swap3A_1204, %swap3A_1205], %swap3A_1208 {add = true, strides = array<i32>} : memref<8x1024xf32, #tpu.memory_space<vmem>>, vector<1x16xf32>,
        %swap3A_1209 = arith.index_cast %scan3A_236 : i32 to index
        %swap3A_1210 = arith.constant 640 : index
        %swap3A_1211 = tpu.vector_load %arg15[%swap3A_1209, %swap3A_1210] {strides = array<i32>} : memref<8x1024xf32, #tpu.memory_space<vmem>>, vector<1x16xf32>,
        %swap3A_1212 = vector.shape_cast %swap3A_1211 : vector<1x16xf32> to vector<16xf32>
        %swap3A_1213 = vector.shape_cast %get3A_1198 : vector<16xf32> to vector<1x16xf32>
        tpu.vector_store %arg15[%swap3A_1209, %swap3A_1210], %swap3A_1213 {add = true, strides = array<i32>} : memref<8x1024xf32, #tpu.memory_space<vmem>>, vector<1x16xf32>,
        %swap3A_1214 = arith.index_cast %scan3A_236 : i32 to index
        %swap3A_1215 = arith.constant 640 : index
        %swap3A_1216 = tpu.vector_load %arg16[%swap3A_1214, %swap3A_1215] {strides = array<i32>} : memref<8x1024xf32, #tpu.memory_space<vmem>>, vector<1x16xf32>,
        %swap3A_1217 = vector.shape_cast %swap3A_1216 : vector<1x16xf32> to vector<16xf32>
        %swap3A_1218 = vector.shape_cast %get3A_1198 : vector<16xf32> to vector<1x16xf32>
        tpu.vector_store %arg16[%swap3A_1214, %swap3A_1215], %swap3A_1218 {add = true, strides = array<i32>} : memref<8x1024xf32, #tpu.memory_space<vmem>>, vector<1x16xf32>,
        %get3A_1219 = arith.index_cast %scan3A_236 : i32 to index
        %get3A_1220 = arith.constant 656 : index
        %get3A_1221 = tpu.vector_load %arg8[%get3A_1219, %get3A_1220] {strides = array<i32>} : memref<8x1024xf32, #tpu.memory_space<vmem>>, vector<1x16xf32>,
        %get3A_1222 = vector.shape_cast %get3A_1221 : vector<1x16xf32> to vector<16xf32>
        %swap3A_1223 = arith.index_cast %scan3A_236 : i32 to index
        %swap3A_1224 = arith.constant 656 : index
        %swap3A_1225 = tpu.vector_load %arg13[%swap3A_1223, %swap3A_1224] {strides = array<i32>} : memref<8x1024xf32, #tpu.memory_space<vmem>>, vector<1x16xf32>,
        %swap3A_1226 = vector.shape_cast %swap3A_1225 : vector<1x16xf32> to vector<16xf32>
        %swap3A_1227 = vector.shape_cast %get3A_1222 : vector<16xf32> to vector<1x16xf32>
        tpu.vector_store %arg13[%swap3A_1223, %swap3A_1224], %swap3A_1227 {add = true, strides = array<i32>} : memref<8x1024xf32, #tpu.memory_space<vmem>>, vector<1x16xf32>,
        %swap3A_1228 = arith.index_cast %scan3A_236 : i32 to index
        %swap3A_1229 = arith.constant 656 : index
        %swap3A_1230 = tpu.vector_load %arg14[%swap3A_1228, %swap3A_1229] {strides = array<i32>} : memref<8x1024xf32, #tpu.memory_space<vmem>>, vector<1x16xf32>,
        %swap3A_1231 = vector.shape_cast %swap3A_1230 : vector<1x16xf32> to vector<16xf32>
        %swap3A_1232 = vector.shape_cast %get3A_1222 : vector<16xf32> to vector<1x16xf32>
        tpu.vector_store %arg14[%swap3A_1228, %swap3A_1229], %swap3A_1232 {add = true, strides = array<i32>} : memref<8x1024xf32, #tpu.memory_space<vmem>>, vector<1x16xf32>,
        %swap3A_1233 = arith.index_cast %scan3A_236 : i32 to index
        %swap3A_1234 = arith.constant 656 : index
        %swap3A_1235 = tpu.vector_load %arg15[%swap3A_1233, %swap3A_1234] {strides = array<i32>} : memref<8x1024xf32, #tpu.memory_space<vmem>>, vector<1x16xf32>,
        %swap3A_1236 = vector.shape_cast %swap3A_1235 : vector<1x16xf32> to vector<16xf32>
        %swap3A_1237 = vector.shape_cast %get3A_1222 : vector<16xf32> to vector<1x16xf32>
        tpu.vector_store %arg15[%swap3A_1233, %swap3A_1234], %swap3A_1237 {add = true, strides = array<i32>} : memref<8x1024xf32, #tpu.memory_space<vmem>>, vector<1x16xf32>,
        %swap3A_1238 = arith.index_cast %scan3A_236 : i32 to index
        %swap3A_1239 = arith.constant 656 : index
        %swap3A_1240 = tpu.vector_load %arg16[%swap3A_1238, %swap3A_1239] {strides = array<i32>} : memref<8x1024xf32, #tpu.memory_space<vmem>>, vector<1x16xf32>,
        %swap3A_1241 = vector.shape_cast %swap3A_1240 : vector<1x16xf32> to vector<16xf32>
        %swap3A_1242 = vector.shape_cast %get3A_1222 : vector<16xf32> to vector<1x16xf32>
        tpu.vector_store %arg16[%swap3A_1238, %swap3A_1239], %swap3A_1242 {add = true, strides = array<i32>} : memref<8x1024xf32, #tpu.memory_space<vmem>>, vector<1x16xf32>,
        %get3A_1243 = arith.index_cast %scan3A_236 : i32 to index
        %get3A_1244 = arith.constant 672 : index
        %get3A_1245 = tpu.vector_load %arg8[%get3A_1243, %get3A_1244] {strides = array<i32>} : memref<8x1024xf32, #tpu.memory_space<vmem>>, vector<1x16xf32>,
        %get3A_1246 = vector.shape_cast %get3A_1245 : vector<1x16xf32> to vector<16xf32>
        %swap3A_1247 = arith.index_cast %scan3A_236 : i32 to index
        %swap3A_1248 = arith.constant 672 : index
        %swap3A_1249 = tpu.vector_load %arg13[%swap3A_1247, %swap3A_1248] {strides = array<i32>} : memref<8x1024xf32, #tpu.memory_space<vmem>>, vector<1x16xf32>,
        %swap3A_1250 = vector.shape_cast %swap3A_1249 : vector<1x16xf32> to vector<16xf32>
        %swap3A_1251 = vector.shape_cast %get3A_1246 : vector<16xf32> to vector<1x16xf32>
        tpu.vector_store %arg13[%swap3A_1247, %swap3A_1248], %swap3A_1251 {add = true, strides = array<i32>} : memref<8x1024xf32, #tpu.memory_space<vmem>>, vector<1x16xf32>,
        %swap3A_1252 = arith.index_cast %scan3A_236 : i32 to index
        %swap3A_1253 = arith.constant 672 : index
        %swap3A_1254 = tpu.vector_load %arg14[%swap3A_1252, %swap3A_1253] {strides = array<i32>} : memref<8x1024xf32, #tpu.memory_space<vmem>>, vector<1x16xf32>,
        %swap3A_1255 = vector.shape_cast %swap3A_1254 : vector<1x16xf32> to vector<16xf32>
        %swap3A_1256 = vector.shape_cast %get3A_1246 : vector<16xf32> to vector<1x16xf32>
        tpu.vector_store %arg14[%swap3A_1252, %swap3A_1253], %swap3A_1256 {add = true, strides = array<i32>} : memref<8x1024xf32, #tpu.memory_space<vmem>>, vector<1x16xf32>,
        %swap3A_1257 = arith.index_cast %scan3A_236 : i32 to index
        %swap3A_1258 = arith.constant 672 : index
        %swap3A_1259 = tpu.vector_load %arg15[%swap3A_1257, %swap3A_1258] {strides = array<i32>} : memref<8x1024xf32, #tpu.memory_space<vmem>>, vector<1x16xf32>,
        %swap3A_1260 = vector.shape_cast %swap3A_1259 : vector<1x16xf32> to vector<16xf32>
        %swap3A_1261 = vector.shape_cast %get3A_1246 : vector<16xf32> to vector<1x16xf32>
        tpu.vector_store %arg15[%swap3A_1257, %swap3A_1258], %swap3A_1261 {add = true, strides = array<i32>} : memref<8x1024xf32, #tpu.memory_space<vmem>>, vector<1x16xf32>,
        %swap3A_1262 = arith.index_cast %scan3A_236 : i32 to index
        %swap3A_1263 = arith.constant 672 : index
        %swap3A_1264 = tpu.vector_load %arg16[%swap3A_1262, %swap3A_1263] {strides = array<i32>} : memref<8x1024xf32, #tpu.memory_space<vmem>>, vector<1x16xf32>,
        %swap3A_1265 = vector.shape_cast %swap3A_1264 : vector<1x16xf32> to vector<16xf32>
        %swap3A_1266 = vector.shape_cast %get3A_1246 : vector<16xf32> to vector<1x16xf32>
        tpu.vector_store %arg16[%swap3A_1262, %swap3A_1263], %swap3A_1266 {add = true, strides = array<i32>} : memref<8x1024xf32, #tpu.memory_space<vmem>>, vector<1x16xf32>,
        %get3A_1267 = arith.index_cast %scan3A_236 : i32 to index
        %get3A_1268 = arith.constant 688 : index
        %get3A_1269 = tpu.vector_load %arg8[%get3A_1267, %get3A_1268] {strides = array<i32>} : memref<8x1024xf32, #tpu.memory_space<vmem>>, vector<1x16xf32>,
        %get3A_1270 = vector.shape_cast %get3A_1269 : vector<1x16xf32> to vector<16xf32>
        %swap3A_1271 = arith.index_cast %scan3A_236 : i32 to index
        %swap3A_1272 = arith.constant 688 : index
        %swap3A_1273 = tpu.vector_load %arg13[%swap3A_1271, %swap3A_1272] {strides = array<i32>} : memref<8x1024xf32, #tpu.memory_space<vmem>>, vector<1x16xf32>,
        %swap3A_1274 = vector.shape_cast %swap3A_1273 : vector<1x16xf32> to vector<16xf32>
        %swap3A_1275 = vector.shape_cast %get3A_1270 : vector<16xf32> to vector<1x16xf32>
        tpu.vector_store %arg13[%swap3A_1271, %swap3A_1272], %swap3A_1275 {add = true, strides = array<i32>} : memref<8x1024xf32, #tpu.memory_space<vmem>>, vector<1x16xf32>,
        %swap3A_1276 = arith.index_cast %scan3A_236 : i32 to index
        %swap3A_1277 = arith.constant 688 : index
        %swap3A_1278 = tpu.vector_load %arg14[%swap3A_1276, %swap3A_1277] {strides = array<i32>} : memref<8x1024xf32, #tpu.memory_space<vmem>>, vector<1x16xf32>,
        %swap3A_1279 = vector.shape_cast %swap3A_1278 : vector<1x16xf32> to vector<16xf32>
        %swap3A_1280 = vector.shape_cast %get3A_1270 : vector<16xf32> to vector<1x16xf32>
        tpu.vector_store %arg14[%swap3A_1276, %swap3A_1277], %swap3A_1280 {add = true, strides = array<i32>} : memref<8x1024xf32, #tpu.memory_space<vmem>>, vector<1x16xf32>,
        %swap3A_1281 = arith.index_cast %scan3A_236 : i32 to index
        %swap3A_1282 = arith.constant 688 : index
        %swap3A_1283 = tpu.vector_load %arg15[%swap3A_1281, %swap3A_1282] {strides = array<i32>} : memref<8x1024xf32, #tpu.memory_space<vmem>>, vector<1x16xf32>,
        %swap3A_1284 = vector.shape_cast %swap3A_1283 : vector<1x16xf32> to vector<16xf32>
        %swap3A_1285 = vector.shape_cast %get3A_1270 : vector<16xf32> to vector<1x16xf32>
        tpu.vector_store %arg15[%swap3A_1281, %swap3A_1282], %swap3A_1285 {add = true, strides = array<i32>} : memref<8x1024xf32, #tpu.memory_space<vmem>>, vector<1x16xf32>,
        %swap3A_1286 = arith.index_cast %scan3A_236 : i32 to index
        %swap3A_1287 = arith.constant 688 : index
        %swap3A_1288 = tpu.vector_load %arg16[%swap3A_1286, %swap3A_1287] {strides = array<i32>} : memref<8x1024xf32, #tpu.memory_space<vmem>>, vector<1x16xf32>,
        %swap3A_1289 = vector.shape_cast %swap3A_1288 : vector<1x16xf32> to vector<16xf32>
        %swap3A_1290 = vector.shape_cast %get3A_1270 : vector<16xf32> to vector<1x16xf32>
        tpu.vector_store %arg16[%swap3A_1286, %swap3A_1287], %swap3A_1290 {add = true, strides = array<i32>} : memref<8x1024xf32, #tpu.memory_space<vmem>>, vector<1x16xf32>,
        %get3A_1291 = arith.index_cast %scan3A_236 : i32 to index
        %get3A_1292 = arith.constant 704 : index
        %get3A_1293 = tpu.vector_load %arg8[%get3A_1291, %get3A_1292] {strides = array<i32>} : memref<8x1024xf32, #tpu.memory_space<vmem>>, vector<1x16xf32>,
        %get3A_1294 = vector.shape_cast %get3A_1293 : vector<1x16xf32> to vector<16xf32>
        %swap3A_1295 = arith.index_cast %scan3A_236 : i32 to index
        %swap3A_1296 = arith.constant 704 : index
        %swap3A_1297 = tpu.vector_load %arg13[%swap3A_1295, %swap3A_1296] {strides = array<i32>} : memref<8x1024xf32, #tpu.memory_space<vmem>>, vector<1x16xf32>,
        %swap3A_1298 = vector.shape_cast %swap3A_1297 : vector<1x16xf32> to vector<16xf32>
        %swap3A_1299 = vector.shape_cast %get3A_1294 : vector<16xf32> to vector<1x16xf32>
        tpu.vector_store %arg13[%swap3A_1295, %swap3A_1296], %swap3A_1299 {add = true, strides = array<i32>} : memref<8x1024xf32, #tpu.memory_space<vmem>>, vector<1x16xf32>,
        %swap3A_1300 = arith.index_cast %scan3A_236 : i32 to index
        %swap3A_1301 = arith.constant 704 : index
        %swap3A_1302 = tpu.vector_load %arg14[%swap3A_1300, %swap3A_1301] {strides = array<i32>} : memref<8x1024xf32, #tpu.memory_space<vmem>>, vector<1x16xf32>,
        %swap3A_1303 = vector.shape_cast %swap3A_1302 : vector<1x16xf32> to vector<16xf32>
        %swap3A_1304 = vector.shape_cast %get3A_1294 : vector<16xf32> to vector<1x16xf32>
        tpu.vector_store %arg14[%swap3A_1300, %swap3A_1301], %swap3A_1304 {add = true, strides = array<i32>} : memref<8x1024xf32, #tpu.memory_space<vmem>>, vector<1x16xf32>,
        %swap3A_1305 = arith.index_cast %scan3A_236 : i32 to index
        %swap3A_1306 = arith.constant 704 : index
        %swap3A_1307 = tpu.vector_load %arg15[%swap3A_1305, %swap3A_1306] {strides = array<i32>} : memref<8x1024xf32, #tpu.memory_space<vmem>>, vector<1x16xf32>,
        %swap3A_1308 = vector.shape_cast %swap3A_1307 : vector<1x16xf32> to vector<16xf32>
        %swap3A_1309 = vector.shape_cast %get3A_1294 : vector<16xf32> to vector<1x16xf32>
        tpu.vector_store %arg15[%swap3A_1305, %swap3A_1306], %swap3A_1309 {add = true, strides = array<i32>} : memref<8x1024xf32, #tpu.memory_space<vmem>>, vector<1x16xf32>,
        %swap3A_1310 = arith.index_cast %scan3A_236 : i32 to index
        %swap3A_1311 = arith.constant 704 : index
        %swap3A_1312 = tpu.vector_load %arg16[%swap3A_1310, %swap3A_1311] {strides = array<i32>} : memref<8x1024xf32, #tpu.memory_space<vmem>>, vector<1x16xf32>,
        %swap3A_1313 = vector.shape_cast %swap3A_1312 : vector<1x16xf32> to vector<16xf32>
        %swap3A_1314 = vector.shape_cast %get3A_1294 : vector<16xf32> to vector<1x16xf32>
        tpu.vector_store %arg16[%swap3A_1310, %swap3A_1311], %swap3A_1314 {add = true, strides = array<i32>} : memref<8x1024xf32, #tpu.memory_space<vmem>>, vector<1x16xf32>,
        %get3A_1315 = arith.index_cast %scan3A_236 : i32 to index
        %get3A_1316 = arith.constant 720 : index
        %get3A_1317 = tpu.vector_load %arg8[%get3A_1315, %get3A_1316] {strides = array<i32>} : memref<8x1024xf32, #tpu.memory_space<vmem>>, vector<1x16xf32>,
        %get3A_1318 = vector.shape_cast %get3A_1317 : vector<1x16xf32> to vector<16xf32>
        %swap3A_1319 = arith.index_cast %scan3A_236 : i32 to index
        %swap3A_1320 = arith.constant 720 : index
        %swap3A_1321 = tpu.vector_load %arg13[%swap3A_1319, %swap3A_1320] {strides = array<i32>} : memref<8x1024xf32, #tpu.memory_space<vmem>>, vector<1x16xf32>,
        %swap3A_1322 = vector.shape_cast %swap3A_1321 : vector<1x16xf32> to vector<16xf32>
        %swap3A_1323 = vector.shape_cast %get3A_1318 : vector<16xf32> to vector<1x16xf32>
        tpu.vector_store %arg13[%swap3A_1319, %swap3A_1320], %swap3A_1323 {add = true, strides = array<i32>} : memref<8x1024xf32, #tpu.memory_space<vmem>>, vector<1x16xf32>,
        %swap3A_1324 = arith.index_cast %scan3A_236 : i32 to index
        %swap3A_1325 = arith.constant 720 : index
        %swap3A_1326 = tpu.vector_load %arg14[%swap3A_1324, %swap3A_1325] {strides = array<i32>} : memref<8x1024xf32, #tpu.memory_space<vmem>>, vector<1x16xf32>,
        %swap3A_1327 = vector.shape_cast %swap3A_1326 : vector<1x16xf32> to vector<16xf32>
        %swap3A_1328 = vector.shape_cast %get3A_1318 : vector<16xf32> to vector<1x16xf32>
        tpu.vector_store %arg14[%swap3A_1324, %swap3A_1325], %swap3A_1328 {add = true, strides = array<i32>} : memref<8x1024xf32, #tpu.memory_space<vmem>>, vector<1x16xf32>,
        %swap3A_1329 = arith.index_cast %scan3A_236 : i32 to index
        %swap3A_1330 = arith.constant 720 : index
        %swap3A_1331 = tpu.vector_load %arg15[%swap3A_1329, %swap3A_1330] {strides = array<i32>} : memref<8x1024xf32, #tpu.memory_space<vmem>>, vector<1x16xf32>,
        %swap3A_1332 = vector.shape_cast %swap3A_1331 : vector<1x16xf32> to vector<16xf32>
        %swap3A_1333 = vector.shape_cast %get3A_1318 : vector<16xf32> to vector<1x16xf32>
        tpu.vector_store %arg15[%swap3A_1329, %swap3A_1330], %swap3A_1333 {add = true, strides = array<i32>} : memref<8x1024xf32, #tpu.memory_space<vmem>>, vector<1x16xf32>,
        %swap3A_1334 = arith.index_cast %scan3A_236 : i32 to index
        %swap3A_1335 = arith.constant 720 : index
        %swap3A_1336 = tpu.vector_load %arg16[%swap3A_1334, %swap3A_1335] {strides = array<i32>} : memref<8x1024xf32, #tpu.memory_space<vmem>>, vector<1x16xf32>,
        %swap3A_1337 = vector.shape_cast %swap3A_1336 : vector<1x16xf32> to vector<16xf32>
        %swap3A_1338 = vector.shape_cast %get3A_1318 : vector<16xf32> to vector<1x16xf32>
        tpu.vector_store %arg16[%swap3A_1334, %swap3A_1335], %swap3A_1338 {add = true, strides = array<i32>} : memref<8x1024xf32, #tpu.memory_space<vmem>>, vector<1x16xf32>,
        %get3A_1339 = arith.index_cast %scan3A_236 : i32 to index
        %get3A_1340 = arith.constant 736 : index
        %get3A_1341 = tpu.vector_load %arg8[%get3A_1339, %get3A_1340] {strides = array<i32>} : memref<8x1024xf32, #tpu.memory_space<vmem>>, vector<1x16xf32>,
        %get3A_1342 = vector.shape_cast %get3A_1341 : vector<1x16xf32> to vector<16xf32>
        %swap3A_1343 = arith.index_cast %scan3A_236 : i32 to index
        %swap3A_1344 = arith.constant 736 : index
        %swap3A_1345 = tpu.vector_load %arg13[%swap3A_1343, %swap3A_1344] {strides = array<i32>} : memref<8x1024xf32, #tpu.memory_space<vmem>>, vector<1x16xf32>,
        %swap3A_1346 = vector.shape_cast %swap3A_1345 : vector<1x16xf32> to vector<16xf32>
        %swap3A_1347 = vector.shape_cast %get3A_1342 : vector<16xf32> to vector<1x16xf32>
        tpu.vector_store %arg13[%swap3A_1343, %swap3A_1344], %swap3A_1347 {add = true, strides = array<i32>} : memref<8x1024xf32, #tpu.memory_space<vmem>>, vector<1x16xf32>,
        %swap3A_1348 = arith.index_cast %scan3A_236 : i32 to index
        %swap3A_1349 = arith.constant 736 : index
        %swap3A_1350 = tpu.vector_load %arg14[%swap3A_1348, %swap3A_1349] {strides = array<i32>} : memref<8x1024xf32, #tpu.memory_space<vmem>>, vector<1x16xf32>,
        %swap3A_1351 = vector.shape_cast %swap3A_1350 : vector<1x16xf32> to vector<16xf32>
        %swap3A_1352 = vector.shape_cast %get3A_1342 : vector<16xf32> to vector<1x16xf32>
        tpu.vector_store %arg14[%swap3A_1348, %swap3A_1349], %swap3A_1352 {add = true, strides = array<i32>} : memref<8x1024xf32, #tpu.memory_space<vmem>>, vector<1x16xf32>,
        %swap3A_1353 = arith.index_cast %scan3A_236 : i32 to index
        %swap3A_1354 = arith.constant 736 : index
        %swap3A_1355 = tpu.vector_load %arg15[%swap3A_1353, %swap3A_1354] {strides = array<i32>} : memref<8x1024xf32, #tpu.memory_space<vmem>>, vector<1x16xf32>,
        %swap3A_1356 = vector.shape_cast %swap3A_1355 : vector<1x16xf32> to vector<16xf32>
        %swap3A_1357 = vector.shape_cast %get3A_1342 : vector<16xf32> to vector<1x16xf32>
        tpu.vector_store %arg15[%swap3A_1353, %swap3A_1354], %swap3A_1357 {add = true, strides = array<i32>} : memref<8x1024xf32, #tpu.memory_space<vmem>>, vector<1x16xf32>,
        %swap3A_1358 = arith.index_cast %scan3A_236 : i32 to index
        %swap3A_1359 = arith.constant 736 : index
        %swap3A_1360 = tpu.vector_load %arg16[%swap3A_1358, %swap3A_1359] {strides = array<i32>} : memref<8x1024xf32, #tpu.memory_space<vmem>>, vector<1x16xf32>,
        %swap3A_1361 = vector.shape_cast %swap3A_1360 : vector<1x16xf32> to vector<16xf32>
        %swap3A_1362 = vector.shape_cast %get3A_1342 : vector<16xf32> to vector<1x16xf32>
        tpu.vector_store %arg16[%swap3A_1358, %swap3A_1359], %swap3A_1362 {add = true, strides = array<i32>} : memref<8x1024xf32, #tpu.memory_space<vmem>>, vector<1x16xf32>,
        %get3A_1363 = arith.index_cast %scan3A_236 : i32 to index
        %get3A_1364 = arith.constant 752 : index
        %get3A_1365 = tpu.vector_load %arg8[%get3A_1363, %get3A_1364] {strides = array<i32>} : memref<8x1024xf32, #tpu.memory_space<vmem>>, vector<1x16xf32>,
        %get3A_1366 = vector.shape_cast %get3A_1365 : vector<1x16xf32> to vector<16xf32>
        %swap3A_1367 = arith.index_cast %scan3A_236 : i32 to index
        %swap3A_1368 = arith.constant 752 : index
        %swap3A_1369 = tpu.vector_load %arg13[%swap3A_1367, %swap3A_1368] {strides = array<i32>} : memref<8x1024xf32, #tpu.memory_space<vmem>>, vector<1x16xf32>,
        %swap3A_1370 = vector.shape_cast %swap3A_1369 : vector<1x16xf32> to vector<16xf32>
        %swap3A_1371 = vector.shape_cast %get3A_1366 : vector<16xf32> to vector<1x16xf32>
        tpu.vector_store %arg13[%swap3A_1367, %swap3A_1368], %swap3A_1371 {add = true, strides = array<i32>} : memref<8x1024xf32, #tpu.memory_space<vmem>>, vector<1x16xf32>,
        %swap3A_1372 = arith.index_cast %scan3A_236 : i32 to index
        %swap3A_1373 = arith.constant 752 : index
        %swap3A_1374 = tpu.vector_load %arg14[%swap3A_1372, %swap3A_1373] {strides = array<i32>} : memref<8x1024xf32, #tpu.memory_space<vmem>>, vector<1x16xf32>,
        %swap3A_1375 = vector.shape_cast %swap3A_1374 : vector<1x16xf32> to vector<16xf32>
        %swap3A_1376 = vector.shape_cast %get3A_1366 : vector<16xf32> to vector<1x16xf32>
        tpu.vector_store %arg14[%swap3A_1372, %swap3A_1373], %swap3A_1376 {add = true, strides = array<i32>} : memref<8x1024xf32, #tpu.memory_space<vmem>>, vector<1x16xf32>,
        %swap3A_1377 = arith.index_cast %scan3A_236 : i32 to index
        %swap3A_1378 = arith.constant 752 : index
        %swap3A_1379 = tpu.vector_load %arg15[%swap3A_1377, %swap3A_1378] {strides = array<i32>} : memref<8x1024xf32, #tpu.memory_space<vmem>>, vector<1x16xf32>,
        %swap3A_1380 = vector.shape_cast %swap3A_1379 : vector<1x16xf32> to vector<16xf32>
        %swap3A_1381 = vector.shape_cast %get3A_1366 : vector<16xf32> to vector<1x16xf32>
        tpu.vector_store %arg15[%swap3A_1377, %swap3A_1378], %swap3A_1381 {add = true, strides = array<i32>} : memref<8x1024xf32, #tpu.memory_space<vmem>>, vector<1x16xf32>,
        %swap3A_1382 = arith.index_cast %scan3A_236 : i32 to index
        %swap3A_1383 = arith.constant 752 : index
        %swap3A_1384 = tpu.vector_load %arg16[%swap3A_1382, %swap3A_1383] {strides = array<i32>} : memref<8x1024xf32, #tpu.memory_space<vmem>>, vector<1x16xf32>,
        %swap3A_1385 = vector.shape_cast %swap3A_1384 : vector<1x16xf32> to vector<16xf32>
        %swap3A_1386 = vector.shape_cast %get3A_1366 : vector<16xf32> to vector<1x16xf32>
        tpu.vector_store %arg16[%swap3A_1382, %swap3A_1383], %swap3A_1386 {add = true, strides = array<i32>} : memref<8x1024xf32, #tpu.memory_space<vmem>>, vector<1x16xf32>,
        %get3A_1387 = arith.index_cast %scan3A_236 : i32 to index
        %get3A_1388 = arith.constant 768 : index
        %get3A_1389 = tpu.vector_load %arg8[%get3A_1387, %get3A_1388] {strides = array<i32>} : memref<8x1024xf32, #tpu.memory_space<vmem>>, vector<1x16xf32>,
        %get3A_1390 = vector.shape_cast %get3A_1389 : vector<1x16xf32> to vector<16xf32>
        %swap3A_1391 = arith.index_cast %scan3A_236 : i32 to index
        %swap3A_1392 = arith.constant 768 : index
        %swap3A_1393 = tpu.vector_load %arg13[%swap3A_1391, %swap3A_1392] {strides = array<i32>} : memref<8x1024xf32, #tpu.memory_space<vmem>>, vector<1x16xf32>,
        %swap3A_1394 = vector.shape_cast %swap3A_1393 : vector<1x16xf32> to vector<16xf32>
        %swap3A_1395 = vector.shape_cast %get3A_1390 : vector<16xf32> to vector<1x16xf32>
        tpu.vector_store %arg13[%swap3A_1391, %swap3A_1392], %swap3A_1395 {add = true, strides = array<i32>} : memref<8x1024xf32, #tpu.memory_space<vmem>>, vector<1x16xf32>,
        %swap3A_1396 = arith.index_cast %scan3A_236 : i32 to index
        %swap3A_1397 = arith.constant 768 : index
        %swap3A_1398 = tpu.vector_load %arg14[%swap3A_1396, %swap3A_1397] {strides = array<i32>} : memref<8x1024xf32, #tpu.memory_space<vmem>>, vector<1x16xf32>,
        %swap3A_1399 = vector.shape_cast %swap3A_1398 : vector<1x16xf32> to vector<16xf32>
        %swap3A_1400 = vector.shape_cast %get3A_1390 : vector<16xf32> to vector<1x16xf32>
        tpu.vector_store %arg14[%swap3A_1396, %swap3A_1397], %swap3A_1400 {add = true, strides = array<i32>} : memref<8x1024xf32, #tpu.memory_space<vmem>>, vector<1x16xf32>,
        %swap3A_1401 = arith.index_cast %scan3A_236 : i32 to index
        %swap3A_1402 = arith.constant 768 : index
        %swap3A_1403 = tpu.vector_load %arg15[%swap3A_1401, %swap3A_1402] {strides = array<i32>} : memref<8x1024xf32, #tpu.memory_space<vmem>>, vector<1x16xf32>,
        %swap3A_1404 = vector.shape_cast %swap3A_1403 : vector<1x16xf32> to vector<16xf32>
        %swap3A_1405 = vector.shape_cast %get3A_1390 : vector<16xf32> to vector<1x16xf32>
        tpu.vector_store %arg15[%swap3A_1401, %swap3A_1402], %swap3A_1405 {add = true, strides = array<i32>} : memref<8x1024xf32, #tpu.memory_space<vmem>>, vector<1x16xf32>,
        %swap3A_1406 = arith.index_cast %scan3A_236 : i32 to index
        %swap3A_1407 = arith.constant 768 : index
        %swap3A_1408 = tpu.vector_load %arg16[%swap3A_1406, %swap3A_1407] {strides = array<i32>} : memref<8x1024xf32, #tpu.memory_space<vmem>>, vector<1x16xf32>,
        %swap3A_1409 = vector.shape_cast %swap3A_1408 : vector<1x16xf32> to vector<16xf32>
        %swap3A_1410 = vector.shape_cast %get3A_1390 : vector<16xf32> to vector<1x16xf32>
        tpu.vector_store %arg16[%swap3A_1406, %swap3A_1407], %swap3A_1410 {add = true, strides = array<i32>} : memref<8x1024xf32, #tpu.memory_space<vmem>>, vector<1x16xf32>,
        %get3A_1411 = arith.index_cast %scan3A_236 : i32 to index
        %get3A_1412 = arith.constant 784 : index
        %get3A_1413 = tpu.vector_load %arg8[%get3A_1411, %get3A_1412] {strides = array<i32>} : memref<8x1024xf32, #tpu.memory_space<vmem>>, vector<1x16xf32>,
        %get3A_1414 = vector.shape_cast %get3A_1413 : vector<1x16xf32> to vector<16xf32>
        %swap3A_1415 = arith.index_cast %scan3A_236 : i32 to index
        %swap3A_1416 = arith.constant 784 : index
        %swap3A_1417 = tpu.vector_load %arg13[%swap3A_1415, %swap3A_1416] {strides = array<i32>} : memref<8x1024xf32, #tpu.memory_space<vmem>>, vector<1x16xf32>,
        %swap3A_1418 = vector.shape_cast %swap3A_1417 : vector<1x16xf32> to vector<16xf32>
        %swap3A_1419 = vector.shape_cast %get3A_1414 : vector<16xf32> to vector<1x16xf32>
        tpu.vector_store %arg13[%swap3A_1415, %swap3A_1416], %swap3A_1419 {add = true, strides = array<i32>} : memref<8x1024xf32, #tpu.memory_space<vmem>>, vector<1x16xf32>,
        %swap3A_1420 = arith.index_cast %scan3A_236 : i32 to index
        %swap3A_1421 = arith.constant 784 : index
        %swap3A_1422 = tpu.vector_load %arg14[%swap3A_1420, %swap3A_1421] {strides = array<i32>} : memref<8x1024xf32, #tpu.memory_space<vmem>>, vector<1x16xf32>,
        %swap3A_1423 = vector.shape_cast %swap3A_1422 : vector<1x16xf32> to vector<16xf32>
        %swap3A_1424 = vector.shape_cast %get3A_1414 : vector<16xf32> to vector<1x16xf32>
        tpu.vector_store %arg14[%swap3A_1420, %swap3A_1421], %swap3A_1424 {add = true, strides = array<i32>} : memref<8x1024xf32, #tpu.memory_space<vmem>>, vector<1x16xf32>,
        %swap3A_1425 = arith.index_cast %scan3A_236 : i32 to index
        %swap3A_1426 = arith.constant 784 : index
        %swap3A_1427 = tpu.vector_load %arg15[%swap3A_1425, %swap3A_1426] {strides = array<i32>} : memref<8x1024xf32, #tpu.memory_space<vmem>>, vector<1x16xf32>,
        %swap3A_1428 = vector.shape_cast %swap3A_1427 : vector<1x16xf32> to vector<16xf32>
        %swap3A_1429 = vector.shape_cast %get3A_1414 : vector<16xf32> to vector<1x16xf32>
        tpu.vector_store %arg15[%swap3A_1425, %swap3A_1426], %swap3A_1429 {add = true, strides = array<i32>} : memref<8x1024xf32, #tpu.memory_space<vmem>>, vector<1x16xf32>,
        %swap3A_1430 = arith.index_cast %scan3A_236 : i32 to index
        %swap3A_1431 = arith.constant 784 : index
        %swap3A_1432 = tpu.vector_load %arg16[%swap3A_1430, %swap3A_1431] {strides = array<i32>} : memref<8x1024xf32, #tpu.memory_space<vmem>>, vector<1x16xf32>,
        %swap3A_1433 = vector.shape_cast %swap3A_1432 : vector<1x16xf32> to vector<16xf32>
        %swap3A_1434 = vector.shape_cast %get3A_1414 : vector<16xf32> to vector<1x16xf32>
        tpu.vector_store %arg16[%swap3A_1430, %swap3A_1431], %swap3A_1434 {add = true, strides = array<i32>} : memref<8x1024xf32, #tpu.memory_space<vmem>>, vector<1x16xf32>,
        %get3A_1435 = arith.index_cast %scan3A_236 : i32 to index
        %get3A_1436 = arith.constant 800 : index
        %get3A_1437 = tpu.vector_load %arg8[%get3A_1435, %get3A_1436] {strides = array<i32>} : memref<8x1024xf32, #tpu.memory_space<vmem>>, vector<1x16xf32>,
        %get3A_1438 = vector.shape_cast %get3A_1437 : vector<1x16xf32> to vector<16xf32>
        %swap3A_1439 = arith.index_cast %scan3A_236 : i32 to index
        %swap3A_1440 = arith.constant 800 : index
        %swap3A_1441 = tpu.vector_load %arg13[%swap3A_1439, %swap3A_1440] {strides = array<i32>} : memref<8x1024xf32, #tpu.memory_space<vmem>>, vector<1x16xf32>,
        %swap3A_1442 = vector.shape_cast %swap3A_1441 : vector<1x16xf32> to vector<16xf32>
        %swap3A_1443 = vector.shape_cast %get3A_1438 : vector<16xf32> to vector<1x16xf32>
        tpu.vector_store %arg13[%swap3A_1439, %swap3A_1440], %swap3A_1443 {add = true, strides = array<i32>} : memref<8x1024xf32, #tpu.memory_space<vmem>>, vector<1x16xf32>,
        %swap3A_1444 = arith.index_cast %scan3A_236 : i32 to index
        %swap3A_1445 = arith.constant 800 : index
        %swap3A_1446 = tpu.vector_load %arg14[%swap3A_1444, %swap3A_1445] {strides = array<i32>} : memref<8x1024xf32, #tpu.memory_space<vmem>>, vector<1x16xf32>,
        %swap3A_1447 = vector.shape_cast %swap3A_1446 : vector<1x16xf32> to vector<16xf32>
        %swap3A_1448 = vector.shape_cast %get3A_1438 : vector<16xf32> to vector<1x16xf32>
        tpu.vector_store %arg14[%swap3A_1444, %swap3A_1445], %swap3A_1448 {add = true, strides = array<i32>} : memref<8x1024xf32, #tpu.memory_space<vmem>>, vector<1x16xf32>,
        %swap3A_1449 = arith.index_cast %scan3A_236 : i32 to index
        %swap3A_1450 = arith.constant 800 : index
        %swap3A_1451 = tpu.vector_load %arg15[%swap3A_1449, %swap3A_1450] {strides = array<i32>} : memref<8x1024xf32, #tpu.memory_space<vmem>>, vector<1x16xf32>,
        %swap3A_1452 = vector.shape_cast %swap3A_1451 : vector<1x16xf32> to vector<16xf32>
        %swap3A_1453 = vector.shape_cast %get3A_1438 : vector<16xf32> to vector<1x16xf32>
        tpu.vector_store %arg15[%swap3A_1449, %swap3A_1450], %swap3A_1453 {add = true, strides = array<i32>} : memref<8x1024xf32, #tpu.memory_space<vmem>>, vector<1x16xf32>,
        %swap3A_1454 = arith.index_cast %scan3A_236 : i32 to index
        %swap3A_1455 = arith.constant 800 : index
        %swap3A_1456 = tpu.vector_load %arg16[%swap3A_1454, %swap3A_1455] {strides = array<i32>} : memref<8x1024xf32, #tpu.memory_space<vmem>>, vector<1x16xf32>,
        %swap3A_1457 = vector.shape_cast %swap3A_1456 : vector<1x16xf32> to vector<16xf32>
        %swap3A_1458 = vector.shape_cast %get3A_1438 : vector<16xf32> to vector<1x16xf32>
        tpu.vector_store %arg16[%swap3A_1454, %swap3A_1455], %swap3A_1458 {add = true, strides = array<i32>} : memref<8x1024xf32, #tpu.memory_space<vmem>>, vector<1x16xf32>,
        %get3A_1459 = arith.index_cast %scan3A_236 : i32 to index
        %get3A_1460 = arith.constant 816 : index
        %get3A_1461 = tpu.vector_load %arg8[%get3A_1459, %get3A_1460] {strides = array<i32>} : memref<8x1024xf32, #tpu.memory_space<vmem>>, vector<1x16xf32>,
        %get3A_1462 = vector.shape_cast %get3A_1461 : vector<1x16xf32> to vector<16xf32>
        %swap3A_1463 = arith.index_cast %scan3A_236 : i32 to index
        %swap3A_1464 = arith.constant 816 : index
        %swap3A_1465 = tpu.vector_load %arg13[%swap3A_1463, %swap3A_1464] {strides = array<i32>} : memref<8x1024xf32, #tpu.memory_space<vmem>>, vector<1x16xf32>,
        %swap3A_1466 = vector.shape_cast %swap3A_1465 : vector<1x16xf32> to vector<16xf32>
        %swap3A_1467 = vector.shape_cast %get3A_1462 : vector<16xf32> to vector<1x16xf32>
        tpu.vector_store %arg13[%swap3A_1463, %swap3A_1464], %swap3A_1467 {add = true, strides = array<i32>} : memref<8x1024xf32, #tpu.memory_space<vmem>>, vector<1x16xf32>,
        %swap3A_1468 = arith.index_cast %scan3A_236 : i32 to index
        %swap3A_1469 = arith.constant 816 : index
        %swap3A_1470 = tpu.vector_load %arg14[%swap3A_1468, %swap3A_1469] {strides = array<i32>} : memref<8x1024xf32, #tpu.memory_space<vmem>>, vector<1x16xf32>,
        %swap3A_1471 = vector.shape_cast %swap3A_1470 : vector<1x16xf32> to vector<16xf32>
        %swap3A_1472 = vector.shape_cast %get3A_1462 : vector<16xf32> to vector<1x16xf32>
        tpu.vector_store %arg14[%swap3A_1468, %swap3A_1469], %swap3A_1472 {add = true, strides = array<i32>} : memref<8x1024xf32, #tpu.memory_space<vmem>>, vector<1x16xf32>,
        %swap3A_1473 = arith.index_cast %scan3A_236 : i32 to index
        %swap3A_1474 = arith.constant 816 : index
        %swap3A_1475 = tpu.vector_load %arg15[%swap3A_1473, %swap3A_1474] {strides = array<i32>} : memref<8x1024xf32, #tpu.memory_space<vmem>>, vector<1x16xf32>,
        %swap3A_1476 = vector.shape_cast %swap3A_1475 : vector<1x16xf32> to vector<16xf32>
        %swap3A_1477 = vector.shape_cast %get3A_1462 : vector<16xf32> to vector<1x16xf32>
        tpu.vector_store %arg15[%swap3A_1473, %swap3A_1474], %swap3A_1477 {add = true, strides = array<i32>} : memref<8x1024xf32, #tpu.memory_space<vmem>>, vector<1x16xf32>,
        %swap3A_1478 = arith.index_cast %scan3A_236 : i32 to index
        %swap3A_1479 = arith.constant 816 : index
        %swap3A_1480 = tpu.vector_load %arg16[%swap3A_1478, %swap3A_1479] {strides = array<i32>} : memref<8x1024xf32, #tpu.memory_space<vmem>>, vector<1x16xf32>,
        %swap3A_1481 = vector.shape_cast %swap3A_1480 : vector<1x16xf32> to vector<16xf32>
        %swap3A_1482 = vector.shape_cast %get3A_1462 : vector<16xf32> to vector<1x16xf32>
        tpu.vector_store %arg16[%swap3A_1478, %swap3A_1479], %swap3A_1482 {add = true, strides = array<i32>} : memref<8x1024xf32, #tpu.memory_space<vmem>>, vector<1x16xf32>,
        %get3A_1483 = arith.index_cast %scan3A_236 : i32 to index
        %get3A_1484 = arith.constant 832 : index
        %get3A_1485 = tpu.vector_load %arg8[%get3A_1483, %get3A_1484] {strides = array<i32>} : memref<8x1024xf32, #tpu.memory_space<vmem>>, vector<1x16xf32>,
        %get3A_1486 = vector.shape_cast %get3A_1485 : vector<1x16xf32> to vector<16xf32>
        %swap3A_1487 = arith.index_cast %scan3A_236 : i32 to index
        %swap3A_1488 = arith.constant 832 : index
        %swap3A_1489 = tpu.vector_load %arg13[%swap3A_1487, %swap3A_1488] {strides = array<i32>} : memref<8x1024xf32, #tpu.memory_space<vmem>>, vector<1x16xf32>,
        %swap3A_1490 = vector.shape_cast %swap3A_1489 : vector<1x16xf32> to vector<16xf32>
        %swap3A_1491 = vector.shape_cast %get3A_1486 : vector<16xf32> to vector<1x16xf32>
        tpu.vector_store %arg13[%swap3A_1487, %swap3A_1488], %swap3A_1491 {add = true, strides = array<i32>} : memref<8x1024xf32, #tpu.memory_space<vmem>>, vector<1x16xf32>,
        %swap3A_1492 = arith.index_cast %scan3A_236 : i32 to index
        %swap3A_1493 = arith.constant 832 : index
        %swap3A_1494 = tpu.vector_load %arg14[%swap3A_1492, %swap3A_1493] {strides = array<i32>} : memref<8x1024xf32, #tpu.memory_space<vmem>>, vector<1x16xf32>,
        %swap3A_1495 = vector.shape_cast %swap3A_1494 : vector<1x16xf32> to vector<16xf32>
        %swap3A_1496 = vector.shape_cast %get3A_1486 : vector<16xf32> to vector<1x16xf32>
        tpu.vector_store %arg14[%swap3A_1492, %swap3A_1493], %swap3A_1496 {add = true, strides = array<i32>} : memref<8x1024xf32, #tpu.memory_space<vmem>>, vector<1x16xf32>,
        %swap3A_1497 = arith.index_cast %scan3A_236 : i32 to index
        %swap3A_1498 = arith.constant 832 : index
        %swap3A_1499 = tpu.vector_load %arg15[%swap3A_1497, %swap3A_1498] {strides = array<i32>} : memref<8x1024xf32, #tpu.memory_space<vmem>>, vector<1x16xf32>,
        %swap3A_1500 = vector.shape_cast %swap3A_1499 : vector<1x16xf32> to vector<16xf32>
        %swap3A_1501 = vector.shape_cast %get3A_1486 : vector<16xf32> to vector<1x16xf32>
        tpu.vector_store %arg15[%swap3A_1497, %swap3A_1498], %swap3A_1501 {add = true, strides = array<i32>} : memref<8x1024xf32, #tpu.memory_space<vmem>>, vector<1x16xf32>,
        %swap3A_1502 = arith.index_cast %scan3A_236 : i32 to index
        %swap3A_1503 = arith.constant 832 : index
        %swap3A_1504 = tpu.vector_load %arg16[%swap3A_1502, %swap3A_1503] {strides = array<i32>} : memref<8x1024xf32, #tpu.memory_space<vmem>>, vector<1x16xf32>,
        %swap3A_1505 = vector.shape_cast %swap3A_1504 : vector<1x16xf32> to vector<16xf32>
        %swap3A_1506 = vector.shape_cast %get3A_1486 : vector<16xf32> to vector<1x16xf32>
        tpu.vector_store %arg16[%swap3A_1502, %swap3A_1503], %swap3A_1506 {add = true, strides = array<i32>} : memref<8x1024xf32, #tpu.memory_space<vmem>>, vector<1x16xf32>,
        %get3A_1507 = arith.index_cast %scan3A_236 : i32 to index
        %get3A_1508 = arith.constant 848 : index
        %get3A_1509 = tpu.vector_load %arg8[%get3A_1507, %get3A_1508] {strides = array<i32>} : memref<8x1024xf32, #tpu.memory_space<vmem>>, vector<1x16xf32>,
        %get3A_1510 = vector.shape_cast %get3A_1509 : vector<1x16xf32> to vector<16xf32>
        %swap3A_1511 = arith.index_cast %scan3A_236 : i32 to index
        %swap3A_1512 = arith.constant 848 : index
        %swap3A_1513 = tpu.vector_load %arg13[%swap3A_1511, %swap3A_1512] {strides = array<i32>} : memref<8x1024xf32, #tpu.memory_space<vmem>>, vector<1x16xf32>,
        %swap3A_1514 = vector.shape_cast %swap3A_1513 : vector<1x16xf32> to vector<16xf32>
        %swap3A_1515 = vector.shape_cast %get3A_1510 : vector<16xf32> to vector<1x16xf32>
        tpu.vector_store %arg13[%swap3A_1511, %swap3A_1512], %swap3A_1515 {add = true, strides = array<i32>} : memref<8x1024xf32, #tpu.memory_space<vmem>>, vector<1x16xf32>,
        %swap3A_1516 = arith.index_cast %scan3A_236 : i32 to index
        %swap3A_1517 = arith.constant 848 : index
        %swap3A_1518 = tpu.vector_load %arg14[%swap3A_1516, %swap3A_1517] {strides = array<i32>} : memref<8x1024xf32, #tpu.memory_space<vmem>>, vector<1x16xf32>,
        %swap3A_1519 = vector.shape_cast %swap3A_1518 : vector<1x16xf32> to vector<16xf32>
        %swap3A_1520 = vector.shape_cast %get3A_1510 : vector<16xf32> to vector<1x16xf32>
        tpu.vector_store %arg14[%swap3A_1516, %swap3A_1517], %swap3A_1520 {add = true, strides = array<i32>} : memref<8x1024xf32, #tpu.memory_space<vmem>>, vector<1x16xf32>,
        %swap3A_1521 = arith.index_cast %scan3A_236 : i32 to index
        %swap3A_1522 = arith.constant 848 : index
        %swap3A_1523 = tpu.vector_load %arg15[%swap3A_1521, %swap3A_1522] {strides = array<i32>} : memref<8x1024xf32, #tpu.memory_space<vmem>>, vector<1x16xf32>,
        %swap3A_1524 = vector.shape_cast %swap3A_1523 : vector<1x16xf32> to vector<16xf32>
        %swap3A_1525 = vector.shape_cast %get3A_1510 : vector<16xf32> to vector<1x16xf32>
        tpu.vector_store %arg15[%swap3A_1521, %swap3A_1522], %swap3A_1525 {add = true, strides = array<i32>} : memref<8x1024xf32, #tpu.memory_space<vmem>>, vector<1x16xf32>,
        %swap3A_1526 = arith.index_cast %scan3A_236 : i32 to index
        %swap3A_1527 = arith.constant 848 : index
        %swap3A_1528 = tpu.vector_load %arg16[%swap3A_1526, %swap3A_1527] {strides = array<i32>} : memref<8x1024xf32, #tpu.memory_space<vmem>>, vector<1x16xf32>,
        %swap3A_1529 = vector.shape_cast %swap3A_1528 : vector<1x16xf32> to vector<16xf32>
        %swap3A_1530 = vector.shape_cast %get3A_1510 : vector<16xf32> to vector<1x16xf32>
        tpu.vector_store %arg16[%swap3A_1526, %swap3A_1527], %swap3A_1530 {add = true, strides = array<i32>} : memref<8x1024xf32, #tpu.memory_space<vmem>>, vector<1x16xf32>,
        %get3A_1531 = arith.index_cast %scan3A_236 : i32 to index
        %get3A_1532 = arith.constant 864 : index
        %get3A_1533 = tpu.vector_load %arg8[%get3A_1531, %get3A_1532] {strides = array<i32>} : memref<8x1024xf32, #tpu.memory_space<vmem>>, vector<1x16xf32>,
        %get3A_1534 = vector.shape_cast %get3A_1533 : vector<1x16xf32> to vector<16xf32>
        %swap3A_1535 = arith.index_cast %scan3A_236 : i32 to index
        %swap3A_1536 = arith.constant 864 : index
        %swap3A_1537 = tpu.vector_load %arg13[%swap3A_1535, %swap3A_1536] {strides = array<i32>} : memref<8x1024xf32, #tpu.memory_space<vmem>>, vector<1x16xf32>,
        %swap3A_1538 = vector.shape_cast %swap3A_1537 : vector<1x16xf32> to vector<16xf32>
        %swap3A_1539 = vector.shape_cast %get3A_1534 : vector<16xf32> to vector<1x16xf32>
        tpu.vector_store %arg13[%swap3A_1535, %swap3A_1536], %swap3A_1539 {add = true, strides = array<i32>} : memref<8x1024xf32, #tpu.memory_space<vmem>>, vector<1x16xf32>,
        %swap3A_1540 = arith.index_cast %scan3A_236 : i32 to index
        %swap3A_1541 = arith.constant 864 : index
        %swap3A_1542 = tpu.vector_load %arg14[%swap3A_1540, %swap3A_1541] {strides = array<i32>} : memref<8x1024xf32, #tpu.memory_space<vmem>>, vector<1x16xf32>,
        %swap3A_1543 = vector.shape_cast %swap3A_1542 : vector<1x16xf32> to vector<16xf32>
        %swap3A_1544 = vector.shape_cast %get3A_1534 : vector<16xf32> to vector<1x16xf32>
        tpu.vector_store %arg14[%swap3A_1540, %swap3A_1541], %swap3A_1544 {add = true, strides = array<i32>} : memref<8x1024xf32, #tpu.memory_space<vmem>>, vector<1x16xf32>,
        %swap3A_1545 = arith.index_cast %scan3A_236 : i32 to index
        %swap3A_1546 = arith.constant 864 : index
        %swap3A_1547 = tpu.vector_load %arg15[%swap3A_1545, %swap3A_1546] {strides = array<i32>} : memref<8x1024xf32, #tpu.memory_space<vmem>>, vector<1x16xf32>,
        %swap3A_1548 = vector.shape_cast %swap3A_1547 : vector<1x16xf32> to vector<16xf32>
        %swap3A_1549 = vector.shape_cast %get3A_1534 : vector<16xf32> to vector<1x16xf32>
        tpu.vector_store %arg15[%swap3A_1545, %swap3A_1546], %swap3A_1549 {add = true, strides = array<i32>} : memref<8x1024xf32, #tpu.memory_space<vmem>>, vector<1x16xf32>,
        %swap3A_1550 = arith.index_cast %scan3A_236 : i32 to index
        %swap3A_1551 = arith.constant 864 : index
        %swap3A_1552 = tpu.vector_load %arg16[%swap3A_1550, %swap3A_1551] {strides = array<i32>} : memref<8x1024xf32, #tpu.memory_space<vmem>>, vector<1x16xf32>,
        %swap3A_1553 = vector.shape_cast %swap3A_1552 : vector<1x16xf32> to vector<16xf32>
        %swap3A_1554 = vector.shape_cast %get3A_1534 : vector<16xf32> to vector<1x16xf32>
        tpu.vector_store %arg16[%swap3A_1550, %swap3A_1551], %swap3A_1554 {add = true, strides = array<i32>} : memref<8x1024xf32, #tpu.memory_space<vmem>>, vector<1x16xf32>,
        %get3A_1555 = arith.index_cast %scan3A_236 : i32 to index
        %get3A_1556 = arith.constant 880 : index
        %get3A_1557 = tpu.vector_load %arg8[%get3A_1555, %get3A_1556] {strides = array<i32>} : memref<8x1024xf32, #tpu.memory_space<vmem>>, vector<1x16xf32>,
        %get3A_1558 = vector.shape_cast %get3A_1557 : vector<1x16xf32> to vector<16xf32>
        %swap3A_1559 = arith.index_cast %scan3A_236 : i32 to index
        %swap3A_1560 = arith.constant 880 : index
        %swap3A_1561 = tpu.vector_load %arg13[%swap3A_1559, %swap3A_1560] {strides = array<i32>} : memref<8x1024xf32, #tpu.memory_space<vmem>>, vector<1x16xf32>,
        %swap3A_1562 = vector.shape_cast %swap3A_1561 : vector<1x16xf32> to vector<16xf32>
        %swap3A_1563 = vector.shape_cast %get3A_1558 : vector<16xf32> to vector<1x16xf32>
        tpu.vector_store %arg13[%swap3A_1559, %swap3A_1560], %swap3A_1563 {add = true, strides = array<i32>} : memref<8x1024xf32, #tpu.memory_space<vmem>>, vector<1x16xf32>,
        %swap3A_1564 = arith.index_cast %scan3A_236 : i32 to index
        %swap3A_1565 = arith.constant 880 : index
        %swap3A_1566 = tpu.vector_load %arg14[%swap3A_1564, %swap3A_1565] {strides = array<i32>} : memref<8x1024xf32, #tpu.memory_space<vmem>>, vector<1x16xf32>,
        %swap3A_1567 = vector.shape_cast %swap3A_1566 : vector<1x16xf32> to vector<16xf32>
        %swap3A_1568 = vector.shape_cast %get3A_1558 : vector<16xf32> to vector<1x16xf32>
        tpu.vector_store %arg14[%swap3A_1564, %swap3A_1565], %swap3A_1568 {add = true, strides = array<i32>} : memref<8x1024xf32, #tpu.memory_space<vmem>>, vector<1x16xf32>,
        %swap3A_1569 = arith.index_cast %scan3A_236 : i32 to index
        %swap3A_1570 = arith.constant 880 : index
        %swap3A_1571 = tpu.vector_load %arg15[%swap3A_1569, %swap3A_1570] {strides = array<i32>} : memref<8x1024xf32, #tpu.memory_space<vmem>>, vector<1x16xf32>,
        %swap3A_1572 = vector.shape_cast %swap3A_1571 : vector<1x16xf32> to vector<16xf32>
        %swap3A_1573 = vector.shape_cast %get3A_1558 : vector<16xf32> to vector<1x16xf32>
        tpu.vector_store %arg15[%swap3A_1569, %swap3A_1570], %swap3A_1573 {add = true, strides = array<i32>} : memref<8x1024xf32, #tpu.memory_space<vmem>>, vector<1x16xf32>,
        %swap3A_1574 = arith.index_cast %scan3A_236 : i32 to index
        %swap3A_1575 = arith.constant 880 : index
        %swap3A_1576 = tpu.vector_load %arg16[%swap3A_1574, %swap3A_1575] {strides = array<i32>} : memref<8x1024xf32, #tpu.memory_space<vmem>>, vector<1x16xf32>,
        %swap3A_1577 = vector.shape_cast %swap3A_1576 : vector<1x16xf32> to vector<16xf32>
        %swap3A_1578 = vector.shape_cast %get3A_1558 : vector<16xf32> to vector<1x16xf32>
        tpu.vector_store %arg16[%swap3A_1574, %swap3A_1575], %swap3A_1578 {add = true, strides = array<i32>} : memref<8x1024xf32, #tpu.memory_space<vmem>>, vector<1x16xf32>,
        %get3A_1579 = arith.index_cast %scan3A_236 : i32 to index
        %get3A_1580 = arith.constant 896 : index
        %get3A_1581 = tpu.vector_load %arg8[%get3A_1579, %get3A_1580] {strides = array<i32>} : memref<8x1024xf32, #tpu.memory_space<vmem>>, vector<1x16xf32>,
        %get3A_1582 = vector.shape_cast %get3A_1581 : vector<1x16xf32> to vector<16xf32>
        %swap3A_1583 = arith.index_cast %scan3A_236 : i32 to index
        %swap3A_1584 = arith.constant 896 : index
        %swap3A_1585 = tpu.vector_load %arg13[%swap3A_1583, %swap3A_1584] {strides = array<i32>} : memref<8x1024xf32, #tpu.memory_space<vmem>>, vector<1x16xf32>,
        %swap3A_1586 = vector.shape_cast %swap3A_1585 : vector<1x16xf32> to vector<16xf32>
        %swap3A_1587 = vector.shape_cast %get3A_1582 : vector<16xf32> to vector<1x16xf32>
        tpu.vector_store %arg13[%swap3A_1583, %swap3A_1584], %swap3A_1587 {add = true, strides = array<i32>} : memref<8x1024xf32, #tpu.memory_space<vmem>>, vector<1x16xf32>,
        %swap3A_1588 = arith.index_cast %scan3A_236 : i32 to index
        %swap3A_1589 = arith.constant 896 : index
        %swap3A_1590 = tpu.vector_load %arg14[%swap3A_1588, %swap3A_1589] {strides = array<i32>} : memref<8x1024xf32, #tpu.memory_space<vmem>>, vector<1x16xf32>,
        %swap3A_1591 = vector.shape_cast %swap3A_1590 : vector<1x16xf32> to vector<16xf32>
        %swap3A_1592 = vector.shape_cast %get3A_1582 : vector<16xf32> to vector<1x16xf32>
        tpu.vector_store %arg14[%swap3A_1588, %swap3A_1589], %swap3A_1592 {add = true, strides = array<i32>} : memref<8x1024xf32, #tpu.memory_space<vmem>>, vector<1x16xf32>,
        %swap3A_1593 = arith.index_cast %scan3A_236 : i32 to index
        %swap3A_1594 = arith.constant 896 : index
        %swap3A_1595 = tpu.vector_load %arg15[%swap3A_1593, %swap3A_1594] {strides = array<i32>} : memref<8x1024xf32, #tpu.memory_space<vmem>>, vector<1x16xf32>,
        %swap3A_1596 = vector.shape_cast %swap3A_1595 : vector<1x16xf32> to vector<16xf32>
        %swap3A_1597 = vector.shape_cast %get3A_1582 : vector<16xf32> to vector<1x16xf32>
        tpu.vector_store %arg15[%swap3A_1593, %swap3A_1594], %swap3A_1597 {add = true, strides = array<i32>} : memref<8x1024xf32, #tpu.memory_space<vmem>>, vector<1x16xf32>,
        %swap3A_1598 = arith.index_cast %scan3A_236 : i32 to index
        %swap3A_1599 = arith.constant 896 : index
        %swap3A_1600 = tpu.vector_load %arg16[%swap3A_1598, %swap3A_1599] {strides = array<i32>} : memref<8x1024xf32, #tpu.memory_space<vmem>>, vector<1x16xf32>,
        %swap3A_1601 = vector.shape_cast %swap3A_1600 : vector<1x16xf32> to vector<16xf32>
        %swap3A_1602 = vector.shape_cast %get3A_1582 : vector<16xf32> to vector<1x16xf32>
        tpu.vector_store %arg16[%swap3A_1598, %swap3A_1599], %swap3A_1602 {add = true, strides = array<i32>} : memref<8x1024xf32, #tpu.memory_space<vmem>>, vector<1x16xf32>,
        %get3A_1603 = arith.index_cast %scan3A_236 : i32 to index
        %get3A_1604 = arith.constant 912 : index
        %get3A_1605 = tpu.vector_load %arg8[%get3A_1603, %get3A_1604] {strides = array<i32>} : memref<8x1024xf32, #tpu.memory_space<vmem>>, vector<1x16xf32>,
        %get3A_1606 = vector.shape_cast %get3A_1605 : vector<1x16xf32> to vector<16xf32>
        %swap3A_1607 = arith.index_cast %scan3A_236 : i32 to index
        %swap3A_1608 = arith.constant 912 : index
        %swap3A_1609 = tpu.vector_load %arg13[%swap3A_1607, %swap3A_1608] {strides = array<i32>} : memref<8x1024xf32, #tpu.memory_space<vmem>>, vector<1x16xf32>,
        %swap3A_1610 = vector.shape_cast %swap3A_1609 : vector<1x16xf32> to vector<16xf32>
        %swap3A_1611 = vector.shape_cast %get3A_1606 : vector<16xf32> to vector<1x16xf32>
        tpu.vector_store %arg13[%swap3A_1607, %swap3A_1608], %swap3A_1611 {add = true, strides = array<i32>} : memref<8x1024xf32, #tpu.memory_space<vmem>>, vector<1x16xf32>,
        %swap3A_1612 = arith.index_cast %scan3A_236 : i32 to index
        %swap3A_1613 = arith.constant 912 : index
        %swap3A_1614 = tpu.vector_load %arg14[%swap3A_1612, %swap3A_1613] {strides = array<i32>} : memref<8x1024xf32, #tpu.memory_space<vmem>>, vector<1x16xf32>,
        %swap3A_1615 = vector.shape_cast %swap3A_1614 : vector<1x16xf32> to vector<16xf32>
        %swap3A_1616 = vector.shape_cast %get3A_1606 : vector<16xf32> to vector<1x16xf32>
        tpu.vector_store %arg14[%swap3A_1612, %swap3A_1613], %swap3A_1616 {add = true, strides = array<i32>} : memref<8x1024xf32, #tpu.memory_space<vmem>>, vector<1x16xf32>,
        %swap3A_1617 = arith.index_cast %scan3A_236 : i32 to index
        %swap3A_1618 = arith.constant 912 : index
        %swap3A_1619 = tpu.vector_load %arg15[%swap3A_1617, %swap3A_1618] {strides = array<i32>} : memref<8x1024xf32, #tpu.memory_space<vmem>>, vector<1x16xf32>,
        %swap3A_1620 = vector.shape_cast %swap3A_1619 : vector<1x16xf32> to vector<16xf32>
        %swap3A_1621 = vector.shape_cast %get3A_1606 : vector<16xf32> to vector<1x16xf32>
        tpu.vector_store %arg15[%swap3A_1617, %swap3A_1618], %swap3A_1621 {add = true, strides = array<i32>} : memref<8x1024xf32, #tpu.memory_space<vmem>>, vector<1x16xf32>,
        %swap3A_1622 = arith.index_cast %scan3A_236 : i32 to index
        %swap3A_1623 = arith.constant 912 : index
        %swap3A_1624 = tpu.vector_load %arg16[%swap3A_1622, %swap3A_1623] {strides = array<i32>} : memref<8x1024xf32, #tpu.memory_space<vmem>>, vector<1x16xf32>,
        %swap3A_1625 = vector.shape_cast %swap3A_1624 : vector<1x16xf32> to vector<16xf32>
        %swap3A_1626 = vector.shape_cast %get3A_1606 : vector<16xf32> to vector<1x16xf32>
        tpu.vector_store %arg16[%swap3A_1622, %swap3A_1623], %swap3A_1626 {add = true, strides = array<i32>} : memref<8x1024xf32, #tpu.memory_space<vmem>>, vector<1x16xf32>,
        %get3A_1627 = arith.index_cast %scan3A_236 : i32 to index
        %get3A_1628 = arith.constant 928 : index
        %get3A_1629 = tpu.vector_load %arg8[%get3A_1627, %get3A_1628] {strides = array<i32>} : memref<8x1024xf32, #tpu.memory_space<vmem>>, vector<1x16xf32>,
        %get3A_1630 = vector.shape_cast %get3A_1629 : vector<1x16xf32> to vector<16xf32>
        %swap3A_1631 = arith.index_cast %scan3A_236 : i32 to index
        %swap3A_1632 = arith.constant 928 : index
        %swap3A_1633 = tpu.vector_load %arg13[%swap3A_1631, %swap3A_1632] {strides = array<i32>} : memref<8x1024xf32, #tpu.memory_space<vmem>>, vector<1x16xf32>,
        %swap3A_1634 = vector.shape_cast %swap3A_1633 : vector<1x16xf32> to vector<16xf32>
        %swap3A_1635 = vector.shape_cast %get3A_1630 : vector<16xf32> to vector<1x16xf32>
        tpu.vector_store %arg13[%swap3A_1631, %swap3A_1632], %swap3A_1635 {add = true, strides = array<i32>} : memref<8x1024xf32, #tpu.memory_space<vmem>>, vector<1x16xf32>,
        %swap3A_1636 = arith.index_cast %scan3A_236 : i32 to index
        %swap3A_1637 = arith.constant 928 : index
        %swap3A_1638 = tpu.vector_load %arg14[%swap3A_1636, %swap3A_1637] {strides = array<i32>} : memref<8x1024xf32, #tpu.memory_space<vmem>>, vector<1x16xf32>,
        %swap3A_1639 = vector.shape_cast %swap3A_1638 : vector<1x16xf32> to vector<16xf32>
        %swap3A_1640 = vector.shape_cast %get3A_1630 : vector<16xf32> to vector<1x16xf32>
        tpu.vector_store %arg14[%swap3A_1636, %swap3A_1637], %swap3A_1640 {add = true, strides = array<i32>} : memref<8x1024xf32, #tpu.memory_space<vmem>>, vector<1x16xf32>,
        %swap3A_1641 = arith.index_cast %scan3A_236 : i32 to index
        %swap3A_1642 = arith.constant 928 : index
        %swap3A_1643 = tpu.vector_load %arg15[%swap3A_1641, %swap3A_1642] {strides = array<i32>} : memref<8x1024xf32, #tpu.memory_space<vmem>>, vector<1x16xf32>,
        %swap3A_1644 = vector.shape_cast %swap3A_1643 : vector<1x16xf32> to vector<16xf32>
        %swap3A_1645 = vector.shape_cast %get3A_1630 : vector<16xf32> to vector<1x16xf32>
        tpu.vector_store %arg15[%swap3A_1641, %swap3A_1642], %swap3A_1645 {add = true, strides = array<i32>} : memref<8x1024xf32, #tpu.memory_space<vmem>>, vector<1x16xf32>,
        %swap3A_1646 = arith.index_cast %scan3A_236 : i32 to index
        %swap3A_1647 = arith.constant 928 : index
        %swap3A_1648 = tpu.vector_load %arg16[%swap3A_1646, %swap3A_1647] {strides = array<i32>} : memref<8x1024xf32, #tpu.memory_space<vmem>>, vector<1x16xf32>,
        %swap3A_1649 = vector.shape_cast %swap3A_1648 : vector<1x16xf32> to vector<16xf32>
        %swap3A_1650 = vector.shape_cast %get3A_1630 : vector<16xf32> to vector<1x16xf32>
        tpu.vector_store %arg16[%swap3A_1646, %swap3A_1647], %swap3A_1650 {add = true, strides = array<i32>} : memref<8x1024xf32, #tpu.memory_space<vmem>>, vector<1x16xf32>,
        %get3A_1651 = arith.index_cast %scan3A_236 : i32 to index
        %get3A_1652 = arith.constant 944 : index
        %get3A_1653 = tpu.vector_load %arg8[%get3A_1651, %get3A_1652] {strides = array<i32>} : memref<8x1024xf32, #tpu.memory_space<vmem>>, vector<1x16xf32>,
        %get3A_1654 = vector.shape_cast %get3A_1653 : vector<1x16xf32> to vector<16xf32>
        %swap3A_1655 = arith.index_cast %scan3A_236 : i32 to index
        %swap3A_1656 = arith.constant 944 : index
        %swap3A_1657 = tpu.vector_load %arg13[%swap3A_1655, %swap3A_1656] {strides = array<i32>} : memref<8x1024xf32, #tpu.memory_space<vmem>>, vector<1x16xf32>,
        %swap3A_1658 = vector.shape_cast %swap3A_1657 : vector<1x16xf32> to vector<16xf32>
        %swap3A_1659 = vector.shape_cast %get3A_1654 : vector<16xf32> to vector<1x16xf32>
        tpu.vector_store %arg13[%swap3A_1655, %swap3A_1656], %swap3A_1659 {add = true, strides = array<i32>} : memref<8x1024xf32, #tpu.memory_space<vmem>>, vector<1x16xf32>,
        %swap3A_1660 = arith.index_cast %scan3A_236 : i32 to index
        %swap3A_1661 = arith.constant 944 : index
        %swap3A_1662 = tpu.vector_load %arg14[%swap3A_1660, %swap3A_1661] {strides = array<i32>} : memref<8x1024xf32, #tpu.memory_space<vmem>>, vector<1x16xf32>,
        %swap3A_1663 = vector.shape_cast %swap3A_1662 : vector<1x16xf32> to vector<16xf32>
        %swap3A_1664 = vector.shape_cast %get3A_1654 : vector<16xf32> to vector<1x16xf32>
        tpu.vector_store %arg14[%swap3A_1660, %swap3A_1661], %swap3A_1664 {add = true, strides = array<i32>} : memref<8x1024xf32, #tpu.memory_space<vmem>>, vector<1x16xf32>,
        %swap3A_1665 = arith.index_cast %scan3A_236 : i32 to index
        %swap3A_1666 = arith.constant 944 : index
        %swap3A_1667 = tpu.vector_load %arg15[%swap3A_1665, %swap3A_1666] {strides = array<i32>} : memref<8x1024xf32, #tpu.memory_space<vmem>>, vector<1x16xf32>,
        %swap3A_1668 = vector.shape_cast %swap3A_1667 : vector<1x16xf32> to vector<16xf32>
        %swap3A_1669 = vector.shape_cast %get3A_1654 : vector<16xf32> to vector<1x16xf32>
        tpu.vector_store %arg15[%swap3A_1665, %swap3A_1666], %swap3A_1669 {add = true, strides = array<i32>} : memref<8x1024xf32, #tpu.memory_space<vmem>>, vector<1x16xf32>,
        %swap3A_1670 = arith.index_cast %scan3A_236 : i32 to index
        %swap3A_1671 = arith.constant 944 : index
        %swap3A_1672 = tpu.vector_load %arg16[%swap3A_1670, %swap3A_1671] {strides = array<i32>} : memref<8x1024xf32, #tpu.memory_space<vmem>>, vector<1x16xf32>,
        %swap3A_1673 = vector.shape_cast %swap3A_1672 : vector<1x16xf32> to vector<16xf32>
        %swap3A_1674 = vector.shape_cast %get3A_1654 : vector<16xf32> to vector<1x16xf32>
        tpu.vector_store %arg16[%swap3A_1670, %swap3A_1671], %swap3A_1674 {add = true, strides = array<i32>} : memref<8x1024xf32, #tpu.memory_space<vmem>>, vector<1x16xf32>,
        %get3A_1675 = arith.index_cast %scan3A_236 : i32 to index
        %get3A_1676 = arith.constant 960 : index
        %get3A_1677 = tpu.vector_load %arg8[%get3A_1675, %get3A_1676] {strides = array<i32>} : memref<8x1024xf32, #tpu.memory_space<vmem>>, vector<1x16xf32>,
        %get3A_1678 = vector.shape_cast %get3A_1677 : vector<1x16xf32> to vector<16xf32>
        %swap3A_1679 = arith.index_cast %scan3A_236 : i32 to index
        %swap3A_1680 = arith.constant 960 : index
        %swap3A_1681 = tpu.vector_load %arg13[%swap3A_1679, %swap3A_1680] {strides = array<i32>} : memref<8x1024xf32, #tpu.memory_space<vmem>>, vector<1x16xf32>,
        %swap3A_1682 = vector.shape_cast %swap3A_1681 : vector<1x16xf32> to vector<16xf32>
        %swap3A_1683 = vector.shape_cast %get3A_1678 : vector<16xf32> to vector<1x16xf32>
        tpu.vector_store %arg13[%swap3A_1679, %swap3A_1680], %swap3A_1683 {add = true, strides = array<i32>} : memref<8x1024xf32, #tpu.memory_space<vmem>>, vector<1x16xf32>,
        %swap3A_1684 = arith.index_cast %scan3A_236 : i32 to index
        %swap3A_1685 = arith.constant 960 : index
        %swap3A_1686 = tpu.vector_load %arg14[%swap3A_1684, %swap3A_1685] {strides = array<i32>} : memref<8x1024xf32, #tpu.memory_space<vmem>>, vector<1x16xf32>,
        %swap3A_1687 = vector.shape_cast %swap3A_1686 : vector<1x16xf32> to vector<16xf32>
        %swap3A_1688 = vector.shape_cast %get3A_1678 : vector<16xf32> to vector<1x16xf32>
        tpu.vector_store %arg14[%swap3A_1684, %swap3A_1685], %swap3A_1688 {add = true, strides = array<i32>} : memref<8x1024xf32, #tpu.memory_space<vmem>>, vector<1x16xf32>,
        %swap3A_1689 = arith.index_cast %scan3A_236 : i32 to index
        %swap3A_1690 = arith.constant 960 : index
        %swap3A_1691 = tpu.vector_load %arg15[%swap3A_1689, %swap3A_1690] {strides = array<i32>} : memref<8x1024xf32, #tpu.memory_space<vmem>>, vector<1x16xf32>,
        %swap3A_1692 = vector.shape_cast %swap3A_1691 : vector<1x16xf32> to vector<16xf32>
        %swap3A_1693 = vector.shape_cast %get3A_1678 : vector<16xf32> to vector<1x16xf32>
        tpu.vector_store %arg15[%swap3A_1689, %swap3A_1690], %swap3A_1693 {add = true, strides = array<i32>} : memref<8x1024xf32, #tpu.memory_space<vmem>>, vector<1x16xf32>,
        %swap3A_1694 = arith.index_cast %scan3A_236 : i32 to index
        %swap3A_1695 = arith.constant 960 : index
        %swap3A_1696 = tpu.vector_load %arg16[%swap3A_1694, %swap3A_1695] {strides = array<i32>} : memref<8x1024xf32, #tpu.memory_space<vmem>>, vector<1x16xf32>,
        %swap3A_1697 = vector.shape_cast %swap3A_1696 : vector<1x16xf32> to vector<16xf32>
        %swap3A_1698 = vector.shape_cast %get3A_1678 : vector<16xf32> to vector<1x16xf32>
        tpu.vector_store %arg16[%swap3A_1694, %swap3A_1695], %swap3A_1698 {add = true, strides = array<i32>} : memref<8x1024xf32, #tpu.memory_space<vmem>>, vector<1x16xf32>,
        %get3A_1699 = arith.index_cast %scan3A_236 : i32 to index
        %get3A_1700 = arith.constant 976 : index
        %get3A_1701 = tpu.vector_load %arg8[%get3A_1699, %get3A_1700] {strides = array<i32>} : memref<8x1024xf32, #tpu.memory_space<vmem>>, vector<1x16xf32>,
        %get3A_1702 = vector.shape_cast %get3A_1701 : vector<1x16xf32> to vector<16xf32>
        %swap3A_1703 = arith.index_cast %scan3A_236 : i32 to index
        %swap3A_1704 = arith.constant 976 : index
        %swap3A_1705 = tpu.vector_load %arg13[%swap3A_1703, %swap3A_1704] {strides = array<i32>} : memref<8x1024xf32, #tpu.memory_space<vmem>>, vector<1x16xf32>,
        %swap3A_1706 = vector.shape_cast %swap3A_1705 : vector<1x16xf32> to vector<16xf32>
        %swap3A_1707 = vector.shape_cast %get3A_1702 : vector<16xf32> to vector<1x16xf32>
        tpu.vector_store %arg13[%swap3A_1703, %swap3A_1704], %swap3A_1707 {add = true, strides = array<i32>} : memref<8x1024xf32, #tpu.memory_space<vmem>>, vector<1x16xf32>,
        %swap3A_1708 = arith.index_cast %scan3A_236 : i32 to index
        %swap3A_1709 = arith.constant 976 : index
        %swap3A_1710 = tpu.vector_load %arg14[%swap3A_1708, %swap3A_1709] {strides = array<i32>} : memref<8x1024xf32, #tpu.memory_space<vmem>>, vector<1x16xf32>,
        %swap3A_1711 = vector.shape_cast %swap3A_1710 : vector<1x16xf32> to vector<16xf32>
        %swap3A_1712 = vector.shape_cast %get3A_1702 : vector<16xf32> to vector<1x16xf32>
        tpu.vector_store %arg14[%swap3A_1708, %swap3A_1709], %swap3A_1712 {add = true, strides = array<i32>} : memref<8x1024xf32, #tpu.memory_space<vmem>>, vector<1x16xf32>,
        %swap3A_1713 = arith.index_cast %scan3A_236 : i32 to index
        %swap3A_1714 = arith.constant 976 : index
        %swap3A_1715 = tpu.vector_load %arg15[%swap3A_1713, %swap3A_1714] {strides = array<i32>} : memref<8x1024xf32, #tpu.memory_space<vmem>>, vector<1x16xf32>,
        %swap3A_1716 = vector.shape_cast %swap3A_1715 : vector<1x16xf32> to vector<16xf32>
        %swap3A_1717 = vector.shape_cast %get3A_1702 : vector<16xf32> to vector<1x16xf32>
        tpu.vector_store %arg15[%swap3A_1713, %swap3A_1714], %swap3A_1717 {add = true, strides = array<i32>} : memref<8x1024xf32, #tpu.memory_space<vmem>>, vector<1x16xf32>,
        %swap3A_1718 = arith.index_cast %scan3A_236 : i32 to index
        %swap3A_1719 = arith.constant 976 : index
        %swap3A_1720 = tpu.vector_load %arg16[%swap3A_1718, %swap3A_1719] {strides = array<i32>} : memref<8x1024xf32, #tpu.memory_space<vmem>>, vector<1x16xf32>,
        %swap3A_1721 = vector.shape_cast %swap3A_1720 : vector<1x16xf32> to vector<16xf32>
        %swap3A_1722 = vector.shape_cast %get3A_1702 : vector<16xf32> to vector<1x16xf32>
        tpu.vector_store %arg16[%swap3A_1718, %swap3A_1719], %swap3A_1722 {add = true, strides = array<i32>} : memref<8x1024xf32, #tpu.memory_space<vmem>>, vector<1x16xf32>,
        %get3A_1723 = arith.index_cast %scan3A_236 : i32 to index
        %get3A_1724 = arith.constant 992 : index
        %get3A_1725 = tpu.vector_load %arg8[%get3A_1723, %get3A_1724] {strides = array<i32>} : memref<8x1024xf32, #tpu.memory_space<vmem>>, vector<1x16xf32>,
        %get3A_1726 = vector.shape_cast %get3A_1725 : vector<1x16xf32> to vector<16xf32>
        %swap3A_1727 = arith.index_cast %scan3A_236 : i32 to index
        %swap3A_1728 = arith.constant 992 : index
        %swap3A_1729 = tpu.vector_load %arg13[%swap3A_1727, %swap3A_1728] {strides = array<i32>} : memref<8x1024xf32, #tpu.memory_space<vmem>>, vector<1x16xf32>,
        %swap3A_1730 = vector.shape_cast %swap3A_1729 : vector<1x16xf32> to vector<16xf32>
        %swap3A_1731 = vector.shape_cast %get3A_1726 : vector<16xf32> to vector<1x16xf32>
        tpu.vector_store %arg13[%swap3A_1727, %swap3A_1728], %swap3A_1731 {add = true, strides = array<i32>} : memref<8x1024xf32, #tpu.memory_space<vmem>>, vector<1x16xf32>,
        %swap3A_1732 = arith.index_cast %scan3A_236 : i32 to index
        %swap3A_1733 = arith.constant 992 : index
        %swap3A_1734 = tpu.vector_load %arg14[%swap3A_1732, %swap3A_1733] {strides = array<i32>} : memref<8x1024xf32, #tpu.memory_space<vmem>>, vector<1x16xf32>,
        %swap3A_1735 = vector.shape_cast %swap3A_1734 : vector<1x16xf32> to vector<16xf32>
        %swap3A_1736 = vector.shape_cast %get3A_1726 : vector<16xf32> to vector<1x16xf32>
        tpu.vector_store %arg14[%swap3A_1732, %swap3A_1733], %swap3A_1736 {add = true, strides = array<i32>} : memref<8x1024xf32, #tpu.memory_space<vmem>>, vector<1x16xf32>,
        %swap3A_1737 = arith.index_cast %scan3A_236 : i32 to index
        %swap3A_1738 = arith.constant 992 : index
        %swap3A_1739 = tpu.vector_load %arg15[%swap3A_1737, %swap3A_1738] {strides = array<i32>} : memref<8x1024xf32, #tpu.memory_space<vmem>>, vector<1x16xf32>,
        %swap3A_1740 = vector.shape_cast %swap3A_1739 : vector<1x16xf32> to vector<16xf32>
        %swap3A_1741 = vector.shape_cast %get3A_1726 : vector<16xf32> to vector<1x16xf32>
        tpu.vector_store %arg15[%swap3A_1737, %swap3A_1738], %swap3A_1741 {add = true, strides = array<i32>} : memref<8x1024xf32, #tpu.memory_space<vmem>>, vector<1x16xf32>,
        %swap3A_1742 = arith.index_cast %scan3A_236 : i32 to index
        %swap3A_1743 = arith.constant 992 : index
        %swap3A_1744 = tpu.vector_load %arg16[%swap3A_1742, %swap3A_1743] {strides = array<i32>} : memref<8x1024xf32, #tpu.memory_space<vmem>>, vector<1x16xf32>,
        %swap3A_1745 = vector.shape_cast %swap3A_1744 : vector<1x16xf32> to vector<16xf32>
        %swap3A_1746 = vector.shape_cast %get3A_1726 : vector<16xf32> to vector<1x16xf32>
        tpu.vector_store %arg16[%swap3A_1742, %swap3A_1743], %swap3A_1746 {add = true, strides = array<i32>} : memref<8x1024xf32, #tpu.memory_space<vmem>>, vector<1x16xf32>,
        %get3A_1747 = arith.index_cast %scan3A_236 : i32 to index
        %get3A_1748 = arith.constant 1008 : index
        %get3A_1749 = tpu.vector_load %arg8[%get3A_1747, %get3A_1748] {strides = array<i32>} : memref<8x1024xf32, #tpu.memory_space<vmem>>, vector<1x16xf32>,
        %get3A_1750 = vector.shape_cast %get3A_1749 : vector<1x16xf32> to vector<16xf32>
        %swap3A_1751 = arith.index_cast %scan3A_236 : i32 to index
        %swap3A_1752 = arith.constant 1008 : index
        %swap3A_1753 = tpu.vector_load %arg13[%swap3A_1751, %swap3A_1752] {strides = array<i32>} : memref<8x1024xf32, #tpu.memory_space<vmem>>, vector<1x16xf32>,
        %swap3A_1754 = vector.shape_cast %swap3A_1753 : vector<1x16xf32> to vector<16xf32>
        %swap3A_1755 = vector.shape_cast %get3A_1750 : vector<16xf32> to vector<1x16xf32>
        tpu.vector_store %arg13[%swap3A_1751, %swap3A_1752], %swap3A_1755 {add = true, strides = array<i32>} : memref<8x1024xf32, #tpu.memory_space<vmem>>, vector<1x16xf32>,
        %swap3A_1756 = arith.index_cast %scan3A_236 : i32 to index
        %swap3A_1757 = arith.constant 1008 : index
        %swap3A_1758 = tpu.vector_load %arg14[%swap3A_1756, %swap3A_1757] {strides = array<i32>} : memref<8x1024xf32, #tpu.memory_space<vmem>>, vector<1x16xf32>,
        %swap3A_1759 = vector.shape_cast %swap3A_1758 : vector<1x16xf32> to vector<16xf32>
        %swap3A_1760 = vector.shape_cast %get3A_1750 : vector<16xf32> to vector<1x16xf32>
        tpu.vector_store %arg14[%swap3A_1756, %swap3A_1757], %swap3A_1760 {add = true, strides = array<i32>} : memref<8x1024xf32, #tpu.memory_space<vmem>>, vector<1x16xf32>,
        %swap3A_1761 = arith.index_cast %scan3A_236 : i32 to index
        %swap3A_1762 = arith.constant 1008 : index
        %swap3A_1763 = tpu.vector_load %arg15[%swap3A_1761, %swap3A_1762] {strides = array<i32>} : memref<8x1024xf32, #tpu.memory_space<vmem>>, vector<1x16xf32>,
        %swap3A_1764 = vector.shape_cast %swap3A_1763 : vector<1x16xf32> to vector<16xf32>
        %swap3A_1765 = vector.shape_cast %get3A_1750 : vector<16xf32> to vector<1x16xf32>
        tpu.vector_store %arg15[%swap3A_1761, %swap3A_1762], %swap3A_1765 {add = true, strides = array<i32>} : memref<8x1024xf32, #tpu.memory_space<vmem>>, vector<1x16xf32>,
        %swap3A_1766 = arith.index_cast %scan3A_236 : i32 to index
        %swap3A_1767 = arith.constant 1008 : index
        %swap3A_1768 = tpu.vector_load %arg16[%swap3A_1766, %swap3A_1767] {strides = array<i32>} : memref<8x1024xf32, #tpu.memory_space<vmem>>, vector<1x16xf32>,
        %swap3A_1769 = vector.shape_cast %swap3A_1768 : vector<1x16xf32> to vector<16xf32>
        %swap3A_1770 = vector.shape_cast %get3A_1750 : vector<16xf32> to vector<1x16xf32>
        tpu.vector_store %arg16[%swap3A_1766, %swap3A_1767], %swap3A_1770 {add = true, strides = array<i32>} : memref<8x1024xf32, #tpu.memory_space<vmem>>, vector<1x16xf32>,
      }
      %scan3A_199 = arith.constant 8 : i32
      %add3A_200 = arith.constant 0 : i32
      %add3A_201 = arith.addi %add3A_200, %mul3A_2 : i32
      %mul3A_202 = arith.constant 8 : i32
      %mul3A_203 = arith.muli %add3A_151, %mul3A_202 : i32
      %add3A_204 = arith.addi %add3A_201, %mul3A_203 : i32
      %dma_start3A_205 = arith.constant 0 : i32
      %dma_start3A_206 = tpu.memref_slice %arg5[%add3A_204, %dma_start3A_205] : memref<8192x1024xf32, #tpu.memory_space<hbm>> -> memref<8x1024xf32, #tpu.memory_space<hbm>>
      %dma_start3A_207 = arith.constant 0 : i32
      %dma_start3A_208 = tpu.memref_slice %arg5[%add3A_204, %dma_start3A_207] : memref<8192x1024xf32, #tpu.memory_space<hbm>> -> memref<8x1024xf32, #tpu.memory_space<hbm>>
      tpu.enqueue_dma source(%arg13 : memref<8x1024xf32, #tpu.memory_space<vmem>>) target(%dma_start3A_208 : memref<8x1024xf32, #tpu.memory_space<hbm>>) target_semaphore(%arg20 : memref<!tpu.dma_semaphore, #tpu.memory_space<semaphore_mem>>)
      %add3A_209 = arith.constant 2048 : i32
      %add3A_210 = arith.addi %add3A_209, %mul3A_2 : i32
      %mul3A_211 = arith.constant 8 : i32
      %mul3A_212 = arith.muli %add3A_151, %mul3A_211 : i32
      %add3A_213 = arith.addi %add3A_210, %mul3A_212 : i32
      %dma_start3A_214 = arith.constant 0 : i32
      %dma_start3A_215 = tpu.memref_slice %arg5[%add3A_213, %dma_start3A_214] : memref<8192x1024xf32, #tpu.memory_space<hbm>> -> memref<8x1024xf32, #tpu.memory_space<hbm>>
      %dma_start3A_216 = arith.constant 0 : i32
      %dma_start3A_217 = tpu.memref_slice %arg5[%add3A_213, %dma_start3A_216] : memref<8192x1024xf32, #tpu.memory_space<hbm>> -> memref<8x1024xf32, #tpu.memory_space<hbm>>
      tpu.enqueue_dma source(%arg14 : memref<8x1024xf32, #tpu.memory_space<vmem>>) target(%dma_start3A_217 : memref<8x1024xf32, #tpu.memory_space<hbm>>) target_semaphore(%arg20 : memref<!tpu.dma_semaphore, #tpu.memory_space<semaphore_mem>>)
      %add3A_218 = arith.constant 4096 : i32
      %add3A_219 = arith.addi %add3A_218, %mul3A_2 : i32
      %mul3A_220 = arith.constant 8 : i32
      %mul3A_221 = arith.muli %add3A_151, %mul3A_220 : i32
      %add3A_222 = arith.addi %add3A_219, %mul3A_221 : i32
      %dma_start3A_223 = arith.constant 0 : i32
      %dma_start3A_224 = tpu.memref_slice %arg5[%add3A_222, %dma_start3A_223] : memref<8192x1024xf32, #tpu.memory_space<hbm>> -> memref<8x1024xf32, #tpu.memory_space<hbm>>
      %dma_start3A_225 = arith.constant 0 : i32
      %dma_start3A_226 = tpu.memref_slice %arg5[%add3A_222, %dma_start3A_225] : memref<8192x1024xf32, #tpu.memory_space<hbm>> -> memref<8x1024xf32, #tpu.memory_space<hbm>>
      tpu.enqueue_dma source(%arg15 : memref<8x1024xf32, #tpu.memory_space<vmem>>) target(%dma_start3A_226 : memref<8x1024xf32, #tpu.memory_space<hbm>>) target_semaphore(%arg20 : memref<!tpu.dma_semaphore, #tpu.memory_space<semaphore_mem>>)
      %add3A_227 = arith.constant 6144 : i32
      %add3A_228 = arith.addi %add3A_227, %mul3A_2 : i32
      %mul3A_229 = arith.constant 8 : i32
      %mul3A_230 = arith.muli %add3A_151, %mul3A_229 : i32
      %add3A_231 = arith.addi %add3A_228, %mul3A_230 : i32
      %dma_start3A_232 = arith.constant 0 : i32
      %dma_start3A_233 = tpu.memref_slice %arg5[%add3A_231, %dma_start3A_232] : memref<8192x1024xf32, #tpu.memory_space<hbm>> -> memref<8x1024xf32, #tpu.memory_space<hbm>>
      %dma_start3A_234 = arith.constant 0 : i32
      %dma_start3A_235 = tpu.memref_slice %arg5[%add3A_231, %dma_start3A_234] : memref<8192x1024xf32, #tpu.memory_space<hbm>> -> memref<8x1024xf32, #tpu.memory_space<hbm>>
      tpu.enqueue_dma source(%arg16 : memref<8x1024xf32, #tpu.memory_space<vmem>>) target(%dma_start3A_235 : memref<8x1024xf32, #tpu.memory_space<hbm>>) target_semaphore(%arg20 : memref<!tpu.dma_semaphore, #tpu.memory_space<semaphore_mem>>)
    }
    %scan3A_39 = arith.constant 4 : i32
    %dma_wait3A = arith.constant 0 : i32
    %dma_wait3A_40 = arith.constant 0 : i32
    %dma_wait3A_41 = tpu.memref_slice %arg5[%dma_wait3A, %dma_wait3A_40] : memref<8192x1024xf32, #tpu.memory_space<hbm>> -> memref<8x1024xf32, #tpu.memory_space<hbm>>
    %dma_wait3A_42 = arith.constant 0 : i32
    %dma_wait3A_43 = arith.constant 0 : i32
    %dma_wait3A_44 = tpu.memref_slice %arg5[%dma_wait3A_42, %dma_wait3A_43] : memref<8192x1024xf32, #tpu.memory_space<hbm>> -> memref<8x1024xf32, #tpu.memory_space<hbm>>
    tpu.wait_dma2 semaphore(%arg20 : memref<!tpu.dma_semaphore, #tpu.memory_space<semaphore_mem>>) src(%arg13 : memref<8x1024xf32, #tpu.memory_space<vmem>>) dst(%dma_wait3A_44 : memref<8x1024xf32, #tpu.memory_space<hbm>>)
    %dma_wait3A_45 = arith.constant 0 : i32
    %dma_wait3A_46 = arith.constant 0 : i32
    %dma_wait3A_47 = tpu.memref_slice %arg5[%dma_wait3A_45, %dma_wait3A_46] : memref<8192x1024xf32, #tpu.memory_space<hbm>> -> memref<8x1024xf32, #tpu.memory_space<hbm>>
    %dma_wait3A_48 = arith.constant 0 : i32
    %dma_wait3A_49 = arith.constant 0 : i32
    %dma_wait3A_50 = tpu.memref_slice %arg5[%dma_wait3A_48, %dma_wait3A_49] : memref<8192x1024xf32, #tpu.memory_space<hbm>> -> memref<8x1024xf32, #tpu.memory_space<hbm>>
    tpu.wait_dma2 semaphore(%arg20 : memref<!tpu.dma_semaphore, #tpu.memory_space<semaphore_mem>>) src(%arg14 : memref<8x1024xf32, #tpu.memory_space<vmem>>) dst(%dma_wait3A_50 : memref<8x1024xf32, #tpu.memory_space<hbm>>)
    %dma_wait3A_51 = arith.constant 0 : i32
    %dma_wait3A_52 = arith.constant 0 : i32
    %dma_wait3A_53 = tpu.memref_slice %arg5[%dma_wait3A_51, %dma_wait3A_52] : memref<8192x1024xf32, #tpu.memory_space<hbm>> -> memref<8x1024xf32, #tpu.memory_space<hbm>>
    %dma_wait3A_54 = arith.constant 0 : i32
    %dma_wait3A_55 = arith.constant 0 : i32
    %dma_wait3A_56 = tpu.memref_slice %arg5[%dma_wait3A_54, %dma_wait3A_55] : memref<8192x1024xf32, #tpu.memory_space<hbm>> -> memref<8x1024xf32, #tpu.memory_space<hbm>>
    tpu.wait_dma2 semaphore(%arg20 : memref<!tpu.dma_semaphore, #tpu.memory_space<semaphore_mem>>) src(%arg15 : memref<8x1024xf32, #tpu.memory_space<vmem>>) dst(%dma_wait3A_56 : memref<8x1024xf32, #tpu.memory_space<hbm>>)
    %dma_wait3A_57 = arith.constant 0 : i32
    %dma_wait3A_58 = arith.constant 0 : i32
    %dma_wait3A_59 = tpu.memref_slice %arg5[%dma_wait3A_57, %dma_wait3A_58] : memref<8192x1024xf32, #tpu.memory_space<hbm>> -> memref<8x1024xf32, #tpu.memory_space<hbm>>
    %dma_wait3A_60 = arith.constant 0 : i32
    %dma_wait3A_61 = arith.constant 0 : i32
    %dma_wait3A_62 = tpu.memref_slice %arg5[%dma_wait3A_60, %dma_wait3A_61] : memref<8192x1024xf32, #tpu.memory_space<hbm>> -> memref<8x1024xf32, #tpu.memory_space<hbm>>
    tpu.wait_dma2 semaphore(%arg20 : memref<!tpu.dma_semaphore, #tpu.memory_space<semaphore_mem>>) src(%arg16 : memref<8x1024xf32, #tpu.memory_space<vmem>>) dst(%dma_wait3A_62 : memref<8x1024xf32, #tpu.memory_space<hbm>>)
    return
  }
}

</mosaic_0001>

<sc_bundles>
// kernel: _embed.3.cloned.1.call-start
scs
__scs_entry_jumppad:
0x0: {  	(pc) =	sbr.rel $0x88, $3  }
0x1: {  	(tag) =	ssettag $0x0;
	lr =	simm.s32 $0x1  }
0x2: {  	[smem:$0x3F9E] =	sst lr;
	_ =	strace $0xD0000000  }
0x3: {  	_ = 	snop  }
0x4: {  	_ = 	snop  }
0x5: {  	_ = 	snop  }
0x6: {  	_ = 	snop  }
0x7: {  	_ = 	snop  }
__scs_overlays_trampoline_lowered:
0x8: {  	[smem:$0x3FAD] =	sst s0  }
0x9: {  	[smem:$0x3FAE] =	sst s1  }
0xa: {  	[smem:$0x3FAF] =	sst s2  }
0xb: {  	[smem:$0x3FB0] =	sst s3  }
0xc: {  	[smem:$0x3FB1] =	sst s4  }
0xd: {  	[smem:$0x3FB2] =	sst s5  }
0xe: {  	[smem:$0x3FB3] =	sst s6  }
0xf: {  	[smem:$0x3FB4] =	sst s7  }
0x10: {  	[smem:$0x3FB5] =	sst s8  }
0x11: {  	[smem:$0x3FB6] =	sst s9;
	s0 =	simm.s32 @!p0 $0x0  }
0x12: {  	s1 =	sld [smem:$0x3F9C];
	s0 =	simm.s32 @p0 $0x1  }
0x13: {  	[smem:$0x3FB7] =	sst s0;
	s0 =	simm.s32 @!p1 $0x0  }
0x14: {  	s2 =	sld [smem:$0x3F9B];
	s0 =	simm.s32 @p1 $0x1  }
0x15: {  	[smem:$0x3FB8] =	sst s0;
	s0 =	simm.s32 @!p2 $0x0  }
0x16: {  	s3 =	sld [smem:$0x3FDB];
	s0 =	simm.s32 @p2 $0x1  }
0x17: {  	s4 =	simm.s32 $0x1BF5;
	[smem:$0x3FBA] =	sst s0  }
0x18: {  	s0 =	sld [smem:$0x3F9D];
	_ =	swait.ge [sflag:s4], $0x0  }
0x19: {  	s7 =	sld [smem:$0x3F9E]  }
0x1a: {  	s8 =	sadd.s32 $0xFFFFE003, lr  }
0x1b: {  	s9 =	sadd.s32 $0xFFFFFEF7, lr;
	s5 =	simm.s32 $0xFFFFFFFF;
	p2 =	slt.u32 s8, $0xFFFFF086  }
0x1c: {  	p1 =	slt.u32 s9, $0xF7A;
	s5 =	simm.s32 @!p2 $0x0  }
0x1d: {  	s5 =	simm.s32 @p1 $0x1;
	p0 =	seq.s32 s7, s2  }
0x1e: {  	s7 =	smul.u32 @!p0 $0xF7A, s2;
	p2 =	seq.s32 @!p0 s5, $0x0  }
0x1f: {  	s9 =	smul.u32 $0xF7A, s1;
	s8 =	simm.s32 @!p0 $0x1BF5;
	p2 =	por !p2, p0  }
0x20: {  	[sflag:s8] =	ssyncset.s32 @!p0 $0xFFFFF086;
	s6 =	sadd.s32 @!p0 s3, s7;
	s7 =	simm.s32 @!p0 $0x108  }
0x21: {  	s3 =	sadd.s32 s3, s9;
	s6 =	sadd.s32 @!p0 $0x88, s6;
	s7 =	simm.s32 @p2 $0x1082  }
0x22: {  	[simem:s7], [sflag:s8] =	dma.local @!p0 [hbm:s6], $0xF7A  }
0x23: {  	s9 =	sor.u32 $0xD0000000, s2;
	s6 =	simm.s32 $0x108;
	_ =	swait.ge @!p0 [sflag:s8], $0x0  }
0x24: {  	s3 =	sadd.s32 $0x88, s3;
	s6 =	simm.s32 @!p1 $0x1082;
	[sflag:s4] =	ssyncset.s32 $0xFFFFF086  }
0x25: {  	[simem:s6], [sflag:s4] =	dma.local [hbm:s3], $0xF7A  }
0x26: {  	[smem:$0x3F9E] =	sst s1;
	(tag) =	ssettag s2;
	_ =	strace s9  }
0x27: {  	s1 =	sld [smem:$0x3FAE]  }
0x28: {  	s2 =	sld [smem:$0x3FAF]  }
0x29: {  	s4 =	sld [smem:$0x3FB1]  }
0x2a: {  	p0 =	seq.s32 s5, $0x0;
	s5 =	sld [smem:$0x3FB2]  }
0x2b: {  	s6 =	sld [smem:$0x3FB3]  }
0x2c: {  	s7 =	sld [smem:$0x3FB4]  }
0x2d: {  	s3 =	simm.s32 $0x108;
	s8 =	sld [smem:$0x3FB5]  }
0x2e: {  	s3 =	simm.s32 @!p0 $0x1082;
	s9 =	sld [smem:$0x3FB6]  }
0x2f: {  	lr =	sadd.s32 s0, s3;
	s0 =	sld [smem:$0x3FAD]  }
0x30: {  	s3 =	sld [smem:$0x3FB0]  }
0x31: {  	[smem:$0x3FB9] =	sst s10  }
0x32: {  	s10 =	sld [smem:$0x3FB7];
	_ =	sdelay $0x3  }
0x33: {  	p0 =	seq.s32 s10, $0x1;
	s10 =	sld [smem:$0x3FB9];
	_ =	sdelay $0x3  }
0x34: {  	[smem:$0x3FB9] =	sst s10  }
0x35: {  	s10 =	sld [smem:$0x3FB8];
	_ =	sdelay $0x3  }
0x36: {  	p1 =	seq.s32 s10, $0x1;
	s10 =	sld [smem:$0x3FB9];
	_ =	sdelay $0x3  }
0x37: {  	[smem:$0x3FB9] =	sst s10  }
0x38: {  	s10 =	sld [smem:$0x3FBA]  }
0x39: {  	_ = 	snop;
	(pc) =	sbr.ind lr, $3  }
0x3a: {  	_ = 	snop  }
0x3b: {  	_ = 	snop  }
0x3c: {  	p2 =	seq.s32 s10, $0x1;
	s10 =	sld [smem:$0x3FB9]  }
0x3d: {  	_ =	shalt  }
0x3e: {  	_ =	shalt  }
0x3f: {  	_ =	shalt  }
0x40: {  	_ =	shalt  }
0x41: {  	_ =	shalt  }
0x42: {  	_ =	shalt  }
0x43: {  	_ =	shalt  }
0x44: {  	_ =	shalt  }
0x45: {  	_ =	shalt  }
0x46: {  	_ =	shalt  }
0x47: {  	_ =	shalt  }
0x48: {  	_ =	shalt  }
0x49: {  	_ =	shalt  }
0x4a: {  	_ =	shalt  }
0x4b: {  	_ =	shalt  }
0x4c: {  	_ =	shalt  }
0x4d: {  	_ =	shalt  }
0x4e: {  	_ =	shalt  }
0x4f: {  	_ =	shalt  }
0x50: {  	_ =	shalt  }
0x51: {  	_ =	shalt  }
0x52: {  	_ =	shalt  }
0x53: {  	_ =	shalt  }
0x54: {  	_ =	shalt  }
0x55: {  	_ =	shalt  }
0x56: {  	_ =	shalt  }
0x57: {  	_ =	shalt  }
0x58: {  	_ =	shalt  }
0x59: {  	_ =	shalt  }
0x5a: {  	_ =	shalt  }
0x5b: {  	_ =	shalt  }
0x5c: {  	_ =	shalt  }
0x5d: {  	_ =	shalt  }
0x5e: {  	_ =	shalt  }
0x5f: {  	_ =	shalt  }
0x60: {  	_ =	shalt  }
0x61: {  	_ =	shalt  }
0x62: {  	_ =	shalt  }
0x63: {  	_ =	shalt  }
0x64: {  	_ =	shalt  }
0x65: {  	_ =	shalt  }
0x66: {  	_ =	shalt  }
0x67: {  	_ =	shalt  }
0x68: {  	_ =	shalt  }
0x69: {  	_ =	shalt  }
0x6a: {  	_ =	shalt  }
0x6b: {  	_ =	shalt  }
0x6c: {  	_ =	shalt  }
0x6d: {  	_ =	shalt  }
0x6e: {  	_ =	shalt  }
0x6f: {  	_ =	shalt  }
0x70: {  	_ =	shalt  }
0x71: {  	_ =	shalt  }
0x72: {  	_ =	shalt  }
0x73: {  	_ =	shalt  }
0x74: {  	_ =	shalt  }
0x75: {  	_ =	shalt  }
0x76: {  	_ =	shalt  }
0x77: {  	_ =	shalt  }
0x78: {  	_ =	shalt  }
0x79: {  	_ =	shalt  }
0x7a: {  	_ =	shalt  }
0x7b: {  	_ =	shalt  }
0x7c: {  	_ =	shalt  }
0x7d: {  	_ =	shalt  }
0x7e: {  	_ =	shalt  }
0x7f: {  	_ =	shalt  }
0x80: {  	_ =	shalt  }
0x81: {  	_ =	shalt  }
0x82: {  	_ =	shalt  }
0x83: {  	_ =	shalt  }
0x84: {  	_ =	shalt  }
0x85: {  	_ =	shalt  }
0x86: {  	_ =	shalt  }
0x87: {  	_ =	shalt  }
.Lfunc_end0:
.L_simem_size_0:
called_computation_lowered:
.L_overlay_start_0:
0x88: {  	s2 =	sld [smem:$0x3FD9]  }
0x89: {  	s3 =	sld [smem:$0x3FFE];
	_ =	sdelay $0x1  }
0x8a: {  	s1 =	srdreg.scid  }
0x8b: {  	s0 =	sand.u32 $0x1, s1  }
0x8c: {  	s18 =	sshll.u32 s0, $0xA;
	s2 =	sadd.s32 s3, s2  }
0x8d: {  	s2 =	sadd.s32 s2, s18  }
0x8e: {  	[smem:$0x3FC5] =	sst s2  }
0x8f: {  	_ = 	snop  }
0x90: {  	s2 =	sld [smem:$0x3FC9]  }
0x91: {  	s19 =	sld [smem:$0x3FC8]  }
0x92: {  	s4 =	sld [smem:$0x3FC7]  }
0x93: {  	s5 =	sld [smem:$0x3FD0];
	(tm) =	ssettm $0x1  }
0x94: {  	s6 =	sld [smem:$0x3FFB];
	_ =	sdelay $0x3  }
0x95: {  	_ =	strace s6  }
0x96: {  	s6 =	sld [smem:$0x3FFC];
	_ =	sdelay $0x3  }
0x97: {  	_ =	strace s6  }
0x98: {  	s6 =	sld [smem:$0x3FFD];
	_ =	sdelay $0x3  }
0x99: {  	_ =	strace s6  }
0x9a: {  	_ =	strace $0x8FFFFFFF  }
0x9b: {  	s20 =	sld [smem:$0x3FDB];
	_ =	sdelay $0x1  }
0x9c: {  	s7 =	simm.s32 $_scs_section_size  }
0x9d: {  	s8 =	simm.s32 $_size__tile_overlayer_lowered;
	s9 =	simm.s32 $_tile_overlayer_lowered  }
0x9e: {  	s23 =	simm.s32 $0x1BFF;
	s22 =	sshll.u32 s9, $0x1;
	s6 =	sadd.s32 s7, s20  }
0x9f: {  	s10 =	simm.s32 $0x0;
	s21 =	sshll.u32 s8, $0x1;
	s8 =	sadd.s32 s22, s6  }
0xa0: {  	[timem:s10], [sflag:s23] =	dma.local [hbm:s8], s21  }
0xa1: {  	_ =	swait.ge [sflag:s23], s21  }
0xa2: {  	s7 =	ssub.s32 $0x0, s21;
	[sflag:s23] =	ssyncset.done $0x0  }
0xa3: {  	[sflag:s23] =	ssyncadd.s32 s7;
	_ =	sdelay $0x1  }
0xa4: {  	s24 =	simm.s32 $0x1B8B  }
0xa5: {  	_ =	swait.ge [sflag:s24], $0x1  }
0xa6: {  	[sflag:s24] =	ssyncset.done $0x0  }
0xa7: {  	s25 =	simm.s32 $0x1B8E;
	[sflag:s24] =	ssyncadd.s32 $0xFFFFFFFF  }
0xa8: {  	s26 =	simm.s32 $execute0_lowered;
	[smem:$0x3FD2] =	sst s25  }
0xa9: {  	s7 =	sshll.u32 s26, $0x1;
	_ =	strace $0x80000046;
	[dreg:$0x1] =	wrdreg $0xFFFFFFFF  }
0xaa: {  	s28 =	simm.s32 $_size_execute0_lowered;
	s6 =	sadd.s32 s6, s7;
	[dreg:$0x0] =	wrdreg $0x0  }
0xab: {  	s7 =	sshll.u32 s28, $0x1;
	[dreg:$0x2] =	wrdreg s6  }
0xac: {  	[dreg:$0x3] =	wrdreg s7  }
0xad: {  	[dreg:$0x4] =	wrdreg $0xC0  }
0xae: {  	_ =	task [dreg:s10], $0x5FFFF  }
0xaf: {  	[dreg:$0x1] =	wrdreg $0xFFFFFFFF  }
0xb0: {  	[dreg:$0x0] =	wrdreg $0x60  }
0xb1: {  	[dreg:$0x2] =	wrdreg s2  }
0xb2: {  	[dreg:$0x3] =	wrdreg s19  }
0xb3: {  	[dreg:$0x4] =	wrdreg s4  }
0xb4: {  	[dreg:$0x5] =	wrdreg s5  }
0xb5: {  	[dreg:$0x6] =	wrdreg $0x9  }
0xb6: {  	_ =	task.clear_ibuf [dreg:s10], $0x7FFFF;
	_ =	strace $0x90000046  }
0xb7: {  	s29 =	simm.s32 $0x9;
	_ =	strace $0x80000048  }
0xb8: {  	_ =	swait.ge [sflag:s29], $0x1  }
0xb9: {  	[sflag:s29] =	ssyncadd.s32 $0xFFFFFFFF  }
0xba: {  	_ =	strace $0x90000048  }
0xbb: {  	_ =	sfence  }
0xbc: {  	s30 =	sld [smem:$0x0];
	_ =	sdelay $0x2  }
0xbd: {  	s31 =	sshll.u32 s1, $0xD;
	s1 =	sshrl.u32 s1, $0x2  }
0xbe: {  	s3 =	sand.u32 $0x4000, s31;
	s1 =	sadd.s32 s1, s30  }
0xbf: {  	s0 =	sor.u32 s3, s0;
	s1 =	sshll.u32 s1, $0x11  }
0xc0: {  	s0 =	sor.u32 s1, s0  }
0xc1: {  	s0 =	sadd.s32 $0x8F2B, s0  }
0xc2: {  	[sflag:s0] =	ssyncadd.remote.s32 $0x1  }
0xc3: {  	_ =	sfence.sel $0xFFFF  }
0xc4: {  	[dreg:$0x0] =	wrdreg $0xFFFFFFFF;
	(pc) =	sbr.abs _section_cstart, $3  }
0xc5: {  	[dreg:$0x1] =	wrdreg $0xFFFFFFFF  }
0xc6: {  	_ =	task.clear_ibuf [dreg:s10], $0x2FFFF;
	_ =	strace $0x9FFFFFFF  }
0xc7: {  	(tm) =	ssettm $0x7FFFFFFF  }
tec
execute0_lowered:
.L_overlay_start_1:
0x0: {  	(tag) =	ssettag $0x1  }
0x1: {  	s0 =	rddreg [dreg:$0x0]  }
0x2: {  	s1 =	rddreg [dreg:$0x1]  }
0x3: {  	s3 =	rddreg [dreg:$0x2]  }
0x4: {  	s4 =	rddreg [dreg:$0x3]  }
0x5: {  	s2 =	srdreg.scid;
	s6 =	stileid.u32  }
0x6: {  	s5 =	simm.s32 $0x0;
	s28 =	simm.s32 $0x6100;
	s22 =	simm.s32 $0xA100  }
0x7: {  	s17 =	simm.s32 $0xC100;
	s31 =	simm.s32 $0x10100;
	s12 =	simm.s32 $0x13100  }
0x8: {  	s13 =	simm.s32 $0x13900;
	s18 =	simm.s32 $0x2100;
	s19 =	simm.s32 $0x1  }
0x9: {  	s20 =	simm.s32 $0x0;
	s2 =	sand.u32 $0x1, s2;
	s6 =	sshll.u32 s6, $0x7  }
0xa: {  	[smem:$0x7FF] =	sst s5;
	s14 =	sadd.s32 $0x100, s1;
	s15 =	sadd.s32 $0x200, s1  }
0xb: {  	s16 =	sadd.s32 $0x300, s1;
	s7 =	sshll.u32 s2, $0x6;
	s2 =	ssub.s32 $0x2, s2  }
0xc: {  	_ =	strace $0x80000047;
	s6 =	sor.u32 s7, s6;
	s23 =	sshrl.u32 s2, $0x1  }
0xd: {  	s8 =	sshrl.u32 s6, $0x3;
	s2 =	ssub.s32 s2, s23;
	s9 =	sor.u32 $0x1000, s6  }
0xe: {  	s10 =	sor.u32 $0x1800, s6;
	s29 =	sshll.u32 s6, $0x7;
	s23 =	simm.s32 $0x4100  }
0xf: {  	s24 =	sadd.s32 s0, s8;
	s8 =	sor.u32 $0x800, s6;
	s26 =	sshrl.u32 s9, $0x3  }
0x10: {  	s30 =	smax.u32 s2, $0x1;
	[dreg:$0x5] =	wrdreg s24;
	s25 =	sshrl.u32 s8, $0x3  }
0x11: {  	v0 =	vlaneseq.u32;
	s11 =	sshrl.u32 s10, $0x3;
	[dreg:$0xa] =	wrdreg s30;
	s7 =	sadd.s32 s0, s25  }
0x12: {  	v1 =	vshrl.u32 v0, $0x3;
	s24 =	simm.s32 $0x3;
	[dreg:$0x6] =	wrdreg s7;
	s7 =	sadd.s32 s0, s26  }
0x13: {  	v0 =	vand.u32 $0x7, v0;
	v63 =	vmul.u32 $0x8, v1;
	s25 =	simm.s32 $0xE100;
	s0 =	sadd.s32 s0, s11;
	[dreg:$0x7] =	wrdreg s7  }
0x14: {  	[tilespmem:$0x1FFE0] =	vst v0;
	s26 =	simm.s32 $0x2;
	[dreg:$0x8] =	wrdreg s0;
	s0 =	sadd.s32 s3, s29  }
0x15: {  	vm0 =	vmmov $0xffff;
	[tilespmem:$0x1FFF0] =	vst v63;
	s7 =	simm.s32 $0x12100;
	[dreg:$0x9] =	wrdreg s0;
	s0 =	simm.s32 $0x8100  }
.LBB2_1:
0x16: {  	[dreg:$0xb] =	wrdreg s20  }
0x17: {  	s2 =	rddreg [dreg:$0x5];
	s11 =	simm.s32 $0x5  }
0x18: {  	[tilespmem:s5], [sflag:$0x5] =	stream.linear.gather [hbm4b:s2+s5], $0x40, $0x38;
	[tilespmem:$0x14100] =	vst v63  }
0x19: {  	_ =	swait.ge [sflag:s11], $0x40  }
0x1a: {  	[sflag:s11] =	ssyncset.done $0x0  }
0x1b: {  	s30 =	simm.s32 $0x40;
	s21 =	rddreg [dreg:$0x6];
	[sflag:s11] =	ssyncadd.s32 $0xFFFFFFC0  }
0x1c: {  	[tilespmem:s30], [sflag:$0x5] =	stream.linear.gather [hbm4b:s21+s5], $0x40, $0x38;
	[tilespmem:$0x14100] =	vst v63  }
0x1d: {  	_ =	swait.ge [sflag:s11], $0x40  }
0x1e: {  	[sflag:s11] =	ssyncset.done $0x0  }
0x1f: {  	s30 =	simm.s32 $0x80;
	s21 =	rddreg [dreg:$0x7];
	[sflag:s11] =	ssyncadd.s32 $0xFFFFFFC0  }
0x20: {  	[tilespmem:s30], [sflag:$0x5] =	stream.linear.gather [hbm4b:s21+s5], $0x40, $0x38;
	[tilespmem:$0x14100] =	vst v63  }
0x21: {  	_ =	swait.ge [sflag:s11], $0x40  }
0x22: {  	[sflag:s11] =	ssyncset.done $0x0  }
0x23: {  	s30 =	simm.s32 $0xC0;
	s21 =	rddreg [dreg:$0x8];
	[sflag:s11] =	ssyncadd.s32 $0xFFFFFFC0  }
0x24: {  	[tilespmem:s30], [sflag:$0x5] =	stream.linear.gather [hbm4b:s21+s5], $0x40, $0x38;
	[tilespmem:$0x14100] =	vst v63  }
0x25: {  	_ =	swait.ge [sflag:s11], $0x40  }
0x26: {  	[sflag:s11] =	ssyncset.done $0x0  }
0x27: {  	[sflag:s11] =	ssyncadd.s32 $0xFFFFFFC0  }
0x28: {  	v0 =	vld.msk [tilespmem:$0x0], $0xff;
	_ =	sdelay $0x2  }
0x29: {  	v2 =	vld [tilespmem:$0x1FFE0];
	_ =	sdelay $0x1  }
0x2a: {  	v3 =	vld [tilespmem:$0x1FFF0];
	v1 =	vshll.u32 v0, $0x3  }
0x2b: {  	v0 =	vand.u32 $0x7, v0;
	v1 =	vand.u32 $0xFFFFFFC0, v1  }
0x2c: {  	v0 =	vor.u32 v0, v1  }
0x2d: {  	v0 =	vperm.xlane v0, v2;
	_ =	sdelay $0x1  }
0x2e: {  	v0 =	vadd.s32 v3, v0;
	_ =	sdelay $0x4  }
0x2f: {  	[tilespmem:s23], [sflag:$0x1] =	stream.indirect_vreg.gather [hbm4b:s1+s5], $0x80, v0, vm0, $0xb8;
	[tilespmem:$0x14100] =	vst v63  }
0x30: {  	s21 =	simm.s32 $0x4900  }
0x31: {  	[tilespmem:s21], [sflag:$0x1] =	stream.indirect_vreg.gather [hbm4b:s14+s5], $0x80, v0, vm0, $0xb8;
	[tilespmem:$0x14100] =	vst v63  }
0x32: {  	s30 =	simm.s32 $0x5100  }
0x33: {  	[tilespmem:s30], [sflag:$0x1] =	stream.indirect_vreg.gather [hbm4b:s15+s5], $0x80, v0, vm0, $0xb8;
	[tilespmem:$0x14100] =	vst v63  }
0x34: {  	s11 =	simm.s32 $0x5900  }
0x35: {  	[tilespmem:s11], [sflag:$0x1] =	stream.indirect_vreg.gather [hbm4b:s16+s5], $0x80, v0, vm0, $0xb8;
	[tilespmem:$0x14100] =	vst v63  }
0x36: {  	v0 =	vld.msk [tilespmem:$0x40], $0xff;
	_ =	sdelay $0x4  }
0x37: {  	v61 =	vshll.u32 v0, $0x3  }
0x38: {  	v0 =	vand.u32 $0x7, v0;
	v1 =	vand.u32 $0xFFFFFFC0, v61  }
0x39: {  	v0 =	vor.u32 v0, v1  }
0x3a: {  	v0 =	vperm.xlane v0, v2;
	_ =	sdelay $0x1  }
0x3b: {  	v0 =	vadd.s32 v3, v0;
	_ =	sdelay $0x4  }
0x3c: {  	[tilespmem:s28], [sflag:$0x1] =	stream.indirect_vreg.gather [hbm4b:s1+s5], $0x80, v0, vm0, $0xb8;
	[tilespmem:$0x14100] =	vst v63  }
0x3d: {  	s20 =	simm.s32 $0x6900  }
0x3e: {  	[tilespmem:s20], [sflag:$0x1] =	stream.indirect_vreg.gather [hbm4b:s14+s5], $0x80, v0, vm0, $0xb8;
	[tilespmem:$0x14100] =	vst v63  }
0x3f: {  	s21 =	simm.s32 $0x7100  }
0x40: {  	[tilespmem:s21], [sflag:$0x1] =	stream.indirect_vreg.gather [hbm4b:s15+s5], $0x80, v0, vm0, $0xb8;
	[tilespmem:$0x14100] =	vst v63  }
0x41: {  	s30 =	simm.s32 $0x7900  }
0x42: {  	[tilespmem:s30], [sflag:$0x1] =	stream.indirect_vreg.gather [hbm4b:s16+s5], $0x80, v0, vm0, $0xb8;
	[tilespmem:$0x14100] =	vst v63  }
0x43: {  	v0 =	vld.msk [tilespmem:$0x80], $0xff;
	_ =	sdelay $0x4  }
0x44: {  	v62 =	vshll.u32 v0, $0x3  }
0x45: {  	v0 =	vand.u32 $0x7, v0;
	v1 =	vand.u32 $0xFFFFFFC0, v62  }
0x46: {  	v0 =	vor.u32 v0, v1  }
0x47: {  	v0 =	vperm.xlane v0, v2;
	_ =	sdelay $0x1  }
0x48: {  	v0 =	vadd.s32 v3, v0;
	_ =	sdelay $0x4  }
0x49: {  	[tilespmem:s0], [sflag:$0x1] =	stream.indirect_vreg.gather [hbm4b:s1+s5], $0x80, v0, vm0, $0xb8;
	[tilespmem:$0x14100] =	vst v63  }
0x4a: {  	s11 =	simm.s32 $0x8900  }
0x4b: {  	[tilespmem:s11], [sflag:$0x1] =	stream.indirect_vreg.gather [hbm4b:s14+s5], $0x80, v0, vm0, $0xb8;
	[tilespmem:$0x14100] =	vst v63  }
0x4c: {  	s20 =	simm.s32 $0x9100  }
0x4d: {  	[tilespmem:s20], [sflag:$0x1] =	stream.indirect_vreg.gather [hbm4b:s15+s5], $0x80, v0, vm0, $0xb8;
	[tilespmem:$0x14100] =	vst v63  }
0x4e: {  	s21 =	simm.s32 $0x9900  }
0x4f: {  	[tilespmem:s21], [sflag:$0x1] =	stream.indirect_vreg.gather [hbm4b:s16+s5], $0x80, v0, vm0, $0xb8;
	[tilespmem:$0x14100] =	vst v63  }
0x50: {  	v0 =	vld.msk [tilespmem:$0xC0], $0xff;
	_ =	sdelay $0x4  }
0x51: {  	v63 =	vshll.u32 v0, $0x3  }
0x52: {  	v0 =	vand.u32 $0x7, v0;
	v1 =	vand.u32 $0xFFFFFFC0, v63  }
0x53: {  	v0 =	vor.u32 v0, v1  }
0x54: {  	v0 =	vperm.xlane v0, v2;
	_ =	sdelay $0x1  }
0x55: {  	v0 =	vadd.s32 v3, v0;
	_ =	sdelay $0x4  }
0x56: {  	[tilespmem:s22], [sflag:$0x1] =	stream.indirect_vreg.gather [hbm4b:s1+s5], $0x80, v0, vm0, $0xb8;
	[tilespmem:$0x14100] =	vst v63  }
0x57: {  	s30 =	simm.s32 $0xA900  }
0x58: {  	[tilespmem:s30], [sflag:$0x1] =	stream.indirect_vreg.gather [hbm4b:s14+s5], $0x80, v0, vm0, $0xb8;
	[tilespmem:$0x14100] =	vst v63  }
0x59: {  	s11 =	simm.s32 $0xB100  }
0x5a: {  	[tilespmem:s11], [sflag:$0x1] =	stream.indirect_vreg.gather [hbm4b:s15+s5], $0x80, v0, vm0, $0xb8;
	[tilespmem:$0x14100] =	vst v63  }
0x5b: {  	s20 =	simm.s32 $0xB900  }
0x5c: {  	[tilespmem:s20], [sflag:$0x1] =	stream.indirect_vreg.gather [hbm4b:s16+s5], $0x80, v0, vm0, $0xb8;
	[tilespmem:$0x14100] =	vst v63  }
0x5d: {  	s29 =	simm.s32 $0x0;
	s21 =	rddreg [dreg:$0x9];
	s30 =	simm.s32 $0x100  }
0x5e: {  	[tilespmem:s30], [sflag:$0x1] =	stream.linear.gather [hbm4b:s21+s5], $0x2000, $0x38;
	[tilespmem:$0x14100] =	vst v63  }
.LBB2_2:
0x5f: {  	p0 =	seq.s32 s29, $0x0  }
0x60: {  	s2 =	simm.s32 @!p0 $0x4  }
0x61: {  	_ =	swait.ge @!p0 [sflag:s2], $0x2000  }
0x62: {  	[sflag:s2] =	ssyncset.done @!p0 $0x0  }
0x63: {  	[sflag:s2] =	ssyncadd.s32 @!p0 $0xFFFFE000  }
0x64: {  	_ =	swait.ge @!p0 [sflag:s2], $0x2000  }
0x65: {  	[sflag:s2] =	ssyncset.done @!p0 $0x0  }
0x66: {  	[sflag:s2] =	ssyncadd.s32 @!p0 $0xFFFFE000  }
0x67: {  	_ =	swait.ge @!p0 [sflag:s2], $0x2000  }
0x68: {  	[sflag:s2] =	ssyncset.done @!p0 $0x0  }
0x69: {  	[sflag:s2] =	ssyncadd.s32 @!p0 $0xFFFFE000  }
0x6a: {  	_ =	swait.ge @!p0 [sflag:s2], $0x2000  }
0x6b: {  	s20 =	sshll.u32 s29, $0x4;
	[sflag:s2] =	ssyncset.done @!p0 $0x0  }
0x6c: {  	s30 =	sor.u32 $0x8, s20;
	[sflag:s2] =	ssyncadd.s32 @!p0 $0xFFFFE000  }
0x6d: {  	v0 =	vld.msk [tilespmem:s30+$0x0], $0xff;
	_ =	sdelay $0x2  }
0x6e: {  	v2 =	vld [tilespmem:$0x1FFE0];
	_ =	sdelay $0x1  }
0x6f: {  	v3 =	vld [tilespmem:$0x1FFF0];
	v1 =	vshll.u32 v0, $0x3  }
0x70: {  	v0 =	vand.u32 $0x7, v0;
	v1 =	vand.u32 $0xFFFFFFC0, v1  }
0x71: {  	v0 =	vor.u32 v0, v1  }
0x72: {  	v0 =	vperm.xlane v0, v2;
	_ =	sdelay $0x1  }
0x73: {  	v0 =	vadd.s32 v3, v0;
	_ =	sdelay $0x3  }
0x74: {  	s11 =	simm.s32 $0x0  }
0x75: {  	[tilespmem:s17], [sflag:$0x2] =	stream.indirect_vreg.gather [hbm4b:s1+s11], $0x80, v0, vm0, $0xb8;
	[tilespmem:$0x14100] =	vst v63  }
0x76: {  	s21 =	simm.s32 $0xC900  }
0x77: {  	[tilespmem:s21], [sflag:$0x2] =	stream.indirect_vreg.gather [hbm4b:s14+s11], $0x80, v0, vm0, $0xb8;
	[tilespmem:$0x14100] =	vst v63  }
0x78: {  	s21 =	simm.s32 $0xD100  }
0x79: {  	[tilespmem:s21], [sflag:$0x2] =	stream.indirect_vreg.gather [hbm4b:s15+s11], $0x80, v0, vm0, $0xb8;
	[tilespmem:$0x14100] =	vst v63  }
0x7a: {  	s21 =	simm.s32 $0xD900  }
0x7b: {  	[tilespmem:s21], [sflag:$0x2] =	stream.indirect_vreg.gather [hbm4b:s16+s11], $0x80, v0, vm0, $0xb8;
	[tilespmem:$0x14100] =	vst v63  }
0x7c: {  	v0 =	vld.msk [tilespmem:s20+$0x48], $0xff;
	_ =	sdelay $0x4  }
0x7d: {  	v61 =	vshll.u32 v0, $0x3  }
0x7e: {  	v0 =	vand.u32 $0x7, v0;
	v1 =	vand.u32 $0xFFFFFFC0, v61  }
0x7f: {  	v0 =	vor.u32 v0, v1  }
0x80: {  	v0 =	vperm.xlane v0, v2;
	_ =	sdelay $0x1  }
0x81: {  	v0 =	vadd.s32 v3, v0;
	_ =	sdelay $0x4  }
0x82: {  	[tilespmem:s25], [sflag:$0x2] =	stream.indirect_vreg.gather [hbm4b:s1+s11], $0x80, v0, vm0, $0xb8;
	[tilespmem:$0x14100] =	vst v63  }
0x83: {  	s21 =	simm.s32 $0xE900  }
0x84: {  	[tilespmem:s21], [sflag:$0x2] =	stream.indirect_vreg.gather [hbm4b:s14+s11], $0x80, v0, vm0, $0xb8;
	[tilespmem:$0x14100] =	vst v63  }
0x85: {  	s21 =	simm.s32 $0xF100  }
0x86: {  	[tilespmem:s21], [sflag:$0x2] =	stream.indirect_vreg.gather [hbm4b:s15+s11], $0x80, v0, vm0, $0xb8;
	[tilespmem:$0x14100] =	vst v63  }
0x87: {  	s21 =	simm.s32 $0xF900  }
0x88: {  	[tilespmem:s21], [sflag:$0x2] =	stream.indirect_vreg.gather [hbm4b:s16+s11], $0x80, v0, vm0, $0xb8;
	[tilespmem:$0x14100] =	vst v63  }
0x89: {  	v0 =	vld.msk [tilespmem:s20+$0x88], $0xff;
	_ =	sdelay $0x4  }
0x8a: {  	v62 =	vshll.u32 v0, $0x3  }
0x8b: {  	v0 =	vand.u32 $0x7, v0;
	v1 =	vand.u32 $0xFFFFFFC0, v62  }
0x8c: {  	v0 =	vor.u32 v0, v1  }
0x8d: {  	v0 =	vperm.xlane v0, v2;
	_ =	sdelay $0x1  }
0x8e: {  	v0 =	vadd.s32 v3, v0;
	_ =	sdelay $0x4  }
0x8f: {  	[tilespmem:s31], [sflag:$0x2] =	stream.indirect_vreg.gather [hbm4b:s1+s11], $0x80, v0, vm0, $0xb8;
	[tilespmem:$0x14100] =	vst v63  }
0x90: {  	s21 =	simm.s32 $0x10900  }
0x91: {  	[tilespmem:s21], [sflag:$0x2] =	stream.indirect_vreg.gather [hbm4b:s14+s11], $0x80, v0, vm0, $0xb8;
	[tilespmem:$0x14100] =	vst v63  }
0x92: {  	s21 =	simm.s32 $0x11100  }
0x93: {  	[tilespmem:s21], [sflag:$0x2] =	stream.indirect_vreg.gather [hbm4b:s15+s11], $0x80, v0, vm0, $0xb8;
	[tilespmem:$0x14100] =	vst v63  }
0x94: {  	s21 =	simm.s32 $0x11900  }
0x95: {  	[tilespmem:s21], [sflag:$0x2] =	stream.indirect_vreg.gather [hbm4b:s16+s11], $0x80, v0, vm0, $0xb8;
	[tilespmem:$0x14100] =	vst v63  }
0x96: {  	v0 =	vld.msk [tilespmem:s20+$0xC8], $0xff;
	_ =	sdelay $0x4  }
0x97: {  	v63 =	vshll.u32 v0, $0x3  }
0x98: {  	v0 =	vand.u32 $0x7, v0;
	v1 =	vand.u32 $0xFFFFFFC0, v63  }
0x99: {  	v0 =	vor.u32 v0, v1  }
0x9a: {  	v0 =	vperm.xlane v0, v2;
	_ =	sdelay $0x1  }
0x9b: {  	v0 =	vadd.s32 v3, v0;
	_ =	sdelay $0x4  }
0x9c: {  	[tilespmem:s7], [sflag:$0x2] =	stream.indirect_vreg.gather [hbm4b:s1+s11], $0x80, v0, vm0, $0xb8;
	[tilespmem:$0x14100] =	vst v63  }
0x9d: {  	s21 =	simm.s32 $0x12900  }
0x9e: {  	[tilespmem:s21], [sflag:$0x2] =	stream.indirect_vreg.gather [hbm4b:s14+s11], $0x80, v0, vm0, $0xb8;
	[tilespmem:$0x14100] =	vst v63  }
0x9f: {  	s21 =	sor.u32 s6, s30  }
0xa0: {  	[tilespmem:s12], [sflag:$0x2] =	stream.indirect_vreg.gather [hbm4b:s15+s11], $0x80, v0, vm0, $0xb8;
	[tilespmem:$0x14100] =	vst v63  }
0xa1: {  	s2 =	sshll.u32 s21, $0x7  }
0xa2: {  	[tilespmem:s13], [sflag:$0x2] =	stream.indirect_vreg.gather [hbm4b:s16+s11], $0x80, v0, vm0, $0xb8;
	[tilespmem:$0x14100] =	vst v63  }
0xa3: {  	s21 =	sadd.s32 s3, s2  }
0xa4: {  	[tilespmem:s18], [sflag:$0x2] =	stream.linear.gather [hbm4b:s21+s11], $0x2000, $0x38;
	[tilespmem:$0x14100] =	vst v63  }
0xa5: {  	_ =	swait.ge [sflag:s19], $0x2000  }
0xa6: {  	[sflag:s19] =	ssyncset.done $0x0  }
0xa7: {  	[sflag:s19] =	ssyncadd.s32 $0xFFFFE000  }
0xa8: {  	_ =	swait.ge [sflag:s19], $0x2000  }
0xa9: {  	[sflag:s19] =	ssyncset.done $0x0  }
0xaa: {  	[sflag:s19] =	ssyncadd.s32 $0xFFFFE000  }
0xab: {  	_ =	swait.ge [sflag:s19], $0x2000  }
0xac: {  	[sflag:s19] =	ssyncset.done $0x0  }
0xad: {  	[sflag:s19] =	ssyncadd.s32 $0xFFFFE000  }
0xae: {  	_ =	swait.ge [sflag:s19], $0x2000  }
0xaf: {  	[sflag:s19] =	ssyncset.done $0x0  }
0xb0: {  	[sflag:s19] =	ssyncadd.s32 $0xFFFFE000  }
0xb1: {  	_ =	swait.ge [sflag:s19], $0x2000  }
0xb2: {  	[sflag:s19] =	ssyncset.done $0x0  }
0xb3: {  	s21 =	simm.s32 $0x0;
	s11 =	simm.s32 $0x1;
	[sflag:s19] =	ssyncadd.s32 $0xFFFFE000  }
.LBB2_3:
0xb4: {  	p0 =	sne.s32 s11, $0x7;
	v2 =	vld [tilespmem:s21+$0x1D70]  }
0xb5: {  	v1 =	vld [tilespmem:s21+$0x100]  }
0xb6: {  	v0 =	vld [tilespmem:s21+$0x110]  }
0xb7: {  	v63 =	vld [tilespmem:s21+$0x120]  }
0xb8: {  	v62 =	vld [tilespmem:s21+$0x130]  }
0xb9: {  	[tilespmem:s21+$0xBD70] =	vst.add.f32.msk $0xffff, v2  }
0xba: {  	v61 =	vld [tilespmem:s21+$0x140]  }
0xbb: {  	v60 =	vld [tilespmem:s21+$0x150]  }
0xbc: {  	v59 =	vld [tilespmem:s21+$0x160]  }
0xbd: {  	v58 =	vld [tilespmem:s21+$0x170]  }
0xbe: {  	v57 =	vld [tilespmem:s21+$0x500]  }
0xbf: {  	v56 =	vld [tilespmem:s21+$0x510]  }
0xc0: {  	v55 =	vld [tilespmem:s21+$0x520]  }
0xc1: {  	v54 =	vld [tilespmem:s21+$0x530]  }
0xc2: {  	v53 =	vld [tilespmem:s21+$0x540]  }
0xc3: {  	v52 =	vld [tilespmem:s21+$0x550]  }
0xc4: {  	v51 =	vld [tilespmem:s21+$0x560]  }
0xc5: {  	v50 =	vld [tilespmem:s21+$0x570]  }
0xc6: {  	v49 =	vld [tilespmem:s21+$0x900]  }
0xc7: {  	v48 =	vld [tilespmem:s21+$0x910]  }
0xc8: {  	v47 =	vld [tilespmem:s21+$0x920]  }
0xc9: {  	v46 =	vld [tilespmem:s21+$0x930]  }
0xca: {  	v45 =	vld [tilespmem:s21+$0x940]  }
0xcb: {  	v44 =	vld [tilespmem:s21+$0x950]  }
0xcc: {  	v43 =	vld [tilespmem:s21+$0x960]  }
0xcd: {  	v42 =	vld [tilespmem:s21+$0x970]  }
0xce: {  	v41 =	vld [tilespmem:s21+$0xD00]  }
0xcf: {  	v40 =	vld [tilespmem:s21+$0xD10]  }
0xd0: {  	v39 =	vld [tilespmem:s21+$0xD20]  }
0xd1: {  	v38 =	vld [tilespmem:s21+$0xD30]  }
0xd2: {  	v37 =	vld [tilespmem:s21+$0xD40]  }
0xd3: {  	v36 =	vld [tilespmem:s21+$0xD50]  }
0xd4: {  	v35 =	vld [tilespmem:s21+$0xD60]  }
0xd5: {  	v34 =	vld [tilespmem:s21+$0xD70]  }
0xd6: {  	v33 =	vld [tilespmem:s21+$0x1100]  }
0xd7: {  	v32 =	vld [tilespmem:s21+$0x1110]  }
0xd8: {  	v31 =	vld [tilespmem:s21+$0x1120]  }
0xd9: {  	v30 =	vld [tilespmem:s21+$0x1130]  }
0xda: {  	v29 =	vld [tilespmem:s21+$0x1140]  }
0xdb: {  	v28 =	vld [tilespmem:s21+$0x1150]  }
0xdc: {  	v27 =	vld [tilespmem:s21+$0x1160]  }
0xdd: {  	v26 =	vld [tilespmem:s21+$0x1170]  }
0xde: {  	v25 =	vld [tilespmem:s21+$0x1500]  }
0xdf: {  	v24 =	vld [tilespmem:s21+$0x1510]  }
0xe0: {  	v23 =	vld [tilespmem:s21+$0x1520]  }
0xe1: {  	v22 =	vld [tilespmem:s21+$0x1530]  }
0xe2: {  	v21 =	vld [tilespmem:s21+$0x1540]  }
0xe3: {  	v20 =	vld [tilespmem:s21+$0x1550]  }
0xe4: {  	v19 =	vld [tilespmem:s21+$0x1560]  }
0xe5: {  	v18 =	vld [tilespmem:s21+$0x1570]  }
0xe6: {  	v17 =	vld [tilespmem:s21+$0x1900]  }
0xe7: {  	v16 =	vld [tilespmem:s21+$0x1910]  }
0xe8: {  	v15 =	vld [tilespmem:s21+$0x1920]  }
0xe9: {  	v14 =	vld [tilespmem:s21+$0x1930]  }
0xea: {  	v13 =	vld [tilespmem:s21+$0x1940]  }
0xeb: {  	v12 =	vld [tilespmem:s21+$0x1950]  }
0xec: {  	v11 =	vld [tilespmem:s21+$0x1960]  }
0xed: {  	v10 =	vld [tilespmem:s21+$0x1970]  }
0xee: {  	v9 =	vld [tilespmem:s21+$0x1D00]  }
0xef: {  	v8 =	vld [tilespmem:s21+$0x1D10]  }
0xf0: {  	v7 =	vld [tilespmem:s21+$0x1D20]  }
0xf1: {  	v6 =	vld [tilespmem:s21+$0x1D30]  }
0xf2: {  	v5 =	vld [tilespmem:s21+$0x1D40]  }
0xf3: {  	v4 =	vld [tilespmem:s21+$0x1D50]  }
0xf4: {  	v3 =	vld [tilespmem:s21+$0x1D60]  }
0xf5: {  	[tilespmem:s21+$0x4100] =	vst.add.f32.msk $0xffff, v1  }
0xf6: {  	[tilespmem:s21+$0x6100] =	vst.add.f32.msk $0xffff, v1  }
0xf7: {  	[tilespmem:s21+$0x8100] =	vst.add.f32.msk $0xffff, v1  }
0xf8: {  	[tilespmem:s21+$0xA100] =	vst.add.f32.msk $0xffff, v1  }
0xf9: {  	[tilespmem:s21+$0x4110] =	vst.add.f32.msk $0xffff, v0  }
0xfa: {  	[tilespmem:s21+$0x6110] =	vst.add.f32.msk $0xffff, v0  }
0xfb: {  	[tilespmem:s21+$0x8110] =	vst.add.f32.msk $0xffff, v0  }
0xfc: {  	[tilespmem:s21+$0xA110] =	vst.add.f32.msk $0xffff, v0  }
0xfd: {  	[tilespmem:s21+$0x4120] =	vst.add.f32.msk $0xffff, v63  }
0xfe: {  	[tilespmem:s21+$0x6120] =	vst.add.f32.msk $0xffff, v63  }
0xff: {  	[tilespmem:s21+$0x8120] =	vst.add.f32.msk $0xffff, v63  }
0x100: {  	[tilespmem:s21+$0xA120] =	vst.add.f32.msk $0xffff, v63  }
0x101: {  	[tilespmem:s21+$0x4130] =	vst.add.f32.msk $0xffff, v62  }
0x102: {  	[tilespmem:s21+$0x6130] =	vst.add.f32.msk $0xffff, v62  }
0x103: {  	[tilespmem:s21+$0x8130] =	vst.add.f32.msk $0xffff, v62  }
0x104: {  	[tilespmem:s21+$0xA130] =	vst.add.f32.msk $0xffff, v62  }
0x105: {  	[tilespmem:s21+$0x4140] =	vst.add.f32.msk $0xffff, v61  }
0x106: {  	[tilespmem:s21+$0x6140] =	vst.add.f32.msk $0xffff, v61  }
0x107: {  	[tilespmem:s21+$0x8140] =	vst.add.f32.msk $0xffff, v61  }
0x108: {  	[tilespmem:s21+$0xA140] =	vst.add.f32.msk $0xffff, v61  }
0x109: {  	[tilespmem:s21+$0x4150] =	vst.add.f32.msk $0xffff, v60  }
0x10a: {  	[tilespmem:s21+$0x6150] =	vst.add.f32.msk $0xffff, v60  }
0x10b: {  	[tilespmem:s21+$0x8150] =	vst.add.f32.msk $0xffff, v60  }
0x10c: {  	[tilespmem:s21+$0xA150] =	vst.add.f32.msk $0xffff, v60  }
0x10d: {  	[tilespmem:s21+$0x4160] =	vst.add.f32.msk $0xffff, v59  }
0x10e: {  	[tilespmem:s21+$0x6160] =	vst.add.f32.msk $0xffff, v59  }
0x10f: {  	[tilespmem:s21+$0x8160] =	vst.add.f32.msk $0xffff, v59  }
0x110: {  	[tilespmem:s21+$0xA160] =	vst.add.f32.msk $0xffff, v59  }
0x111: {  	[tilespmem:s21+$0x4170] =	vst.add.f32.msk $0xffff, v58  }
0x112: {  	[tilespmem:s21+$0x6170] =	vst.add.f32.msk $0xffff, v58  }
0x113: {  	[tilespmem:s21+$0x8170] =	vst.add.f32.msk $0xffff, v58  }
0x114: {  	[tilespmem:s21+$0xA170] =	vst.add.f32.msk $0xffff, v58  }
0x115: {  	[tilespmem:s21+$0x4500] =	vst.add.f32.msk $0xffff, v57  }
0x116: {  	[tilespmem:s21+$0x6500] =	vst.add.f32.msk $0xffff, v57  }
0x117: {  	[tilespmem:s21+$0x8500] =	vst.add.f32.msk $0xffff, v57  }
0x118: {  	[tilespmem:s21+$0xA500] =	vst.add.f32.msk $0xffff, v57  }
0x119: {  	[tilespmem:s21+$0x4510] =	vst.add.f32.msk $0xffff, v56  }
0x11a: {  	[tilespmem:s21+$0x6510] =	vst.add.f32.msk $0xffff, v56  }
0x11b: {  	[tilespmem:s21+$0x8510] =	vst.add.f32.msk $0xffff, v56  }
0x11c: {  	[tilespmem:s21+$0xA510] =	vst.add.f32.msk $0xffff, v56  }
0x11d: {  	[tilespmem:s21+$0x4520] =	vst.add.f32.msk $0xffff, v55  }
0x11e: {  	[tilespmem:s21+$0x6520] =	vst.add.f32.msk $0xffff, v55  }
0x11f: {  	[tilespmem:s21+$0x8520] =	vst.add.f32.msk $0xffff, v55  }
0x120: {  	[tilespmem:s21+$0xA520] =	vst.add.f32.msk $0xffff, v55  }
0x121: {  	[tilespmem:s21+$0x4530] =	vst.add.f32.msk $0xffff, v54  }
0x122: {  	[tilespmem:s21+$0x6530] =	vst.add.f32.msk $0xffff, v54  }
0x123: {  	[tilespmem:s21+$0x8530] =	vst.add.f32.msk $0xffff, v54  }
0x124: {  	[tilespmem:s21+$0xA530] =	vst.add.f32.msk $0xffff, v54  }
0x125: {  	[tilespmem:s21+$0x4540] =	vst.add.f32.msk $0xffff, v53  }
0x126: {  	[tilespmem:s21+$0x6540] =	vst.add.f32.msk $0xffff, v53  }
0x127: {  	[tilespmem:s21+$0x8540] =	vst.add.f32.msk $0xffff, v53  }
0x128: {  	[tilespmem:s21+$0xA540] =	vst.add.f32.msk $0xffff, v53  }
0x129: {  	[tilespmem:s21+$0x4550] =	vst.add.f32.msk $0xffff, v52  }
0x12a: {  	[tilespmem:s21+$0x6550] =	vst.add.f32.msk $0xffff, v52  }
0x12b: {  	[tilespmem:s21+$0x8550] =	vst.add.f32.msk $0xffff, v52  }
0x12c: {  	[tilespmem:s21+$0xA550] =	vst.add.f32.msk $0xffff, v52  }
0x12d: {  	[tilespmem:s21+$0x4560] =	vst.add.f32.msk $0xffff, v51  }
0x12e: {  	[tilespmem:s21+$0x6560] =	vst.add.f32.msk $0xffff, v51  }
0x12f: {  	[tilespmem:s21+$0x8560] =	vst.add.f32.msk $0xffff, v51  }
0x130: {  	[tilespmem:s21+$0xA560] =	vst.add.f32.msk $0xffff, v51  }
0x131: {  	[tilespmem:s21+$0x4570] =	vst.add.f32.msk $0xffff, v50  }
0x132: {  	[tilespmem:s21+$0x6570] =	vst.add.f32.msk $0xffff, v50  }
0x133: {  	[tilespmem:s21+$0x8570] =	vst.add.f32.msk $0xffff, v50  }
0x134: {  	[tilespmem:s21+$0xA570] =	vst.add.f32.msk $0xffff, v50  }
0x135: {  	[tilespmem:s21+$0x4900] =	vst.add.f32.msk $0xffff, v49  }
0x136: {  	[tilespmem:s21+$0x6900] =	vst.add.f32.msk $0xffff, v49  }
0x137: {  	[tilespmem:s21+$0x8900] =	vst.add.f32.msk $0xffff, v49  }
0x138: {  	[tilespmem:s21+$0xA900] =	vst.add.f32.msk $0xffff, v49  }
0x139: {  	[tilespmem:s21+$0x4910] =	vst.add.f32.msk $0xffff, v48  }
0x13a: {  	[tilespmem:s21+$0x6910] =	vst.add.f32.msk $0xffff, v48  }
0x13b: {  	[tilespmem:s21+$0x8910] =	vst.add.f32.msk $0xffff, v48  }
0x13c: {  	[tilespmem:s21+$0xA910] =	vst.add.f32.msk $0xffff, v48  }
0x13d: {  	[tilespmem:s21+$0x4920] =	vst.add.f32.msk $0xffff, v47  }
0x13e: {  	[tilespmem:s21+$0x6920] =	vst.add.f32.msk $0xffff, v47  }
0x13f: {  	[tilespmem:s21+$0x8920] =	vst.add.f32.msk $0xffff, v47  }
0x140: {  	[tilespmem:s21+$0xA920] =	vst.add.f32.msk $0xffff, v47  }
0x141: {  	[tilespmem:s21+$0x4930] =	vst.add.f32.msk $0xffff, v46  }
0x142: {  	[tilespmem:s21+$0x6930] =	vst.add.f32.msk $0xffff, v46  }
0x143: {  	[tilespmem:s21+$0x8930] =	vst.add.f32.msk $0xffff, v46  }
0x144: {  	[tilespmem:s21+$0xA930] =	vst.add.f32.msk $0xffff, v46  }
0x145: {  	[tilespmem:s21+$0x4940] =	vst.add.f32.msk $0xffff, v45  }
0x146: {  	[tilespmem:s21+$0x6940] =	vst.add.f32.msk $0xffff, v45  }
0x147: {  	[tilespmem:s21+$0x8940] =	vst.add.f32.msk $0xffff, v45  }
0x148: {  	[tilespmem:s21+$0xA940] =	vst.add.f32.msk $0xffff, v45  }
0x149: {  	[tilespmem:s21+$0x4950] =	vst.add.f32.msk $0xffff, v44  }
0x14a: {  	[tilespmem:s21+$0x6950] =	vst.add.f32.msk $0xffff, v44  }
0x14b: {  	[tilespmem:s21+$0x8950] =	vst.add.f32.msk $0xffff, v44  }
0x14c: {  	[tilespmem:s21+$0xA950] =	vst.add.f32.msk $0xffff, v44  }
0x14d: {  	[tilespmem:s21+$0x4960] =	vst.add.f32.msk $0xffff, v43  }
0x14e: {  	[tilespmem:s21+$0x6960] =	vst.add.f32.msk $0xffff, v43  }
0x14f: {  	[tilespmem:s21+$0x8960] =	vst.add.f32.msk $0xffff, v43  }
0x150: {  	[tilespmem:s21+$0xA960] =	vst.add.f32.msk $0xffff, v43  }
0x151: {  	[tilespmem:s21+$0x4970] =	vst.add.f32.msk $0xffff, v42  }
0x152: {  	[tilespmem:s21+$0x6970] =	vst.add.f32.msk $0xffff, v42  }
0x153: {  	[tilespmem:s21+$0x8970] =	vst.add.f32.msk $0xffff, v42  }
0x154: {  	[tilespmem:s21+$0xA970] =	vst.add.f32.msk $0xffff, v42  }
0x155: {  	[tilespmem:s21+$0x4D00] =	vst.add.f32.msk $0xffff, v41  }
0x156: {  	[tilespmem:s21+$0x6D00] =	vst.add.f32.msk $0xffff, v41  }
0x157: {  	[tilespmem:s21+$0x8D00] =	vst.add.f32.msk $0xffff, v41  }
0x158: {  	[tilespmem:s21+$0xAD00] =	vst.add.f32.msk $0xffff, v41  }
0x159: {  	[tilespmem:s21+$0x4D10] =	vst.add.f32.msk $0xffff, v40  }
0x15a: {  	[tilespmem:s21+$0x6D10] =	vst.add.f32.msk $0xffff, v40  }
0x15b: {  	[tilespmem:s21+$0x8D10] =	vst.add.f32.msk $0xffff, v40  }
0x15c: {  	[tilespmem:s21+$0xAD10] =	vst.add.f32.msk $0xffff, v40  }
0x15d: {  	[tilespmem:s21+$0x4D20] =	vst.add.f32.msk $0xffff, v39  }
0x15e: {  	[tilespmem:s21+$0x6D20] =	vst.add.f32.msk $0xffff, v39  }
0x15f: {  	[tilespmem:s21+$0x8D20] =	vst.add.f32.msk $0xffff, v39  }
0x160: {  	[tilespmem:s21+$0xAD20] =	vst.add.f32.msk $0xffff, v39  }
0x161: {  	[tilespmem:s21+$0x4D30] =	vst.add.f32.msk $0xffff, v38  }
0x162: {  	[tilespmem:s21+$0x6D30] =	vst.add.f32.msk $0xffff, v38  }
0x163: {  	[tilespmem:s21+$0x8D30] =	vst.add.f32.msk $0xffff, v38  }
0x164: {  	[tilespmem:s21+$0xAD30] =	vst.add.f32.msk $0xffff, v38  }
0x165: {  	[tilespmem:s21+$0x4D40] =	vst.add.f32.msk $0xffff, v37  }
0x166: {  	[tilespmem:s21+$0x6D40] =	vst.add.f32.msk $0xffff, v37  }
0x167: {  	[tilespmem:s21+$0x8D40] =	vst.add.f32.msk $0xffff, v37  }
0x168: {  	[tilespmem:s21+$0xAD40] =	vst.add.f32.msk $0xffff, v37  }
0x169: {  	[tilespmem:s21+$0x4D50] =	vst.add.f32.msk $0xffff, v36  }
0x16a: {  	[tilespmem:s21+$0x6D50] =	vst.add.f32.msk $0xffff, v36  }
0x16b: {  	[tilespmem:s21+$0x8D50] =	vst.add.f32.msk $0xffff, v36  }
0x16c: {  	[tilespmem:s21+$0xAD50] =	vst.add.f32.msk $0xffff, v36  }
0x16d: {  	[tilespmem:s21+$0x4D60] =	vst.add.f32.msk $0xffff, v35  }
0x16e: {  	[tilespmem:s21+$0x6D60] =	vst.add.f32.msk $0xffff, v35  }
0x16f: {  	[tilespmem:s21+$0x8D60] =	vst.add.f32.msk $0xffff, v35  }
0x170: {  	[tilespmem:s21+$0xAD60] =	vst.add.f32.msk $0xffff, v35  }
0x171: {  	[tilespmem:s21+$0x4D70] =	vst.add.f32.msk $0xffff, v34  }
0x172: {  	[tilespmem:s21+$0x6D70] =	vst.add.f32.msk $0xffff, v34  }
0x173: {  	[tilespmem:s21+$0x8D70] =	vst.add.f32.msk $0xffff, v34  }
0x174: {  	[tilespmem:s21+$0xAD70] =	vst.add.f32.msk $0xffff, v34  }
0x175: {  	[tilespmem:s21+$0x5100] =	vst.add.f32.msk $0xffff, v33  }
0x176: {  	[tilespmem:s21+$0x7100] =	vst.add.f32.msk $0xffff, v33  }
0x177: {  	[tilespmem:s21+$0x9100] =	vst.add.f32.msk $0xffff, v33  }
0x178: {  	[tilespmem:s21+$0xB100] =	vst.add.f32.msk $0xffff, v33  }
0x179: {  	[tilespmem:s21+$0x5110] =	vst.add.f32.msk $0xffff, v32  }
0x17a: {  	[tilespmem:s21+$0x7110] =	vst.add.f32.msk $0xffff, v32  }
0x17b: {  	[tilespmem:s21+$0x9110] =	vst.add.f32.msk $0xffff, v32  }
0x17c: {  	[tilespmem:s21+$0xB110] =	vst.add.f32.msk $0xffff, v32  }
0x17d: {  	[tilespmem:s21+$0x5120] =	vst.add.f32.msk $0xffff, v31  }
0x17e: {  	[tilespmem:s21+$0x7120] =	vst.add.f32.msk $0xffff, v31  }
0x17f: {  	[tilespmem:s21+$0x9120] =	vst.add.f32.msk $0xffff, v31  }
0x180: {  	[tilespmem:s21+$0xB120] =	vst.add.f32.msk $0xffff, v31  }
0x181: {  	[tilespmem:s21+$0x5130] =	vst.add.f32.msk $0xffff, v30  }
0x182: {  	[tilespmem:s21+$0x7130] =	vst.add.f32.msk $0xffff, v30  }
0x183: {  	[tilespmem:s21+$0x9130] =	vst.add.f32.msk $0xffff, v30  }
0x184: {  	[tilespmem:s21+$0xB130] =	vst.add.f32.msk $0xffff, v30  }
0x185: {  	[tilespmem:s21+$0x5140] =	vst.add.f32.msk $0xffff, v29  }
0x186: {  	[tilespmem:s21+$0x7140] =	vst.add.f32.msk $0xffff, v29  }
0x187: {  	[tilespmem:s21+$0x9140] =	vst.add.f32.msk $0xffff, v29  }
0x188: {  	[tilespmem:s21+$0xB140] =	vst.add.f32.msk $0xffff, v29  }
0x189: {  	[tilespmem:s21+$0x5150] =	vst.add.f32.msk $0xffff, v28  }
0x18a: {  	[tilespmem:s21+$0x7150] =	vst.add.f32.msk $0xffff, v28  }
0x18b: {  	[tilespmem:s21+$0x9150] =	vst.add.f32.msk $0xffff, v28  }
0x18c: {  	[tilespmem:s21+$0xB150] =	vst.add.f32.msk $0xffff, v28  }
0x18d: {  	[tilespmem:s21+$0x5160] =	vst.add.f32.msk $0xffff, v27  }
0x18e: {  	[tilespmem:s21+$0x7160] =	vst.add.f32.msk $0xffff, v27  }
0x18f: {  	[tilespmem:s21+$0x9160] =	vst.add.f32.msk $0xffff, v27  }
0x190: {  	[tilespmem:s21+$0xB160] =	vst.add.f32.msk $0xffff, v27  }
0x191: {  	[tilespmem:s21+$0x5170] =	vst.add.f32.msk $0xffff, v26  }
0x192: {  	[tilespmem:s21+$0x7170] =	vst.add.f32.msk $0xffff, v26  }
0x193: {  	[tilespmem:s21+$0x9170] =	vst.add.f32.msk $0xffff, v26  }
0x194: {  	[tilespmem:s21+$0xB170] =	vst.add.f32.msk $0xffff, v26  }
0x195: {  	[tilespmem:s21+$0x5500] =	vst.add.f32.msk $0xffff, v25  }
0x196: {  	[tilespmem:s21+$0x7500] =	vst.add.f32.msk $0xffff, v25  }
0x197: {  	[tilespmem:s21+$0x9500] =	vst.add.f32.msk $0xffff, v25  }
0x198: {  	[tilespmem:s21+$0xB500] =	vst.add.f32.msk $0xffff, v25  }
0x199: {  	[tilespmem:s21+$0x5510] =	vst.add.f32.msk $0xffff, v24  }
0x19a: {  	[tilespmem:s21+$0x7510] =	vst.add.f32.msk $0xffff, v24  }
0x19b: {  	[tilespmem:s21+$0x9510] =	vst.add.f32.msk $0xffff, v24  }
0x19c: {  	[tilespmem:s21+$0xB510] =	vst.add.f32.msk $0xffff, v24  }
0x19d: {  	[tilespmem:s21+$0x5520] =	vst.add.f32.msk $0xffff, v23  }
0x19e: {  	[tilespmem:s21+$0x7520] =	vst.add.f32.msk $0xffff, v23  }
0x19f: {  	[tilespmem:s21+$0x9520] =	vst.add.f32.msk $0xffff, v23  }
0x1a0: {  	[tilespmem:s21+$0xB520] =	vst.add.f32.msk $0xffff, v23  }
0x1a1: {  	[tilespmem:s21+$0x5530] =	vst.add.f32.msk $0xffff, v22  }
0x1a2: {  	[tilespmem:s21+$0x7530] =	vst.add.f32.msk $0xffff, v22  }
0x1a3: {  	[tilespmem:s21+$0x9530] =	vst.add.f32.msk $0xffff, v22  }
0x1a4: {  	[tilespmem:s21+$0xB530] =	vst.add.f32.msk $0xffff, v22  }
0x1a5: {  	[tilespmem:s21+$0x5540] =	vst.add.f32.msk $0xffff, v21  }
0x1a6: {  	[tilespmem:s21+$0x7540] =	vst.add.f32.msk $0xffff, v21  }
0x1a7: {  	[tilespmem:s21+$0x9540] =	vst.add.f32.msk $0xffff, v21  }
0x1a8: {  	[tilespmem:s21+$0xB540] =	vst.add.f32.msk $0xffff, v21  }
0x1a9: {  	[tilespmem:s21+$0x5550] =	vst.add.f32.msk $0xffff, v20  }
0x1aa: {  	[tilespmem:s21+$0x7550] =	vst.add.f32.msk $0xffff, v20  }
0x1ab: {  	[tilespmem:s21+$0x9550] =	vst.add.f32.msk $0xffff, v20  }
0x1ac: {  	[tilespmem:s21+$0xB550] =	vst.add.f32.msk $0xffff, v20  }
0x1ad: {  	[tilespmem:s21+$0x5560] =	vst.add.f32.msk $0xffff, v19  }
0x1ae: {  	[tilespmem:s21+$0x7560] =	vst.add.f32.msk $0xffff, v19  }
0x1af: {  	[tilespmem:s21+$0x9560] =	vst.add.f32.msk $0xffff, v19  }
0x1b0: {  	[tilespmem:s21+$0xB560] =	vst.add.f32.msk $0xffff, v19  }
0x1b1: {  	[tilespmem:s21+$0x5570] =	vst.add.f32.msk $0xffff, v18  }
0x1b2: {  	[tilespmem:s21+$0x7570] =	vst.add.f32.msk $0xffff, v18  }
0x1b3: {  	[tilespmem:s21+$0x9570] =	vst.add.f32.msk $0xffff, v18  }
0x1b4: {  	[tilespmem:s21+$0xB570] =	vst.add.f32.msk $0xffff, v18  }
0x1b5: {  	[tilespmem:s21+$0x5900] =	vst.add.f32.msk $0xffff, v17  }
0x1b6: {  	[tilespmem:s21+$0x7900] =	vst.add.f32.msk $0xffff, v17  }
0x1b7: {  	[tilespmem:s21+$0x9900] =	vst.add.f32.msk $0xffff, v17  }
0x1b8: {  	[tilespmem:s21+$0xB900] =	vst.add.f32.msk $0xffff, v17  }
0x1b9: {  	[tilespmem:s21+$0x5910] =	vst.add.f32.msk $0xffff, v16  }
0x1ba: {  	[tilespmem:s21+$0x7910] =	vst.add.f32.msk $0xffff, v16  }
0x1bb: {  	[tilespmem:s21+$0x9910] =	vst.add.f32.msk $0xffff, v16  }
0x1bc: {  	[tilespmem:s21+$0xB910] =	vst.add.f32.msk $0xffff, v16  }
0x1bd: {  	[tilespmem:s21+$0x5920] =	vst.add.f32.msk $0xffff, v15  }
0x1be: {  	[tilespmem:s21+$0x7920] =	vst.add.f32.msk $0xffff, v15  }
0x1bf: {  	[tilespmem:s21+$0x9920] =	vst.add.f32.msk $0xffff, v15  }
0x1c0: {  	[tilespmem:s21+$0xB920] =	vst.add.f32.msk $0xffff, v15  }
0x1c1: {  	[tilespmem:s21+$0x5930] =	vst.add.f32.msk $0xffff, v14  }
0x1c2: {  	[tilespmem:s21+$0x7930] =	vst.add.f32.msk $0xffff, v14  }
0x1c3: {  	[tilespmem:s21+$0x9930] =	vst.add.f32.msk $0xffff, v14  }
0x1c4: {  	[tilespmem:s21+$0xB930] =	vst.add.f32.msk $0xffff, v14  }
0x1c5: {  	[tilespmem:s21+$0x5940] =	vst.add.f32.msk $0xffff, v13  }
0x1c6: {  	[tilespmem:s21+$0x7940] =	vst.add.f32.msk $0xffff, v13  }
0x1c7: {  	[tilespmem:s21+$0x9940] =	vst.add.f32.msk $0xffff, v13  }
0x1c8: {  	[tilespmem:s21+$0xB940] =	vst.add.f32.msk $0xffff, v13  }
0x1c9: {  	[tilespmem:s21+$0x5950] =	vst.add.f32.msk $0xffff, v12  }
0x1ca: {  	[tilespmem:s21+$0x7950] =	vst.add.f32.msk $0xffff, v12  }
0x1cb: {  	[tilespmem:s21+$0x9950] =	vst.add.f32.msk $0xffff, v12  }
0x1cc: {  	[tilespmem:s21+$0xB950] =	vst.add.f32.msk $0xffff, v12  }
0x1cd: {  	[tilespmem:s21+$0x5960] =	vst.add.f32.msk $0xffff, v11  }
0x1ce: {  	[tilespmem:s21+$0x7960] =	vst.add.f32.msk $0xffff, v11  }
0x1cf: {  	[tilespmem:s21+$0x9960] =	vst.add.f32.msk $0xffff, v11  }
0x1d0: {  	[tilespmem:s21+$0xB960] =	vst.add.f32.msk $0xffff, v11  }
0x1d1: {  	[tilespmem:s21+$0x5970] =	vst.add.f32.msk $0xffff, v10  }
0x1d2: {  	[tilespmem:s21+$0x7970] =	vst.add.f32.msk $0xffff, v10  }
0x1d3: {  	[tilespmem:s21+$0x9970] =	vst.add.f32.msk $0xffff, v10  }
0x1d4: {  	[tilespmem:s21+$0xB970] =	vst.add.f32.msk $0xffff, v10  }
0x1d5: {  	[tilespmem:s21+$0x5D00] =	vst.add.f32.msk $0xffff, v9  }
0x1d6: {  	[tilespmem:s21+$0x7D00] =	vst.add.f32.msk $0xffff, v9  }
0x1d7: {  	[tilespmem:s21+$0x9D00] =	vst.add.f32.msk $0xffff, v9  }
0x1d8: {  	[tilespmem:s21+$0xBD00] =	vst.add.f32.msk $0xffff, v9  }
0x1d9: {  	[tilespmem:s21+$0x5D10] =	vst.add.f32.msk $0xffff, v8  }
0x1da: {  	[tilespmem:s21+$0x7D10] =	vst.add.f32.msk $0xffff, v8  }
0x1db: {  	[tilespmem:s21+$0x9D10] =	vst.add.f32.msk $0xffff, v8  }
0x1dc: {  	[tilespmem:s21+$0xBD10] =	vst.add.f32.msk $0xffff, v8  }
0x1dd: {  	[tilespmem:s21+$0x5D20] =	vst.add.f32.msk $0xffff, v7  }
0x1de: {  	[tilespmem:s21+$0x7D20] =	vst.add.f32.msk $0xffff, v7  }
0x1df: {  	[tilespmem:s21+$0x9D20] =	vst.add.f32.msk $0xffff, v7  }
0x1e0: {  	[tilespmem:s21+$0xBD20] =	vst.add.f32.msk $0xffff, v7  }
0x1e1: {  	[tilespmem:s21+$0x5D30] =	vst.add.f32.msk $0xffff, v6  }
0x1e2: {  	[tilespmem:s21+$0x7D30] =	vst.add.f32.msk $0xffff, v6  }
0x1e3: {  	[tilespmem:s21+$0x9D30] =	vst.add.f32.msk $0xffff, v6  }
0x1e4: {  	[tilespmem:s21+$0xBD30] =	vst.add.f32.msk $0xffff, v6  }
0x1e5: {  	[tilespmem:s21+$0x5D40] =	vst.add.f32.msk $0xffff, v5  }
0x1e6: {  	[tilespmem:s21+$0x7D40] =	vst.add.f32.msk $0xffff, v5  }
0x1e7: {  	[tilespmem:s21+$0x9D40] =	vst.add.f32.msk $0xffff, v5  }
0x1e8: {  	[tilespmem:s21+$0xBD40] =	vst.add.f32.msk $0xffff, v5  }
0x1e9: {  	[tilespmem:s21+$0x5D50] =	vst.add.f32.msk $0xffff, v4  }
0x1ea: {  	[tilespmem:s21+$0x7D50] =	vst.add.f32.msk $0xffff, v4  }
0x1eb: {  	[tilespmem:s21+$0x9D50] =	vst.add.f32.msk $0xffff, v4  }
0x1ec: {  	[tilespmem:s21+$0xBD50] =	vst.add.f32.msk $0xffff, v4  }
0x1ed: {  	[tilespmem:s21+$0x5D60] =	vst.add.f32.msk $0xffff, v3  }
0x1ee: {  	[tilespmem:s21+$0x7D60] =	vst.add.f32.msk $0xffff, v3  }
.Ltmp0:
0x1ef: {  	[tilespmem:s21+$0x9D60] =	vst.add.f32.msk $0xffff, v3;
	(pc) =	sbr.rel @p0 .LBB2_3-.Ltmp0, $4  }
0x1f0: {  	[tilespmem:s21+$0xBD60] =	vst.add.f32.msk $0xffff, v3  }
0x1f1: {  	[tilespmem:s21+$0x5D70] =	vst.add.f32.msk $0xffff, v2  }
0x1f2: {  	[tilespmem:s21+$0x7D70] =	vst.add.f32.msk $0xffff, v2  }
0x1f3: {  	[tilespmem:s21+$0x9D70] =	vst.add.f32.msk $0xffff, v2;
	s21 =	sshll.u32 s11, $0x7;
	s11 =	sadd.s32 $0x1, s11  }
0x1f4: {  	v2 =	vld [tilespmem:s21+$0x1D70]  }
0x1f5: {  	v43 =	vld [tilespmem:s21+$0x100]  }
0x1f6: {  	v44 =	vld [tilespmem:s21+$0x110]  }
0x1f7: {  	v45 =	vld [tilespmem:s21+$0x120]  }
0x1f8: {  	v46 =	vld [tilespmem:s21+$0x130]  }
0x1f9: {  	v47 =	vld [tilespmem:s21+$0x140]  }
0x1fa: {  	v48 =	vld [tilespmem:s21+$0x150]  }
0x1fb: {  	v49 =	vld [tilespmem:s21+$0x160]  }
0x1fc: {  	v50 =	vld [tilespmem:s21+$0x170]  }
0x1fd: {  	v51 =	vld [tilespmem:s21+$0x500]  }
0x1fe: {  	v52 =	vld [tilespmem:s21+$0x510]  }
0x1ff: {  	v53 =	vld [tilespmem:s21+$0x520]  }
0x200: {  	v54 =	vld [tilespmem:s21+$0x530]  }
0x201: {  	v55 =	vld [tilespmem:s21+$0x540]  }
0x202: {  	v56 =	vld [tilespmem:s21+$0x550]  }
0x203: {  	v57 =	vld [tilespmem:s21+$0x560]  }
0x204: {  	v58 =	vld [tilespmem:s21+$0x570]  }
0x205: {  	v59 =	vld [tilespmem:s21+$0x900]  }
0x206: {  	v60 =	vld [tilespmem:s21+$0x910]  }
0x207: {  	v61 =	vld [tilespmem:s21+$0x920]  }
0x208: {  	v62 =	vld [tilespmem:s21+$0x930]  }
0x209: {  	v63 =	vld [tilespmem:s21+$0x940]  }
0x20a: {  	v42 =	vld [tilespmem:s21+$0x950]  }
0x20b: {  	v1 =	vld [tilespmem:s21+$0x960]  }
0x20c: {  	v41 =	vld [tilespmem:s21+$0x970]  }
0x20d: {  	v0 =	vld [tilespmem:s21+$0xD00]  }
0x20e: {  	v40 =	vld [tilespmem:s21+$0xD10]  }
0x20f: {  	v39 =	vld [tilespmem:s21+$0xD20]  }
0x210: {  	v38 =	vld [tilespmem:s21+$0xD30]  }
0x211: {  	v37 =	vld [tilespmem:s21+$0xD40]  }
0x212: {  	v36 =	vld [tilespmem:s21+$0xD50]  }
0x213: {  	v35 =	vld [tilespmem:s21+$0xD60]  }
0x214: {  	v34 =	vld [tilespmem:s21+$0xD70]  }
0x215: {  	v33 =	vld [tilespmem:s21+$0x1100]  }
0x216: {  	v32 =	vld [tilespmem:s21+$0x1110]  }
0x217: {  	v31 =	vld [tilespmem:s21+$0x1120]  }
0x218: {  	v30 =	vld [tilespmem:s21+$0x1130]  }
0x219: {  	v29 =	vld [tilespmem:s21+$0x1140]  }
0x21a: {  	v28 =	vld [tilespmem:s21+$0x1150]  }
0x21b: {  	v27 =	vld [tilespmem:s21+$0x1160]  }
0x21c: {  	v26 =	vld [tilespmem:s21+$0x1170]  }
0x21d: {  	v25 =	vld [tilespmem:s21+$0x1500]  }
0x21e: {  	v24 =	vld [tilespmem:s21+$0x1510]  }
0x21f: {  	v23 =	vld [tilespmem:s21+$0x1520]  }
0x220: {  	v22 =	vld [tilespmem:s21+$0x1530]  }
0x221: {  	v21 =	vld [tilespmem:s21+$0x1540]  }
0x222: {  	v20 =	vld [tilespmem:s21+$0x1550]  }
0x223: {  	v19 =	vld [tilespmem:s21+$0x1560]  }
0x224: {  	v18 =	vld [tilespmem:s21+$0x1570]  }
0x225: {  	v17 =	vld [tilespmem:s21+$0x1900]  }
0x226: {  	v16 =	vld [tilespmem:s21+$0x1910]  }
0x227: {  	v15 =	vld [tilespmem:s21+$0x1920]  }
0x228: {  	v14 =	vld [tilespmem:s21+$0x1930]  }
0x229: {  	v13 =	vld [tilespmem:s21+$0x1940]  }
0x22a: {  	v12 =	vld [tilespmem:s21+$0x1950]  }
0x22b: {  	v11 =	vld [tilespmem:s21+$0x1960]  }
0x22c: {  	v10 =	vld [tilespmem:s21+$0x1970]  }
0x22d: {  	v9 =	vld [tilespmem:s21+$0x1D00]  }
0x22e: {  	v8 =	vld [tilespmem:s21+$0x1D10]  }
0x22f: {  	v7 =	vld [tilespmem:s21+$0x1D20]  }
0x230: {  	v6 =	vld [tilespmem:s21+$0x1D30]  }
0x231: {  	v5 =	vld [tilespmem:s21+$0x1D40]  }
0x232: {  	v4 =	vld [tilespmem:s21+$0x1D50]  }
0x233: {  	v3 =	vld [tilespmem:s21+$0x1D60]  }
0x234: {  	[tilespmem:s21+$0xBD70] =	vst.add.f32.msk $0xffff, v2  }
0x235: {  	[tilespmem:s21+$0x4100] =	vst.add.f32.msk $0xffff, v43  }
0x236: {  	[tilespmem:s21+$0x6100] =	vst.add.f32.msk $0xffff, v43  }
0x237: {  	[tilespmem:s21+$0x8100] =	vst.add.f32.msk $0xffff, v43  }
0x238: {  	[tilespmem:s21+$0xA100] =	vst.add.f32.msk $0xffff, v43  }
0x239: {  	[tilespmem:s21+$0x4110] =	vst.add.f32.msk $0xffff, v44  }
0x23a: {  	[tilespmem:s21+$0x6110] =	vst.add.f32.msk $0xffff, v44  }
0x23b: {  	[tilespmem:s21+$0x8110] =	vst.add.f32.msk $0xffff, v44  }
0x23c: {  	[tilespmem:s21+$0xA110] =	vst.add.f32.msk $0xffff, v44  }
0x23d: {  	[tilespmem:s21+$0x4120] =	vst.add.f32.msk $0xffff, v45  }
0x23e: {  	[tilespmem:s21+$0x6120] =	vst.add.f32.msk $0xffff, v45  }
0x23f: {  	[tilespmem:s21+$0x8120] =	vst.add.f32.msk $0xffff, v45  }
0x240: {  	[tilespmem:s21+$0xA120] =	vst.add.f32.msk $0xffff, v45  }
0x241: {  	[tilespmem:s21+$0x4130] =	vst.add.f32.msk $0xffff, v46  }
0x242: {  	[tilespmem:s21+$0x6130] =	vst.add.f32.msk $0xffff, v46  }
0x243: {  	[tilespmem:s21+$0x8130] =	vst.add.f32.msk $0xffff, v46  }
0x244: {  	[tilespmem:s21+$0xA130] =	vst.add.f32.msk $0xffff, v46  }
0x245: {  	[tilespmem:s21+$0x4140] =	vst.add.f32.msk $0xffff, v47  }
0x246: {  	[tilespmem:s21+$0x6140] =	vst.add.f32.msk $0xffff, v47  }
0x247: {  	[tilespmem:s21+$0x8140] =	vst.add.f32.msk $0xffff, v47  }
0x248: {  	[tilespmem:s21+$0xA140] =	vst.add.f32.msk $0xffff, v47  }
0x249: {  	[tilespmem:s21+$0x4150] =	vst.add.f32.msk $0xffff, v48  }
0x24a: {  	[tilespmem:s21+$0x6150] =	vst.add.f32.msk $0xffff, v48  }
0x24b: {  	[tilespmem:s21+$0x8150] =	vst.add.f32.msk $0xffff, v48  }
0x24c: {  	[tilespmem:s21+$0xA150] =	vst.add.f32.msk $0xffff, v48  }
0x24d: {  	[tilespmem:s21+$0x4160] =	vst.add.f32.msk $0xffff, v49  }
0x24e: {  	[tilespmem:s21+$0x6160] =	vst.add.f32.msk $0xffff, v49  }
0x24f: {  	[tilespmem:s21+$0x8160] =	vst.add.f32.msk $0xffff, v49  }
0x250: {  	[tilespmem:s21+$0xA160] =	vst.add.f32.msk $0xffff, v49  }
0x251: {  	[tilespmem:s21+$0x4170] =	vst.add.f32.msk $0xffff, v50  }
0x252: {  	[tilespmem:s21+$0x6170] =	vst.add.f32.msk $0xffff, v50  }
0x253: {  	[tilespmem:s21+$0x8170] =	vst.add.f32.msk $0xffff, v50  }
0x254: {  	[tilespmem:s21+$0xA170] =	vst.add.f32.msk $0xffff, v50  }
0x255: {  	[tilespmem:s21+$0x4500] =	vst.add.f32.msk $0xffff, v51  }
0x256: {  	[tilespmem:s21+$0x6500] =	vst.add.f32.msk $0xffff, v51  }
0x257: {  	[tilespmem:s21+$0x8500] =	vst.add.f32.msk $0xffff, v51  }
0x258: {  	[tilespmem:s21+$0xA500] =	vst.add.f32.msk $0xffff, v51  }
0x259: {  	[tilespmem:s21+$0x4510] =	vst.add.f32.msk $0xffff, v52  }
0x25a: {  	[tilespmem:s21+$0x6510] =	vst.add.f32.msk $0xffff, v52  }
0x25b: {  	[tilespmem:s21+$0x8510] =	vst.add.f32.msk $0xffff, v52  }
0x25c: {  	[tilespmem:s21+$0xA510] =	vst.add.f32.msk $0xffff, v52  }
0x25d: {  	[tilespmem:s21+$0x4520] =	vst.add.f32.msk $0xffff, v53  }
0x25e: {  	[tilespmem:s21+$0x6520] =	vst.add.f32.msk $0xffff, v53  }
0x25f: {  	[tilespmem:s21+$0x8520] =	vst.add.f32.msk $0xffff, v53  }
0x260: {  	[tilespmem:s21+$0xA520] =	vst.add.f32.msk $0xffff, v53  }
0x261: {  	[tilespmem:s21+$0x4530] =	vst.add.f32.msk $0xffff, v54  }
0x262: {  	[tilespmem:s21+$0x6530] =	vst.add.f32.msk $0xffff, v54  }
0x263: {  	[tilespmem:s21+$0x8530] =	vst.add.f32.msk $0xffff, v54  }
0x264: {  	[tilespmem:s21+$0xA530] =	vst.add.f32.msk $0xffff, v54  }
0x265: {  	[tilespmem:s21+$0x4540] =	vst.add.f32.msk $0xffff, v55  }
0x266: {  	[tilespmem:s21+$0x6540] =	vst.add.f32.msk $0xffff, v55  }
0x267: {  	[tilespmem:s21+$0x8540] =	vst.add.f32.msk $0xffff, v55  }
0x268: {  	[tilespmem:s21+$0xA540] =	vst.add.f32.msk $0xffff, v55  }
0x269: {  	[tilespmem:s21+$0x4550] =	vst.add.f32.msk $0xffff, v56  }
0x26a: {  	[tilespmem:s21+$0x6550] =	vst.add.f32.msk $0xffff, v56  }
0x26b: {  	[tilespmem:s21+$0x8550] =	vst.add.f32.msk $0xffff, v56  }
0x26c: {  	[tilespmem:s21+$0xA550] =	vst.add.f32.msk $0xffff, v56  }
0x26d: {  	[tilespmem:s21+$0x4560] =	vst.add.f32.msk $0xffff, v57  }
0x26e: {  	[tilespmem:s21+$0x6560] =	vst.add.f32.msk $0xffff, v57  }
0x26f: {  	[tilespmem:s21+$0x8560] =	vst.add.f32.msk $0xffff, v57  }
0x270: {  	[tilespmem:s21+$0xA560] =	vst.add.f32.msk $0xffff, v57  }
0x271: {  	[tilespmem:s21+$0x4570] =	vst.add.f32.msk $0xffff, v58  }
0x272: {  	[tilespmem:s21+$0x6570] =	vst.add.f32.msk $0xffff, v58  }
0x273: {  	[tilespmem:s21+$0x8570] =	vst.add.f32.msk $0xffff, v58  }
0x274: {  	[tilespmem:s21+$0xA570] =	vst.add.f32.msk $0xffff, v58  }
0x275: {  	[tilespmem:s21+$0x4900] =	vst.add.f32.msk $0xffff, v59  }
0x276: {  	[tilespmem:s21+$0x6900] =	vst.add.f32.msk $0xffff, v59  }
0x277: {  	[tilespmem:s21+$0x8900] =	vst.add.f32.msk $0xffff, v59  }
0x278: {  	[tilespmem:s21+$0xA900] =	vst.add.f32.msk $0xffff, v59  }
0x279: {  	[tilespmem:s21+$0x4910] =	vst.add.f32.msk $0xffff, v60  }
0x27a: {  	[tilespmem:s21+$0x6910] =	vst.add.f32.msk $0xffff, v60  }
0x27b: {  	[tilespmem:s21+$0x8910] =	vst.add.f32.msk $0xffff, v60  }
0x27c: {  	[tilespmem:s21+$0xA910] =	vst.add.f32.msk $0xffff, v60  }
0x27d: {  	[tilespmem:s21+$0x4920] =	vst.add.f32.msk $0xffff, v61  }
0x27e: {  	[tilespmem:s21+$0x6920] =	vst.add.f32.msk $0xffff, v61  }
0x27f: {  	[tilespmem:s21+$0x8920] =	vst.add.f32.msk $0xffff, v61  }
0x280: {  	[tilespmem:s21+$0xA920] =	vst.add.f32.msk $0xffff, v61  }
0x281: {  	[tilespmem:s21+$0x4930] =	vst.add.f32.msk $0xffff, v62  }
0x282: {  	[tilespmem:s21+$0x6930] =	vst.add.f32.msk $0xffff, v62  }
0x283: {  	[tilespmem:s21+$0x8930] =	vst.add.f32.msk $0xffff, v62  }
0x284: {  	[tilespmem:s21+$0xA930] =	vst.add.f32.msk $0xffff, v62  }
0x285: {  	[tilespmem:s21+$0x4940] =	vst.add.f32.msk $0xffff, v63  }
0x286: {  	[tilespmem:s21+$0x6940] =	vst.add.f32.msk $0xffff, v63  }
0x287: {  	[tilespmem:s21+$0x8940] =	vst.add.f32.msk $0xffff, v63  }
0x288: {  	[tilespmem:s21+$0xA940] =	vst.add.f32.msk $0xffff, v63  }
0x289: {  	[tilespmem:s21+$0x4950] =	vst.add.f32.msk $0xffff, v42  }
0x28a: {  	[tilespmem:s21+$0x6950] =	vst.add.f32.msk $0xffff, v42  }
0x28b: {  	[tilespmem:s21+$0x8950] =	vst.add.f32.msk $0xffff, v42  }
0x28c: {  	[tilespmem:s21+$0xA950] =	vst.add.f32.msk $0xffff, v42  }
0x28d: {  	[tilespmem:s21+$0x4960] =	vst.add.f32.msk $0xffff, v1  }
0x28e: {  	[tilespmem:s21+$0x6960] =	vst.add.f32.msk $0xffff, v1  }
0x28f: {  	[tilespmem:s21+$0x8960] =	vst.add.f32.msk $0xffff, v1  }
0x290: {  	[tilespmem:s21+$0xA960] =	vst.add.f32.msk $0xffff, v1  }
0x291: {  	[tilespmem:s21+$0x4970] =	vst.add.f32.msk $0xffff, v41  }
0x292: {  	[tilespmem:s21+$0x6970] =	vst.add.f32.msk $0xffff, v41  }
0x293: {  	[tilespmem:s21+$0x8970] =	vst.add.f32.msk $0xffff, v41  }
0x294: {  	[tilespmem:s21+$0xA970] =	vst.add.f32.msk $0xffff, v41  }
0x295: {  	[tilespmem:s21+$0x4D00] =	vst.add.f32.msk $0xffff, v0  }
0x296: {  	[tilespmem:s21+$0x6D00] =	vst.add.f32.msk $0xffff, v0  }
0x297: {  	[tilespmem:s21+$0x8D00] =	vst.add.f32.msk $0xffff, v0  }
0x298: {  	[tilespmem:s21+$0xAD00] =	vst.add.f32.msk $0xffff, v0  }
0x299: {  	[tilespmem:s21+$0x4D10] =	vst.add.f32.msk $0xffff, v40  }
0x29a: {  	[tilespmem:s21+$0x6D10] =	vst.add.f32.msk $0xffff, v40  }
0x29b: {  	[tilespmem:s21+$0x8D10] =	vst.add.f32.msk $0xffff, v40  }
0x29c: {  	[tilespmem:s21+$0xAD10] =	vst.add.f32.msk $0xffff, v40  }
0x29d: {  	[tilespmem:s21+$0x4D20] =	vst.add.f32.msk $0xffff, v39  }
0x29e: {  	[tilespmem:s21+$0x6D20] =	vst.add.f32.msk $0xffff, v39  }
0x29f: {  	[tilespmem:s21+$0x8D20] =	vst.add.f32.msk $0xffff, v39  }
0x2a0: {  	[tilespmem:s21+$0xAD20] =	vst.add.f32.msk $0xffff, v39  }
0x2a1: {  	[tilespmem:s21+$0x4D30] =	vst.add.f32.msk $0xffff, v38  }
0x2a2: {  	[tilespmem:s21+$0x6D30] =	vst.add.f32.msk $0xffff, v38  }
0x2a3: {  	[tilespmem:s21+$0x8D30] =	vst.add.f32.msk $0xffff, v38  }
0x2a4: {  	[tilespmem:s21+$0xAD30] =	vst.add.f32.msk $0xffff, v38  }
0x2a5: {  	[tilespmem:s21+$0x4D40] =	vst.add.f32.msk $0xffff, v37  }
0x2a6: {  	[tilespmem:s21+$0x6D40] =	vst.add.f32.msk $0xffff, v37  }
0x2a7: {  	[tilespmem:s21+$0x8D40] =	vst.add.f32.msk $0xffff, v37  }
0x2a8: {  	[tilespmem:s21+$0xAD40] =	vst.add.f32.msk $0xffff, v37  }
0x2a9: {  	[tilespmem:s21+$0x4D50] =	vst.add.f32.msk $0xffff, v36  }
0x2aa: {  	[tilespmem:s21+$0x6D50] =	vst.add.f32.msk $0xffff, v36  }
0x2ab: {  	[tilespmem:s21+$0x8D50] =	vst.add.f32.msk $0xffff, v36  }
0x2ac: {  	[tilespmem:s21+$0xAD50] =	vst.add.f32.msk $0xffff, v36  }
0x2ad: {  	[tilespmem:s21+$0x4D60] =	vst.add.f32.msk $0xffff, v35  }
0x2ae: {  	[tilespmem:s21+$0x6D60] =	vst.add.f32.msk $0xffff, v35  }
0x2af: {  	[tilespmem:s21+$0x8D60] =	vst.add.f32.msk $0xffff, v35  }
0x2b0: {  	[tilespmem:s21+$0xAD60] =	vst.add.f32.msk $0xffff, v35  }
0x2b1: {  	[tilespmem:s21+$0x4D70] =	vst.add.f32.msk $0xffff, v34  }
0x2b2: {  	[tilespmem:s21+$0x6D70] =	vst.add.f32.msk $0xffff, v34  }
0x2b3: {  	[tilespmem:s21+$0x8D70] =	vst.add.f32.msk $0xffff, v34  }
0x2b4: {  	[tilespmem:s21+$0xAD70] =	vst.add.f32.msk $0xffff, v34  }
0x2b5: {  	[tilespmem:s21+$0x5100] =	vst.add.f32.msk $0xffff, v33  }
0x2b6: {  	[tilespmem:s21+$0x7100] =	vst.add.f32.msk $0xffff, v33  }
0x2b7: {  	[tilespmem:s21+$0x9100] =	vst.add.f32.msk $0xffff, v33  }
0x2b8: {  	[tilespmem:s21+$0xB100] =	vst.add.f32.msk $0xffff, v33  }
0x2b9: {  	[tilespmem:s21+$0x5110] =	vst.add.f32.msk $0xffff, v32  }
0x2ba: {  	[tilespmem:s21+$0x7110] =	vst.add.f32.msk $0xffff, v32  }
0x2bb: {  	[tilespmem:s21+$0x9110] =	vst.add.f32.msk $0xffff, v32  }
0x2bc: {  	[tilespmem:s21+$0xB110] =	vst.add.f32.msk $0xffff, v32  }
0x2bd: {  	[tilespmem:s21+$0x5120] =	vst.add.f32.msk $0xffff, v31  }
0x2be: {  	[tilespmem:s21+$0x7120] =	vst.add.f32.msk $0xffff, v31  }
0x2bf: {  	[tilespmem:s21+$0x9120] =	vst.add.f32.msk $0xffff, v31  }
0x2c0: {  	[tilespmem:s21+$0xB120] =	vst.add.f32.msk $0xffff, v31  }
0x2c1: {  	[tilespmem:s21+$0x5130] =	vst.add.f32.msk $0xffff, v30  }
0x2c2: {  	[tilespmem:s21+$0x7130] =	vst.add.f32.msk $0xffff, v30  }
0x2c3: {  	[tilespmem:s21+$0x9130] =	vst.add.f32.msk $0xffff, v30  }
0x2c4: {  	[tilespmem:s21+$0xB130] =	vst.add.f32.msk $0xffff, v30  }
0x2c5: {  	[tilespmem:s21+$0x5140] =	vst.add.f32.msk $0xffff, v29  }
0x2c6: {  	[tilespmem:s21+$0x7140] =	vst.add.f32.msk $0xffff, v29  }
0x2c7: {  	[tilespmem:s21+$0x9140] =	vst.add.f32.msk $0xffff, v29  }
0x2c8: {  	[tilespmem:s21+$0xB140] =	vst.add.f32.msk $0xffff, v29  }
0x2c9: {  	[tilespmem:s21+$0x5150] =	vst.add.f32.msk $0xffff, v28  }
0x2ca: {  	[tilespmem:s21+$0x7150] =	vst.add.f32.msk $0xffff, v28  }
0x2cb: {  	[tilespmem:s21+$0x9150] =	vst.add.f32.msk $0xffff, v28  }
0x2cc: {  	[tilespmem:s21+$0xB150] =	vst.add.f32.msk $0xffff, v28  }
0x2cd: {  	[tilespmem:s21+$0x5160] =	vst.add.f32.msk $0xffff, v27  }
0x2ce: {  	[tilespmem:s21+$0x7160] =	vst.add.f32.msk $0xffff, v27  }
0x2cf: {  	[tilespmem:s21+$0x9160] =	vst.add.f32.msk $0xffff, v27  }
0x2d0: {  	[tilespmem:s21+$0xB160] =	vst.add.f32.msk $0xffff, v27  }
0x2d1: {  	[tilespmem:s21+$0x5170] =	vst.add.f32.msk $0xffff, v26  }
0x2d2: {  	[tilespmem:s21+$0x7170] =	vst.add.f32.msk $0xffff, v26  }
0x2d3: {  	[tilespmem:s21+$0x9170] =	vst.add.f32.msk $0xffff, v26  }
0x2d4: {  	[tilespmem:s21+$0xB170] =	vst.add.f32.msk $0xffff, v26  }
0x2d5: {  	[tilespmem:s21+$0x5500] =	vst.add.f32.msk $0xffff, v25  }
0x2d6: {  	[tilespmem:s21+$0x7500] =	vst.add.f32.msk $0xffff, v25  }
0x2d7: {  	[tilespmem:s21+$0x9500] =	vst.add.f32.msk $0xffff, v25  }
0x2d8: {  	[tilespmem:s21+$0xB500] =	vst.add.f32.msk $0xffff, v25  }
0x2d9: {  	[tilespmem:s21+$0x5510] =	vst.add.f32.msk $0xffff, v24  }
0x2da: {  	[tilespmem:s21+$0x7510] =	vst.add.f32.msk $0xffff, v24  }
0x2db: {  	[tilespmem:s21+$0x9510] =	vst.add.f32.msk $0xffff, v24  }
0x2dc: {  	[tilespmem:s21+$0xB510] =	vst.add.f32.msk $0xffff, v24  }
0x2dd: {  	[tilespmem:s21+$0x5520] =	vst.add.f32.msk $0xffff, v23  }
0x2de: {  	[tilespmem:s21+$0x7520] =	vst.add.f32.msk $0xffff, v23  }
0x2df: {  	[tilespmem:s21+$0x9520] =	vst.add.f32.msk $0xffff, v23  }
0x2e0: {  	[tilespmem:s21+$0xB520] =	vst.add.f32.msk $0xffff, v23  }
0x2e1: {  	[tilespmem:s21+$0x5530] =	vst.add.f32.msk $0xffff, v22  }
0x2e2: {  	[tilespmem:s21+$0x7530] =	vst.add.f32.msk $0xffff, v22  }
0x2e3: {  	[tilespmem:s21+$0x9530] =	vst.add.f32.msk $0xffff, v22  }
0x2e4: {  	[tilespmem:s21+$0xB530] =	vst.add.f32.msk $0xffff, v22  }
0x2e5: {  	[tilespmem:s21+$0x5540] =	vst.add.f32.msk $0xffff, v21  }
0x2e6: {  	[tilespmem:s21+$0x7540] =	vst.add.f32.msk $0xffff, v21  }
0x2e7: {  	[tilespmem:s21+$0x9540] =	vst.add.f32.msk $0xffff, v21  }
0x2e8: {  	[tilespmem:s21+$0xB540] =	vst.add.f32.msk $0xffff, v21  }
0x2e9: {  	[tilespmem:s21+$0x5550] =	vst.add.f32.msk $0xffff, v20  }
0x2ea: {  	[tilespmem:s21+$0x7550] =	vst.add.f32.msk $0xffff, v20  }
0x2eb: {  	[tilespmem:s21+$0x9550] =	vst.add.f32.msk $0xffff, v20  }
0x2ec: {  	[tilespmem:s21+$0xB550] =	vst.add.f32.msk $0xffff, v20  }
0x2ed: {  	[tilespmem:s21+$0x5560] =	vst.add.f32.msk $0xffff, v19  }
0x2ee: {  	[tilespmem:s21+$0x7560] =	vst.add.f32.msk $0xffff, v19  }
0x2ef: {  	[tilespmem:s21+$0x9560] =	vst.add.f32.msk $0xffff, v19  }
0x2f0: {  	[tilespmem:s21+$0xB560] =	vst.add.f32.msk $0xffff, v19  }
0x2f1: {  	[tilespmem:s21+$0x5570] =	vst.add.f32.msk $0xffff, v18  }
0x2f2: {  	[tilespmem:s21+$0x7570] =	vst.add.f32.msk $0xffff, v18  }
0x2f3: {  	[tilespmem:s21+$0x9570] =	vst.add.f32.msk $0xffff, v18  }
0x2f4: {  	[tilespmem:s21+$0xB570] =	vst.add.f32.msk $0xffff, v18  }
0x2f5: {  	[tilespmem:s21+$0x5900] =	vst.add.f32.msk $0xffff, v17  }
0x2f6: {  	[tilespmem:s21+$0x7900] =	vst.add.f32.msk $0xffff, v17  }
0x2f7: {  	[tilespmem:s21+$0x9900] =	vst.add.f32.msk $0xffff, v17  }
0x2f8: {  	[tilespmem:s21+$0xB900] =	vst.add.f32.msk $0xffff, v17  }
0x2f9: {  	[tilespmem:s21+$0x5910] =	vst.add.f32.msk $0xffff, v16  }
0x2fa: {  	[tilespmem:s21+$0x7910] =	vst.add.f32.msk $0xffff, v16  }
0x2fb: {  	[tilespmem:s21+$0x9910] =	vst.add.f32.msk $0xffff, v16  }
0x2fc: {  	[tilespmem:s21+$0xB910] =	vst.add.f32.msk $0xffff, v16  }
0x2fd: {  	[tilespmem:s21+$0x5920] =	vst.add.f32.msk $0xffff, v15  }
0x2fe: {  	[tilespmem:s21+$0x7920] =	vst.add.f32.msk $0xffff, v15  }
0x2ff: {  	[tilespmem:s21+$0x9920] =	vst.add.f32.msk $0xffff, v15  }
0x300: {  	[tilespmem:s21+$0xB920] =	vst.add.f32.msk $0xffff, v15  }
0x301: {  	[tilespmem:s21+$0x5930] =	vst.add.f32.msk $0xffff, v14  }
0x302: {  	[tilespmem:s21+$0x7930] =	vst.add.f32.msk $0xffff, v14  }
0x303: {  	[tilespmem:s21+$0x9930] =	vst.add.f32.msk $0xffff, v14  }
0x304: {  	[tilespmem:s21+$0xB930] =	vst.add.f32.msk $0xffff, v14  }
0x305: {  	[tilespmem:s21+$0x5940] =	vst.add.f32.msk $0xffff, v13  }
0x306: {  	[tilespmem:s21+$0x7940] =	vst.add.f32.msk $0xffff, v13  }
0x307: {  	[tilespmem:s21+$0x9940] =	vst.add.f32.msk $0xffff, v13  }
0x308: {  	[tilespmem:s21+$0xB940] =	vst.add.f32.msk $0xffff, v13  }
0x309: {  	[tilespmem:s21+$0x5950] =	vst.add.f32.msk $0xffff, v12  }
0x30a: {  	[tilespmem:s21+$0x7950] =	vst.add.f32.msk $0xffff, v12  }
0x30b: {  	[tilespmem:s21+$0x9950] =	vst.add.f32.msk $0xffff, v12  }
0x30c: {  	[tilespmem:s21+$0xB950] =	vst.add.f32.msk $0xffff, v12  }
0x30d: {  	[tilespmem:s21+$0x5960] =	vst.add.f32.msk $0xffff, v11  }
0x30e: {  	[tilespmem:s21+$0x7960] =	vst.add.f32.msk $0xffff, v11  }
0x30f: {  	[tilespmem:s21+$0x9960] =	vst.add.f32.msk $0xffff, v11  }
0x310: {  	[tilespmem:s21+$0xB960] =	vst.add.f32.msk $0xffff, v11  }
0x311: {  	[tilespmem:s21+$0x5970] =	vst.add.f32.msk $0xffff, v10  }
0x312: {  	[tilespmem:s21+$0x7970] =	vst.add.f32.msk $0xffff, v10  }
0x313: {  	[tilespmem:s21+$0x9970] =	vst.add.f32.msk $0xffff, v10  }
0x314: {  	[tilespmem:s21+$0xB970] =	vst.add.f32.msk $0xffff, v10  }
0x315: {  	[tilespmem:s21+$0x5D00] =	vst.add.f32.msk $0xffff, v9  }
0x316: {  	[tilespmem:s21+$0x7D00] =	vst.add.f32.msk $0xffff, v9  }
0x317: {  	[tilespmem:s21+$0x9D00] =	vst.add.f32.msk $0xffff, v9  }
0x318: {  	[tilespmem:s21+$0xBD00] =	vst.add.f32.msk $0xffff, v9  }
0x319: {  	[tilespmem:s21+$0x5D10] =	vst.add.f32.msk $0xffff, v8  }
0x31a: {  	[tilespmem:s21+$0x7D10] =	vst.add.f32.msk $0xffff, v8  }
0x31b: {  	[tilespmem:s21+$0x9D10] =	vst.add.f32.msk $0xffff, v8  }
0x31c: {  	[tilespmem:s21+$0xBD10] =	vst.add.f32.msk $0xffff, v8  }
0x31d: {  	[tilespmem:s21+$0x5D20] =	vst.add.f32.msk $0xffff, v7  }
0x31e: {  	[tilespmem:s21+$0x7D20] =	vst.add.f32.msk $0xffff, v7  }
0x31f: {  	[tilespmem:s21+$0x9D20] =	vst.add.f32.msk $0xffff, v7  }
0x320: {  	[tilespmem:s21+$0xBD20] =	vst.add.f32.msk $0xffff, v7  }
0x321: {  	[tilespmem:s21+$0x5D30] =	vst.add.f32.msk $0xffff, v6  }
0x322: {  	[tilespmem:s21+$0x7D30] =	vst.add.f32.msk $0xffff, v6  }
0x323: {  	[tilespmem:s21+$0x9D30] =	vst.add.f32.msk $0xffff, v6  }
0x324: {  	[tilespmem:s21+$0xBD30] =	vst.add.f32.msk $0xffff, v6  }
0x325: {  	[tilespmem:s21+$0x5D40] =	vst.add.f32.msk $0xffff, v5  }
0x326: {  	[tilespmem:s21+$0x7D40] =	vst.add.f32.msk $0xffff, v5  }
0x327: {  	[tilespmem:s21+$0x9D40] =	vst.add.f32.msk $0xffff, v5  }
0x328: {  	[tilespmem:s21+$0xBD40] =	vst.add.f32.msk $0xffff, v5  }
0x329: {  	[tilespmem:s21+$0x5D50] =	vst.add.f32.msk $0xffff, v4  }
0x32a: {  	[tilespmem:s21+$0x7D50] =	vst.add.f32.msk $0xffff, v4  }
0x32b: {  	[tilespmem:s21+$0x9D50] =	vst.add.f32.msk $0xffff, v4  }
0x32c: {  	[tilespmem:s21+$0xBD50] =	vst.add.f32.msk $0xffff, v4  }
0x32d: {  	[tilespmem:s21+$0x5D60] =	vst.add.f32.msk $0xffff, v3  }
0x32e: {  	[tilespmem:s21+$0x7D60] =	vst.add.f32.msk $0xffff, v3  }
0x32f: {  	[tilespmem:s21+$0x9D60] =	vst.add.f32.msk $0xffff, v3  }
0x330: {  	[tilespmem:s21+$0xBD60] =	vst.add.f32.msk $0xffff, v3  }
0x331: {  	s11 =	sadd.s32 s6, s20;
	[tilespmem:s21+$0x5D70] =	vst.add.f32.msk $0xffff, v2  }
0x332: {  	s11 =	sshll.u32 s11, $0x7;
	[tilespmem:s21+$0x7D70] =	vst.add.f32.msk $0xffff, v2  }
0x333: {  	s11 =	sadd.s32 s4, s11;
	[tilespmem:s21+$0x9D70] =	vst.add.f32.msk $0xffff, v2;
	s21 =	sadd.s32 s8, s20  }
0x334: {  	[hbm4b:s11+s5] =	stream.linear.scatter [tilespmem:s23], [sflag:$0x3], $0x2000, $0x38;
	[tilespmem:$0x14100] =	vst v63  }
0x335: {  	s11 =	sshll.u32 s21, $0x7  }
0x336: {  	s21 =	sadd.s32 s9, s20;
	s11 =	sadd.s32 s4, s11  }
0x337: {  	[hbm4b:s11+s5] =	stream.linear.scatter [tilespmem:s28], [sflag:$0x3], $0x2000, $0x38;
	[tilespmem:$0x14100] =	vst v63  }
0x338: {  	s11 =	sshll.u32 s21, $0x7  }
0x339: {  	s21 =	sadd.s32 s10, s20;
	s11 =	sadd.s32 s4, s11  }
0x33a: {  	[hbm4b:s11+s5] =	stream.linear.scatter [tilespmem:s0], [sflag:$0x3], $0x2000, $0x38;
	[tilespmem:$0x14100] =	vst v63  }
0x33b: {  	s11 =	sshll.u32 s21, $0x7  }
0x33c: {  	s11 =	sadd.s32 s4, s11  }
0x33d: {  	[hbm4b:s11+s5] =	stream.linear.scatter [tilespmem:s22], [sflag:$0x3], $0x2000, $0x38;
	[tilespmem:$0x14100] =	vst v63  }
0x33e: {  	_ =	swait.ge [sflag:s24], $0x2000  }
0x33f: {  	[sflag:s24] =	ssyncset.done $0x0  }
0x340: {  	[sflag:s24] =	ssyncadd.s32 $0xFFFFE000  }
0x341: {  	_ =	swait.ge [sflag:s24], $0x2000  }
0x342: {  	[sflag:s24] =	ssyncset.done $0x0  }
0x343: {  	[sflag:s24] =	ssyncadd.s32 $0xFFFFE000  }
0x344: {  	p0 =	seq.s32 s29, $0x3;
	_ =	swait.ge [sflag:s24], $0x2000  }
.Ltmp1:
0x345: {  	[sflag:s24] =	ssyncset.done $0x0;
	(pc) =	sbr.rel @p0 .LBB2_6-.Ltmp1, $4  }
0x346: {  	[sflag:s24] =	ssyncadd.s32 $0xFFFFE000  }
0x347: {  	_ =	swait.ge [sflag:s24], $0x2000  }
0x348: {  	[sflag:s24] =	ssyncset.done $0x0  }
0x349: {  	[sflag:s24] =	ssyncadd.s32 $0xFFFFE000  }
0x34a: {  	v0 =	vld.msk [tilespmem:s20+$0x10], $0xff;
	_ =	sdelay $0x2  }
0x34b: {  	v2 =	vld [tilespmem:$0x1FFE0];
	_ =	sdelay $0x1  }
0x34c: {  	v3 =	vld [tilespmem:$0x1FFF0];
	v1 =	vshll.u32 v0, $0x3  }
0x34d: {  	v0 =	vand.u32 $0x7, v0;
	v1 =	vand.u32 $0xFFFFFFC0, v1  }
0x34e: {  	v0 =	vor.u32 v0, v1  }
0x34f: {  	v0 =	vperm.xlane v0, v2;
	_ =	sdelay $0x1  }
0x350: {  	v0 =	vadd.s32 v3, v0;
	_ =	sdelay $0x4  }
0x351: {  	[tilespmem:s23], [sflag:$0x1] =	stream.indirect_vreg.gather [hbm4b:s1+s5], $0x80, v0, vm0, $0xb8;
	[tilespmem:$0x14100] =	vst v63  }
0x352: {  	s11 =	simm.s32 $0x4900  }
0x353: {  	[tilespmem:s11], [sflag:$0x1] =	stream.indirect_vreg.gather [hbm4b:s14+s5], $0x80, v0, vm0, $0xb8;
	[tilespmem:$0x14100] =	vst v63  }
0x354: {  	s21 =	simm.s32 $0x5100  }
0x355: {  	[tilespmem:s21], [sflag:$0x1] =	stream.indirect_vreg.gather [hbm4b:s15+s5], $0x80, v0, vm0, $0xb8;
	[tilespmem:$0x14100] =	vst v63  }
0x356: {  	s21 =	simm.s32 $0x5900  }
0x357: {  	[tilespmem:s21], [sflag:$0x1] =	stream.indirect_vreg.gather [hbm4b:s16+s5], $0x80, v0, vm0, $0xb8;
	[tilespmem:$0x14100] =	vst v63  }
0x358: {  	v0 =	vld.msk [tilespmem:s20+$0x50], $0xff;
	_ =	sdelay $0x4  }
0x359: {  	v61 =	vshll.u32 v0, $0x3  }
0x35a: {  	v0 =	vand.u32 $0x7, v0;
	v1 =	vand.u32 $0xFFFFFFC0, v61  }
0x35b: {  	v0 =	vor.u32 v0, v1  }
0x35c: {  	v0 =	vperm.xlane v0, v2;
	_ =	sdelay $0x1  }
0x35d: {  	v0 =	vadd.s32 v3, v0;
	_ =	sdelay $0x4  }
0x35e: {  	[tilespmem:s28], [sflag:$0x1] =	stream.indirect_vreg.gather [hbm4b:s1+s5], $0x80, v0, vm0, $0xb8;
	[tilespmem:$0x14100] =	vst v63  }
0x35f: {  	s21 =	simm.s32 $0x6900  }
0x360: {  	[tilespmem:s21], [sflag:$0x1] =	stream.indirect_vreg.gather [hbm4b:s14+s5], $0x80, v0, vm0, $0xb8;
	[tilespmem:$0x14100] =	vst v63  }
0x361: {  	s21 =	simm.s32 $0x7100  }
0x362: {  	[tilespmem:s21], [sflag:$0x1] =	stream.indirect_vreg.gather [hbm4b:s15+s5], $0x80, v0, vm0, $0xb8;
	[tilespmem:$0x14100] =	vst v63  }
0x363: {  	s21 =	simm.s32 $0x7900  }
0x364: {  	[tilespmem:s21], [sflag:$0x1] =	stream.indirect_vreg.gather [hbm4b:s16+s5], $0x80, v0, vm0, $0xb8;
	[tilespmem:$0x14100] =	vst v63  }
0x365: {  	v0 =	vld.msk [tilespmem:s20+$0x90], $0xff;
	_ =	sdelay $0x4  }
0x366: {  	v62 =	vshll.u32 v0, $0x3  }
0x367: {  	v0 =	vand.u32 $0x7, v0;
	v1 =	vand.u32 $0xFFFFFFC0, v62  }
0x368: {  	v0 =	vor.u32 v0, v1  }
0x369: {  	v0 =	vperm.xlane v0, v2;
	_ =	sdelay $0x1  }
0x36a: {  	v0 =	vadd.s32 v3, v0;
	_ =	sdelay $0x4  }
0x36b: {  	[tilespmem:s0], [sflag:$0x1] =	stream.indirect_vreg.gather [hbm4b:s1+s5], $0x80, v0, vm0, $0xb8;
	[tilespmem:$0x14100] =	vst v63  }
0x36c: {  	s21 =	simm.s32 $0x8900  }
0x36d: {  	[tilespmem:s21], [sflag:$0x1] =	stream.indirect_vreg.gather [hbm4b:s14+s5], $0x80, v0, vm0, $0xb8;
	[tilespmem:$0x14100] =	vst v63  }
0x36e: {  	s21 =	simm.s32 $0x9100  }
0x36f: {  	[tilespmem:s21], [sflag:$0x1] =	stream.indirect_vreg.gather [hbm4b:s15+s5], $0x80, v0, vm0, $0xb8;
	[tilespmem:$0x14100] =	vst v63  }
0x370: {  	s21 =	simm.s32 $0x9900  }
0x371: {  	[tilespmem:s21], [sflag:$0x1] =	stream.indirect_vreg.gather [hbm4b:s16+s5], $0x80, v0, vm0, $0xb8;
	[tilespmem:$0x14100] =	vst v63  }
0x372: {  	v0 =	vld.msk [tilespmem:s20+$0xD0], $0xff;
	_ =	sdelay $0x4  }
0x373: {  	v63 =	vshll.u32 v0, $0x3  }
0x374: {  	v0 =	vand.u32 $0x7, v0;
	v1 =	vand.u32 $0xFFFFFFC0, v63  }
0x375: {  	v0 =	vor.u32 v0, v1  }
0x376: {  	v0 =	vperm.xlane v0, v2;
	_ =	sdelay $0x1  }
0x377: {  	v0 =	vadd.s32 v3, v0;
	_ =	sdelay $0x4  }
0x378: {  	[tilespmem:s22], [sflag:$0x1] =	stream.indirect_vreg.gather [hbm4b:s1+s5], $0x80, v0, vm0, $0xb8;
	[tilespmem:$0x14100] =	vst v63  }
0x379: {  	s11 =	sadd.s32 $0x10, s20;
	s21 =	simm.s32 $0xA900  }
0x37a: {  	[tilespmem:s21], [sflag:$0x1] =	stream.indirect_vreg.gather [hbm4b:s14+s5], $0x80, v0, vm0, $0xb8;
	[tilespmem:$0x14100] =	vst v63  }
0x37b: {  	s11 =	sadd.s32 s6, s11;
	s21 =	simm.s32 $0xB100  }
0x37c: {  	[tilespmem:s21], [sflag:$0x1] =	stream.indirect_vreg.gather [hbm4b:s15+s5], $0x80, v0, vm0, $0xb8;
	[tilespmem:$0x14100] =	vst v63  }
0x37d: {  	s11 =	sshll.u32 s11, $0x7;
	s21 =	simm.s32 $0xB900  }
0x37e: {  	[tilespmem:s21], [sflag:$0x1] =	stream.indirect_vreg.gather [hbm4b:s16+s5], $0x80, v0, vm0, $0xb8;
	[tilespmem:$0x14100] =	vst v63  }
0x37f: {  	s11 =	sadd.s32 s3, s11;
	s21 =	simm.s32 $0x100  }
0x380: {  	[tilespmem:s21], [sflag:$0x1] =	stream.linear.gather [hbm4b:s11+s5], $0x2000, $0x38;
	[tilespmem:$0x14100] =	vst v63  }
.LBB2_6:
0x381: {  	_ =	swait.ge [sflag:s26], $0x2000  }
0x382: {  	[sflag:s26] =	ssyncset.done $0x0  }
0x383: {  	[sflag:s26] =	ssyncadd.s32 $0xFFFFE000  }
0x384: {  	_ =	swait.ge [sflag:s26], $0x2000  }
0x385: {  	[sflag:s26] =	ssyncset.done $0x0  }
0x386: {  	[sflag:s26] =	ssyncadd.s32 $0xFFFFE000  }
0x387: {  	_ =	swait.ge [sflag:s26], $0x2000  }
0x388: {  	[sflag:s26] =	ssyncset.done $0x0  }
0x389: {  	[sflag:s26] =	ssyncadd.s32 $0xFFFFE000  }
0x38a: {  	_ =	swait.ge [sflag:s26], $0x2000  }
0x38b: {  	[sflag:s26] =	ssyncset.done $0x0  }
0x38c: {  	[sflag:s26] =	ssyncadd.s32 $0xFFFFE000  }
0x38d: {  	_ =	swait.ge [sflag:s26], $0x2000  }
0x38e: {  	[sflag:s26] =	ssyncset.done $0x0  }
0x38f: {  	s20 =	simm.s32 $0x0;
	s11 =	simm.s32 $0x1;
	[sflag:s26] =	ssyncadd.s32 $0xFFFFE000  }
.LBB2_7:
0x390: {  	p0 =	sne.s32 s11, $0x7;
	v2 =	vld [tilespmem:s20+$0x3D70]  }
0x391: {  	v1 =	vld [tilespmem:s20+$0x2100]  }
0x392: {  	v0 =	vld [tilespmem:s20+$0x2110]  }
0x393: {  	v63 =	vld [tilespmem:s20+$0x2120]  }
0x394: {  	v62 =	vld [tilespmem:s20+$0x2130]  }
0x395: {  	[tilespmem:s20+$0x13D70] =	vst.add.f32.msk $0xffff, v2  }
0x396: {  	v61 =	vld [tilespmem:s20+$0x2140]  }
0x397: {  	v60 =	vld [tilespmem:s20+$0x2150]  }
0x398: {  	v59 =	vld [tilespmem:s20+$0x2160]  }
0x399: {  	v58 =	vld [tilespmem:s20+$0x2170]  }
0x39a: {  	v57 =	vld [tilespmem:s20+$0x2500]  }
0x39b: {  	v56 =	vld [tilespmem:s20+$0x2510]  }
0x39c: {  	v55 =	vld [tilespmem:s20+$0x2520]  }
0x39d: {  	v54 =	vld [tilespmem:s20+$0x2530]  }
0x39e: {  	v53 =	vld [tilespmem:s20+$0x2540]  }
0x39f: {  	v52 =	vld [tilespmem:s20+$0x2550]  }
0x3a0: {  	v51 =	vld [tilespmem:s20+$0x2560]  }
0x3a1: {  	v50 =	vld [tilespmem:s20+$0x2570]  }
0x3a2: {  	v49 =	vld [tilespmem:s20+$0x2900]  }
0x3a3: {  	v48 =	vld [tilespmem:s20+$0x2910]  }
0x3a4: {  	v47 =	vld [tilespmem:s20+$0x2920]  }
0x3a5: {  	v46 =	vld [tilespmem:s20+$0x2930]  }
0x3a6: {  	v45 =	vld [tilespmem:s20+$0x2940]  }
0x3a7: {  	v44 =	vld [tilespmem:s20+$0x2950]  }
0x3a8: {  	v43 =	vld [tilespmem:s20+$0x2960]  }
0x3a9: {  	v42 =	vld [tilespmem:s20+$0x2970]  }
0x3aa: {  	v41 =	vld [tilespmem:s20+$0x2D00]  }
0x3ab: {  	v40 =	vld [tilespmem:s20+$0x2D10]  }
0x3ac: {  	v39 =	vld [tilespmem:s20+$0x2D20]  }
0x3ad: {  	v38 =	vld [tilespmem:s20+$0x2D30]  }
0x3ae: {  	v37 =	vld [tilespmem:s20+$0x2D40]  }
0x3af: {  	v36 =	vld [tilespmem:s20+$0x2D50]  }
0x3b0: {  	v35 =	vld [tilespmem:s20+$0x2D60]  }
0x3b1: {  	v34 =	vld [tilespmem:s20+$0x2D70]  }
0x3b2: {  	v33 =	vld [tilespmem:s20+$0x3100]  }
0x3b3: {  	v32 =	vld [tilespmem:s20+$0x3110]  }
0x3b4: {  	v31 =	vld [tilespmem:s20+$0x3120]  }
0x3b5: {  	v30 =	vld [tilespmem:s20+$0x3130]  }
0x3b6: {  	v29 =	vld [tilespmem:s20+$0x3140]  }
0x3b7: {  	v28 =	vld [tilespmem:s20+$0x3150]  }
0x3b8: {  	v27 =	vld [tilespmem:s20+$0x3160]  }
0x3b9: {  	v26 =	vld [tilespmem:s20+$0x3170]  }
0x3ba: {  	v25 =	vld [tilespmem:s20+$0x3500]  }
0x3bb: {  	v24 =	vld [tilespmem:s20+$0x3510]  }
0x3bc: {  	v23 =	vld [tilespmem:s20+$0x3520]  }
0x3bd: {  	v22 =	vld [tilespmem:s20+$0x3530]  }
0x3be: {  	v21 =	vld [tilespmem:s20+$0x3540]  }
0x3bf: {  	v20 =	vld [tilespmem:s20+$0x3550]  }
0x3c0: {  	v19 =	vld [tilespmem:s20+$0x3560]  }
0x3c1: {  	v18 =	vld [tilespmem:s20+$0x3570]  }
0x3c2: {  	v17 =	vld [tilespmem:s20+$0x3900]  }
0x3c3: {  	v16 =	vld [tilespmem:s20+$0x3910]  }
0x3c4: {  	v15 =	vld [tilespmem:s20+$0x3920]  }
0x3c5: {  	v14 =	vld [tilespmem:s20+$0x3930]  }
0x3c6: {  	v13 =	vld [tilespmem:s20+$0x3940]  }
0x3c7: {  	v12 =	vld [tilespmem:s20+$0x3950]  }
0x3c8: {  	v11 =	vld [tilespmem:s20+$0x3960]  }
0x3c9: {  	v10 =	vld [tilespmem:s20+$0x3970]  }
0x3ca: {  	v9 =	vld [tilespmem:s20+$0x3D00]  }
0x3cb: {  	v8 =	vld [tilespmem:s20+$0x3D10]  }
0x3cc: {  	v7 =	vld [tilespmem:s20+$0x3D20]  }
0x3cd: {  	v6 =	vld [tilespmem:s20+$0x3D30]  }
0x3ce: {  	v5 =	vld [tilespmem:s20+$0x3D40]  }
0x3cf: {  	v4 =	vld [tilespmem:s20+$0x3D50]  }
0x3d0: {  	v3 =	vld [tilespmem:s20+$0x3D60]  }
0x3d1: {  	[tilespmem:s20+$0xC100] =	vst.add.f32.msk $0xffff, v1  }
0x3d2: {  	[tilespmem:s20+$0xE100] =	vst.add.f32.msk $0xffff, v1  }
0x3d3: {  	[tilespmem:s20+$0x10100] =	vst.add.f32.msk $0xffff, v1  }
0x3d4: {  	[tilespmem:s20+$0x12100] =	vst.add.f32.msk $0xffff, v1  }
0x3d5: {  	[tilespmem:s20+$0xC110] =	vst.add.f32.msk $0xffff, v0  }
0x3d6: {  	[tilespmem:s20+$0xE110] =	vst.add.f32.msk $0xffff, v0  }
0x3d7: {  	[tilespmem:s20+$0x10110] =	vst.add.f32.msk $0xffff, v0  }
0x3d8: {  	[tilespmem:s20+$0x12110] =	vst.add.f32.msk $0xffff, v0  }
0x3d9: {  	[tilespmem:s20+$0xC120] =	vst.add.f32.msk $0xffff, v63  }
0x3da: {  	[tilespmem:s20+$0xE120] =	vst.add.f32.msk $0xffff, v63  }
0x3db: {  	[tilespmem:s20+$0x10120] =	vst.add.f32.msk $0xffff, v63  }
0x3dc: {  	[tilespmem:s20+$0x12120] =	vst.add.f32.msk $0xffff, v63  }
0x3dd: {  	[tilespmem:s20+$0xC130] =	vst.add.f32.msk $0xffff, v62  }
0x3de: {  	[tilespmem:s20+$0xE130] =	vst.add.f32.msk $0xffff, v62  }
0x3df: {  	[tilespmem:s20+$0x10130] =	vst.add.f32.msk $0xffff, v62  }
0x3e0: {  	[tilespmem:s20+$0x12130] =	vst.add.f32.msk $0xffff, v62  }
0x3e1: {  	[tilespmem:s20+$0xC140] =	vst.add.f32.msk $0xffff, v61  }
0x3e2: {  	[tilespmem:s20+$0xE140] =	vst.add.f32.msk $0xffff, v61  }
0x3e3: {  	[tilespmem:s20+$0x10140] =	vst.add.f32.msk $0xffff, v61  }
0x3e4: {  	[tilespmem:s20+$0x12140] =	vst.add.f32.msk $0xffff, v61  }
0x3e5: {  	[tilespmem:s20+$0xC150] =	vst.add.f32.msk $0xffff, v60  }
0x3e6: {  	[tilespmem:s20+$0xE150] =	vst.add.f32.msk $0xffff, v60  }
0x3e7: {  	[tilespmem:s20+$0x10150] =	vst.add.f32.msk $0xffff, v60  }
0x3e8: {  	[tilespmem:s20+$0x12150] =	vst.add.f32.msk $0xffff, v60  }
0x3e9: {  	[tilespmem:s20+$0xC160] =	vst.add.f32.msk $0xffff, v59  }
0x3ea: {  	[tilespmem:s20+$0xE160] =	vst.add.f32.msk $0xffff, v59  }
0x3eb: {  	[tilespmem:s20+$0x10160] =	vst.add.f32.msk $0xffff, v59  }
0x3ec: {  	[tilespmem:s20+$0x12160] =	vst.add.f32.msk $0xffff, v59  }
0x3ed: {  	[tilespmem:s20+$0xC170] =	vst.add.f32.msk $0xffff, v58  }
0x3ee: {  	[tilespmem:s20+$0xE170] =	vst.add.f32.msk $0xffff, v58  }
0x3ef: {  	[tilespmem:s20+$0x10170] =	vst.add.f32.msk $0xffff, v58  }
0x3f0: {  	[tilespmem:s20+$0x12170] =	vst.add.f32.msk $0xffff, v58  }
0x3f1: {  	[tilespmem:s20+$0xC500] =	vst.add.f32.msk $0xffff, v57  }
0x3f2: {  	[tilespmem:s20+$0xE500] =	vst.add.f32.msk $0xffff, v57  }
0x3f3: {  	[tilespmem:s20+$0x10500] =	vst.add.f32.msk $0xffff, v57  }
0x3f4: {  	[tilespmem:s20+$0x12500] =	vst.add.f32.msk $0xffff, v57  }
0x3f5: {  	[tilespmem:s20+$0xC510] =	vst.add.f32.msk $0xffff, v56  }
0x3f6: {  	[tilespmem:s20+$0xE510] =	vst.add.f32.msk $0xffff, v56  }
0x3f7: {  	[tilespmem:s20+$0x10510] =	vst.add.f32.msk $0xffff, v56  }
0x3f8: {  	[tilespmem:s20+$0x12510] =	vst.add.f32.msk $0xffff, v56  }
0x3f9: {  	[tilespmem:s20+$0xC520] =	vst.add.f32.msk $0xffff, v55  }
0x3fa: {  	[tilespmem:s20+$0xE520] =	vst.add.f32.msk $0xffff, v55  }
0x3fb: {  	[tilespmem:s20+$0x10520] =	vst.add.f32.msk $0xffff, v55  }
0x3fc: {  	[tilespmem:s20+$0x12520] =	vst.add.f32.msk $0xffff, v55  }
0x3fd: {  	[tilespmem:s20+$0xC530] =	vst.add.f32.msk $0xffff, v54  }
0x3fe: {  	[tilespmem:s20+$0xE530] =	vst.add.f32.msk $0xffff, v54  }
0x3ff: {  	[tilespmem:s20+$0x10530] =	vst.add.f32.msk $0xffff, v54  }
0x400: {  	[tilespmem:s20+$0x12530] =	vst.add.f32.msk $0xffff, v54  }
0x401: {  	[tilespmem:s20+$0xC540] =	vst.add.f32.msk $0xffff, v53  }
0x402: {  	[tilespmem:s20+$0xE540] =	vst.add.f32.msk $0xffff, v53  }
0x403: {  	[tilespmem:s20+$0x10540] =	vst.add.f32.msk $0xffff, v53  }
0x404: {  	[tilespmem:s20+$0x12540] =	vst.add.f32.msk $0xffff, v53  }
0x405: {  	[tilespmem:s20+$0xC550] =	vst.add.f32.msk $0xffff, v52  }
0x406: {  	[tilespmem:s20+$0xE550] =	vst.add.f32.msk $0xffff, v52  }
0x407: {  	[tilespmem:s20+$0x10550] =	vst.add.f32.msk $0xffff, v52  }
0x408: {  	[tilespmem:s20+$0x12550] =	vst.add.f32.msk $0xffff, v52  }
0x409: {  	[tilespmem:s20+$0xC560] =	vst.add.f32.msk $0xffff, v51  }
0x40a: {  	[tilespmem:s20+$0xE560] =	vst.add.f32.msk $0xffff, v51  }
0x40b: {  	[tilespmem:s20+$0x10560] =	vst.add.f32.msk $0xffff, v51  }
0x40c: {  	[tilespmem:s20+$0x12560] =	vst.add.f32.msk $0xffff, v51  }
0x40d: {  	[tilespmem:s20+$0xC570] =	vst.add.f32.msk $0xffff, v50  }
0x40e: {  	[tilespmem:s20+$0xE570] =	vst.add.f32.msk $0xffff, v50  }
0x40f: {  	[tilespmem:s20+$0x10570] =	vst.add.f32.msk $0xffff, v50  }
0x410: {  	[tilespmem:s20+$0x12570] =	vst.add.f32.msk $0xffff, v50  }
0x411: {  	[tilespmem:s20+$0xC900] =	vst.add.f32.msk $0xffff, v49  }
0x412: {  	[tilespmem:s20+$0xE900] =	vst.add.f32.msk $0xffff, v49  }
0x413: {  	[tilespmem:s20+$0x10900] =	vst.add.f32.msk $0xffff, v49  }
0x414: {  	[tilespmem:s20+$0x12900] =	vst.add.f32.msk $0xffff, v49  }
0x415: {  	[tilespmem:s20+$0xC910] =	vst.add.f32.msk $0xffff, v48  }
0x416: {  	[tilespmem:s20+$0xE910] =	vst.add.f32.msk $0xffff, v48  }
0x417: {  	[tilespmem:s20+$0x10910] =	vst.add.f32.msk $0xffff, v48  }
0x418: {  	[tilespmem:s20+$0x12910] =	vst.add.f32.msk $0xffff, v48  }
0x419: {  	[tilespmem:s20+$0xC920] =	vst.add.f32.msk $0xffff, v47  }
0x41a: {  	[tilespmem:s20+$0xE920] =	vst.add.f32.msk $0xffff, v47  }
0x41b: {  	[tilespmem:s20+$0x10920] =	vst.add.f32.msk $0xffff, v47  }
0x41c: {  	[tilespmem:s20+$0x12920] =	vst.add.f32.msk $0xffff, v47  }
0x41d: {  	[tilespmem:s20+$0xC930] =	vst.add.f32.msk $0xffff, v46  }
0x41e: {  	[tilespmem:s20+$0xE930] =	vst.add.f32.msk $0xffff, v46  }
0x41f: {  	[tilespmem:s20+$0x10930] =	vst.add.f32.msk $0xffff, v46  }
0x420: {  	[tilespmem:s20+$0x12930] =	vst.add.f32.msk $0xffff, v46  }
0x421: {  	[tilespmem:s20+$0xC940] =	vst.add.f32.msk $0xffff, v45  }
0x422: {  	[tilespmem:s20+$0xE940] =	vst.add.f32.msk $0xffff, v45  }
0x423: {  	[tilespmem:s20+$0x10940] =	vst.add.f32.msk $0xffff, v45  }
0x424: {  	[tilespmem:s20+$0x12940] =	vst.add.f32.msk $0xffff, v45  }
0x425: {  	[tilespmem:s20+$0xC950] =	vst.add.f32.msk $0xffff, v44  }
0x426: {  	[tilespmem:s20+$0xE950] =	vst.add.f32.msk $0xffff, v44  }
0x427: {  	[tilespmem:s20+$0x10950] =	vst.add.f32.msk $0xffff, v44  }
0x428: {  	[tilespmem:s20+$0x12950] =	vst.add.f32.msk $0xffff, v44  }
0x429: {  	[tilespmem:s20+$0xC960] =	vst.add.f32.msk $0xffff, v43  }
0x42a: {  	[tilespmem:s20+$0xE960] =	vst.add.f32.msk $0xffff, v43  }
0x42b: {  	[tilespmem:s20+$0x10960] =	vst.add.f32.msk $0xffff, v43  }
0x42c: {  	[tilespmem:s20+$0x12960] =	vst.add.f32.msk $0xffff, v43  }
0x42d: {  	[tilespmem:s20+$0xC970] =	vst.add.f32.msk $0xffff, v42  }
0x42e: {  	[tilespmem:s20+$0xE970] =	vst.add.f32.msk $0xffff, v42  }
0x42f: {  	[tilespmem:s20+$0x10970] =	vst.add.f32.msk $0xffff, v42  }
0x430: {  	[tilespmem:s20+$0x12970] =	vst.add.f32.msk $0xffff, v42  }
0x431: {  	[tilespmem:s20+$0xCD00] =	vst.add.f32.msk $0xffff, v41  }
0x432: {  	[tilespmem:s20+$0xED00] =	vst.add.f32.msk $0xffff, v41  }
0x433: {  	[tilespmem:s20+$0x10D00] =	vst.add.f32.msk $0xffff, v41  }
0x434: {  	[tilespmem:s20+$0x12D00] =	vst.add.f32.msk $0xffff, v41  }
0x435: {  	[tilespmem:s20+$0xCD10] =	vst.add.f32.msk $0xffff, v40  }
0x436: {  	[tilespmem:s20+$0xED10] =	vst.add.f32.msk $0xffff, v40  }
0x437: {  	[tilespmem:s20+$0x10D10] =	vst.add.f32.msk $0xffff, v40  }
0x438: {  	[tilespmem:s20+$0x12D10] =	vst.add.f32.msk $0xffff, v40  }
0x439: {  	[tilespmem:s20+$0xCD20] =	vst.add.f32.msk $0xffff, v39  }
0x43a: {  	[tilespmem:s20+$0xED20] =	vst.add.f32.msk $0xffff, v39  }
0x43b: {  	[tilespmem:s20+$0x10D20] =	vst.add.f32.msk $0xffff, v39  }
0x43c: {  	[tilespmem:s20+$0x12D20] =	vst.add.f32.msk $0xffff, v39  }
0x43d: {  	[tilespmem:s20+$0xCD30] =	vst.add.f32.msk $0xffff, v38  }
0x43e: {  	[tilespmem:s20+$0xED30] =	vst.add.f32.msk $0xffff, v38  }
0x43f: {  	[tilespmem:s20+$0x10D30] =	vst.add.f32.msk $0xffff, v38  }
0x440: {  	[tilespmem:s20+$0x12D30] =	vst.add.f32.msk $0xffff, v38  }
0x441: {  	[tilespmem:s20+$0xCD40] =	vst.add.f32.msk $0xffff, v37  }
0x442: {  	[tilespmem:s20+$0xED40] =	vst.add.f32.msk $0xffff, v37  }
0x443: {  	[tilespmem:s20+$0x10D40] =	vst.add.f32.msk $0xffff, v37  }
0x444: {  	[tilespmem:s20+$0x12D40] =	vst.add.f32.msk $0xffff, v37  }
0x445: {  	[tilespmem:s20+$0xCD50] =	vst.add.f32.msk $0xffff, v36  }
0x446: {  	[tilespmem:s20+$0xED50] =	vst.add.f32.msk $0xffff, v36  }
0x447: {  	[tilespmem:s20+$0x10D50] =	vst.add.f32.msk $0xffff, v36  }
0x448: {  	[tilespmem:s20+$0x12D50] =	vst.add.f32.msk $0xffff, v36  }
0x449: {  	[tilespmem:s20+$0xCD60] =	vst.add.f32.msk $0xffff, v35  }
0x44a: {  	[tilespmem:s20+$0xED60] =	vst.add.f32.msk $0xffff, v35  }
0x44b: {  	[tilespmem:s20+$0x10D60] =	vst.add.f32.msk $0xffff, v35  }
0x44c: {  	[tilespmem:s20+$0x12D60] =	vst.add.f32.msk $0xffff, v35  }
0x44d: {  	[tilespmem:s20+$0xCD70] =	vst.add.f32.msk $0xffff, v34  }
0x44e: {  	[tilespmem:s20+$0xED70] =	vst.add.f32.msk $0xffff, v34  }
0x44f: {  	[tilespmem:s20+$0x10D70] =	vst.add.f32.msk $0xffff, v34  }
0x450: {  	[tilespmem:s20+$0x12D70] =	vst.add.f32.msk $0xffff, v34  }
0x451: {  	[tilespmem:s20+$0xD100] =	vst.add.f32.msk $0xffff, v33  }
0x452: {  	[tilespmem:s20+$0xF100] =	vst.add.f32.msk $0xffff, v33  }
0x453: {  	[tilespmem:s20+$0x11100] =	vst.add.f32.msk $0xffff, v33  }
0x454: {  	[tilespmem:s20+$0x13100] =	vst.add.f32.msk $0xffff, v33  }
0x455: {  	[tilespmem:s20+$0xD110] =	vst.add.f32.msk $0xffff, v32  }
0x456: {  	[tilespmem:s20+$0xF110] =	vst.add.f32.msk $0xffff, v32  }
0x457: {  	[tilespmem:s20+$0x11110] =	vst.add.f32.msk $0xffff, v32  }
0x458: {  	[tilespmem:s20+$0x13110] =	vst.add.f32.msk $0xffff, v32  }
0x459: {  	[tilespmem:s20+$0xD120] =	vst.add.f32.msk $0xffff, v31  }
0x45a: {  	[tilespmem:s20+$0xF120] =	vst.add.f32.msk $0xffff, v31  }
0x45b: {  	[tilespmem:s20+$0x11120] =	vst.add.f32.msk $0xffff, v31  }
0x45c: {  	[tilespmem:s20+$0x13120] =	vst.add.f32.msk $0xffff, v31  }
0x45d: {  	[tilespmem:s20+$0xD130] =	vst.add.f32.msk $0xffff, v30  }
0x45e: {  	[tilespmem:s20+$0xF130] =	vst.add.f32.msk $0xffff, v30  }
0x45f: {  	[tilespmem:s20+$0x11130] =	vst.add.f32.msk $0xffff, v30  }
0x460: {  	[tilespmem:s20+$0x13130] =	vst.add.f32.msk $0xffff, v30  }
0x461: {  	[tilespmem:s20+$0xD140] =	vst.add.f32.msk $0xffff, v29  }
0x462: {  	[tilespmem:s20+$0xF140] =	vst.add.f32.msk $0xffff, v29  }
0x463: {  	[tilespmem:s20+$0x11140] =	vst.add.f32.msk $0xffff, v29  }
0x464: {  	[tilespmem:s20+$0x13140] =	vst.add.f32.msk $0xffff, v29  }
0x465: {  	[tilespmem:s20+$0xD150] =	vst.add.f32.msk $0xffff, v28  }
0x466: {  	[tilespmem:s20+$0xF150] =	vst.add.f32.msk $0xffff, v28  }
0x467: {  	[tilespmem:s20+$0x11150] =	vst.add.f32.msk $0xffff, v28  }
0x468: {  	[tilespmem:s20+$0x13150] =	vst.add.f32.msk $0xffff, v28  }
0x469: {  	[tilespmem:s20+$0xD160] =	vst.add.f32.msk $0xffff, v27  }
0x46a: {  	[tilespmem:s20+$0xF160] =	vst.add.f32.msk $0xffff, v27  }
0x46b: {  	[tilespmem:s20+$0x11160] =	vst.add.f32.msk $0xffff, v27  }
0x46c: {  	[tilespmem:s20+$0x13160] =	vst.add.f32.msk $0xffff, v27  }
0x46d: {  	[tilespmem:s20+$0xD170] =	vst.add.f32.msk $0xffff, v26  }
0x46e: {  	[tilespmem:s20+$0xF170] =	vst.add.f32.msk $0xffff, v26  }
0x46f: {  	[tilespmem:s20+$0x11170] =	vst.add.f32.msk $0xffff, v26  }
0x470: {  	[tilespmem:s20+$0x13170] =	vst.add.f32.msk $0xffff, v26  }
0x471: {  	[tilespmem:s20+$0xD500] =	vst.add.f32.msk $0xffff, v25  }
0x472: {  	[tilespmem:s20+$0xF500] =	vst.add.f32.msk $0xffff, v25  }
0x473: {  	[tilespmem:s20+$0x11500] =	vst.add.f32.msk $0xffff, v25  }
0x474: {  	[tilespmem:s20+$0x13500] =	vst.add.f32.msk $0xffff, v25  }
0x475: {  	[tilespmem:s20+$0xD510] =	vst.add.f32.msk $0xffff, v24  }
0x476: {  	[tilespmem:s20+$0xF510] =	vst.add.f32.msk $0xffff, v24  }
0x477: {  	[tilespmem:s20+$0x11510] =	vst.add.f32.msk $0xffff, v24  }
0x478: {  	[tilespmem:s20+$0x13510] =	vst.add.f32.msk $0xffff, v24  }
0x479: {  	[tilespmem:s20+$0xD520] =	vst.add.f32.msk $0xffff, v23  }
0x47a: {  	[tilespmem:s20+$0xF520] =	vst.add.f32.msk $0xffff, v23  }
0x47b: {  	[tilespmem:s20+$0x11520] =	vst.add.f32.msk $0xffff, v23  }
0x47c: {  	[tilespmem:s20+$0x13520] =	vst.add.f32.msk $0xffff, v23  }
0x47d: {  	[tilespmem:s20+$0xD530] =	vst.add.f32.msk $0xffff, v22  }
0x47e: {  	[tilespmem:s20+$0xF530] =	vst.add.f32.msk $0xffff, v22  }
0x47f: {  	[tilespmem:s20+$0x11530] =	vst.add.f32.msk $0xffff, v22  }
0x480: {  	[tilespmem:s20+$0x13530] =	vst.add.f32.msk $0xffff, v22  }
0x481: {  	[tilespmem:s20+$0xD540] =	vst.add.f32.msk $0xffff, v21  }
0x482: {  	[tilespmem:s20+$0xF540] =	vst.add.f32.msk $0xffff, v21  }
0x483: {  	[tilespmem:s20+$0x11540] =	vst.add.f32.msk $0xffff, v21  }
0x484: {  	[tilespmem:s20+$0x13540] =	vst.add.f32.msk $0xffff, v21  }
0x485: {  	[tilespmem:s20+$0xD550] =	vst.add.f32.msk $0xffff, v20  }
0x486: {  	[tilespmem:s20+$0xF550] =	vst.add.f32.msk $0xffff, v20  }
0x487: {  	[tilespmem:s20+$0x11550] =	vst.add.f32.msk $0xffff, v20  }
0x488: {  	[tilespmem:s20+$0x13550] =	vst.add.f32.msk $0xffff, v20  }
0x489: {  	[tilespmem:s20+$0xD560] =	vst.add.f32.msk $0xffff, v19  }
0x48a: {  	[tilespmem:s20+$0xF560] =	vst.add.f32.msk $0xffff, v19  }
0x48b: {  	[tilespmem:s20+$0x11560] =	vst.add.f32.msk $0xffff, v19  }
0x48c: {  	[tilespmem:s20+$0x13560] =	vst.add.f32.msk $0xffff, v19  }
0x48d: {  	[tilespmem:s20+$0xD570] =	vst.add.f32.msk $0xffff, v18  }
0x48e: {  	[tilespmem:s20+$0xF570] =	vst.add.f32.msk $0xffff, v18  }
0x48f: {  	[tilespmem:s20+$0x11570] =	vst.add.f32.msk $0xffff, v18  }
0x490: {  	[tilespmem:s20+$0x13570] =	vst.add.f32.msk $0xffff, v18  }
0x491: {  	[tilespmem:s20+$0xD900] =	vst.add.f32.msk $0xffff, v17  }
0x492: {  	[tilespmem:s20+$0xF900] =	vst.add.f32.msk $0xffff, v17  }
0x493: {  	[tilespmem:s20+$0x11900] =	vst.add.f32.msk $0xffff, v17  }
0x494: {  	[tilespmem:s20+$0x13900] =	vst.add.f32.msk $0xffff, v17  }
0x495: {  	[tilespmem:s20+$0xD910] =	vst.add.f32.msk $0xffff, v16  }
0x496: {  	[tilespmem:s20+$0xF910] =	vst.add.f32.msk $0xffff, v16  }
0x497: {  	[tilespmem:s20+$0x11910] =	vst.add.f32.msk $0xffff, v16  }
0x498: {  	[tilespmem:s20+$0x13910] =	vst.add.f32.msk $0xffff, v16  }
0x499: {  	[tilespmem:s20+$0xD920] =	vst.add.f32.msk $0xffff, v15  }
0x49a: {  	[tilespmem:s20+$0xF920] =	vst.add.f32.msk $0xffff, v15  }
0x49b: {  	[tilespmem:s20+$0x11920] =	vst.add.f32.msk $0xffff, v15  }
0x49c: {  	[tilespmem:s20+$0x13920] =	vst.add.f32.msk $0xffff, v15  }
0x49d: {  	[tilespmem:s20+$0xD930] =	vst.add.f32.msk $0xffff, v14  }
0x49e: {  	[tilespmem:s20+$0xF930] =	vst.add.f32.msk $0xffff, v14  }
0x49f: {  	[tilespmem:s20+$0x11930] =	vst.add.f32.msk $0xffff, v14  }
0x4a0: {  	[tilespmem:s20+$0x13930] =	vst.add.f32.msk $0xffff, v14  }
0x4a1: {  	[tilespmem:s20+$0xD940] =	vst.add.f32.msk $0xffff, v13  }
0x4a2: {  	[tilespmem:s20+$0xF940] =	vst.add.f32.msk $0xffff, v13  }
0x4a3: {  	[tilespmem:s20+$0x11940] =	vst.add.f32.msk $0xffff, v13  }
0x4a4: {  	[tilespmem:s20+$0x13940] =	vst.add.f32.msk $0xffff, v13  }
0x4a5: {  	[tilespmem:s20+$0xD950] =	vst.add.f32.msk $0xffff, v12  }
0x4a6: {  	[tilespmem:s20+$0xF950] =	vst.add.f32.msk $0xffff, v12  }
0x4a7: {  	[tilespmem:s20+$0x11950] =	vst.add.f32.msk $0xffff, v12  }
0x4a8: {  	[tilespmem:s20+$0x13950] =	vst.add.f32.msk $0xffff, v12  }
0x4a9: {  	[tilespmem:s20+$0xD960] =	vst.add.f32.msk $0xffff, v11  }
0x4aa: {  	[tilespmem:s20+$0xF960] =	vst.add.f32.msk $0xffff, v11  }
0x4ab: {  	[tilespmem:s20+$0x11960] =	vst.add.f32.msk $0xffff, v11  }
0x4ac: {  	[tilespmem:s20+$0x13960] =	vst.add.f32.msk $0xffff, v11  }
0x4ad: {  	[tilespmem:s20+$0xD970] =	vst.add.f32.msk $0xffff, v10  }
0x4ae: {  	[tilespmem:s20+$0xF970] =	vst.add.f32.msk $0xffff, v10  }
0x4af: {  	[tilespmem:s20+$0x11970] =	vst.add.f32.msk $0xffff, v10  }
0x4b0: {  	[tilespmem:s20+$0x13970] =	vst.add.f32.msk $0xffff, v10  }
0x4b1: {  	[tilespmem:s20+$0xDD00] =	vst.add.f32.msk $0xffff, v9  }
0x4b2: {  	[tilespmem:s20+$0xFD00] =	vst.add.f32.msk $0xffff, v9  }
0x4b3: {  	[tilespmem:s20+$0x11D00] =	vst.add.f32.msk $0xffff, v9  }
0x4b4: {  	[tilespmem:s20+$0x13D00] =	vst.add.f32.msk $0xffff, v9  }
0x4b5: {  	[tilespmem:s20+$0xDD10] =	vst.add.f32.msk $0xffff, v8  }
0x4b6: {  	[tilespmem:s20+$0xFD10] =	vst.add.f32.msk $0xffff, v8  }
0x4b7: {  	[tilespmem:s20+$0x11D10] =	vst.add.f32.msk $0xffff, v8  }
0x4b8: {  	[tilespmem:s20+$0x13D10] =	vst.add.f32.msk $0xffff, v8  }
0x4b9: {  	[tilespmem:s20+$0xDD20] =	vst.add.f32.msk $0xffff, v7  }
0x4ba: {  	[tilespmem:s20+$0xFD20] =	vst.add.f32.msk $0xffff, v7  }
0x4bb: {  	[tilespmem:s20+$0x11D20] =	vst.add.f32.msk $0xffff, v7  }
0x4bc: {  	[tilespmem:s20+$0x13D20] =	vst.add.f32.msk $0xffff, v7  }
0x4bd: {  	[tilespmem:s20+$0xDD30] =	vst.add.f32.msk $0xffff, v6  }
0x4be: {  	[tilespmem:s20+$0xFD30] =	vst.add.f32.msk $0xffff, v6  }
0x4bf: {  	[tilespmem:s20+$0x11D30] =	vst.add.f32.msk $0xffff, v6  }
0x4c0: {  	[tilespmem:s20+$0x13D30] =	vst.add.f32.msk $0xffff, v6  }
0x4c1: {  	[tilespmem:s20+$0xDD40] =	vst.add.f32.msk $0xffff, v5  }
0x4c2: {  	[tilespmem:s20+$0xFD40] =	vst.add.f32.msk $0xffff, v5  }
0x4c3: {  	[tilespmem:s20+$0x11D40] =	vst.add.f32.msk $0xffff, v5  }
0x4c4: {  	[tilespmem:s20+$0x13D40] =	vst.add.f32.msk $0xffff, v5  }
0x4c5: {  	[tilespmem:s20+$0xDD50] =	vst.add.f32.msk $0xffff, v4  }
0x4c6: {  	[tilespmem:s20+$0xFD50] =	vst.add.f32.msk $0xffff, v4  }
0x4c7: {  	[tilespmem:s20+$0x11D50] =	vst.add.f32.msk $0xffff, v4  }
0x4c8: {  	[tilespmem:s20+$0x13D50] =	vst.add.f32.msk $0xffff, v4  }
0x4c9: {  	[tilespmem:s20+$0xDD60] =	vst.add.f32.msk $0xffff, v3  }
0x4ca: {  	[tilespmem:s20+$0xFD60] =	vst.add.f32.msk $0xffff, v3  }
.Ltmp2:
0x4cb: {  	[tilespmem:s20+$0x11D60] =	vst.add.f32.msk $0xffff, v3;
	(pc) =	sbr.rel @p0 .LBB2_7-.Ltmp2, $4  }
0x4cc: {  	[tilespmem:s20+$0x13D60] =	vst.add.f32.msk $0xffff, v3  }
0x4cd: {  	[tilespmem:s20+$0xDD70] =	vst.add.f32.msk $0xffff, v2  }
0x4ce: {  	[tilespmem:s20+$0xFD70] =	vst.add.f32.msk $0xffff, v2  }
0x4cf: {  	[tilespmem:s20+$0x11D70] =	vst.add.f32.msk $0xffff, v2;
	s20 =	sshll.u32 s11, $0x7;
	s11 =	sadd.s32 $0x1, s11  }
0x4d0: {  	v2 =	vld [tilespmem:s20+$0x3D70]  }
0x4d1: {  	v43 =	vld [tilespmem:s20+$0x2100]  }
0x4d2: {  	v44 =	vld [tilespmem:s20+$0x2110]  }
0x4d3: {  	v45 =	vld [tilespmem:s20+$0x2120]  }
0x4d4: {  	v46 =	vld [tilespmem:s20+$0x2130]  }
0x4d5: {  	v47 =	vld [tilespmem:s20+$0x2140]  }
0x4d6: {  	v48 =	vld [tilespmem:s20+$0x2150]  }
0x4d7: {  	v49 =	vld [tilespmem:s20+$0x2160]  }
0x4d8: {  	v50 =	vld [tilespmem:s20+$0x2170]  }
0x4d9: {  	v51 =	vld [tilespmem:s20+$0x2500]  }
0x4da: {  	v52 =	vld [tilespmem:s20+$0x2510]  }
0x4db: {  	v53 =	vld [tilespmem:s20+$0x2520]  }
0x4dc: {  	v54 =	vld [tilespmem:s20+$0x2530]  }
0x4dd: {  	v55 =	vld [tilespmem:s20+$0x2540]  }
0x4de: {  	v56 =	vld [tilespmem:s20+$0x2550]  }
0x4df: {  	v57 =	vld [tilespmem:s20+$0x2560]  }
0x4e0: {  	v58 =	vld [tilespmem:s20+$0x2570]  }
0x4e1: {  	v59 =	vld [tilespmem:s20+$0x2900]  }
0x4e2: {  	v60 =	vld [tilespmem:s20+$0x2910]  }
0x4e3: {  	v61 =	vld [tilespmem:s20+$0x2920]  }
0x4e4: {  	v62 =	vld [tilespmem:s20+$0x2930]  }
0x4e5: {  	v63 =	vld [tilespmem:s20+$0x2940]  }
0x4e6: {  	v42 =	vld [tilespmem:s20+$0x2950]  }
0x4e7: {  	v1 =	vld [tilespmem:s20+$0x2960]  }
0x4e8: {  	v41 =	vld [tilespmem:s20+$0x2970]  }
0x4e9: {  	v0 =	vld [tilespmem:s20+$0x2D00]  }
0x4ea: {  	v40 =	vld [tilespmem:s20+$0x2D10]  }
0x4eb: {  	v39 =	vld [tilespmem:s20+$0x2D20]  }
0x4ec: {  	v38 =	vld [tilespmem:s20+$0x2D30]  }
0x4ed: {  	v37 =	vld [tilespmem:s20+$0x2D40]  }
0x4ee: {  	v36 =	vld [tilespmem:s20+$0x2D50]  }
0x4ef: {  	v35 =	vld [tilespmem:s20+$0x2D60]  }
0x4f0: {  	v34 =	vld [tilespmem:s20+$0x2D70]  }
0x4f1: {  	v33 =	vld [tilespmem:s20+$0x3100]  }
0x4f2: {  	v32 =	vld [tilespmem:s20+$0x3110]  }
0x4f3: {  	v31 =	vld [tilespmem:s20+$0x3120]  }
0x4f4: {  	v30 =	vld [tilespmem:s20+$0x3130]  }
0x4f5: {  	v29 =	vld [tilespmem:s20+$0x3140]  }
0x4f6: {  	v28 =	vld [tilespmem:s20+$0x3150]  }
0x4f7: {  	v27 =	vld [tilespmem:s20+$0x3160]  }
0x4f8: {  	v26 =	vld [tilespmem:s20+$0x3170]  }
0x4f9: {  	v25 =	vld [tilespmem:s20+$0x3500]  }
0x4fa: {  	v24 =	vld [tilespmem:s20+$0x3510]  }
0x4fb: {  	v23 =	vld [tilespmem:s20+$0x3520]  }
0x4fc: {  	v22 =	vld [tilespmem:s20+$0x3530]  }
0x4fd: {  	v21 =	vld [tilespmem:s20+$0x3540]  }
0x4fe: {  	v20 =	vld [tilespmem:s20+$0x3550]  }
0x4ff: {  	v19 =	vld [tilespmem:s20+$0x3560]  }
0x500: {  	v18 =	vld [tilespmem:s20+$0x3570]  }
0x501: {  	v17 =	vld [tilespmem:s20+$0x3900]  }
0x502: {  	v16 =	vld [tilespmem:s20+$0x3910]  }
0x503: {  	v15 =	vld [tilespmem:s20+$0x3920]  }
0x504: {  	v14 =	vld [tilespmem:s20+$0x3930]  }
0x505: {  	v13 =	vld [tilespmem:s20+$0x3940]  }
0x506: {  	v12 =	vld [tilespmem:s20+$0x3950]  }
0x507: {  	v11 =	vld [tilespmem:s20+$0x3960]  }
0x508: {  	v10 =	vld [tilespmem:s20+$0x3970]  }
0x509: {  	v9 =	vld [tilespmem:s20+$0x3D00]  }
0x50a: {  	v8 =	vld [tilespmem:s20+$0x3D10]  }
0x50b: {  	v7 =	vld [tilespmem:s20+$0x3D20]  }
0x50c: {  	v6 =	vld [tilespmem:s20+$0x3D30]  }
0x50d: {  	v5 =	vld [tilespmem:s20+$0x3D40]  }
0x50e: {  	v4 =	vld [tilespmem:s20+$0x3D50]  }
0x50f: {  	v3 =	vld [tilespmem:s20+$0x3D60]  }
0x510: {  	[tilespmem:s20+$0x13D70] =	vst.add.f32.msk $0xffff, v2  }
0x511: {  	[tilespmem:s20+$0xC100] =	vst.add.f32.msk $0xffff, v43  }
0x512: {  	[tilespmem:s20+$0xE100] =	vst.add.f32.msk $0xffff, v43  }
0x513: {  	[tilespmem:s20+$0x10100] =	vst.add.f32.msk $0xffff, v43  }
0x514: {  	[tilespmem:s20+$0x12100] =	vst.add.f32.msk $0xffff, v43  }
0x515: {  	[tilespmem:s20+$0xC110] =	vst.add.f32.msk $0xffff, v44  }
0x516: {  	[tilespmem:s20+$0xE110] =	vst.add.f32.msk $0xffff, v44  }
0x517: {  	[tilespmem:s20+$0x10110] =	vst.add.f32.msk $0xffff, v44  }
0x518: {  	[tilespmem:s20+$0x12110] =	vst.add.f32.msk $0xffff, v44  }
0x519: {  	[tilespmem:s20+$0xC120] =	vst.add.f32.msk $0xffff, v45  }
0x51a: {  	[tilespmem:s20+$0xE120] =	vst.add.f32.msk $0xffff, v45  }
0x51b: {  	[tilespmem:s20+$0x10120] =	vst.add.f32.msk $0xffff, v45  }
0x51c: {  	[tilespmem:s20+$0x12120] =	vst.add.f32.msk $0xffff, v45  }
0x51d: {  	[tilespmem:s20+$0xC130] =	vst.add.f32.msk $0xffff, v46  }
0x51e: {  	[tilespmem:s20+$0xE130] =	vst.add.f32.msk $0xffff, v46  }
0x51f: {  	[tilespmem:s20+$0x10130] =	vst.add.f32.msk $0xffff, v46  }
0x520: {  	[tilespmem:s20+$0x12130] =	vst.add.f32.msk $0xffff, v46  }
0x521: {  	[tilespmem:s20+$0xC140] =	vst.add.f32.msk $0xffff, v47  }
0x522: {  	[tilespmem:s20+$0xE140] =	vst.add.f32.msk $0xffff, v47  }
0x523: {  	[tilespmem:s20+$0x10140] =	vst.add.f32.msk $0xffff, v47  }
0x524: {  	[tilespmem:s20+$0x12140] =	vst.add.f32.msk $0xffff, v47  }
0x525: {  	[tilespmem:s20+$0xC150] =	vst.add.f32.msk $0xffff, v48  }
0x526: {  	[tilespmem:s20+$0xE150] =	vst.add.f32.msk $0xffff, v48  }
0x527: {  	[tilespmem:s20+$0x10150] =	vst.add.f32.msk $0xffff, v48  }
0x528: {  	[tilespmem:s20+$0x12150] =	vst.add.f32.msk $0xffff, v48  }
0x529: {  	[tilespmem:s20+$0xC160] =	vst.add.f32.msk $0xffff, v49  }
0x52a: {  	[tilespmem:s20+$0xE160] =	vst.add.f32.msk $0xffff, v49  }
0x52b: {  	[tilespmem:s20+$0x10160] =	vst.add.f32.msk $0xffff, v49  }
0x52c: {  	[tilespmem:s20+$0x12160] =	vst.add.f32.msk $0xffff, v49  }
0x52d: {  	[tilespmem:s20+$0xC170] =	vst.add.f32.msk $0xffff, v50  }
0x52e: {  	[tilespmem:s20+$0xE170] =	vst.add.f32.msk $0xffff, v50  }
0x52f: {  	[tilespmem:s20+$0x10170] =	vst.add.f32.msk $0xffff, v50  }
0x530: {  	[tilespmem:s20+$0x12170] =	vst.add.f32.msk $0xffff, v50  }
0x531: {  	[tilespmem:s20+$0xC500] =	vst.add.f32.msk $0xffff, v51  }
0x532: {  	[tilespmem:s20+$0xE500] =	vst.add.f32.msk $0xffff, v51  }
0x533: {  	[tilespmem:s20+$0x10500] =	vst.add.f32.msk $0xffff, v51  }
0x534: {  	[tilespmem:s20+$0x12500] =	vst.add.f32.msk $0xffff, v51  }
0x535: {  	[tilespmem:s20+$0xC510] =	vst.add.f32.msk $0xffff, v52  }
0x536: {  	[tilespmem:s20+$0xE510] =	vst.add.f32.msk $0xffff, v52  }
0x537: {  	[tilespmem:s20+$0x10510] =	vst.add.f32.msk $0xffff, v52  }
0x538: {  	[tilespmem:s20+$0x12510] =	vst.add.f32.msk $0xffff, v52  }
0x539: {  	[tilespmem:s20+$0xC520] =	vst.add.f32.msk $0xffff, v53  }
0x53a: {  	[tilespmem:s20+$0xE520] =	vst.add.f32.msk $0xffff, v53  }
0x53b: {  	[tilespmem:s20+$0x10520] =	vst.add.f32.msk $0xffff, v53  }
0x53c: {  	[tilespmem:s20+$0x12520] =	vst.add.f32.msk $0xffff, v53  }
0x53d: {  	[tilespmem:s20+$0xC530] =	vst.add.f32.msk $0xffff, v54  }
0x53e: {  	[tilespmem:s20+$0xE530] =	vst.add.f32.msk $0xffff, v54  }
0x53f: {  	[tilespmem:s20+$0x10530] =	vst.add.f32.msk $0xffff, v54  }
0x540: {  	[tilespmem:s20+$0x12530] =	vst.add.f32.msk $0xffff, v54  }
0x541: {  	[tilespmem:s20+$0xC540] =	vst.add.f32.msk $0xffff, v55  }
0x542: {  	[tilespmem:s20+$0xE540] =	vst.add.f32.msk $0xffff, v55  }
0x543: {  	[tilespmem:s20+$0x10540] =	vst.add.f32.msk $0xffff, v55  }
0x544: {  	[tilespmem:s20+$0x12540] =	vst.add.f32.msk $0xffff, v55  }
0x545: {  	[tilespmem:s20+$0xC550] =	vst.add.f32.msk $0xffff, v56  }
0x546: {  	[tilespmem:s20+$0xE550] =	vst.add.f32.msk $0xffff, v56  }
0x547: {  	[tilespmem:s20+$0x10550] =	vst.add.f32.msk $0xffff, v56  }
0x548: {  	[tilespmem:s20+$0x12550] =	vst.add.f32.msk $0xffff, v56  }
0x549: {  	[tilespmem:s20+$0xC560] =	vst.add.f32.msk $0xffff, v57  }
0x54a: {  	[tilespmem:s20+$0xE560] =	vst.add.f32.msk $0xffff, v57  }
0x54b: {  	[tilespmem:s20+$0x10560] =	vst.add.f32.msk $0xffff, v57  }
0x54c: {  	[tilespmem:s20+$0x12560] =	vst.add.f32.msk $0xffff, v57  }
0x54d: {  	[tilespmem:s20+$0xC570] =	vst.add.f32.msk $0xffff, v58  }
0x54e: {  	[tilespmem:s20+$0xE570] =	vst.add.f32.msk $0xffff, v58  }
0x54f: {  	[tilespmem:s20+$0x10570] =	vst.add.f32.msk $0xffff, v58  }
0x550: {  	[tilespmem:s20+$0x12570] =	vst.add.f32.msk $0xffff, v58  }
0x551: {  	[tilespmem:s20+$0xC900] =	vst.add.f32.msk $0xffff, v59  }
0x552: {  	[tilespmem:s20+$0xE900] =	vst.add.f32.msk $0xffff, v59  }
0x553: {  	[tilespmem:s20+$0x10900] =	vst.add.f32.msk $0xffff, v59  }
0x554: {  	[tilespmem:s20+$0x12900] =	vst.add.f32.msk $0xffff, v59  }
0x555: {  	[tilespmem:s20+$0xC910] =	vst.add.f32.msk $0xffff, v60  }
0x556: {  	[tilespmem:s20+$0xE910] =	vst.add.f32.msk $0xffff, v60  }
0x557: {  	[tilespmem:s20+$0x10910] =	vst.add.f32.msk $0xffff, v60  }
0x558: {  	[tilespmem:s20+$0x12910] =	vst.add.f32.msk $0xffff, v60  }
0x559: {  	[tilespmem:s20+$0xC920] =	vst.add.f32.msk $0xffff, v61  }
0x55a: {  	[tilespmem:s20+$0xE920] =	vst.add.f32.msk $0xffff, v61  }
0x55b: {  	[tilespmem:s20+$0x10920] =	vst.add.f32.msk $0xffff, v61  }
0x55c: {  	[tilespmem:s20+$0x12920] =	vst.add.f32.msk $0xffff, v61  }
0x55d: {  	[tilespmem:s20+$0xC930] =	vst.add.f32.msk $0xffff, v62  }
0x55e: {  	[tilespmem:s20+$0xE930] =	vst.add.f32.msk $0xffff, v62  }
0x55f: {  	[tilespmem:s20+$0x10930] =	vst.add.f32.msk $0xffff, v62  }
0x560: {  	[tilespmem:s20+$0x12930] =	vst.add.f32.msk $0xffff, v62  }
0x561: {  	[tilespmem:s20+$0xC940] =	vst.add.f32.msk $0xffff, v63  }
0x562: {  	[tilespmem:s20+$0xE940] =	vst.add.f32.msk $0xffff, v63  }
0x563: {  	[tilespmem:s20+$0x10940] =	vst.add.f32.msk $0xffff, v63  }
0x564: {  	[tilespmem:s20+$0x12940] =	vst.add.f32.msk $0xffff, v63  }
0x565: {  	[tilespmem:s20+$0xC950] =	vst.add.f32.msk $0xffff, v42  }
0x566: {  	[tilespmem:s20+$0xE950] =	vst.add.f32.msk $0xffff, v42  }
0x567: {  	[tilespmem:s20+$0x10950] =	vst.add.f32.msk $0xffff, v42  }
0x568: {  	[tilespmem:s20+$0x12950] =	vst.add.f32.msk $0xffff, v42  }
0x569: {  	[tilespmem:s20+$0xC960] =	vst.add.f32.msk $0xffff, v1  }
0x56a: {  	[tilespmem:s20+$0xE960] =	vst.add.f32.msk $0xffff, v1  }
0x56b: {  	[tilespmem:s20+$0x10960] =	vst.add.f32.msk $0xffff, v1  }
0x56c: {  	[tilespmem:s20+$0x12960] =	vst.add.f32.msk $0xffff, v1  }
0x56d: {  	[tilespmem:s20+$0xC970] =	vst.add.f32.msk $0xffff, v41  }
0x56e: {  	[tilespmem:s20+$0xE970] =	vst.add.f32.msk $0xffff, v41  }
0x56f: {  	[tilespmem:s20+$0x10970] =	vst.add.f32.msk $0xffff, v41  }
0x570: {  	[tilespmem:s20+$0x12970] =	vst.add.f32.msk $0xffff, v41  }
0x571: {  	[tilespmem:s20+$0xCD00] =	vst.add.f32.msk $0xffff, v0  }
0x572: {  	[tilespmem:s20+$0xED00] =	vst.add.f32.msk $0xffff, v0  }
0x573: {  	[tilespmem:s20+$0x10D00] =	vst.add.f32.msk $0xffff, v0  }
0x574: {  	[tilespmem:s20+$0x12D00] =	vst.add.f32.msk $0xffff, v0  }
0x575: {  	[tilespmem:s20+$0xCD10] =	vst.add.f32.msk $0xffff, v40  }
0x576: {  	[tilespmem:s20+$0xED10] =	vst.add.f32.msk $0xffff, v40  }
0x577: {  	[tilespmem:s20+$0x10D10] =	vst.add.f32.msk $0xffff, v40  }
0x578: {  	[tilespmem:s20+$0x12D10] =	vst.add.f32.msk $0xffff, v40  }
0x579: {  	[tilespmem:s20+$0xCD20] =	vst.add.f32.msk $0xffff, v39  }
0x57a: {  	[tilespmem:s20+$0xED20] =	vst.add.f32.msk $0xffff, v39  }
0x57b: {  	[tilespmem:s20+$0x10D20] =	vst.add.f32.msk $0xffff, v39  }
0x57c: {  	[tilespmem:s20+$0x12D20] =	vst.add.f32.msk $0xffff, v39  }
0x57d: {  	[tilespmem:s20+$0xCD30] =	vst.add.f32.msk $0xffff, v38  }
0x57e: {  	[tilespmem:s20+$0xED30] =	vst.add.f32.msk $0xffff, v38  }
0x57f: {  	[tilespmem:s20+$0x10D30] =	vst.add.f32.msk $0xffff, v38  }
0x580: {  	[tilespmem:s20+$0x12D30] =	vst.add.f32.msk $0xffff, v38  }
0x581: {  	[tilespmem:s20+$0xCD40] =	vst.add.f32.msk $0xffff, v37  }
0x582: {  	[tilespmem:s20+$0xED40] =	vst.add.f32.msk $0xffff, v37  }
0x583: {  	[tilespmem:s20+$0x10D40] =	vst.add.f32.msk $0xffff, v37  }
0x584: {  	[tilespmem:s20+$0x12D40] =	vst.add.f32.msk $0xffff, v37  }
0x585: {  	[tilespmem:s20+$0xCD50] =	vst.add.f32.msk $0xffff, v36  }
0x586: {  	[tilespmem:s20+$0xED50] =	vst.add.f32.msk $0xffff, v36  }
0x587: {  	[tilespmem:s20+$0x10D50] =	vst.add.f32.msk $0xffff, v36  }
0x588: {  	[tilespmem:s20+$0x12D50] =	vst.add.f32.msk $0xffff, v36  }
0x589: {  	[tilespmem:s20+$0xCD60] =	vst.add.f32.msk $0xffff, v35  }
0x58a: {  	[tilespmem:s20+$0xED60] =	vst.add.f32.msk $0xffff, v35  }
0x58b: {  	[tilespmem:s20+$0x10D60] =	vst.add.f32.msk $0xffff, v35  }
0x58c: {  	[tilespmem:s20+$0x12D60] =	vst.add.f32.msk $0xffff, v35  }
0x58d: {  	[tilespmem:s20+$0xCD70] =	vst.add.f32.msk $0xffff, v34  }
0x58e: {  	[tilespmem:s20+$0xED70] =	vst.add.f32.msk $0xffff, v34  }
0x58f: {  	[tilespmem:s20+$0x10D70] =	vst.add.f32.msk $0xffff, v34  }
0x590: {  	[tilespmem:s20+$0x12D70] =	vst.add.f32.msk $0xffff, v34  }
0x591: {  	[tilespmem:s20+$0xD100] =	vst.add.f32.msk $0xffff, v33  }
0x592: {  	[tilespmem:s20+$0xF100] =	vst.add.f32.msk $0xffff, v33  }
0x593: {  	[tilespmem:s20+$0x11100] =	vst.add.f32.msk $0xffff, v33  }
0x594: {  	[tilespmem:s20+$0x13100] =	vst.add.f32.msk $0xffff, v33  }
0x595: {  	[tilespmem:s20+$0xD110] =	vst.add.f32.msk $0xffff, v32  }
0x596: {  	[tilespmem:s20+$0xF110] =	vst.add.f32.msk $0xffff, v32  }
0x597: {  	[tilespmem:s20+$0x11110] =	vst.add.f32.msk $0xffff, v32  }
0x598: {  	[tilespmem:s20+$0x13110] =	vst.add.f32.msk $0xffff, v32  }
0x599: {  	[tilespmem:s20+$0xD120] =	vst.add.f32.msk $0xffff, v31  }
0x59a: {  	[tilespmem:s20+$0xF120] =	vst.add.f32.msk $0xffff, v31  }
0x59b: {  	[tilespmem:s20+$0x11120] =	vst.add.f32.msk $0xffff, v31  }
0x59c: {  	[tilespmem:s20+$0x13120] =	vst.add.f32.msk $0xffff, v31  }
0x59d: {  	[tilespmem:s20+$0xD130] =	vst.add.f32.msk $0xffff, v30  }
0x59e: {  	[tilespmem:s20+$0xF130] =	vst.add.f32.msk $0xffff, v30  }
0x59f: {  	[tilespmem:s20+$0x11130] =	vst.add.f32.msk $0xffff, v30  }
0x5a0: {  	[tilespmem:s20+$0x13130] =	vst.add.f32.msk $0xffff, v30  }
0x5a1: {  	[tilespmem:s20+$0xD140] =	vst.add.f32.msk $0xffff, v29  }
0x5a2: {  	[tilespmem:s20+$0xF140] =	vst.add.f32.msk $0xffff, v29  }
0x5a3: {  	[tilespmem:s20+$0x11140] =	vst.add.f32.msk $0xffff, v29  }
0x5a4: {  	[tilespmem:s20+$0x13140] =	vst.add.f32.msk $0xffff, v29  }
0x5a5: {  	[tilespmem:s20+$0xD150] =	vst.add.f32.msk $0xffff, v28  }
0x5a6: {  	[tilespmem:s20+$0xF150] =	vst.add.f32.msk $0xffff, v28  }
0x5a7: {  	[tilespmem:s20+$0x11150] =	vst.add.f32.msk $0xffff, v28  }
0x5a8: {  	[tilespmem:s20+$0x13150] =	vst.add.f32.msk $0xffff, v28  }
0x5a9: {  	[tilespmem:s20+$0xD160] =	vst.add.f32.msk $0xffff, v27  }
0x5aa: {  	[tilespmem:s20+$0xF160] =	vst.add.f32.msk $0xffff, v27  }
0x5ab: {  	[tilespmem:s20+$0x11160] =	vst.add.f32.msk $0xffff, v27  }
0x5ac: {  	[tilespmem:s20+$0x13160] =	vst.add.f32.msk $0xffff, v27  }
0x5ad: {  	[tilespmem:s20+$0xD170] =	vst.add.f32.msk $0xffff, v26  }
0x5ae: {  	[tilespmem:s20+$0xF170] =	vst.add.f32.msk $0xffff, v26  }
0x5af: {  	[tilespmem:s20+$0x11170] =	vst.add.f32.msk $0xffff, v26  }
0x5b0: {  	[tilespmem:s20+$0x13170] =	vst.add.f32.msk $0xffff, v26  }
0x5b1: {  	[tilespmem:s20+$0xD500] =	vst.add.f32.msk $0xffff, v25  }
0x5b2: {  	[tilespmem:s20+$0xF500] =	vst.add.f32.msk $0xffff, v25  }
0x5b3: {  	[tilespmem:s20+$0x11500] =	vst.add.f32.msk $0xffff, v25  }
0x5b4: {  	[tilespmem:s20+$0x13500] =	vst.add.f32.msk $0xffff, v25  }
0x5b5: {  	[tilespmem:s20+$0xD510] =	vst.add.f32.msk $0xffff, v24  }
0x5b6: {  	[tilespmem:s20+$0xF510] =	vst.add.f32.msk $0xffff, v24  }
0x5b7: {  	[tilespmem:s20+$0x11510] =	vst.add.f32.msk $0xffff, v24  }
0x5b8: {  	[tilespmem:s20+$0x13510] =	vst.add.f32.msk $0xffff, v24  }
0x5b9: {  	[tilespmem:s20+$0xD520] =	vst.add.f32.msk $0xffff, v23  }
0x5ba: {  	[tilespmem:s20+$0xF520] =	vst.add.f32.msk $0xffff, v23  }
0x5bb: {  	[tilespmem:s20+$0x11520] =	vst.add.f32.msk $0xffff, v23  }
0x5bc: {  	[tilespmem:s20+$0x13520] =	vst.add.f32.msk $0xffff, v23  }
0x5bd: {  	[tilespmem:s20+$0xD530] =	vst.add.f32.msk $0xffff, v22  }
0x5be: {  	[tilespmem:s20+$0xF530] =	vst.add.f32.msk $0xffff, v22  }
0x5bf: {  	[tilespmem:s20+$0x11530] =	vst.add.f32.msk $0xffff, v22  }
0x5c0: {  	[tilespmem:s20+$0x13530] =	vst.add.f32.msk $0xffff, v22  }
0x5c1: {  	[tilespmem:s20+$0xD540] =	vst.add.f32.msk $0xffff, v21  }
0x5c2: {  	[tilespmem:s20+$0xF540] =	vst.add.f32.msk $0xffff, v21  }
0x5c3: {  	[tilespmem:s20+$0x11540] =	vst.add.f32.msk $0xffff, v21  }
0x5c4: {  	[tilespmem:s20+$0x13540] =	vst.add.f32.msk $0xffff, v21  }
0x5c5: {  	[tilespmem:s20+$0xD550] =	vst.add.f32.msk $0xffff, v20  }
0x5c6: {  	[tilespmem:s20+$0xF550] =	vst.add.f32.msk $0xffff, v20  }
0x5c7: {  	[tilespmem:s20+$0x11550] =	vst.add.f32.msk $0xffff, v20  }
0x5c8: {  	[tilespmem:s20+$0x13550] =	vst.add.f32.msk $0xffff, v20  }
0x5c9: {  	[tilespmem:s20+$0xD560] =	vst.add.f32.msk $0xffff, v19  }
0x5ca: {  	[tilespmem:s20+$0xF560] =	vst.add.f32.msk $0xffff, v19  }
0x5cb: {  	[tilespmem:s20+$0x11560] =	vst.add.f32.msk $0xffff, v19  }
0x5cc: {  	[tilespmem:s20+$0x13560] =	vst.add.f32.msk $0xffff, v19  }
0x5cd: {  	[tilespmem:s20+$0xD570] =	vst.add.f32.msk $0xffff, v18  }
0x5ce: {  	[tilespmem:s20+$0xF570] =	vst.add.f32.msk $0xffff, v18  }
0x5cf: {  	[tilespmem:s20+$0x11570] =	vst.add.f32.msk $0xffff, v18  }
0x5d0: {  	[tilespmem:s20+$0x13570] =	vst.add.f32.msk $0xffff, v18  }
0x5d1: {  	[tilespmem:s20+$0xD900] =	vst.add.f32.msk $0xffff, v17  }
0x5d2: {  	[tilespmem:s20+$0xF900] =	vst.add.f32.msk $0xffff, v17  }
0x5d3: {  	[tilespmem:s20+$0x11900] =	vst.add.f32.msk $0xffff, v17  }
0x5d4: {  	[tilespmem:s20+$0x13900] =	vst.add.f32.msk $0xffff, v17  }
0x5d5: {  	[tilespmem:s20+$0xD910] =	vst.add.f32.msk $0xffff, v16  }
0x5d6: {  	[tilespmem:s20+$0xF910] =	vst.add.f32.msk $0xffff, v16  }
0x5d7: {  	[tilespmem:s20+$0x11910] =	vst.add.f32.msk $0xffff, v16  }
0x5d8: {  	[tilespmem:s20+$0x13910] =	vst.add.f32.msk $0xffff, v16  }
0x5d9: {  	[tilespmem:s20+$0xD920] =	vst.add.f32.msk $0xffff, v15  }
0x5da: {  	[tilespmem:s20+$0xF920] =	vst.add.f32.msk $0xffff, v15  }
0x5db: {  	[tilespmem:s20+$0x11920] =	vst.add.f32.msk $0xffff, v15  }
0x5dc: {  	[tilespmem:s20+$0x13920] =	vst.add.f32.msk $0xffff, v15  }
0x5dd: {  	[tilespmem:s20+$0xD930] =	vst.add.f32.msk $0xffff, v14  }
0x5de: {  	[tilespmem:s20+$0xF930] =	vst.add.f32.msk $0xffff, v14  }
0x5df: {  	[tilespmem:s20+$0x11930] =	vst.add.f32.msk $0xffff, v14  }
0x5e0: {  	[tilespmem:s20+$0x13930] =	vst.add.f32.msk $0xffff, v14  }
0x5e1: {  	[tilespmem:s20+$0xD940] =	vst.add.f32.msk $0xffff, v13  }
0x5e2: {  	[tilespmem:s20+$0xF940] =	vst.add.f32.msk $0xffff, v13  }
0x5e3: {  	[tilespmem:s20+$0x11940] =	vst.add.f32.msk $0xffff, v13  }
0x5e4: {  	[tilespmem:s20+$0x13940] =	vst.add.f32.msk $0xffff, v13  }
0x5e5: {  	[tilespmem:s20+$0xD950] =	vst.add.f32.msk $0xffff, v12  }
0x5e6: {  	[tilespmem:s20+$0xF950] =	vst.add.f32.msk $0xffff, v12  }
0x5e7: {  	[tilespmem:s20+$0x11950] =	vst.add.f32.msk $0xffff, v12  }
0x5e8: {  	[tilespmem:s20+$0x13950] =	vst.add.f32.msk $0xffff, v12  }
0x5e9: {  	[tilespmem:s20+$0xD960] =	vst.add.f32.msk $0xffff, v11  }
0x5ea: {  	[tilespmem:s20+$0xF960] =	vst.add.f32.msk $0xffff, v11  }
0x5eb: {  	[tilespmem:s20+$0x11960] =	vst.add.f32.msk $0xffff, v11  }
0x5ec: {  	[tilespmem:s20+$0x13960] =	vst.add.f32.msk $0xffff, v11  }
0x5ed: {  	[tilespmem:s20+$0xD970] =	vst.add.f32.msk $0xffff, v10  }
0x5ee: {  	[tilespmem:s20+$0xF970] =	vst.add.f32.msk $0xffff, v10  }
0x5ef: {  	[tilespmem:s20+$0x11970] =	vst.add.f32.msk $0xffff, v10  }
0x5f0: {  	[tilespmem:s20+$0x13970] =	vst.add.f32.msk $0xffff, v10  }
0x5f1: {  	[tilespmem:s20+$0xDD00] =	vst.add.f32.msk $0xffff, v9  }
0x5f2: {  	[tilespmem:s20+$0xFD00] =	vst.add.f32.msk $0xffff, v9  }
0x5f3: {  	[tilespmem:s20+$0x11D00] =	vst.add.f32.msk $0xffff, v9  }
0x5f4: {  	[tilespmem:s20+$0x13D00] =	vst.add.f32.msk $0xffff, v9  }
0x5f5: {  	[tilespmem:s20+$0xDD10] =	vst.add.f32.msk $0xffff, v8  }
0x5f6: {  	[tilespmem:s20+$0xFD10] =	vst.add.f32.msk $0xffff, v8  }
0x5f7: {  	[tilespmem:s20+$0x11D10] =	vst.add.f32.msk $0xffff, v8  }
0x5f8: {  	[tilespmem:s20+$0x13D10] =	vst.add.f32.msk $0xffff, v8  }
0x5f9: {  	[tilespmem:s20+$0xDD20] =	vst.add.f32.msk $0xffff, v7  }
0x5fa: {  	[tilespmem:s20+$0xFD20] =	vst.add.f32.msk $0xffff, v7  }
0x5fb: {  	[tilespmem:s20+$0x11D20] =	vst.add.f32.msk $0xffff, v7  }
0x5fc: {  	[tilespmem:s20+$0x13D20] =	vst.add.f32.msk $0xffff, v7  }
0x5fd: {  	[tilespmem:s20+$0xDD30] =	vst.add.f32.msk $0xffff, v6  }
0x5fe: {  	[tilespmem:s20+$0xFD30] =	vst.add.f32.msk $0xffff, v6  }
0x5ff: {  	[tilespmem:s20+$0x11D30] =	vst.add.f32.msk $0xffff, v6  }
0x600: {  	[tilespmem:s20+$0x13D30] =	vst.add.f32.msk $0xffff, v6  }
0x601: {  	[tilespmem:s20+$0xDD40] =	vst.add.f32.msk $0xffff, v5  }
0x602: {  	[tilespmem:s20+$0xFD40] =	vst.add.f32.msk $0xffff, v5  }
0x603: {  	[tilespmem:s20+$0x11D40] =	vst.add.f32.msk $0xffff, v5  }
0x604: {  	[tilespmem:s20+$0x13D40] =	vst.add.f32.msk $0xffff, v5  }
0x605: {  	[tilespmem:s20+$0xDD50] =	vst.add.f32.msk $0xffff, v4  }
0x606: {  	[tilespmem:s20+$0xFD50] =	vst.add.f32.msk $0xffff, v4  }
0x607: {  	[tilespmem:s20+$0x11D50] =	vst.add.f32.msk $0xffff, v4  }
0x608: {  	[tilespmem:s20+$0x13D50] =	vst.add.f32.msk $0xffff, v4  }
0x609: {  	[tilespmem:s20+$0xDD60] =	vst.add.f32.msk $0xffff, v3  }
0x60a: {  	[tilespmem:s20+$0xFD60] =	vst.add.f32.msk $0xffff, v3  }
0x60b: {  	[tilespmem:s20+$0x11D60] =	vst.add.f32.msk $0xffff, v3  }
0x60c: {  	[tilespmem:s20+$0x13D60] =	vst.add.f32.msk $0xffff, v3  }
0x60d: {  	[tilespmem:s20+$0xDD70] =	vst.add.f32.msk $0xffff, v2  }
0x60e: {  	[tilespmem:s20+$0xFD70] =	vst.add.f32.msk $0xffff, v2  }
0x60f: {  	s2 =	sadd.s32 s4, s2;
	[tilespmem:s20+$0x11D70] =	vst.add.f32.msk $0xffff, v2;
	s20 =	sadd.s32 s8, s30  }
0x610: {  	[hbm4b:s2+s5] =	stream.linear.scatter [tilespmem:s17], [sflag:$0x4], $0x2000, $0x38;
	[tilespmem:$0x14100] =	vst v63  }
0x611: {  	s2 =	sshll.u32 s20, $0x7  }
0x612: {  	s21 =	sadd.s32 s9, s30;
	s29 =	sadd.s32 $0x1, s29;
	s2 =	sadd.s32 s4, s2  }
0x613: {  	[hbm4b:s2+s5] =	stream.linear.scatter [tilespmem:s25], [sflag:$0x4], $0x2000, $0x38;
	[tilespmem:$0x14100] =	vst v63  }
0x614: {  	p0 =	sne.s32 s29, $0x4;
	s2 =	sshll.u32 s21, $0x7  }
.Ltmp3:
0x615: {  	s30 =	sadd.s32 s10, s30;
	s2 =	sadd.s32 s4, s2;
	(pc) =	sbr.rel @p0 .LBB2_2-.Ltmp3, $4  }
0x616: {  	[hbm4b:s2+s5] =	stream.linear.scatter [tilespmem:s31], [sflag:$0x4], $0x2000, $0x38;
	[tilespmem:$0x14100] =	vst v63  }
0x617: {  	s2 =	sshll.u32 s30, $0x7  }
0x618: {  	s2 =	sadd.s32 s4, s2  }
0x619: {  	[hbm4b:s2+s5] =	stream.linear.scatter [tilespmem:s7], [sflag:$0x4], $0x2000, $0x38;
	[tilespmem:$0x14100] =	vst v63  }
0x61a: {  	s11 =	simm.s32 $0x4  }
0x61b: {  	_ =	swait.ge [sflag:s11], $0x2000  }
0x61c: {  	[sflag:s11] =	ssyncset.done $0x0  }
0x61d: {  	[sflag:s11] =	ssyncadd.s32 $0xFFFFE000  }
0x61e: {  	_ =	swait.ge [sflag:s11], $0x2000  }
0x61f: {  	[sflag:s11] =	ssyncset.done $0x0  }
0x620: {  	[sflag:s11] =	ssyncadd.s32 $0xFFFFE000  }
0x621: {  	_ =	swait.ge [sflag:s11], $0x2000  }
0x622: {  	[sflag:s11] =	ssyncset.done $0x0  }
0x623: {  	[sflag:s11] =	ssyncadd.s32 $0xFFFFE000  }
0x624: {  	_ =	swait.ge [sflag:s11], $0x2000  }
0x625: {  	s20 =	rddreg [dreg:$0xb]  }
0x626: {  	s2 =	rddreg [dreg:$0xa];
	s20 =	sadd.s32 $0x1, s20  }
0x627: {  	p0 =	sne.s32 s20, s2  }
.Ltmp4:
0x628: {  	_ = 	snop;
	(pc) =	sbr.rel @p0 .LBB2_1-.Ltmp4, $3  }
0x629: {  	_ =	sdelay $0x1  }
0x62a: {  	[sflag:s11] =	ssyncset.done $0x0  }
0x62b: {  	[sflag:s11] =	ssyncadd.s32 $0xFFFFE000  }
0x62c: {  	_ =	sfence.sel $0x180000  }
0x62d: {  	[bflag:$0x0] =	sbarrier.arrive $0xFFFF  }
0x62e: {  	_ =	strace $0x90000047  }
0x62f: {  	s0 =	stileid.u32;
	[bflag:$0x2] =	sbarrier.arrive $0xFFFF  }
0x630: {  	p0 =	sne.s32 s0, $0x0;
	s0 =	rddreg [dreg:$0x4]  }
0x631: {  	s0 =	sadd.s32 @!p0 $0x100000, s0  }
0x632: {  	[sflag:s0] =	ssyncadd.tile.s32 @!p0 $0x1;
	_ =	shalt  }
.Lfunc_end2:
_tile_overlayer_lowered:
.L_overlay_start_2:
0x633: {  	(tag) =	ssettag $0x2  }
0x634: {  	s0 =	rddreg [dreg:$0x0];
	s2 =	stileid.u32  }
0x635: {  	s1 =	rddreg [dreg:$0x1];
	p0 =	sne.s32 s2, $0x0  }
0x636: {  	s3 =	rddreg [dreg:$0x2];
	[bflag:$0x3] =	sbarrier.arrive $0xFFFF;
	s2 =	simm.s32 @!p0 $0x1C05  }
0x637: {  	[timem:s3], [sflag:s2] =	dma.local @!p0 [hbm:s0], s1  }
0x638: {  	s0 =	simm.s32 @!p0 $0x5  }
0x639: {  	_ =	swait.ge @!p0 [sflag:s0], s1  }
0x63a: {  	s1 =	ssub.s32 @!p0 $0x0, s1;
	[sflag:s0] =	ssyncset.done @!p0 $0x0  }
0x63b: {  	[sflag:s0] =	ssyncadd.s32 @!p0 s1  }
0x63c: {  	[bflag:$0x3] =	sbarrier.arrive $0xFFFF  }
0x63d: {  	_ =	shalt  }

</sc_bundles>
